<compile_context>
chip_gen: v7x
topology: tpu7x:2x2x1
jax: 0.10.2.dev20260603
libtpu: 0.0.44.dev20260713+nightly
codegen_flags: <defaults>
</compile_context>

<pallas_src>
import numpy as np

import jax
import jax.numpy as jnp
from jax import lax
from jax.experimental import pallas as pl
from jax.experimental.pallas import tpu as pltpu
from jax.experimental.pallas import tpu_sc as plsc

H = 128
N_NODES = 10000
N_EDGES = 320000

NC = 2
NS = 16
NW = NC * NS
L = 16

GW = 144
E_CHUNK = 40
EDGES_PER_W = N_EDGES // NW
N_CHUNKS = EDGES_PER_W // E_CHUNK
N_PAD = 10240
ROWS_PER_TILE = N_PAD // NS
ZCOPIES = ROWS_PER_TILE // E_CHUNK
DCOL = H

_HIGH = jax.lax.Precision.HIGHEST

_PERM = np.empty((H,), np.int32)
for _j2 in range(H // 32):
    for _i in range(L):
        _PERM[32 * _j2 + 2 * _i] = 32 * _j2 + _i
        _PERM[32 * _j2 + 2 * _i + 1] = 32 * _j2 + L + _i


def _gelu_sc(x):
    y = jnp.clip(x, -4.0, 4.0)
    u = y * y
    pphi = (((((((-1.5809654e-09 * u + 1.2172114e-07) * u - 4.1010894e-06)
                * u + 8.066989e-05) * u - 1.0482192e-03) * u
              + 9.664918e-03) * u - 6.617544e-02) * u + 3.9884752e-01)
    return x * (0.5 + y * pphi)



def _stage1_body(h_ref, wa_ref, wb_ref, b1_ref, a_ref, b_ref):
    h = h_ref[...]
    a_ref[...] = jnp.dot(h, wa_ref[...], precision=_HIGH) + b1_ref[...]
    b_ref[...] = jnp.dot(h, wb_ref[...], precision=_HIGH)


def _stage1(hidden, w1a, w1b, b1e):
    blk = 1000
    grid = (N_NODES // blk,)
    return pl.pallas_call(
        _stage1_body,
        grid=grid,
        in_specs=[
            pl.BlockSpec((blk, H), lambda i: (i, 0)),
            pl.BlockSpec((H, H), lambda i: (0, 0)),
            pl.BlockSpec((H, H), lambda i: (0, 0)),
            pl.BlockSpec((1, H), lambda i: (0, 0)),
        ],
        out_specs=[
            pl.BlockSpec((blk, H), lambda i: (i, 0)),
            pl.BlockSpec((blk, H), lambda i: (i, 0)),
        ],
        out_shape=[
            jax.ShapeDtypeStruct((N_NODES, H), jnp.float32),
            jax.ShapeDtypeStruct((N_NODES, H), jnp.float32),
        ],
    )(hidden, w1a, w1b, b1e)



def _sc_body(a_hbm, b_hbm, src_hbm, dst_hbm, ew_hbm, wrow_hbm, z144_hbm,
             g_hbm, srcs, dsts, ews, a2, b2, g2, wr_v, ewb,
             acc_sh, si, sg, ss):
    cid = lax.axis_index("core")
    sid = lax.axis_index("subcore")
    wid = sid * NC + cid
    tid = sid

    @pl.loop(0, ZCOPIES)
    def _(c):
        rows = pl.ds(tid * ROWS_PER_TILE + c * E_CHUNK, E_CHUNK)
        pltpu.sync_copy(z144_hbm, acc_sh.at[rows])

    pltpu.sync_copy(wrow_hbm, wr_v)

    e0vec = jnp.where(lax.iota(jnp.int32, L) == 0, 1.0, 0.0)

    @pl.loop(0, E_CHUNK)
    def _(e):
        g2[0, e, pl.ds(DCOL, L)] = e0vec
        g2[1, e, pl.ds(DCOL, L)] = e0vec

    plsc.subcore_barrier()

    wrjs = [wr_v[pl.ds(j * L, L)] for j in range(H // L)]

    def idx_copies(k, p):
        base = pl.ds(k * E_CHUNK, E_CHUNK)
        return (
            pltpu.make_async_copy(src_hbm.at[wid, base], srcs.at[p],
                                  si.at[p]),
            pltpu.make_async_copy(dst_hbm.at[wid, base], dsts.at[p],
                                  si.at[p]),
            pltpu.make_async_copy(ew_hbm.at[wid, base],
                                  ews.at[p, pl.ds(0, E_CHUNK)], si.at[p]),
        )

    def gather_copies(b, p):
        return (
            pltpu.make_async_copy(a_hbm.at[srcs.at[p]], a2.at[b], sg.at[b]),
            pltpu.make_async_copy(b_hbm.at[dsts.at[p]], b2.at[b], sg.at[b]),
        )

    def scatter_copy(b, p):
        return pltpu.make_async_copy(g2.at[b], acc_sh.at[dsts.at[p]],
                                     ss.at[b])

    for k in (0, 1):
        for c in idx_copies(k, k):
            c.start()
    for k in (0, 1):
        for c in idx_copies(k, k):
            c.wait()
        for c in gather_copies(k, k):
            c.start()

    @pl.loop(0, N_CHUNKS)
    def _(k):
        b = lax.rem(k, 2)
        p = lax.rem(k, 4)
        p2 = lax.rem(k + 2, 4)

        for c in gather_copies(b, p):
            c.wait()

        @pl.when(k >= 2)
        def _():
            scatter_copy(b, p2).wait()

        @pl.when(k + 2 < N_CHUNKS)
        def _():
            for c in idx_copies(k + 2, p2):
                c.start()

        for e0, nk in ((0, L), (16, L), (32, 8)):
            wv = ews[p, pl.ds(e0, L)]
            for kk in range(nk):
                ewb[e0 + kk, :] = jnp.full((L,), wv[kk], jnp.float32)

        @plsc.parallel_loop(0, E_CHUNK, unroll=2)
        def _(e):
            w16 = ewb[e, :]
            for j in range(H // L):
                sl = pl.ds(j * L, L)
                x = a2[b, e, sl] + b2[b, e, sl] + w16 * wrjs[j]
                g2[b, e, sl] = _gelu_sc(x)

        scatter_copy(b, p).start(add=True)

        @pl.when(k + 2 < N_CHUNKS)
        def _():
            for c in idx_copies(k + 2, p2):
                c.wait()
            for c in gather_copies(b, p2):
                c.start()

    for k in (N_CHUNKS - 2, N_CHUNKS - 1):
        scatter_copy(k % 2, k % 4).wait()

    plsc.subcore_barrier()

    rows = pl.ds(tid * ROWS_PER_TILE, ROWS_PER_TILE)
    pltpu.sync_copy(acc_sh.at[rows], g_hbm.at[cid, rows])


def _stage2(a_tab, b_tab, src, dst, ew, wrow):
    mesh = plsc.VectorSubcoreMesh(core_axis_name="core",
                                  subcore_axis_name="subcore")
    kern = pl.kernel(
        _sc_body,
        out_type=jax.ShapeDtypeStruct((NC, N_PAD, GW), jnp.float32),
        mesh=mesh,
        scratch_types=[
            pltpu.VMEM((4, E_CHUNK), jnp.int32),
            pltpu.VMEM((4, E_CHUNK), jnp.int32),
            pltpu.VMEM((4, E_CHUNK + 8), jnp.float32),
            pltpu.VMEM((2, E_CHUNK, H), jnp.float32),
            pltpu.VMEM((2, E_CHUNK, H), jnp.float32),
            pltpu.VMEM((2, E_CHUNK, GW), jnp.float32),
            pltpu.VMEM((H,), jnp.float32),
            pltpu.VMEM((E_CHUNK, L), jnp.float32),
            pltpu.VMEM_SHARED((N_PAD, GW), jnp.float32),
            pltpu.SemaphoreType.DMA((4,)),
            pltpu.SemaphoreType.DMA((2,)),
            pltpu.SemaphoreType.DMA((2,)),
        ],
        compiler_params=pltpu.CompilerParams(use_tc_tiling_on_sc=False),
    )
    srcr = src.reshape(NW, EDGES_PER_W)
    dstr = dst.reshape(NW, EDGES_PER_W)
    ewr = ew.reshape(NW, EDGES_PER_W)
    z144 = jnp.zeros((E_CHUNK, GW), jnp.float32)
    return kern(a_tab, b_tab, srcr, dstr, ewr, wrow, z144)



def _stage3_body(h_ref, g_ref, w2e_ref, b2e_ref, w1h_ref, w1a_ref,
                 b1u_ref, w2u_ref, b2u_ref, gam_ref, bet_ref, o_ref):
    h = h_ref[...]
    gfull = g_ref[0] + g_ref[1]
    g = gfull[:, :H]
    deg = gfull[:, DCOL:DCOL + 1]
    agg = jnp.dot(g, w2e_ref[...], precision=_HIGH) + deg * b2e_ref[...]
    pre = (jnp.dot(h, w1h_ref[...], precision=_HIGH)
           + jnp.dot(agg, w1a_ref[...], precision=_HIGH) + b1u_ref[...])
    act = 0.5 * pre * (1.0 + lax.erf(pre * 0.7071067811865476))
    upd = jnp.dot(act, w2u_ref[...], precision=_HIGH) + b2u_ref[...]
    x = h + upd
    mu = jnp.mean(x, axis=-1, keepdims=True)
    var = jnp.mean((x - mu) ** 2, axis=-1, keepdims=True)
    o_ref[...] = (x - mu) / jnp.sqrt(var + 1e-5) * gam_ref[...] + bet_ref[...]


def _stage3(hidden, g, w2e, b2e, w1h, w1a, b1u, w2u, b2u, gamma, beta):
    blk = 1000
    grid = (N_NODES // blk,)
    full = lambda i: (0, 0)
    return pl.pallas_call(
        _stage3_body,
        grid=grid,
        in_specs=[
            pl.BlockSpec((blk, H), lambda i: (i, 0)),
            pl.BlockSpec((NC, blk, GW), lambda i: (0, i, 0)),
            pl.BlockSpec((H, H), full),
            pl.BlockSpec((1, H), full),
            pl.BlockSpec((H, H), full),
            pl.BlockSpec((H, H), full),
            pl.BlockSpec((1, H), full),
            pl.BlockSpec((H, H), full),
            pl.BlockSpec((1, H), full),
            pl.BlockSpec((1, H), full),
            pl.BlockSpec((1, H), full),
        ],
        out_specs=pl.BlockSpec((blk, H), lambda i: (i, 0)),
        out_shape=jax.ShapeDtypeStruct((N_NODES, H), jnp.float32),
    )(hidden, g, w2e, b2e, w1h, w1a, b1u, w2u, b2u, gamma, beta)



def kernel(hidden, edge_index, edge_weight, W1e, b1e, W2e, b2e,
           W1u, b1u, W2u, b2u, gamma, beta):
    src = edge_index[0].astype(jnp.int32)
    dst = edge_index[1].astype(jnp.int32)
    ew = edge_weight.astype(jnp.float32)

    w1a = W1e[:H]
    w1b = W1e[H:2 * H]
    wrow = W1e[2 * H]

    a_tab, b_tab = _stage1(hidden, w1a, w1b, b1e.reshape(1, H))
    g = _stage2(a_tab, b_tab, src, dst, ew, wrow)
    return _stage3(hidden, g, W2e, b2e.reshape(1, H),
                   W1u[:H], W1u[H:], b1u.reshape(1, H),
                   W2u, b2u.reshape(1, H),
                   gamma.reshape(1, H), beta.reshape(1, H))

# --- scband reference (transcript-rebuilt; emitter-appended) ---
"""Pipeline reference for scband-message-passing-layer-49228915146779 (READ-ONLY COPY).

The authoritative reference and input builder live on the scoring server;
editing this copy changes nothing except your own understanding.
"""

import jax, jax.numpy as jnp
import numpy as np

HIDDEN = 128
N_NODES = 10000
N_EDGES = 320000


def _gelu(x):
    return jax.nn.gelu(x, approximate=False)


def _layernorm(x, gamma, beta, eps=1e-5):
    mu = jnp.mean(x, axis=-1, keepdims=True)
    var = jnp.var(x, axis=-1, keepdims=True)
    return (x - mu) / jnp.sqrt(var + eps) * gamma + beta


def setup_inputs(seed: int = 0) -> dict:
    key = jax.random.key(seed)
    ks = jax.random.split(key, 16)
    hidden = jax.random.normal(ks[0], (N_NODES, HIDDEN), dtype=jnp.float32)
    edge_index = jax.random.randint(ks[1], (2, N_EDGES), 0, N_NODES, dtype=jnp.int64)
    edge_weight = jax.random.uniform(ks[2], (N_EDGES,), dtype=jnp.float32)
    def lin(k, fan_in, fan_out):
        bound = 1.0 / np.sqrt(fan_in)
        kw, kb = jax.random.split(k)
        W = jax.random.uniform(kw, (fan_in, fan_out), minval=-bound, maxval=bound, dtype=jnp.float32)
        b = jax.random.uniform(kb, (fan_out,), minval=-bound, maxval=bound, dtype=jnp.float32)
        return W, b
    W1e, b1e = lin(ks[3], HIDDEN * 2 + 1, HIDDEN)
    W2e, b2e = lin(ks[4], HIDDEN, HIDDEN)
    W1u, b1u = lin(ks[5], HIDDEN * 2, HIDDEN)
    W2u, b2u = lin(ks[6], HIDDEN, HIDDEN)
    gamma = jnp.ones((HIDDEN,), dtype=jnp.float32)
    beta = jnp.zeros((HIDDEN,), dtype=jnp.float32)
    return {"hidden": hidden, "edge_index": edge_index, "edge_weight": edge_weight,
            "W1e": W1e, "b1e": b1e, "W2e": W2e, "b2e": b2e,
            "W1u": W1u, "b1u": b1u, "W2u": W2u, "b2u": b2u,
            "gamma": gamma, "beta": beta}


def reference(hidden, edge_index, edge_weight, W1e, b1e, W2e, b2e, W1u, b1u, W2u, b2u, gamma, beta):
    src = edge_index[0]
    dst = edge_index[1]
    h_src = jnp.take(hidden, src, axis=0)
    h_dst = jnp.take(hidden, dst, axis=0)
    edge_inputs = jnp.concatenate([h_src, h_dst, edge_weight[:, None]], axis=1)
    messages = _gelu(edge_inputs @ W1e + b1e) @ W2e + b2e
    aggregated = jnp.zeros_like(hidden).at[dst].add(messages)
    upd_in = jnp.concatenate([hidden, aggregated], axis=1)
    updated = _gelu(upd_in @ W1u + b1u) @ W2u + b2u
    return _layernorm(hidden + updated, gamma, beta)

if __name__ == "__main__":
    import jax
    _d = setup_inputs()
    print(jax.jit(kernel)(*tuple(_d.values())))

</pallas_src>

<mosaic_0001>
#map = affine_map<(d0, d1) -> (0, 0)>
#map1 = affine_map<(d0, d1) -> (0)>
#map2 = affine_map<(d0, d1) -> (0, 0, 0)>
module attributes {stable_mosaic.version = 14 : i64} {
  func.func @_sc_body(%arg0: i32, %arg1: i32, %arg2: memref<10000x128xf32, #tpu.memory_space<hbm>>, %arg3: memref<10000x128xf32, #tpu.memory_space<hbm>>, %arg4: memref<32x10000xi32, #tpu.memory_space<hbm>>, %arg5: memref<32x10000xi32, #tpu.memory_space<hbm>>, %arg6: memref<32x10000xf32, #tpu.memory_space<hbm>>, %arg7: memref<128xf32, #tpu.memory_space<hbm>>, %arg8: memref<40x144xf32, #tpu.memory_space<hbm>>, %arg9: memref<2x10240x144xf32, #tpu.memory_space<hbm>>, %arg10: memref<4x40xi32, #tpu.memory_space<vmem>>, %arg11: memref<4x40xi32, #tpu.memory_space<vmem>>, %arg12: memref<4x48xf32, #tpu.memory_space<vmem>>, %arg13: memref<2x40x128xf32, #tpu.memory_space<vmem>>, %arg14: memref<2x40x128xf32, #tpu.memory_space<vmem>>, %arg15: memref<2x40x144xf32, #tpu.memory_space<vmem>>, %arg16: memref<128xf32, #tpu.memory_space<vmem>>, %arg17: memref<40x16xf32, #tpu.memory_space<vmem>>, %arg18: memref<10240x144xf32, #tpu.memory_space<vmem_shared>>, %arg19: memref<4x!tpu.dma_semaphore, #tpu.memory_space<semaphore_mem>>, %arg20: memref<2x!tpu.dma_semaphore, #tpu.memory_space<semaphore_mem>>, %arg21: memref<2x!tpu.dma_semaphore, #tpu.memory_space<semaphore_mem>>) attributes {dimension_semantics = [#tpu.dimension_semantics<core_parallel>, #tpu.dimension_semantics<subcore_parallel>], iteration_bounds = array<i64: 2, 16>, scalar_prefetch = 0 : i64, scratch_operands = 12 : i64, tpu.core_type = #tpu.core_type<sc_vector_subcore>, window_params = [{transform_indices = #map}, {transform_indices = #map}, {transform_indices = #map}, {transform_indices = #map}, {transform_indices = #map}, {transform_indices = #map1}, {transform_indices = #map}, {transform_indices = #map2}]} {
    %mul3A = arith.constant 2 : i32
    %mul3A_0 = arith.muli %arg1, %mul3A : i32
    %add3A = arith.addi %mul3A_0, %arg0 : i32
    %scan3A = arith.constant 0 : i32
    %scan3A_1 = arith.constant 16 : i32
    %scan3A_2 = arith.addi %scan3A, %scan3A_1 : i32
    %scan3A_3 = arith.constant 1 : i32
    scf.for %scan3A_325 = %scan3A to %scan3A_2 step %scan3A_3  : i32 {
      %mul3A_326 = arith.constant 1 : i32
      %mul3A_327 = arith.muli %scan3A_325, %mul3A_326 : i32
      %add3A_328 = arith.constant 0 : i32
      %add3A_329 = arith.addi %add3A_328, %mul3A_327 : i32
      %mul3A_330 = arith.constant 640 : i32
      %mul3A_331 = arith.muli %arg1, %mul3A_330 : i32
      %mul3A_332 = arith.constant 40 : i32
      %mul3A_333 = arith.muli %add3A_329, %mul3A_332 : i32
      %add3A_334 = arith.addi %mul3A_331, %mul3A_333 : i32
      "tpu.region"() ({
        %run_scoped3A = tpu.sem_alloc : memref<!tpu.dma_semaphore, #tpu.memory_space<semaphore_mem>>
        %dma_start3A_335 = arith.constant 0 : i32
        %dma_start3A_336 = tpu.memref_slice %arg18[%add3A_334, %dma_start3A_335] : memref<10240x144xf32, #tpu.memory_space<vmem_shared>> -> memref<40x144xf32, #tpu.memory_space<vmem_shared>>
        tpu.enqueue_dma source(%arg8 : memref<40x144xf32, #tpu.memory_space<hbm>>) target(%dma_start3A_336 : memref<40x144xf32, #tpu.memory_space<vmem_shared>>) target_semaphore(%run_scoped3A : memref<!tpu.dma_semaphore, #tpu.memory_space<semaphore_mem>>)
        %dma_wait3A_337 = arith.constant 0 : i32
        %dma_wait3A_338 = tpu.memref_slice %arg18[%add3A_334, %dma_wait3A_337] : memref<10240x144xf32, #tpu.memory_space<vmem_shared>> -> memref<40x144xf32, #tpu.memory_space<vmem_shared>>
        tpu.wait_dma2 semaphore(%run_scoped3A : memref<!tpu.dma_semaphore, #tpu.memory_space<semaphore_mem>>) src(%arg8 : memref<40x144xf32, #tpu.memory_space<hbm>>) dst(%dma_wait3A_338 : memref<40x144xf32, #tpu.memory_space<vmem_shared>>)
        tpu.yield
      }) : () -> ()
    }
    %scan3A_4 = arith.constant 16 : i32
    "tpu.region"() ({
      %run_scoped3A = tpu.sem_alloc : memref<!tpu.dma_semaphore, #tpu.memory_space<semaphore_mem>>
      tpu.enqueue_dma source(%arg7 : memref<128xf32, #tpu.memory_space<hbm>>) target(%arg16 : memref<128xf32, #tpu.memory_space<vmem>>) target_semaphore(%run_scoped3A : memref<!tpu.dma_semaphore, #tpu.memory_space<semaphore_mem>>)
      tpu.wait_dma2 semaphore(%run_scoped3A : memref<!tpu.dma_semaphore, #tpu.memory_space<semaphore_mem>>) src(%arg7 : memref<128xf32, #tpu.memory_space<hbm>>) dst(%arg16 : memref<128xf32, #tpu.memory_space<vmem>>)
      tpu.yield
    }) : () -> ()
    %iota3A = tpu.iota {dimensions = array<i32: 0>} : vector<16xi32>
    %eq3A = arith.constant 0 : i32
    %eq3A_5 = vector.broadcast %eq3A : i32 to vector<16xi32>
    %eq3A_6 = arith.cmpi eq, %iota3A, %eq3A_5 : vector<16xi32>
    %jit3A = arith.constant 1.000000e+00 : f32
    %jit3A_7 = arith.constant 0.000000e+00 : f32
    %broadcast_in_dim3A = vector.broadcast %jit3A : f32 to vector<16xf32>
    %broadcast_in_dim3A_8 = vector.broadcast %jit3A_7 : f32 to vector<16xf32>
    %select_n3A = arith.select %eq3A_6, %broadcast_in_dim3A, %broadcast_in_dim3A_8 : vector<16xi1>, vector<16xf32>
    %scan3A_9 = arith.constant 0 : i32
    %scan3A_10 = arith.constant 40 : i32
    %scan3A_11 = arith.addi %scan3A_9, %scan3A_10 : i32
    %scan3A_12 = arith.constant 1 : i32
    scf.for %scan3A_325 = %scan3A_9 to %scan3A_11 step %scan3A_12  : i32 {
      %mul3A_326 = arith.constant 1 : i32
      %mul3A_327 = arith.muli %scan3A_325, %mul3A_326 : i32
      %add3A_328 = arith.constant 0 : i32
      %add3A_329 = arith.addi %add3A_328, %mul3A_327 : i32
      %swap3A = arith.constant 0 : i32
      %swap3A_330 = arith.index_cast %swap3A : i32 to index
      %swap3A_331 = arith.index_cast %add3A_329 : i32 to index
      %swap3A_332 = arith.constant 128 : index
      %swap3A_333 = tpu.vector_load %arg15[%swap3A_330, %swap3A_331, %swap3A_332] {strides = array<i32>} : memref<2x40x144xf32, #tpu.memory_space<vmem>>, vector<1x1x16xf32>,
      %swap3A_334 = vector.shape_cast %swap3A_333 : vector<1x1x16xf32> to vector<16xf32>
      %swap3A_335 = vector.shape_cast %select_n3A : vector<16xf32> to vector<1x1x16xf32>
      tpu.vector_store %arg15[%swap3A_330, %swap3A_331, %swap3A_332], %swap3A_335 {strides = array<i32>} : memref<2x40x144xf32, #tpu.memory_space<vmem>>, vector<1x1x16xf32>,
      %swap3A_336 = arith.constant 1 : i32
      %swap3A_337 = arith.index_cast %swap3A_336 : i32 to index
      %swap3A_338 = arith.index_cast %add3A_329 : i32 to index
      %swap3A_339 = arith.constant 128 : index
      %swap3A_340 = tpu.vector_load %arg15[%swap3A_337, %swap3A_338, %swap3A_339] {strides = array<i32>} : memref<2x40x144xf32, #tpu.memory_space<vmem>>, vector<1x1x16xf32>,
      %swap3A_341 = vector.shape_cast %swap3A_340 : vector<1x1x16xf32> to vector<16xf32>
      %swap3A_342 = vector.shape_cast %select_n3A : vector<16xf32> to vector<1x1x16xf32>
      tpu.vector_store %arg15[%swap3A_337, %swap3A_338, %swap3A_339], %swap3A_342 {strides = array<i32>} : memref<2x40x144xf32, #tpu.memory_space<vmem>>, vector<1x1x16xf32>,
    }
    %scan3A_13 = arith.constant 40 : i32
    %barrier3A = arith.constant 0 : index
    tpu.barrier barrier_id(%barrier3A)
    %get3A = arith.constant 0 : index
    %get3A_14 = tpu.vector_load %arg16[%get3A] {strides = array<i32>} : memref<128xf32, #tpu.memory_space<vmem>>, vector<16xf32>,
    %get3A_15 = vector.shape_cast %get3A_14 : vector<16xf32> to vector<16xf32>
    %get3A_16 = arith.constant 16 : index
    %get3A_17 = tpu.vector_load %arg16[%get3A_16] {strides = array<i32>} : memref<128xf32, #tpu.memory_space<vmem>>, vector<16xf32>,
    %get3A_18 = vector.shape_cast %get3A_17 : vector<16xf32> to vector<16xf32>
    %get3A_19 = arith.constant 32 : index
    %get3A_20 = tpu.vector_load %arg16[%get3A_19] {strides = array<i32>} : memref<128xf32, #tpu.memory_space<vmem>>, vector<16xf32>,
    %get3A_21 = vector.shape_cast %get3A_20 : vector<16xf32> to vector<16xf32>
    %get3A_22 = arith.constant 48 : index
    %get3A_23 = tpu.vector_load %arg16[%get3A_22] {strides = array<i32>} : memref<128xf32, #tpu.memory_space<vmem>>, vector<16xf32>,
    %get3A_24 = vector.shape_cast %get3A_23 : vector<16xf32> to vector<16xf32>
    %get3A_25 = arith.constant 64 : index
    %get3A_26 = tpu.vector_load %arg16[%get3A_25] {strides = array<i32>} : memref<128xf32, #tpu.memory_space<vmem>>, vector<16xf32>,
    %get3A_27 = vector.shape_cast %get3A_26 : vector<16xf32> to vector<16xf32>
    %get3A_28 = arith.constant 80 : index
    %get3A_29 = tpu.vector_load %arg16[%get3A_28] {strides = array<i32>} : memref<128xf32, #tpu.memory_space<vmem>>, vector<16xf32>,
    %get3A_30 = vector.shape_cast %get3A_29 : vector<16xf32> to vector<16xf32>
    %get3A_31 = arith.constant 96 : index
    %get3A_32 = tpu.vector_load %arg16[%get3A_31] {strides = array<i32>} : memref<128xf32, #tpu.memory_space<vmem>>, vector<16xf32>,
    %get3A_33 = vector.shape_cast %get3A_32 : vector<16xf32> to vector<16xf32>
    %get3A_34 = arith.constant 112 : index
    %get3A_35 = tpu.vector_load %arg16[%get3A_34] {strides = array<i32>} : memref<128xf32, #tpu.memory_space<vmem>>, vector<16xf32>,
    %get3A_36 = vector.shape_cast %get3A_35 : vector<16xf32> to vector<16xf32>
    %dma_start3A = arith.constant 0 : i32
    %dma_start3A_37 = arith.constant 0 : i32
    %dma_start3A_38 = arith.constant 0 : i32
    %dma_start3A_39 = tpu.memref_slice %arg10[%dma_start3A, %dma_start3A_38] : memref<4x40xi32, #tpu.memory_space<vmem>> -> memref<1x40xi32, #tpu.memory_space<vmem>>
    %dma_start3A_40 = tpu.memref_squeeze %dma_start3A_39 : memref<1x40xi32, #tpu.memory_space<vmem>> -> memref<40xi32, #tpu.memory_space<vmem>>
    %dma_start3A_41 = arith.constant 0 : i32
    %dma_start3A_42 = tpu.memref_slice %arg4[%add3A, %dma_start3A_41] : memref<32x10000xi32, #tpu.memory_space<hbm>> -> memref<1x40xi32, #tpu.memory_space<hbm>>
    %dma_start3A_43 = tpu.memref_squeeze %dma_start3A_42 : memref<1x40xi32, #tpu.memory_space<hbm>> -> memref<40xi32, #tpu.memory_space<hbm>>
    %dma_start3A_44 = tpu.memref_slice %arg19[%dma_start3A_37] : memref<4x!tpu.dma_semaphore, #tpu.memory_space<semaphore_mem>> -> memref<1x!tpu.dma_semaphore, #tpu.memory_space<semaphore_mem>>
    %dma_start3A_45 = tpu.memref_squeeze %dma_start3A_44 : memref<1x!tpu.dma_semaphore, #tpu.memory_space<semaphore_mem>> -> memref<!tpu.dma_semaphore, #tpu.memory_space<semaphore_mem>>
    %dma_start3A_46 = arith.constant 0 : i32
    %dma_start3A_47 = tpu.memref_slice %arg10[%dma_start3A, %dma_start3A_46] : memref<4x40xi32, #tpu.memory_space<vmem>> -> memref<1x40xi32, #tpu.memory_space<vmem>>
    %dma_start3A_48 = tpu.memref_squeeze %dma_start3A_47 : memref<1x40xi32, #tpu.memory_space<vmem>> -> memref<40xi32, #tpu.memory_space<vmem>>
    %dma_start3A_49 = arith.constant 0 : i32
    %dma_start3A_50 = tpu.memref_slice %arg4[%add3A, %dma_start3A_49] : memref<32x10000xi32, #tpu.memory_space<hbm>> -> memref<1x40xi32, #tpu.memory_space<hbm>>
    %dma_start3A_51 = tpu.memref_squeeze %dma_start3A_50 : memref<1x40xi32, #tpu.memory_space<hbm>> -> memref<40xi32, #tpu.memory_space<hbm>>
    tpu.enqueue_dma source(%dma_start3A_51 : memref<40xi32, #tpu.memory_space<hbm>>) target(%dma_start3A_48 : memref<40xi32, #tpu.memory_space<vmem>>) target_semaphore(%dma_start3A_45 : memref<!tpu.dma_semaphore, #tpu.memory_space<semaphore_mem>>)
    %dma_start3A_52 = arith.constant 0 : i32
    %dma_start3A_53 = arith.constant 0 : i32
    %dma_start3A_54 = arith.constant 0 : i32
    %dma_start3A_55 = tpu.memref_slice %arg11[%dma_start3A_52, %dma_start3A_54] : memref<4x40xi32, #tpu.memory_space<vmem>> -> memref<1x40xi32, #tpu.memory_space<vmem>>
    %dma_start3A_56 = tpu.memref_squeeze %dma_start3A_55 : memref<1x40xi32, #tpu.memory_space<vmem>> -> memref<40xi32, #tpu.memory_space<vmem>>
    %dma_start3A_57 = arith.constant 0 : i32
    %dma_start3A_58 = tpu.memref_slice %arg5[%add3A, %dma_start3A_57] : memref<32x10000xi32, #tpu.memory_space<hbm>> -> memref<1x40xi32, #tpu.memory_space<hbm>>
    %dma_start3A_59 = tpu.memref_squeeze %dma_start3A_58 : memref<1x40xi32, #tpu.memory_space<hbm>> -> memref<40xi32, #tpu.memory_space<hbm>>
    %dma_start3A_60 = tpu.memref_slice %arg19[%dma_start3A_53] : memref<4x!tpu.dma_semaphore, #tpu.memory_space<semaphore_mem>> -> memref<1x!tpu.dma_semaphore, #tpu.memory_space<semaphore_mem>>
    %dma_start3A_61 = tpu.memref_squeeze %dma_start3A_60 : memref<1x!tpu.dma_semaphore, #tpu.memory_space<semaphore_mem>> -> memref<!tpu.dma_semaphore, #tpu.memory_space<semaphore_mem>>
    %dma_start3A_62 = arith.constant 0 : i32
    %dma_start3A_63 = tpu.memref_slice %arg11[%dma_start3A_52, %dma_start3A_62] : memref<4x40xi32, #tpu.memory_space<vmem>> -> memref<1x40xi32, #tpu.memory_space<vmem>>
    %dma_start3A_64 = tpu.memref_squeeze %dma_start3A_63 : memref<1x40xi32, #tpu.memory_space<vmem>> -> memref<40xi32, #tpu.memory_space<vmem>>
    %dma_start3A_65 = arith.constant 0 : i32
    %dma_start3A_66 = tpu.memref_slice %arg5[%add3A, %dma_start3A_65] : memref<32x10000xi32, #tpu.memory_space<hbm>> -> memref<1x40xi32, #tpu.memory_space<hbm>>
    %dma_start3A_67 = tpu.memref_squeeze %dma_start3A_66 : memref<1x40xi32, #tpu.memory_space<hbm>> -> memref<40xi32, #tpu.memory_space<hbm>>
    tpu.enqueue_dma source(%dma_start3A_67 : memref<40xi32, #tpu.memory_space<hbm>>) target(%dma_start3A_64 : memref<40xi32, #tpu.memory_space<vmem>>) target_semaphore(%dma_start3A_61 : memref<!tpu.dma_semaphore, #tpu.memory_space<semaphore_mem>>)
    %dma_start3A_68 = arith.constant 0 : i32
    %dma_start3A_69 = arith.constant 0 : i32
    %dma_start3A_70 = arith.constant 0 : i32
    %dma_start3A_71 = tpu.memref_slice %arg12[%dma_start3A_68, %dma_start3A_70] : memref<4x48xf32, #tpu.memory_space<vmem>> -> memref<1x40xf32, #tpu.memory_space<vmem>>
    %dma_start3A_72 = tpu.memref_squeeze %dma_start3A_71 : memref<1x40xf32, #tpu.memory_space<vmem>> -> memref<40xf32, #tpu.memory_space<vmem>>
    %dma_start3A_73 = arith.constant 0 : i32
    %dma_start3A_74 = tpu.memref_slice %arg6[%add3A, %dma_start3A_73] : memref<32x10000xf32, #tpu.memory_space<hbm>> -> memref<1x40xf32, #tpu.memory_space<hbm>>
    %dma_start3A_75 = tpu.memref_squeeze %dma_start3A_74 : memref<1x40xf32, #tpu.memory_space<hbm>> -> memref<40xf32, #tpu.memory_space<hbm>>
    %dma_start3A_76 = tpu.memref_slice %arg19[%dma_start3A_69] : memref<4x!tpu.dma_semaphore, #tpu.memory_space<semaphore_mem>> -> memref<1x!tpu.dma_semaphore, #tpu.memory_space<semaphore_mem>>
    %dma_start3A_77 = tpu.memref_squeeze %dma_start3A_76 : memref<1x!tpu.dma_semaphore, #tpu.memory_space<semaphore_mem>> -> memref<!tpu.dma_semaphore, #tpu.memory_space<semaphore_mem>>
    %dma_start3A_78 = arith.constant 0 : i32
    %dma_start3A_79 = tpu.memref_slice %arg12[%dma_start3A_68, %dma_start3A_78] : memref<4x48xf32, #tpu.memory_space<vmem>> -> memref<1x40xf32, #tpu.memory_space<vmem>>
    %dma_start3A_80 = tpu.memref_squeeze %dma_start3A_79 : memref<1x40xf32, #tpu.memory_space<vmem>> -> memref<40xf32, #tpu.memory_space<vmem>>
    %dma_start3A_81 = arith.constant 0 : i32
    %dma_start3A_82 = tpu.memref_slice %arg6[%add3A, %dma_start3A_81] : memref<32x10000xf32, #tpu.memory_space<hbm>> -> memref<1x40xf32, #tpu.memory_space<hbm>>
    %dma_start3A_83 = tpu.memref_squeeze %dma_start3A_82 : memref<1x40xf32, #tpu.memory_space<hbm>> -> memref<40xf32, #tpu.memory_space<hbm>>
    tpu.enqueue_dma source(%dma_start3A_83 : memref<40xf32, #tpu.memory_space<hbm>>) target(%dma_start3A_80 : memref<40xf32, #tpu.memory_space<vmem>>) target_semaphore(%dma_start3A_77 : memref<!tpu.dma_semaphore, #tpu.memory_space<semaphore_mem>>)
    %dma_start3A_84 = arith.constant 1 : i32
    %dma_start3A_85 = arith.constant 1 : i32
    %dma_start3A_86 = arith.constant 0 : i32
    %dma_start3A_87 = tpu.memref_slice %arg10[%dma_start3A_84, %dma_start3A_86] : memref<4x40xi32, #tpu.memory_space<vmem>> -> memref<1x40xi32, #tpu.memory_space<vmem>>
    %dma_start3A_88 = tpu.memref_squeeze %dma_start3A_87 : memref<1x40xi32, #tpu.memory_space<vmem>> -> memref<40xi32, #tpu.memory_space<vmem>>
    %dma_start3A_89 = arith.constant 40 : i32
    %dma_start3A_90 = tpu.memref_slice %arg4[%add3A, %dma_start3A_89] : memref<32x10000xi32, #tpu.memory_space<hbm>> -> memref<1x40xi32, #tpu.memory_space<hbm>>
    %dma_start3A_91 = tpu.memref_squeeze %dma_start3A_90 : memref<1x40xi32, #tpu.memory_space<hbm>> -> memref<40xi32, #tpu.memory_space<hbm>>
    %dma_start3A_92 = tpu.memref_slice %arg19[%dma_start3A_85] : memref<4x!tpu.dma_semaphore, #tpu.memory_space<semaphore_mem>> -> memref<1x!tpu.dma_semaphore, #tpu.memory_space<semaphore_mem>>
    %dma_start3A_93 = tpu.memref_squeeze %dma_start3A_92 : memref<1x!tpu.dma_semaphore, #tpu.memory_space<semaphore_mem>> -> memref<!tpu.dma_semaphore, #tpu.memory_space<semaphore_mem>>
    %dma_start3A_94 = arith.constant 0 : i32
    %dma_start3A_95 = tpu.memref_slice %arg10[%dma_start3A_84, %dma_start3A_94] : memref<4x40xi32, #tpu.memory_space<vmem>> -> memref<1x40xi32, #tpu.memory_space<vmem>>
    %dma_start3A_96 = tpu.memref_squeeze %dma_start3A_95 : memref<1x40xi32, #tpu.memory_space<vmem>> -> memref<40xi32, #tpu.memory_space<vmem>>
    %dma_start3A_97 = arith.constant 40 : i32
    %dma_start3A_98 = tpu.memref_slice %arg4[%add3A, %dma_start3A_97] : memref<32x10000xi32, #tpu.memory_space<hbm>> -> memref<1x40xi32, #tpu.memory_space<hbm>>
    %dma_start3A_99 = tpu.memref_squeeze %dma_start3A_98 : memref<1x40xi32, #tpu.memory_space<hbm>> -> memref<40xi32, #tpu.memory_space<hbm>>
    tpu.enqueue_dma source(%dma_start3A_99 : memref<40xi32, #tpu.memory_space<hbm>>) target(%dma_start3A_96 : memref<40xi32, #tpu.memory_space<vmem>>) target_semaphore(%dma_start3A_93 : memref<!tpu.dma_semaphore, #tpu.memory_space<semaphore_mem>>)
    %dma_start3A_100 = arith.constant 1 : i32
    %dma_start3A_101 = arith.constant 1 : i32
    %dma_start3A_102 = arith.constant 0 : i32
    %dma_start3A_103 = tpu.memref_slice %arg11[%dma_start3A_100, %dma_start3A_102] : memref<4x40xi32, #tpu.memory_space<vmem>> -> memref<1x40xi32, #tpu.memory_space<vmem>>
    %dma_start3A_104 = tpu.memref_squeeze %dma_start3A_103 : memref<1x40xi32, #tpu.memory_space<vmem>> -> memref<40xi32, #tpu.memory_space<vmem>>
    %dma_start3A_105 = arith.constant 40 : i32
    %dma_start3A_106 = tpu.memref_slice %arg5[%add3A, %dma_start3A_105] : memref<32x10000xi32, #tpu.memory_space<hbm>> -> memref<1x40xi32, #tpu.memory_space<hbm>>
    %dma_start3A_107 = tpu.memref_squeeze %dma_start3A_106 : memref<1x40xi32, #tpu.memory_space<hbm>> -> memref<40xi32, #tpu.memory_space<hbm>>
    %dma_start3A_108 = tpu.memref_slice %arg19[%dma_start3A_101] : memref<4x!tpu.dma_semaphore, #tpu.memory_space<semaphore_mem>> -> memref<1x!tpu.dma_semaphore, #tpu.memory_space<semaphore_mem>>
    %dma_start3A_109 = tpu.memref_squeeze %dma_start3A_108 : memref<1x!tpu.dma_semaphore, #tpu.memory_space<semaphore_mem>> -> memref<!tpu.dma_semaphore, #tpu.memory_space<semaphore_mem>>
    %dma_start3A_110 = arith.constant 0 : i32
    %dma_start3A_111 = tpu.memref_slice %arg11[%dma_start3A_100, %dma_start3A_110] : memref<4x40xi32, #tpu.memory_space<vmem>> -> memref<1x40xi32, #tpu.memory_space<vmem>>
    %dma_start3A_112 = tpu.memref_squeeze %dma_start3A_111 : memref<1x40xi32, #tpu.memory_space<vmem>> -> memref<40xi32, #tpu.memory_space<vmem>>
    %dma_start3A_113 = arith.constant 40 : i32
    %dma_start3A_114 = tpu.memref_slice %arg5[%add3A, %dma_start3A_113] : memref<32x10000xi32, #tpu.memory_space<hbm>> -> memref<1x40xi32, #tpu.memory_space<hbm>>
    %dma_start3A_115 = tpu.memref_squeeze %dma_start3A_114 : memref<1x40xi32, #tpu.memory_space<hbm>> -> memref<40xi32, #tpu.memory_space<hbm>>
    tpu.enqueue_dma source(%dma_start3A_115 : memref<40xi32, #tpu.memory_space<hbm>>) target(%dma_start3A_112 : memref<40xi32, #tpu.memory_space<vmem>>) target_semaphore(%dma_start3A_109 : memref<!tpu.dma_semaphore, #tpu.memory_space<semaphore_mem>>)
    %dma_start3A_116 = arith.constant 1 : i32
    %dma_start3A_117 = arith.constant 1 : i32
    %dma_start3A_118 = arith.constant 0 : i32
    %dma_start3A_119 = tpu.memref_slice %arg12[%dma_start3A_116, %dma_start3A_118] : memref<4x48xf32, #tpu.memory_space<vmem>> -> memref<1x40xf32, #tpu.memory_space<vmem>>
    %dma_start3A_120 = tpu.memref_squeeze %dma_start3A_119 : memref<1x40xf32, #tpu.memory_space<vmem>> -> memref<40xf32, #tpu.memory_space<vmem>>
    %dma_start3A_121 = arith.constant 40 : i32
    %dma_start3A_122 = tpu.memref_slice %arg6[%add3A, %dma_start3A_121] : memref<32x10000xf32, #tpu.memory_space<hbm>> -> memref<1x40xf32, #tpu.memory_space<hbm>>
    %dma_start3A_123 = tpu.memref_squeeze %dma_start3A_122 : memref<1x40xf32, #tpu.memory_space<hbm>> -> memref<40xf32, #tpu.memory_space<hbm>>
    %dma_start3A_124 = tpu.memref_slice %arg19[%dma_start3A_117] : memref<4x!tpu.dma_semaphore, #tpu.memory_space<semaphore_mem>> -> memref<1x!tpu.dma_semaphore, #tpu.memory_space<semaphore_mem>>
    %dma_start3A_125 = tpu.memref_squeeze %dma_start3A_124 : memref<1x!tpu.dma_semaphore, #tpu.memory_space<semaphore_mem>> -> memref<!tpu.dma_semaphore, #tpu.memory_space<semaphore_mem>>
    %dma_start3A_126 = arith.constant 0 : i32
    %dma_start3A_127 = tpu.memref_slice %arg12[%dma_start3A_116, %dma_start3A_126] : memref<4x48xf32, #tpu.memory_space<vmem>> -> memref<1x40xf32, #tpu.memory_space<vmem>>
    %dma_start3A_128 = tpu.memref_squeeze %dma_start3A_127 : memref<1x40xf32, #tpu.memory_space<vmem>> -> memref<40xf32, #tpu.memory_space<vmem>>
    %dma_start3A_129 = arith.constant 40 : i32
    %dma_start3A_130 = tpu.memref_slice %arg6[%add3A, %dma_start3A_129] : memref<32x10000xf32, #tpu.memory_space<hbm>> -> memref<1x40xf32, #tpu.memory_space<hbm>>
    %dma_start3A_131 = tpu.memref_squeeze %dma_start3A_130 : memref<1x40xf32, #tpu.memory_space<hbm>> -> memref<40xf32, #tpu.memory_space<hbm>>
    tpu.enqueue_dma source(%dma_start3A_131 : memref<40xf32, #tpu.memory_space<hbm>>) target(%dma_start3A_128 : memref<40xf32, #tpu.memory_space<vmem>>) target_semaphore(%dma_start3A_125 : memref<!tpu.dma_semaphore, #tpu.memory_space<semaphore_mem>>)
    %dma_wait3A = arith.constant 0 : i32
    %dma_wait3A_132 = arith.constant 0 : i32
    %dma_wait3A_133 = arith.constant 0 : i32
    %dma_wait3A_134 = tpu.memref_slice %arg10[%dma_wait3A, %dma_wait3A_133] : memref<4x40xi32, #tpu.memory_space<vmem>> -> memref<1x40xi32, #tpu.memory_space<vmem>>
    %dma_wait3A_135 = tpu.memref_squeeze %dma_wait3A_134 : memref<1x40xi32, #tpu.memory_space<vmem>> -> memref<40xi32, #tpu.memory_space<vmem>>
    %dma_wait3A_136 = arith.constant 0 : i32
    %dma_wait3A_137 = tpu.memref_slice %arg4[%add3A, %dma_wait3A_136] : memref<32x10000xi32, #tpu.memory_space<hbm>> -> memref<1x40xi32, #tpu.memory_space<hbm>>
    %dma_wait3A_138 = tpu.memref_squeeze %dma_wait3A_137 : memref<1x40xi32, #tpu.memory_space<hbm>> -> memref<40xi32, #tpu.memory_space<hbm>>
    %dma_wait3A_139 = tpu.memref_slice %arg19[%dma_wait3A_132] : memref<4x!tpu.dma_semaphore, #tpu.memory_space<semaphore_mem>> -> memref<1x!tpu.dma_semaphore, #tpu.memory_space<semaphore_mem>>
    %dma_wait3A_140 = tpu.memref_squeeze %dma_wait3A_139 : memref<1x!tpu.dma_semaphore, #tpu.memory_space<semaphore_mem>> -> memref<!tpu.dma_semaphore, #tpu.memory_space<semaphore_mem>>
    %dma_wait3A_141 = arith.constant 0 : i32
    %dma_wait3A_142 = tpu.memref_slice %arg10[%dma_wait3A, %dma_wait3A_141] : memref<4x40xi32, #tpu.memory_space<vmem>> -> memref<1x40xi32, #tpu.memory_space<vmem>>
    %dma_wait3A_143 = tpu.memref_squeeze %dma_wait3A_142 : memref<1x40xi32, #tpu.memory_space<vmem>> -> memref<40xi32, #tpu.memory_space<vmem>>
    %dma_wait3A_144 = arith.constant 0 : i32
    %dma_wait3A_145 = tpu.memref_slice %arg4[%add3A, %dma_wait3A_144] : memref<32x10000xi32, #tpu.memory_space<hbm>> -> memref<1x40xi32, #tpu.memory_space<hbm>>
    %dma_wait3A_146 = tpu.memref_squeeze %dma_wait3A_145 : memref<1x40xi32, #tpu.memory_space<hbm>> -> memref<40xi32, #tpu.memory_space<hbm>>
    tpu.wait_dma2 semaphore(%dma_wait3A_140 : memref<!tpu.dma_semaphore, #tpu.memory_space<semaphore_mem>>) src(%dma_wait3A_146 : memref<40xi32, #tpu.memory_space<hbm>>) dst(%dma_wait3A_143 : memref<40xi32, #tpu.memory_space<vmem>>)
    %dma_wait3A_147 = arith.constant 0 : i32
    %dma_wait3A_148 = arith.constant 0 : i32
    %dma_wait3A_149 = arith.constant 0 : i32
    %dma_wait3A_150 = tpu.memref_slice %arg11[%dma_wait3A_147, %dma_wait3A_149] : memref<4x40xi32, #tpu.memory_space<vmem>> -> memref<1x40xi32, #tpu.memory_space<vmem>>
    %dma_wait3A_151 = tpu.memref_squeeze %dma_wait3A_150 : memref<1x40xi32, #tpu.memory_space<vmem>> -> memref<40xi32, #tpu.memory_space<vmem>>
    %dma_wait3A_152 = arith.constant 0 : i32
    %dma_wait3A_153 = tpu.memref_slice %arg5[%add3A, %dma_wait3A_152] : memref<32x10000xi32, #tpu.memory_space<hbm>> -> memref<1x40xi32, #tpu.memory_space<hbm>>
    %dma_wait3A_154 = tpu.memref_squeeze %dma_wait3A_153 : memref<1x40xi32, #tpu.memory_space<hbm>> -> memref<40xi32, #tpu.memory_space<hbm>>
    %dma_wait3A_155 = tpu.memref_slice %arg19[%dma_wait3A_148] : memref<4x!tpu.dma_semaphore, #tpu.memory_space<semaphore_mem>> -> memref<1x!tpu.dma_semaphore, #tpu.memory_space<semaphore_mem>>
    %dma_wait3A_156 = tpu.memref_squeeze %dma_wait3A_155 : memref<1x!tpu.dma_semaphore, #tpu.memory_space<semaphore_mem>> -> memref<!tpu.dma_semaphore, #tpu.memory_space<semaphore_mem>>
    %dma_wait3A_157 = arith.constant 0 : i32
    %dma_wait3A_158 = tpu.memref_slice %arg11[%dma_wait3A_147, %dma_wait3A_157] : memref<4x40xi32, #tpu.memory_space<vmem>> -> memref<1x40xi32, #tpu.memory_space<vmem>>
    %dma_wait3A_159 = tpu.memref_squeeze %dma_wait3A_158 : memref<1x40xi32, #tpu.memory_space<vmem>> -> memref<40xi32, #tpu.memory_space<vmem>>
    %dma_wait3A_160 = arith.constant 0 : i32
    %dma_wait3A_161 = tpu.memref_slice %arg5[%add3A, %dma_wait3A_160] : memref<32x10000xi32, #tpu.memory_space<hbm>> -> memref<1x40xi32, #tpu.memory_space<hbm>>
    %dma_wait3A_162 = tpu.memref_squeeze %dma_wait3A_161 : memref<1x40xi32, #tpu.memory_space<hbm>> -> memref<40xi32, #tpu.memory_space<hbm>>
    tpu.wait_dma2 semaphore(%dma_wait3A_156 : memref<!tpu.dma_semaphore, #tpu.memory_space<semaphore_mem>>) src(%dma_wait3A_162 : memref<40xi32, #tpu.memory_space<hbm>>) dst(%dma_wait3A_159 : memref<40xi32, #tpu.memory_space<vmem>>)
    %dma_wait3A_163 = arith.constant 0 : i32
    %dma_wait3A_164 = arith.constant 0 : i32
    %dma_wait3A_165 = arith.constant 0 : i32
    %dma_wait3A_166 = tpu.memref_slice %arg12[%dma_wait3A_163, %dma_wait3A_165] : memref<4x48xf32, #tpu.memory_space<vmem>> -> memref<1x40xf32, #tpu.memory_space<vmem>>
    %dma_wait3A_167 = tpu.memref_squeeze %dma_wait3A_166 : memref<1x40xf32, #tpu.memory_space<vmem>> -> memref<40xf32, #tpu.memory_space<vmem>>
    %dma_wait3A_168 = arith.constant 0 : i32
    %dma_wait3A_169 = tpu.memref_slice %arg6[%add3A, %dma_wait3A_168] : memref<32x10000xf32, #tpu.memory_space<hbm>> -> memref<1x40xf32, #tpu.memory_space<hbm>>
    %dma_wait3A_170 = tpu.memref_squeeze %dma_wait3A_169 : memref<1x40xf32, #tpu.memory_space<hbm>> -> memref<40xf32, #tpu.memory_space<hbm>>
    %dma_wait3A_171 = tpu.memref_slice %arg19[%dma_wait3A_164] : memref<4x!tpu.dma_semaphore, #tpu.memory_space<semaphore_mem>> -> memref<1x!tpu.dma_semaphore, #tpu.memory_space<semaphore_mem>>
    %dma_wait3A_172 = tpu.memref_squeeze %dma_wait3A_171 : memref<1x!tpu.dma_semaphore, #tpu.memory_space<semaphore_mem>> -> memref<!tpu.dma_semaphore, #tpu.memory_space<semaphore_mem>>
    %dma_wait3A_173 = arith.constant 0 : i32
    %dma_wait3A_174 = tpu.memref_slice %arg12[%dma_wait3A_163, %dma_wait3A_173] : memref<4x48xf32, #tpu.memory_space<vmem>> -> memref<1x40xf32, #tpu.memory_space<vmem>>
    %dma_wait3A_175 = tpu.memref_squeeze %dma_wait3A_174 : memref<1x40xf32, #tpu.memory_space<vmem>> -> memref<40xf32, #tpu.memory_space<vmem>>
    %dma_wait3A_176 = arith.constant 0 : i32
    %dma_wait3A_177 = tpu.memref_slice %arg6[%add3A, %dma_wait3A_176] : memref<32x10000xf32, #tpu.memory_space<hbm>> -> memref<1x40xf32, #tpu.memory_space<hbm>>
    %dma_wait3A_178 = tpu.memref_squeeze %dma_wait3A_177 : memref<1x40xf32, #tpu.memory_space<hbm>> -> memref<40xf32, #tpu.memory_space<hbm>>
    tpu.wait_dma2 semaphore(%dma_wait3A_172 : memref<!tpu.dma_semaphore, #tpu.memory_space<semaphore_mem>>) src(%dma_wait3A_178 : memref<40xf32, #tpu.memory_space<hbm>>) dst(%dma_wait3A_175 : memref<40xf32, #tpu.memory_space<vmem>>)
    %dma_start3A_179 = arith.constant 0 : i32
    %dma_start3A_180 = arith.constant 0 : i32
    %dma_start3A_181 = arith.constant 0 : i32
    %dma_start3A_182 = arith.constant 0 : i32
    %dma_start3A_183 = arith.constant 0 : i32
    %dma_start3A_184 = tpu.memref_slice %arg13[%dma_start3A_180, %dma_start3A_182, %dma_start3A_183] : memref<2x40x128xf32, #tpu.memory_space<vmem>> -> memref<1x40x128xf32, #tpu.memory_space<vmem>>
    %dma_start3A_185 = tpu.memref_squeeze %dma_start3A_184 : memref<1x40x128xf32, #tpu.memory_space<vmem>> -> memref<40x128xf32, #tpu.memory_space<vmem>>
    %dma_start3A_186 = arith.constant 0 : i32
    %dma_start3A_187 = tpu.memref_slice %arg10[%dma_start3A_179, %dma_start3A_186] : memref<4x40xi32, #tpu.memory_space<vmem>> -> memref<1x40xi32, #tpu.memory_space<vmem>>
    %dma_start3A_188 = tpu.memref_squeeze %dma_start3A_187 : memref<1x40xi32, #tpu.memory_space<vmem>> -> memref<40xi32, #tpu.memory_space<vmem>>
    %dma_start3A_189 = arith.constant 0 : i32
    %dma_start3A_190 = arith.constant 0 : i32
    %dma_start3A_191 = tpu.memref_slice %arg2[%dma_start3A_189, %dma_start3A_190] : memref<10000x128xf32, #tpu.memory_space<hbm>> -> memref<10000x128xf32, #tpu.memory_space<hbm>>
    %dma_start3A_192 = tpu.memref_slice %arg20[%dma_start3A_181] : memref<2x!tpu.dma_semaphore, #tpu.memory_space<semaphore_mem>> -> memref<1x!tpu.dma_semaphore, #tpu.memory_space<semaphore_mem>>
    %dma_start3A_193 = tpu.memref_squeeze %dma_start3A_192 : memref<1x!tpu.dma_semaphore, #tpu.memory_space<semaphore_mem>> -> memref<!tpu.dma_semaphore, #tpu.memory_space<semaphore_mem>>
    tpu.enqueue_indirect_dma source(%dma_start3A_191 : memref<10000x128xf32, #tpu.memory_space<hbm>>) target(%dma_start3A_185 : memref<40x128xf32, #tpu.memory_space<vmem>>) offsets(%dma_start3A_188 : memref<40xi32, #tpu.memory_space<vmem>>) semaphore(%dma_start3A_193 : memref<!tpu.dma_semaphore, #tpu.memory_space<semaphore_mem>>)
    %dma_start3A_194 = arith.constant 0 : i32
    %dma_start3A_195 = arith.constant 0 : i32
    %dma_start3A_196 = arith.constant 0 : i32
    %dma_start3A_197 = arith.constant 0 : i32
    %dma_start3A_198 = arith.constant 0 : i32
    %dma_start3A_199 = tpu.memref_slice %arg14[%dma_start3A_195, %dma_start3A_197, %dma_start3A_198] : memref<2x40x128xf32, #tpu.memory_space<vmem>> -> memref<1x40x128xf32, #tpu.memory_space<vmem>>
    %dma_start3A_200 = tpu.memref_squeeze %dma_start3A_199 : memref<1x40x128xf32, #tpu.memory_space<vmem>> -> memref<40x128xf32, #tpu.memory_space<vmem>>
    %dma_start3A_201 = arith.constant 0 : i32
    %dma_start3A_202 = tpu.memref_slice %arg11[%dma_start3A_194, %dma_start3A_201] : memref<4x40xi32, #tpu.memory_space<vmem>> -> memref<1x40xi32, #tpu.memory_space<vmem>>
    %dma_start3A_203 = tpu.memref_squeeze %dma_start3A_202 : memref<1x40xi32, #tpu.memory_space<vmem>> -> memref<40xi32, #tpu.memory_space<vmem>>
    %dma_start3A_204 = arith.constant 0 : i32
    %dma_start3A_205 = arith.constant 0 : i32
    %dma_start3A_206 = tpu.memref_slice %arg3[%dma_start3A_204, %dma_start3A_205] : memref<10000x128xf32, #tpu.memory_space<hbm>> -> memref<10000x128xf32, #tpu.memory_space<hbm>>
    %dma_start3A_207 = tpu.memref_slice %arg20[%dma_start3A_196] : memref<2x!tpu.dma_semaphore, #tpu.memory_space<semaphore_mem>> -> memref<1x!tpu.dma_semaphore, #tpu.memory_space<semaphore_mem>>
    %dma_start3A_208 = tpu.memref_squeeze %dma_start3A_207 : memref<1x!tpu.dma_semaphore, #tpu.memory_space<semaphore_mem>> -> memref<!tpu.dma_semaphore, #tpu.memory_space<semaphore_mem>>
    tpu.enqueue_indirect_dma source(%dma_start3A_206 : memref<10000x128xf32, #tpu.memory_space<hbm>>) target(%dma_start3A_200 : memref<40x128xf32, #tpu.memory_space<vmem>>) offsets(%dma_start3A_203 : memref<40xi32, #tpu.memory_space<vmem>>) semaphore(%dma_start3A_208 : memref<!tpu.dma_semaphore, #tpu.memory_space<semaphore_mem>>)
    %dma_wait3A_209 = arith.constant 1 : i32
    %dma_wait3A_210 = arith.constant 1 : i32
    %dma_wait3A_211 = arith.constant 0 : i32
    %dma_wait3A_212 = tpu.memref_slice %arg10[%dma_wait3A_209, %dma_wait3A_211] : memref<4x40xi32, #tpu.memory_space<vmem>> -> memref<1x40xi32, #tpu.memory_space<vmem>>
    %dma_wait3A_213 = tpu.memref_squeeze %dma_wait3A_212 : memref<1x40xi32, #tpu.memory_space<vmem>> -> memref<40xi32, #tpu.memory_space<vmem>>
    %dma_wait3A_214 = arith.constant 40 : i32
    %dma_wait3A_215 = tpu.memref_slice %arg4[%add3A, %dma_wait3A_214] : memref<32x10000xi32, #tpu.memory_space<hbm>> -> memref<1x40xi32, #tpu.memory_space<hbm>>
    %dma_wait3A_216 = tpu.memref_squeeze %dma_wait3A_215 : memref<1x40xi32, #tpu.memory_space<hbm>> -> memref<40xi32, #tpu.memory_space<hbm>>
    %dma_wait3A_217 = tpu.memref_slice %arg19[%dma_wait3A_210] : memref<4x!tpu.dma_semaphore, #tpu.memory_space<semaphore_mem>> -> memref<1x!tpu.dma_semaphore, #tpu.memory_space<semaphore_mem>>
    %dma_wait3A_218 = tpu.memref_squeeze %dma_wait3A_217 : memref<1x!tpu.dma_semaphore, #tpu.memory_space<semaphore_mem>> -> memref<!tpu.dma_semaphore, #tpu.memory_space<semaphore_mem>>
    %dma_wait3A_219 = arith.constant 0 : i32
    %dma_wait3A_220 = tpu.memref_slice %arg10[%dma_wait3A_209, %dma_wait3A_219] : memref<4x40xi32, #tpu.memory_space<vmem>> -> memref<1x40xi32, #tpu.memory_space<vmem>>
    %dma_wait3A_221 = tpu.memref_squeeze %dma_wait3A_220 : memref<1x40xi32, #tpu.memory_space<vmem>> -> memref<40xi32, #tpu.memory_space<vmem>>
    %dma_wait3A_222 = arith.constant 40 : i32
    %dma_wait3A_223 = tpu.memref_slice %arg4[%add3A, %dma_wait3A_222] : memref<32x10000xi32, #tpu.memory_space<hbm>> -> memref<1x40xi32, #tpu.memory_space<hbm>>
    %dma_wait3A_224 = tpu.memref_squeeze %dma_wait3A_223 : memref<1x40xi32, #tpu.memory_space<hbm>> -> memref<40xi32, #tpu.memory_space<hbm>>
    tpu.wait_dma2 semaphore(%dma_wait3A_218 : memref<!tpu.dma_semaphore, #tpu.memory_space<semaphore_mem>>) src(%dma_wait3A_224 : memref<40xi32, #tpu.memory_space<hbm>>) dst(%dma_wait3A_221 : memref<40xi32, #tpu.memory_space<vmem>>)
    %dma_wait3A_225 = arith.constant 1 : i32
    %dma_wait3A_226 = arith.constant 1 : i32
    %dma_wait3A_227 = arith.constant 0 : i32
    %dma_wait3A_228 = tpu.memref_slice %arg11[%dma_wait3A_225, %dma_wait3A_227] : memref<4x40xi32, #tpu.memory_space<vmem>> -> memref<1x40xi32, #tpu.memory_space<vmem>>
    %dma_wait3A_229 = tpu.memref_squeeze %dma_wait3A_228 : memref<1x40xi32, #tpu.memory_space<vmem>> -> memref<40xi32, #tpu.memory_space<vmem>>
    %dma_wait3A_230 = arith.constant 40 : i32
    %dma_wait3A_231 = tpu.memref_slice %arg5[%add3A, %dma_wait3A_230] : memref<32x10000xi32, #tpu.memory_space<hbm>> -> memref<1x40xi32, #tpu.memory_space<hbm>>
    %dma_wait3A_232 = tpu.memref_squeeze %dma_wait3A_231 : memref<1x40xi32, #tpu.memory_space<hbm>> -> memref<40xi32, #tpu.memory_space<hbm>>
    %dma_wait3A_233 = tpu.memref_slice %arg19[%dma_wait3A_226] : memref<4x!tpu.dma_semaphore, #tpu.memory_space<semaphore_mem>> -> memref<1x!tpu.dma_semaphore, #tpu.memory_space<semaphore_mem>>
    %dma_wait3A_234 = tpu.memref_squeeze %dma_wait3A_233 : memref<1x!tpu.dma_semaphore, #tpu.memory_space<semaphore_mem>> -> memref<!tpu.dma_semaphore, #tpu.memory_space<semaphore_mem>>
    %dma_wait3A_235 = arith.constant 0 : i32
    %dma_wait3A_236 = tpu.memref_slice %arg11[%dma_wait3A_225, %dma_wait3A_235] : memref<4x40xi32, #tpu.memory_space<vmem>> -> memref<1x40xi32, #tpu.memory_space<vmem>>
    %dma_wait3A_237 = tpu.memref_squeeze %dma_wait3A_236 : memref<1x40xi32, #tpu.memory_space<vmem>> -> memref<40xi32, #tpu.memory_space<vmem>>
    %dma_wait3A_238 = arith.constant 40 : i32
    %dma_wait3A_239 = tpu.memref_slice %arg5[%add3A, %dma_wait3A_238] : memref<32x10000xi32, #tpu.memory_space<hbm>> -> memref<1x40xi32, #tpu.memory_space<hbm>>
    %dma_wait3A_240 = tpu.memref_squeeze %dma_wait3A_239 : memref<1x40xi32, #tpu.memory_space<hbm>> -> memref<40xi32, #tpu.memory_space<hbm>>
    tpu.wait_dma2 semaphore(%dma_wait3A_234 : memref<!tpu.dma_semaphore, #tpu.memory_space<semaphore_mem>>) src(%dma_wait3A_240 : memref<40xi32, #tpu.memory_space<hbm>>) dst(%dma_wait3A_237 : memref<40xi32, #tpu.memory_space<vmem>>)
    %dma_wait3A_241 = arith.constant 1 : i32
    %dma_wait3A_242 = arith.constant 1 : i32
    %dma_wait3A_243 = arith.constant 0 : i32
    %dma_wait3A_244 = tpu.memref_slice %arg12[%dma_wait3A_241, %dma_wait3A_243] : memref<4x48xf32, #tpu.memory_space<vmem>> -> memref<1x40xf32, #tpu.memory_space<vmem>>
    %dma_wait3A_245 = tpu.memref_squeeze %dma_wait3A_244 : memref<1x40xf32, #tpu.memory_space<vmem>> -> memref<40xf32, #tpu.memory_space<vmem>>
    %dma_wait3A_246 = arith.constant 40 : i32
    %dma_wait3A_247 = tpu.memref_slice %arg6[%add3A, %dma_wait3A_246] : memref<32x10000xf32, #tpu.memory_space<hbm>> -> memref<1x40xf32, #tpu.memory_space<hbm>>
    %dma_wait3A_248 = tpu.memref_squeeze %dma_wait3A_247 : memref<1x40xf32, #tpu.memory_space<hbm>> -> memref<40xf32, #tpu.memory_space<hbm>>
    %dma_wait3A_249 = tpu.memref_slice %arg19[%dma_wait3A_242] : memref<4x!tpu.dma_semaphore, #tpu.memory_space<semaphore_mem>> -> memref<1x!tpu.dma_semaphore, #tpu.memory_space<semaphore_mem>>
    %dma_wait3A_250 = tpu.memref_squeeze %dma_wait3A_249 : memref<1x!tpu.dma_semaphore, #tpu.memory_space<semaphore_mem>> -> memref<!tpu.dma_semaphore, #tpu.memory_space<semaphore_mem>>
    %dma_wait3A_251 = arith.constant 0 : i32
    %dma_wait3A_252 = tpu.memref_slice %arg12[%dma_wait3A_241, %dma_wait3A_251] : memref<4x48xf32, #tpu.memory_space<vmem>> -> memref<1x40xf32, #tpu.memory_space<vmem>>
    %dma_wait3A_253 = tpu.memref_squeeze %dma_wait3A_252 : memref<1x40xf32, #tpu.memory_space<vmem>> -> memref<40xf32, #tpu.memory_space<vmem>>
    %dma_wait3A_254 = arith.constant 40 : i32
    %dma_wait3A_255 = tpu.memref_slice %arg6[%add3A, %dma_wait3A_254] : memref<32x10000xf32, #tpu.memory_space<hbm>> -> memref<1x40xf32, #tpu.memory_space<hbm>>
    %dma_wait3A_256 = tpu.memref_squeeze %dma_wait3A_255 : memref<1x40xf32, #tpu.memory_space<hbm>> -> memref<40xf32, #tpu.memory_space<hbm>>
    tpu.wait_dma2 semaphore(%dma_wait3A_250 : memref<!tpu.dma_semaphore, #tpu.memory_space<semaphore_mem>>) src(%dma_wait3A_256 : memref<40xf32, #tpu.memory_space<hbm>>) dst(%dma_wait3A_253 : memref<40xf32, #tpu.memory_space<vmem>>)
    %dma_start3A_257 = arith.constant 1 : i32
    %dma_start3A_258 = arith.constant 1 : i32
    %dma_start3A_259 = arith.constant 1 : i32
    %dma_start3A_260 = arith.constant 0 : i32
    %dma_start3A_261 = arith.constant 0 : i32
    %dma_start3A_262 = tpu.memref_slice %arg13[%dma_start3A_258, %dma_start3A_260, %dma_start3A_261] : memref<2x40x128xf32, #tpu.memory_space<vmem>> -> memref<1x40x128xf32, #tpu.memory_space<vmem>>
    %dma_start3A_263 = tpu.memref_squeeze %dma_start3A_262 : memref<1x40x128xf32, #tpu.memory_space<vmem>> -> memref<40x128xf32, #tpu.memory_space<vmem>>
    %dma_start3A_264 = arith.constant 0 : i32
    %dma_start3A_265 = tpu.memref_slice %arg10[%dma_start3A_257, %dma_start3A_264] : memref<4x40xi32, #tpu.memory_space<vmem>> -> memref<1x40xi32, #tpu.memory_space<vmem>>
    %dma_start3A_266 = tpu.memref_squeeze %dma_start3A_265 : memref<1x40xi32, #tpu.memory_space<vmem>> -> memref<40xi32, #tpu.memory_space<vmem>>
    %dma_start3A_267 = arith.constant 0 : i32
    %dma_start3A_268 = arith.constant 0 : i32
    %dma_start3A_269 = tpu.memref_slice %arg2[%dma_start3A_267, %dma_start3A_268] : memref<10000x128xf32, #tpu.memory_space<hbm>> -> memref<10000x128xf32, #tpu.memory_space<hbm>>
    %dma_start3A_270 = tpu.memref_slice %arg20[%dma_start3A_259] : memref<2x!tpu.dma_semaphore, #tpu.memory_space<semaphore_mem>> -> memref<1x!tpu.dma_semaphore, #tpu.memory_space<semaphore_mem>>
    %dma_start3A_271 = tpu.memref_squeeze %dma_start3A_270 : memref<1x!tpu.dma_semaphore, #tpu.memory_space<semaphore_mem>> -> memref<!tpu.dma_semaphore, #tpu.memory_space<semaphore_mem>>
    tpu.enqueue_indirect_dma source(%dma_start3A_269 : memref<10000x128xf32, #tpu.memory_space<hbm>>) target(%dma_start3A_263 : memref<40x128xf32, #tpu.memory_space<vmem>>) offsets(%dma_start3A_266 : memref<40xi32, #tpu.memory_space<vmem>>) semaphore(%dma_start3A_271 : memref<!tpu.dma_semaphore, #tpu.memory_space<semaphore_mem>>)
    %dma_start3A_272 = arith.constant 1 : i32
    %dma_start3A_273 = arith.constant 1 : i32
    %dma_start3A_274 = arith.constant 1 : i32
    %dma_start3A_275 = arith.constant 0 : i32
    %dma_start3A_276 = arith.constant 0 : i32
    %dma_start3A_277 = tpu.memref_slice %arg14[%dma_start3A_273, %dma_start3A_275, %dma_start3A_276] : memref<2x40x128xf32, #tpu.memory_space<vmem>> -> memref<1x40x128xf32, #tpu.memory_space<vmem>>
    %dma_start3A_278 = tpu.memref_squeeze %dma_start3A_277 : memref<1x40x128xf32, #tpu.memory_space<vmem>> -> memref<40x128xf32, #tpu.memory_space<vmem>>
    %dma_start3A_279 = arith.constant 0 : i32
    %dma_start3A_280 = tpu.memref_slice %arg11[%dma_start3A_272, %dma_start3A_279] : memref<4x40xi32, #tpu.memory_space<vmem>> -> memref<1x40xi32, #tpu.memory_space<vmem>>
    %dma_start3A_281 = tpu.memref_squeeze %dma_start3A_280 : memref<1x40xi32, #tpu.memory_space<vmem>> -> memref<40xi32, #tpu.memory_space<vmem>>
    %dma_start3A_282 = arith.constant 0 : i32
    %dma_start3A_283 = arith.constant 0 : i32
    %dma_start3A_284 = tpu.memref_slice %arg3[%dma_start3A_282, %dma_start3A_283] : memref<10000x128xf32, #tpu.memory_space<hbm>> -> memref<10000x128xf32, #tpu.memory_space<hbm>>
    %dma_start3A_285 = tpu.memref_slice %arg20[%dma_start3A_274] : memref<2x!tpu.dma_semaphore, #tpu.memory_space<semaphore_mem>> -> memref<1x!tpu.dma_semaphore, #tpu.memory_space<semaphore_mem>>
    %dma_start3A_286 = tpu.memref_squeeze %dma_start3A_285 : memref<1x!tpu.dma_semaphore, #tpu.memory_space<semaphore_mem>> -> memref<!tpu.dma_semaphore, #tpu.memory_space<semaphore_mem>>
    tpu.enqueue_indirect_dma source(%dma_start3A_284 : memref<10000x128xf32, #tpu.memory_space<hbm>>) target(%dma_start3A_278 : memref<40x128xf32, #tpu.memory_space<vmem>>) offsets(%dma_start3A_281 : memref<40xi32, #tpu.memory_space<vmem>>) semaphore(%dma_start3A_286 : memref<!tpu.dma_semaphore, #tpu.memory_space<semaphore_mem>>)
    %scan3A_287 = arith.constant 0 : i32
    %scan3A_288 = arith.constant 250 : i32
    %scan3A_289 = arith.addi %scan3A_287, %scan3A_288 : i32
    %scan3A_290 = arith.constant 1 : i32
    scf.for %scan3A_325 = %scan3A_287 to %scan3A_289 step %scan3A_290  : i32 {
      %mul3A_326 = arith.constant 1 : i32
      %mul3A_327 = arith.muli %scan3A_325, %mul3A_326 : i32
      %add3A_328 = arith.constant 0 : i32
      %add3A_329 = arith.addi %add3A_328, %mul3A_327 : i32
      %rem3A = arith.constant 2 : i32
      %rem3A_330 = arith.remsi %add3A_329, %rem3A : i32
      %rem3A_331 = arith.constant 4 : i32
      %rem3A_332 = arith.remsi %add3A_329, %rem3A_331 : i32
      %add3A_333 = arith.constant 2 : i32
      %add3A_334 = arith.addi %add3A_329, %add3A_333 : i32
      %rem3A_335 = arith.constant 4 : i32
      %rem3A_336 = arith.remsi %add3A_334, %rem3A_335 : i32
      %dma_wait3A_337 = arith.constant 0 : i32
      %dma_wait3A_338 = arith.constant 0 : i32
      %dma_wait3A_339 = tpu.memref_slice %arg13[%rem3A_330, %dma_wait3A_337, %dma_wait3A_338] : memref<2x40x128xf32, #tpu.memory_space<vmem>> -> memref<1x40x128xf32, #tpu.memory_space<vmem>>
      %dma_wait3A_340 = tpu.memref_squeeze %dma_wait3A_339 : memref<1x40x128xf32, #tpu.memory_space<vmem>> -> memref<40x128xf32, #tpu.memory_space<vmem>>
      %dma_wait3A_341 = arith.constant 0 : i32
      %dma_wait3A_342 = tpu.memref_slice %arg10[%rem3A_332, %dma_wait3A_341] : memref<4x40xi32, #tpu.memory_space<vmem>> -> memref<1x40xi32, #tpu.memory_space<vmem>>
      %dma_wait3A_343 = tpu.memref_squeeze %dma_wait3A_342 : memref<1x40xi32, #tpu.memory_space<vmem>> -> memref<40xi32, #tpu.memory_space<vmem>>
      %dma_wait3A_344 = arith.constant 0 : i32
      %dma_wait3A_345 = arith.constant 0 : i32
      %dma_wait3A_346 = tpu.memref_slice %arg2[%dma_wait3A_344, %dma_wait3A_345] : memref<10000x128xf32, #tpu.memory_space<hbm>> -> memref<10000x128xf32, #tpu.memory_space<hbm>>
      %dma_wait3A_347 = tpu.memref_slice %arg20[%rem3A_330] : memref<2x!tpu.dma_semaphore, #tpu.memory_space<semaphore_mem>> -> memref<1x!tpu.dma_semaphore, #tpu.memory_space<semaphore_mem>>
      %dma_wait3A_348 = tpu.memref_squeeze %dma_wait3A_347 : memref<1x!tpu.dma_semaphore, #tpu.memory_space<semaphore_mem>> -> memref<!tpu.dma_semaphore, #tpu.memory_space<semaphore_mem>>
      tpu.wait_indirect_dma semaphore(%dma_wait3A_348 : memref<!tpu.dma_semaphore, #tpu.memory_space<semaphore_mem>>) src(%dma_wait3A_346 : memref<10000x128xf32, #tpu.memory_space<hbm>>) dst(%dma_wait3A_340 : memref<40x128xf32, #tpu.memory_space<vmem>>)
      %dma_wait3A_349 = arith.constant 0 : i32
      %dma_wait3A_350 = arith.constant 0 : i32
      %dma_wait3A_351 = tpu.memref_slice %arg14[%rem3A_330, %dma_wait3A_349, %dma_wait3A_350] : memref<2x40x128xf32, #tpu.memory_space<vmem>> -> memref<1x40x128xf32, #tpu.memory_space<vmem>>
      %dma_wait3A_352 = tpu.memref_squeeze %dma_wait3A_351 : memref<1x40x128xf32, #tpu.memory_space<vmem>> -> memref<40x128xf32, #tpu.memory_space<vmem>>
      %dma_wait3A_353 = arith.constant 0 : i32
      %dma_wait3A_354 = tpu.memref_slice %arg11[%rem3A_332, %dma_wait3A_353] : memref<4x40xi32, #tpu.memory_space<vmem>> -> memref<1x40xi32, #tpu.memory_space<vmem>>
      %dma_wait3A_355 = tpu.memref_squeeze %dma_wait3A_354 : memref<1x40xi32, #tpu.memory_space<vmem>> -> memref<40xi32, #tpu.memory_space<vmem>>
      %dma_wait3A_356 = arith.constant 0 : i32
      %dma_wait3A_357 = arith.constant 0 : i32
      %dma_wait3A_358 = tpu.memref_slice %arg3[%dma_wait3A_356, %dma_wait3A_357] : memref<10000x128xf32, #tpu.memory_space<hbm>> -> memref<10000x128xf32, #tpu.memory_space<hbm>>
      %dma_wait3A_359 = tpu.memref_slice %arg20[%rem3A_330] : memref<2x!tpu.dma_semaphore, #tpu.memory_space<semaphore_mem>> -> memref<1x!tpu.dma_semaphore, #tpu.memory_space<semaphore_mem>>
      %dma_wait3A_360 = tpu.memref_squeeze %dma_wait3A_359 : memref<1x!tpu.dma_semaphore, #tpu.memory_space<semaphore_mem>> -> memref<!tpu.dma_semaphore, #tpu.memory_space<semaphore_mem>>
      tpu.wait_indirect_dma semaphore(%dma_wait3A_360 : memref<!tpu.dma_semaphore, #tpu.memory_space<semaphore_mem>>) src(%dma_wait3A_358 : memref<10000x128xf32, #tpu.memory_space<hbm>>) dst(%dma_wait3A_352 : memref<40x128xf32, #tpu.memory_space<vmem>>)
      %ge3A = arith.constant 2 : i32
      %ge3A_361 = arith.cmpi sge, %add3A_329, %ge3A : i32
      %convert_element_type3A = arith.extui %ge3A_361 : i1 to i32
      %cond3A = arith.constant 0 : i32
      %cond3A_362 = arith.cmpi ne, %convert_element_type3A, %cond3A : i32
      scf.if %cond3A_362 {
        %dma_wait3A_759 = arith.constant 0 : i32
        %dma_wait3A_760 = arith.constant 0 : i32
        %dma_wait3A_761 = tpu.memref_slice %arg15[%rem3A_330, %dma_wait3A_759, %dma_wait3A_760] : memref<2x40x144xf32, #tpu.memory_space<vmem>> -> memref<1x40x144xf32, #tpu.memory_space<vmem>>
        %dma_wait3A_762 = tpu.memref_squeeze %dma_wait3A_761 : memref<1x40x144xf32, #tpu.memory_space<vmem>> -> memref<40x144xf32, #tpu.memory_space<vmem>>
        %dma_wait3A_763 = arith.constant 0 : i32
        %dma_wait3A_764 = tpu.memref_slice %arg11[%rem3A_336, %dma_wait3A_763] : memref<4x40xi32, #tpu.memory_space<vmem>> -> memref<1x40xi32, #tpu.memory_space<vmem>>
        %dma_wait3A_765 = tpu.memref_squeeze %dma_wait3A_764 : memref<1x40xi32, #tpu.memory_space<vmem>> -> memref<40xi32, #tpu.memory_space<vmem>>
        %dma_wait3A_766 = arith.constant 0 : i32
        %dma_wait3A_767 = arith.constant 0 : i32
        %dma_wait3A_768 = tpu.memref_slice %arg18[%dma_wait3A_766, %dma_wait3A_767] : memref<10240x144xf32, #tpu.memory_space<vmem_shared>> -> memref<10240x144xf32, #tpu.memory_space<vmem_shared>>
        %dma_wait3A_769 = tpu.memref_slice %arg21[%rem3A_330] : memref<2x!tpu.dma_semaphore, #tpu.memory_space<semaphore_mem>> -> memref<1x!tpu.dma_semaphore, #tpu.memory_space<semaphore_mem>>
        %dma_wait3A_770 = tpu.memref_squeeze %dma_wait3A_769 : memref<1x!tpu.dma_semaphore, #tpu.memory_space<semaphore_mem>> -> memref<!tpu.dma_semaphore, #tpu.memory_space<semaphore_mem>>
        tpu.wait_indirect_dma semaphore(%dma_wait3A_770 : memref<!tpu.dma_semaphore, #tpu.memory_space<semaphore_mem>>) src(%dma_wait3A_762 : memref<40x144xf32, #tpu.memory_space<vmem>>) dst(%dma_wait3A_768 : memref<10240x144xf32, #tpu.memory_space<vmem_shared>>)
      } else {
      }
      %add3A_363 = arith.constant 2 : i32
      %add3A_364 = arith.addi %add3A_329, %add3A_363 : i32
      %lt3A = arith.constant 250 : i32
      %lt3A_365 = arith.cmpi slt, %add3A_364, %lt3A : i32
      %convert_element_type3A_366 = arith.extui %lt3A_365 : i1 to i32
      %cond3A_367 = arith.constant 0 : i32
      %cond3A_368 = arith.cmpi ne, %convert_element_type3A_366, %cond3A_367 : i32
      scf.if %cond3A_368 {
        %add3A_759 = arith.constant 2 : i32
        %add3A_760 = arith.addi %add3A_329, %add3A_759 : i32
        %mul3A_761 = arith.constant 40 : i32
        %mul3A_762 = arith.muli %add3A_760, %mul3A_761 : i32
        %dma_start3A_763 = arith.constant 0 : i32
        %dma_start3A_764 = tpu.memref_slice %arg10[%rem3A_336, %dma_start3A_763] : memref<4x40xi32, #tpu.memory_space<vmem>> -> memref<1x40xi32, #tpu.memory_space<vmem>>
        %dma_start3A_765 = tpu.memref_squeeze %dma_start3A_764 : memref<1x40xi32, #tpu.memory_space<vmem>> -> memref<40xi32, #tpu.memory_space<vmem>>
        %dma_start3A_766 = tpu.memref_slice %arg4[%add3A, %mul3A_762] : memref<32x10000xi32, #tpu.memory_space<hbm>> -> memref<1x40xi32, #tpu.memory_space<hbm>>
        %dma_start3A_767 = tpu.memref_squeeze %dma_start3A_766 : memref<1x40xi32, #tpu.memory_space<hbm>> -> memref<40xi32, #tpu.memory_space<hbm>>
        %dma_start3A_768 = tpu.memref_slice %arg19[%rem3A_336] : memref<4x!tpu.dma_semaphore, #tpu.memory_space<semaphore_mem>> -> memref<1x!tpu.dma_semaphore, #tpu.memory_space<semaphore_mem>>
        %dma_start3A_769 = tpu.memref_squeeze %dma_start3A_768 : memref<1x!tpu.dma_semaphore, #tpu.memory_space<semaphore_mem>> -> memref<!tpu.dma_semaphore, #tpu.memory_space<semaphore_mem>>
        %dma_start3A_770 = arith.constant 0 : i32
        %dma_start3A_771 = tpu.memref_slice %arg10[%rem3A_336, %dma_start3A_770] : memref<4x40xi32, #tpu.memory_space<vmem>> -> memref<1x40xi32, #tpu.memory_space<vmem>>
        %dma_start3A_772 = tpu.memref_squeeze %dma_start3A_771 : memref<1x40xi32, #tpu.memory_space<vmem>> -> memref<40xi32, #tpu.memory_space<vmem>>
        %dma_start3A_773 = tpu.memref_slice %arg4[%add3A, %mul3A_762] : memref<32x10000xi32, #tpu.memory_space<hbm>> -> memref<1x40xi32, #tpu.memory_space<hbm>>
        %dma_start3A_774 = tpu.memref_squeeze %dma_start3A_773 : memref<1x40xi32, #tpu.memory_space<hbm>> -> memref<40xi32, #tpu.memory_space<hbm>>
        tpu.enqueue_dma source(%dma_start3A_774 : memref<40xi32, #tpu.memory_space<hbm>>) target(%dma_start3A_772 : memref<40xi32, #tpu.memory_space<vmem>>) target_semaphore(%dma_start3A_769 : memref<!tpu.dma_semaphore, #tpu.memory_space<semaphore_mem>>)
        %dma_start3A_775 = arith.constant 0 : i32
        %dma_start3A_776 = tpu.memref_slice %arg11[%rem3A_336, %dma_start3A_775] : memref<4x40xi32, #tpu.memory_space<vmem>> -> memref<1x40xi32, #tpu.memory_space<vmem>>
        %dma_start3A_777 = tpu.memref_squeeze %dma_start3A_776 : memref<1x40xi32, #tpu.memory_space<vmem>> -> memref<40xi32, #tpu.memory_space<vmem>>
        %dma_start3A_778 = tpu.memref_slice %arg5[%add3A, %mul3A_762] : memref<32x10000xi32, #tpu.memory_space<hbm>> -> memref<1x40xi32, #tpu.memory_space<hbm>>
        %dma_start3A_779 = tpu.memref_squeeze %dma_start3A_778 : memref<1x40xi32, #tpu.memory_space<hbm>> -> memref<40xi32, #tpu.memory_space<hbm>>
        %dma_start3A_780 = tpu.memref_slice %arg19[%rem3A_336] : memref<4x!tpu.dma_semaphore, #tpu.memory_space<semaphore_mem>> -> memref<1x!tpu.dma_semaphore, #tpu.memory_space<semaphore_mem>>
        %dma_start3A_781 = tpu.memref_squeeze %dma_start3A_780 : memref<1x!tpu.dma_semaphore, #tpu.memory_space<semaphore_mem>> -> memref<!tpu.dma_semaphore, #tpu.memory_space<semaphore_mem>>
        %dma_start3A_782 = arith.constant 0 : i32
        %dma_start3A_783 = tpu.memref_slice %arg11[%rem3A_336, %dma_start3A_782] : memref<4x40xi32, #tpu.memory_space<vmem>> -> memref<1x40xi32, #tpu.memory_space<vmem>>
        %dma_start3A_784 = tpu.memref_squeeze %dma_start3A_783 : memref<1x40xi32, #tpu.memory_space<vmem>> -> memref<40xi32, #tpu.memory_space<vmem>>
        %dma_start3A_785 = tpu.memref_slice %arg5[%add3A, %mul3A_762] : memref<32x10000xi32, #tpu.memory_space<hbm>> -> memref<1x40xi32, #tpu.memory_space<hbm>>
        %dma_start3A_786 = tpu.memref_squeeze %dma_start3A_785 : memref<1x40xi32, #tpu.memory_space<hbm>> -> memref<40xi32, #tpu.memory_space<hbm>>
        tpu.enqueue_dma source(%dma_start3A_786 : memref<40xi32, #tpu.memory_space<hbm>>) target(%dma_start3A_784 : memref<40xi32, #tpu.memory_space<vmem>>) target_semaphore(%dma_start3A_781 : memref<!tpu.dma_semaphore, #tpu.memory_space<semaphore_mem>>)
        %dma_start3A_787 = arith.constant 0 : i32
        %dma_start3A_788 = tpu.memref_slice %arg12[%rem3A_336, %dma_start3A_787] : memref<4x48xf32, #tpu.memory_space<vmem>> -> memref<1x40xf32, #tpu.memory_space<vmem>>
        %dma_start3A_789 = tpu.memref_squeeze %dma_start3A_788 : memref<1x40xf32, #tpu.memory_space<vmem>> -> memref<40xf32, #tpu.memory_space<vmem>>
        %dma_start3A_790 = tpu.memref_slice %arg6[%add3A, %mul3A_762] : memref<32x10000xf32, #tpu.memory_space<hbm>> -> memref<1x40xf32, #tpu.memory_space<hbm>>
        %dma_start3A_791 = tpu.memref_squeeze %dma_start3A_790 : memref<1x40xf32, #tpu.memory_space<hbm>> -> memref<40xf32, #tpu.memory_space<hbm>>
        %dma_start3A_792 = tpu.memref_slice %arg19[%rem3A_336] : memref<4x!tpu.dma_semaphore, #tpu.memory_space<semaphore_mem>> -> memref<1x!tpu.dma_semaphore, #tpu.memory_space<semaphore_mem>>
        %dma_start3A_793 = tpu.memref_squeeze %dma_start3A_792 : memref<1x!tpu.dma_semaphore, #tpu.memory_space<semaphore_mem>> -> memref<!tpu.dma_semaphore, #tpu.memory_space<semaphore_mem>>
        %dma_start3A_794 = arith.constant 0 : i32
        %dma_start3A_795 = tpu.memref_slice %arg12[%rem3A_336, %dma_start3A_794] : memref<4x48xf32, #tpu.memory_space<vmem>> -> memref<1x40xf32, #tpu.memory_space<vmem>>
        %dma_start3A_796 = tpu.memref_squeeze %dma_start3A_795 : memref<1x40xf32, #tpu.memory_space<vmem>> -> memref<40xf32, #tpu.memory_space<vmem>>
        %dma_start3A_797 = tpu.memref_slice %arg6[%add3A, %mul3A_762] : memref<32x10000xf32, #tpu.memory_space<hbm>> -> memref<1x40xf32, #tpu.memory_space<hbm>>
        %dma_start3A_798 = tpu.memref_squeeze %dma_start3A_797 : memref<1x40xf32, #tpu.memory_space<hbm>> -> memref<40xf32, #tpu.memory_space<hbm>>
        tpu.enqueue_dma source(%dma_start3A_798 : memref<40xf32, #tpu.memory_space<hbm>>) target(%dma_start3A_796 : memref<40xf32, #tpu.memory_space<vmem>>) target_semaphore(%dma_start3A_793 : memref<!tpu.dma_semaphore, #tpu.memory_space<semaphore_mem>>)
      } else {
      }
      %get3A_369 = arith.index_cast %rem3A_332 : i32 to index
      %get3A_370 = arith.constant 0 : index
      %get3A_371 = tpu.vector_load %arg12[%get3A_369, %get3A_370] {strides = array<i32>} : memref<4x48xf32, #tpu.memory_space<vmem>>, vector<1x16xf32>,
      %get3A_372 = vector.shape_cast %get3A_371 : vector<1x16xf32> to vector<16xf32>
      %slice3A = vector.extract_strided_slice %get3A_372 {offsets = [0], sizes = [1], strides = [1]} : vector<16xf32> to vector<1xf32>
      %squeeze3A = vector.extract %slice3A[0] : f32 from vector<1xf32>
      %broadcast_in_dim3A_373 = vector.broadcast %squeeze3A : f32 to vector<16xf32>
      %swap3A = arith.constant 0 : i32
      %swap3A_374 = arith.index_cast %swap3A : i32 to index
      %swap3A_375 = arith.constant 0 : index
      %swap3A_376 = tpu.vector_load %arg17[%swap3A_374, %swap3A_375] {strides = array<i32>} : memref<40x16xf32, #tpu.memory_space<vmem>>, vector<1x16xf32>,
      %swap3A_377 = vector.shape_cast %swap3A_376 : vector<1x16xf32> to vector<16xf32>
      %swap3A_378 = vector.shape_cast %broadcast_in_dim3A_373 : vector<16xf32> to vector<1x16xf32>
      tpu.vector_store %arg17[%swap3A_374, %swap3A_375], %swap3A_378 {strides = array<i32>} : memref<40x16xf32, #tpu.memory_space<vmem>>, vector<1x16xf32>,
      %slice3A_379 = vector.extract_strided_slice %get3A_372 {offsets = [1], sizes = [1], strides = [1]} : vector<16xf32> to vector<1xf32>
      %squeeze3A_380 = vector.extract %slice3A_379[0] : f32 from vector<1xf32>
      %broadcast_in_dim3A_381 = vector.broadcast %squeeze3A_380 : f32 to vector<16xf32>
      %swap3A_382 = arith.constant 1 : i32
      %swap3A_383 = arith.index_cast %swap3A_382 : i32 to index
      %swap3A_384 = arith.constant 0 : index
      %swap3A_385 = tpu.vector_load %arg17[%swap3A_383, %swap3A_384] {strides = array<i32>} : memref<40x16xf32, #tpu.memory_space<vmem>>, vector<1x16xf32>,
      %swap3A_386 = vector.shape_cast %swap3A_385 : vector<1x16xf32> to vector<16xf32>
      %swap3A_387 = vector.shape_cast %broadcast_in_dim3A_381 : vector<16xf32> to vector<1x16xf32>
      tpu.vector_store %arg17[%swap3A_383, %swap3A_384], %swap3A_387 {strides = array<i32>} : memref<40x16xf32, #tpu.memory_space<vmem>>, vector<1x16xf32>,
      %slice3A_388 = vector.extract_strided_slice %get3A_372 {offsets = [2], sizes = [1], strides = [1]} : vector<16xf32> to vector<1xf32>
      %squeeze3A_389 = vector.extract %slice3A_388[0] : f32 from vector<1xf32>
      %broadcast_in_dim3A_390 = vector.broadcast %squeeze3A_389 : f32 to vector<16xf32>
      %swap3A_391 = arith.constant 2 : i32
      %swap3A_392 = arith.index_cast %swap3A_391 : i32 to index
      %swap3A_393 = arith.constant 0 : index
      %swap3A_394 = tpu.vector_load %arg17[%swap3A_392, %swap3A_393] {strides = array<i32>} : memref<40x16xf32, #tpu.memory_space<vmem>>, vector<1x16xf32>,
      %swap3A_395 = vector.shape_cast %swap3A_394 : vector<1x16xf32> to vector<16xf32>
      %swap3A_396 = vector.shape_cast %broadcast_in_dim3A_390 : vector<16xf32> to vector<1x16xf32>
      tpu.vector_store %arg17[%swap3A_392, %swap3A_393], %swap3A_396 {strides = array<i32>} : memref<40x16xf32, #tpu.memory_space<vmem>>, vector<1x16xf32>,
      %slice3A_397 = vector.extract_strided_slice %get3A_372 {offsets = [3], sizes = [1], strides = [1]} : vector<16xf32> to vector<1xf32>
      %squeeze3A_398 = vector.extract %slice3A_397[0] : f32 from vector<1xf32>
      %broadcast_in_dim3A_399 = vector.broadcast %squeeze3A_398 : f32 to vector<16xf32>
      %swap3A_400 = arith.constant 3 : i32
      %swap3A_401 = arith.index_cast %swap3A_400 : i32 to index
      %swap3A_402 = arith.constant 0 : index
      %swap3A_403 = tpu.vector_load %arg17[%swap3A_401, %swap3A_402] {strides = array<i32>} : memref<40x16xf32, #tpu.memory_space<vmem>>, vector<1x16xf32>,
      %swap3A_404 = vector.shape_cast %swap3A_403 : vector<1x16xf32> to vector<16xf32>
      %swap3A_405 = vector.shape_cast %broadcast_in_dim3A_399 : vector<16xf32> to vector<1x16xf32>
      tpu.vector_store %arg17[%swap3A_401, %swap3A_402], %swap3A_405 {strides = array<i32>} : memref<40x16xf32, #tpu.memory_space<vmem>>, vector<1x16xf32>,
      %slice3A_406 = vector.extract_strided_slice %get3A_372 {offsets = [4], sizes = [1], strides = [1]} : vector<16xf32> to vector<1xf32>
      %squeeze3A_407 = vector.extract %slice3A_406[0] : f32 from vector<1xf32>
      %broadcast_in_dim3A_408 = vector.broadcast %squeeze3A_407 : f32 to vector<16xf32>
      %swap3A_409 = arith.constant 4 : i32
      %swap3A_410 = arith.index_cast %swap3A_409 : i32 to index
      %swap3A_411 = arith.constant 0 : index
      %swap3A_412 = tpu.vector_load %arg17[%swap3A_410, %swap3A_411] {strides = array<i32>} : memref<40x16xf32, #tpu.memory_space<vmem>>, vector<1x16xf32>,
      %swap3A_413 = vector.shape_cast %swap3A_412 : vector<1x16xf32> to vector<16xf32>
      %swap3A_414 = vector.shape_cast %broadcast_in_dim3A_408 : vector<16xf32> to vector<1x16xf32>
      tpu.vector_store %arg17[%swap3A_410, %swap3A_411], %swap3A_414 {strides = array<i32>} : memref<40x16xf32, #tpu.memory_space<vmem>>, vector<1x16xf32>,
      %slice3A_415 = vector.extract_strided_slice %get3A_372 {offsets = [5], sizes = [1], strides = [1]} : vector<16xf32> to vector<1xf32>
      %squeeze3A_416 = vector.extract %slice3A_415[0] : f32 from vector<1xf32>
      %broadcast_in_dim3A_417 = vector.broadcast %squeeze3A_416 : f32 to vector<16xf32>
      %swap3A_418 = arith.constant 5 : i32
      %swap3A_419 = arith.index_cast %swap3A_418 : i32 to index
      %swap3A_420 = arith.constant 0 : index
      %swap3A_421 = tpu.vector_load %arg17[%swap3A_419, %swap3A_420] {strides = array<i32>} : memref<40x16xf32, #tpu.memory_space<vmem>>, vector<1x16xf32>,
      %swap3A_422 = vector.shape_cast %swap3A_421 : vector<1x16xf32> to vector<16xf32>
      %swap3A_423 = vector.shape_cast %broadcast_in_dim3A_417 : vector<16xf32> to vector<1x16xf32>
      tpu.vector_store %arg17[%swap3A_419, %swap3A_420], %swap3A_423 {strides = array<i32>} : memref<40x16xf32, #tpu.memory_space<vmem>>, vector<1x16xf32>,
      %slice3A_424 = vector.extract_strided_slice %get3A_372 {offsets = [6], sizes = [1], strides = [1]} : vector<16xf32> to vector<1xf32>
      %squeeze3A_425 = vector.extract %slice3A_424[0] : f32 from vector<1xf32>
      %broadcast_in_dim3A_426 = vector.broadcast %squeeze3A_425 : f32 to vector<16xf32>
      %swap3A_427 = arith.constant 6 : i32
      %swap3A_428 = arith.index_cast %swap3A_427 : i32 to index
      %swap3A_429 = arith.constant 0 : index
      %swap3A_430 = tpu.vector_load %arg17[%swap3A_428, %swap3A_429] {strides = array<i32>} : memref<40x16xf32, #tpu.memory_space<vmem>>, vector<1x16xf32>,
      %swap3A_431 = vector.shape_cast %swap3A_430 : vector<1x16xf32> to vector<16xf32>
      %swap3A_432 = vector.shape_cast %broadcast_in_dim3A_426 : vector<16xf32> to vector<1x16xf32>
      tpu.vector_store %arg17[%swap3A_428, %swap3A_429], %swap3A_432 {strides = array<i32>} : memref<40x16xf32, #tpu.memory_space<vmem>>, vector<1x16xf32>,
      %slice3A_433 = vector.extract_strided_slice %get3A_372 {offsets = [7], sizes = [1], strides = [1]} : vector<16xf32> to vector<1xf32>
      %squeeze3A_434 = vector.extract %slice3A_433[0] : f32 from vector<1xf32>
      %broadcast_in_dim3A_435 = vector.broadcast %squeeze3A_434 : f32 to vector<16xf32>
      %swap3A_436 = arith.constant 7 : i32
      %swap3A_437 = arith.index_cast %swap3A_436 : i32 to index
      %swap3A_438 = arith.constant 0 : index
      %swap3A_439 = tpu.vector_load %arg17[%swap3A_437, %swap3A_438] {strides = array<i32>} : memref<40x16xf32, #tpu.memory_space<vmem>>, vector<1x16xf32>,
      %swap3A_440 = vector.shape_cast %swap3A_439 : vector<1x16xf32> to vector<16xf32>
      %swap3A_441 = vector.shape_cast %broadcast_in_dim3A_435 : vector<16xf32> to vector<1x16xf32>
      tpu.vector_store %arg17[%swap3A_437, %swap3A_438], %swap3A_441 {strides = array<i32>} : memref<40x16xf32, #tpu.memory_space<vmem>>, vector<1x16xf32>,
      %slice3A_442 = vector.extract_strided_slice %get3A_372 {offsets = [8], sizes = [1], strides = [1]} : vector<16xf32> to vector<1xf32>
      %squeeze3A_443 = vector.extract %slice3A_442[0] : f32 from vector<1xf32>
      %broadcast_in_dim3A_444 = vector.broadcast %squeeze3A_443 : f32 to vector<16xf32>
      %swap3A_445 = arith.constant 8 : i32
      %swap3A_446 = arith.index_cast %swap3A_445 : i32 to index
      %swap3A_447 = arith.constant 0 : index
      %swap3A_448 = tpu.vector_load %arg17[%swap3A_446, %swap3A_447] {strides = array<i32>} : memref<40x16xf32, #tpu.memory_space<vmem>>, vector<1x16xf32>,
      %swap3A_449 = vector.shape_cast %swap3A_448 : vector<1x16xf32> to vector<16xf32>
      %swap3A_450 = vector.shape_cast %broadcast_in_dim3A_444 : vector<16xf32> to vector<1x16xf32>
      tpu.vector_store %arg17[%swap3A_446, %swap3A_447], %swap3A_450 {strides = array<i32>} : memref<40x16xf32, #tpu.memory_space<vmem>>, vector<1x16xf32>,
      %slice3A_451 = vector.extract_strided_slice %get3A_372 {offsets = [9], sizes = [1], strides = [1]} : vector<16xf32> to vector<1xf32>
      %squeeze3A_452 = vector.extract %slice3A_451[0] : f32 from vector<1xf32>
      %broadcast_in_dim3A_453 = vector.broadcast %squeeze3A_452 : f32 to vector<16xf32>
      %swap3A_454 = arith.constant 9 : i32
      %swap3A_455 = arith.index_cast %swap3A_454 : i32 to index
      %swap3A_456 = arith.constant 0 : index
      %swap3A_457 = tpu.vector_load %arg17[%swap3A_455, %swap3A_456] {strides = array<i32>} : memref<40x16xf32, #tpu.memory_space<vmem>>, vector<1x16xf32>,
      %swap3A_458 = vector.shape_cast %swap3A_457 : vector<1x16xf32> to vector<16xf32>
      %swap3A_459 = vector.shape_cast %broadcast_in_dim3A_453 : vector<16xf32> to vector<1x16xf32>
      tpu.vector_store %arg17[%swap3A_455, %swap3A_456], %swap3A_459 {strides = array<i32>} : memref<40x16xf32, #tpu.memory_space<vmem>>, vector<1x16xf32>,
      %slice3A_460 = vector.extract_strided_slice %get3A_372 {offsets = [10], sizes = [1], strides = [1]} : vector<16xf32> to vector<1xf32>
      %squeeze3A_461 = vector.extract %slice3A_460[0] : f32 from vector<1xf32>
      %broadcast_in_dim3A_462 = vector.broadcast %squeeze3A_461 : f32 to vector<16xf32>
      %swap3A_463 = arith.constant 10 : i32
      %swap3A_464 = arith.index_cast %swap3A_463 : i32 to index
      %swap3A_465 = arith.constant 0 : index
      %swap3A_466 = tpu.vector_load %arg17[%swap3A_464, %swap3A_465] {strides = array<i32>} : memref<40x16xf32, #tpu.memory_space<vmem>>, vector<1x16xf32>,
      %swap3A_467 = vector.shape_cast %swap3A_466 : vector<1x16xf32> to vector<16xf32>
      %swap3A_468 = vector.shape_cast %broadcast_in_dim3A_462 : vector<16xf32> to vector<1x16xf32>
      tpu.vector_store %arg17[%swap3A_464, %swap3A_465], %swap3A_468 {strides = array<i32>} : memref<40x16xf32, #tpu.memory_space<vmem>>, vector<1x16xf32>,
      %slice3A_469 = vector.extract_strided_slice %get3A_372 {offsets = [11], sizes = [1], strides = [1]} : vector<16xf32> to vector<1xf32>
      %squeeze3A_470 = vector.extract %slice3A_469[0] : f32 from vector<1xf32>
      %broadcast_in_dim3A_471 = vector.broadcast %squeeze3A_470 : f32 to vector<16xf32>
      %swap3A_472 = arith.constant 11 : i32
      %swap3A_473 = arith.index_cast %swap3A_472 : i32 to index
      %swap3A_474 = arith.constant 0 : index
      %swap3A_475 = tpu.vector_load %arg17[%swap3A_473, %swap3A_474] {strides = array<i32>} : memref<40x16xf32, #tpu.memory_space<vmem>>, vector<1x16xf32>,
      %swap3A_476 = vector.shape_cast %swap3A_475 : vector<1x16xf32> to vector<16xf32>
      %swap3A_477 = vector.shape_cast %broadcast_in_dim3A_471 : vector<16xf32> to vector<1x16xf32>
      tpu.vector_store %arg17[%swap3A_473, %swap3A_474], %swap3A_477 {strides = array<i32>} : memref<40x16xf32, #tpu.memory_space<vmem>>, vector<1x16xf32>,
      %slice3A_478 = vector.extract_strided_slice %get3A_372 {offsets = [12], sizes = [1], strides = [1]} : vector<16xf32> to vector<1xf32>
      %squeeze3A_479 = vector.extract %slice3A_478[0] : f32 from vector<1xf32>
      %broadcast_in_dim3A_480 = vector.broadcast %squeeze3A_479 : f32 to vector<16xf32>
      %swap3A_481 = arith.constant 12 : i32
      %swap3A_482 = arith.index_cast %swap3A_481 : i32 to index
      %swap3A_483 = arith.constant 0 : index
      %swap3A_484 = tpu.vector_load %arg17[%swap3A_482, %swap3A_483] {strides = array<i32>} : memref<40x16xf32, #tpu.memory_space<vmem>>, vector<1x16xf32>,
      %swap3A_485 = vector.shape_cast %swap3A_484 : vector<1x16xf32> to vector<16xf32>
      %swap3A_486 = vector.shape_cast %broadcast_in_dim3A_480 : vector<16xf32> to vector<1x16xf32>
      tpu.vector_store %arg17[%swap3A_482, %swap3A_483], %swap3A_486 {strides = array<i32>} : memref<40x16xf32, #tpu.memory_space<vmem>>, vector<1x16xf32>,
      %slice3A_487 = vector.extract_strided_slice %get3A_372 {offsets = [13], sizes = [1], strides = [1]} : vector<16xf32> to vector<1xf32>
      %squeeze3A_488 = vector.extract %slice3A_487[0] : f32 from vector<1xf32>
      %broadcast_in_dim3A_489 = vector.broadcast %squeeze3A_488 : f32 to vector<16xf32>
      %swap3A_490 = arith.constant 13 : i32
      %swap3A_491 = arith.index_cast %swap3A_490 : i32 to index
      %swap3A_492 = arith.constant 0 : index
      %swap3A_493 = tpu.vector_load %arg17[%swap3A_491, %swap3A_492] {strides = array<i32>} : memref<40x16xf32, #tpu.memory_space<vmem>>, vector<1x16xf32>,
      %swap3A_494 = vector.shape_cast %swap3A_493 : vector<1x16xf32> to vector<16xf32>
      %swap3A_495 = vector.shape_cast %broadcast_in_dim3A_489 : vector<16xf32> to vector<1x16xf32>
      tpu.vector_store %arg17[%swap3A_491, %swap3A_492], %swap3A_495 {strides = array<i32>} : memref<40x16xf32, #tpu.memory_space<vmem>>, vector<1x16xf32>,
      %slice3A_496 = vector.extract_strided_slice %get3A_372 {offsets = [14], sizes = [1], strides = [1]} : vector<16xf32> to vector<1xf32>
      %squeeze3A_497 = vector.extract %slice3A_496[0] : f32 from vector<1xf32>
      %broadcast_in_dim3A_498 = vector.broadcast %squeeze3A_497 : f32 to vector<16xf32>
      %swap3A_499 = arith.constant 14 : i32
      %swap3A_500 = arith.index_cast %swap3A_499 : i32 to index
      %swap3A_501 = arith.constant 0 : index
      %swap3A_502 = tpu.vector_load %arg17[%swap3A_500, %swap3A_501] {strides = array<i32>} : memref<40x16xf32, #tpu.memory_space<vmem>>, vector<1x16xf32>,
      %swap3A_503 = vector.shape_cast %swap3A_502 : vector<1x16xf32> to vector<16xf32>
      %swap3A_504 = vector.shape_cast %broadcast_in_dim3A_498 : vector<16xf32> to vector<1x16xf32>
      tpu.vector_store %arg17[%swap3A_500, %swap3A_501], %swap3A_504 {strides = array<i32>} : memref<40x16xf32, #tpu.memory_space<vmem>>, vector<1x16xf32>,
      %slice3A_505 = vector.extract_strided_slice %get3A_372 {offsets = [15], sizes = [1], strides = [1]} : vector<16xf32> to vector<1xf32>
      %squeeze3A_506 = vector.extract %slice3A_505[0] : f32 from vector<1xf32>
      %broadcast_in_dim3A_507 = vector.broadcast %squeeze3A_506 : f32 to vector<16xf32>
      %swap3A_508 = arith.constant 15 : i32
      %swap3A_509 = arith.index_cast %swap3A_508 : i32 to index
      %swap3A_510 = arith.constant 0 : index
      %swap3A_511 = tpu.vector_load %arg17[%swap3A_509, %swap3A_510] {strides = array<i32>} : memref<40x16xf32, #tpu.memory_space<vmem>>, vector<1x16xf32>,
      %swap3A_512 = vector.shape_cast %swap3A_511 : vector<1x16xf32> to vector<16xf32>
      %swap3A_513 = vector.shape_cast %broadcast_in_dim3A_507 : vector<16xf32> to vector<1x16xf32>
      tpu.vector_store %arg17[%swap3A_509, %swap3A_510], %swap3A_513 {strides = array<i32>} : memref<40x16xf32, #tpu.memory_space<vmem>>, vector<1x16xf32>,
      %get3A_514 = arith.index_cast %rem3A_332 : i32 to index
      %get3A_515 = arith.constant 16 : index
      %get3A_516 = tpu.vector_load %arg12[%get3A_514, %get3A_515] {strides = array<i32>} : memref<4x48xf32, #tpu.memory_space<vmem>>, vector<1x16xf32>,
      %get3A_517 = vector.shape_cast %get3A_516 : vector<1x16xf32> to vector<16xf32>
      %slice3A_518 = vector.extract_strided_slice %get3A_517 {offsets = [0], sizes = [1], strides = [1]} : vector<16xf32> to vector<1xf32>
      %squeeze3A_519 = vector.extract %slice3A_518[0] : f32 from vector<1xf32>
      %broadcast_in_dim3A_520 = vector.broadcast %squeeze3A_519 : f32 to vector<16xf32>
      %swap3A_521 = arith.constant 16 : i32
      %swap3A_522 = arith.index_cast %swap3A_521 : i32 to index
      %swap3A_523 = arith.constant 0 : index
      %swap3A_524 = tpu.vector_load %arg17[%swap3A_522, %swap3A_523] {strides = array<i32>} : memref<40x16xf32, #tpu.memory_space<vmem>>, vector<1x16xf32>,
      %swap3A_525 = vector.shape_cast %swap3A_524 : vector<1x16xf32> to vector<16xf32>
      %swap3A_526 = vector.shape_cast %broadcast_in_dim3A_520 : vector<16xf32> to vector<1x16xf32>
      tpu.vector_store %arg17[%swap3A_522, %swap3A_523], %swap3A_526 {strides = array<i32>} : memref<40x16xf32, #tpu.memory_space<vmem>>, vector<1x16xf32>,
      %slice3A_527 = vector.extract_strided_slice %get3A_517 {offsets = [1], sizes = [1], strides = [1]} : vector<16xf32> to vector<1xf32>
      %squeeze3A_528 = vector.extract %slice3A_527[0] : f32 from vector<1xf32>
      %broadcast_in_dim3A_529 = vector.broadcast %squeeze3A_528 : f32 to vector<16xf32>
      %swap3A_530 = arith.constant 17 : i32
      %swap3A_531 = arith.index_cast %swap3A_530 : i32 to index
      %swap3A_532 = arith.constant 0 : index
      %swap3A_533 = tpu.vector_load %arg17[%swap3A_531, %swap3A_532] {strides = array<i32>} : memref<40x16xf32, #tpu.memory_space<vmem>>, vector<1x16xf32>,
      %swap3A_534 = vector.shape_cast %swap3A_533 : vector<1x16xf32> to vector<16xf32>
      %swap3A_535 = vector.shape_cast %broadcast_in_dim3A_529 : vector<16xf32> to vector<1x16xf32>
      tpu.vector_store %arg17[%swap3A_531, %swap3A_532], %swap3A_535 {strides = array<i32>} : memref<40x16xf32, #tpu.memory_space<vmem>>, vector<1x16xf32>,
      %slice3A_536 = vector.extract_strided_slice %get3A_517 {offsets = [2], sizes = [1], strides = [1]} : vector<16xf32> to vector<1xf32>
      %squeeze3A_537 = vector.extract %slice3A_536[0] : f32 from vector<1xf32>
      %broadcast_in_dim3A_538 = vector.broadcast %squeeze3A_537 : f32 to vector<16xf32>
      %swap3A_539 = arith.constant 18 : i32
      %swap3A_540 = arith.index_cast %swap3A_539 : i32 to index
      %swap3A_541 = arith.constant 0 : index
      %swap3A_542 = tpu.vector_load %arg17[%swap3A_540, %swap3A_541] {strides = array<i32>} : memref<40x16xf32, #tpu.memory_space<vmem>>, vector<1x16xf32>,
      %swap3A_543 = vector.shape_cast %swap3A_542 : vector<1x16xf32> to vector<16xf32>
      %swap3A_544 = vector.shape_cast %broadcast_in_dim3A_538 : vector<16xf32> to vector<1x16xf32>
      tpu.vector_store %arg17[%swap3A_540, %swap3A_541], %swap3A_544 {strides = array<i32>} : memref<40x16xf32, #tpu.memory_space<vmem>>, vector<1x16xf32>,
      %slice3A_545 = vector.extract_strided_slice %get3A_517 {offsets = [3], sizes = [1], strides = [1]} : vector<16xf32> to vector<1xf32>
      %squeeze3A_546 = vector.extract %slice3A_545[0] : f32 from vector<1xf32>
      %broadcast_in_dim3A_547 = vector.broadcast %squeeze3A_546 : f32 to vector<16xf32>
      %swap3A_548 = arith.constant 19 : i32
      %swap3A_549 = arith.index_cast %swap3A_548 : i32 to index
      %swap3A_550 = arith.constant 0 : index
      %swap3A_551 = tpu.vector_load %arg17[%swap3A_549, %swap3A_550] {strides = array<i32>} : memref<40x16xf32, #tpu.memory_space<vmem>>, vector<1x16xf32>,
      %swap3A_552 = vector.shape_cast %swap3A_551 : vector<1x16xf32> to vector<16xf32>
      %swap3A_553 = vector.shape_cast %broadcast_in_dim3A_547 : vector<16xf32> to vector<1x16xf32>
      tpu.vector_store %arg17[%swap3A_549, %swap3A_550], %swap3A_553 {strides = array<i32>} : memref<40x16xf32, #tpu.memory_space<vmem>>, vector<1x16xf32>,
      %slice3A_554 = vector.extract_strided_slice %get3A_517 {offsets = [4], sizes = [1], strides = [1]} : vector<16xf32> to vector<1xf32>
      %squeeze3A_555 = vector.extract %slice3A_554[0] : f32 from vector<1xf32>
      %broadcast_in_dim3A_556 = vector.broadcast %squeeze3A_555 : f32 to vector<16xf32>
      %swap3A_557 = arith.constant 20 : i32
      %swap3A_558 = arith.index_cast %swap3A_557 : i32 to index
      %swap3A_559 = arith.constant 0 : index
      %swap3A_560 = tpu.vector_load %arg17[%swap3A_558, %swap3A_559] {strides = array<i32>} : memref<40x16xf32, #tpu.memory_space<vmem>>, vector<1x16xf32>,
      %swap3A_561 = vector.shape_cast %swap3A_560 : vector<1x16xf32> to vector<16xf32>
      %swap3A_562 = vector.shape_cast %broadcast_in_dim3A_556 : vector<16xf32> to vector<1x16xf32>
      tpu.vector_store %arg17[%swap3A_558, %swap3A_559], %swap3A_562 {strides = array<i32>} : memref<40x16xf32, #tpu.memory_space<vmem>>, vector<1x16xf32>,
      %slice3A_563 = vector.extract_strided_slice %get3A_517 {offsets = [5], sizes = [1], strides = [1]} : vector<16xf32> to vector<1xf32>
      %squeeze3A_564 = vector.extract %slice3A_563[0] : f32 from vector<1xf32>
      %broadcast_in_dim3A_565 = vector.broadcast %squeeze3A_564 : f32 to vector<16xf32>
      %swap3A_566 = arith.constant 21 : i32
      %swap3A_567 = arith.index_cast %swap3A_566 : i32 to index
      %swap3A_568 = arith.constant 0 : index
      %swap3A_569 = tpu.vector_load %arg17[%swap3A_567, %swap3A_568] {strides = array<i32>} : memref<40x16xf32, #tpu.memory_space<vmem>>, vector<1x16xf32>,
      %swap3A_570 = vector.shape_cast %swap3A_569 : vector<1x16xf32> to vector<16xf32>
      %swap3A_571 = vector.shape_cast %broadcast_in_dim3A_565 : vector<16xf32> to vector<1x16xf32>
      tpu.vector_store %arg17[%swap3A_567, %swap3A_568], %swap3A_571 {strides = array<i32>} : memref<40x16xf32, #tpu.memory_space<vmem>>, vector<1x16xf32>,
      %slice3A_572 = vector.extract_strided_slice %get3A_517 {offsets = [6], sizes = [1], strides = [1]} : vector<16xf32> to vector<1xf32>
      %squeeze3A_573 = vector.extract %slice3A_572[0] : f32 from vector<1xf32>
      %broadcast_in_dim3A_574 = vector.broadcast %squeeze3A_573 : f32 to vector<16xf32>
      %swap3A_575 = arith.constant 22 : i32
      %swap3A_576 = arith.index_cast %swap3A_575 : i32 to index
      %swap3A_577 = arith.constant 0 : index
      %swap3A_578 = tpu.vector_load %arg17[%swap3A_576, %swap3A_577] {strides = array<i32>} : memref<40x16xf32, #tpu.memory_space<vmem>>, vector<1x16xf32>,
      %swap3A_579 = vector.shape_cast %swap3A_578 : vector<1x16xf32> to vector<16xf32>
      %swap3A_580 = vector.shape_cast %broadcast_in_dim3A_574 : vector<16xf32> to vector<1x16xf32>
      tpu.vector_store %arg17[%swap3A_576, %swap3A_577], %swap3A_580 {strides = array<i32>} : memref<40x16xf32, #tpu.memory_space<vmem>>, vector<1x16xf32>,
      %slice3A_581 = vector.extract_strided_slice %get3A_517 {offsets = [7], sizes = [1], strides = [1]} : vector<16xf32> to vector<1xf32>
      %squeeze3A_582 = vector.extract %slice3A_581[0] : f32 from vector<1xf32>
      %broadcast_in_dim3A_583 = vector.broadcast %squeeze3A_582 : f32 to vector<16xf32>
      %swap3A_584 = arith.constant 23 : i32
      %swap3A_585 = arith.index_cast %swap3A_584 : i32 to index
      %swap3A_586 = arith.constant 0 : index
      %swap3A_587 = tpu.vector_load %arg17[%swap3A_585, %swap3A_586] {strides = array<i32>} : memref<40x16xf32, #tpu.memory_space<vmem>>, vector<1x16xf32>,
      %swap3A_588 = vector.shape_cast %swap3A_587 : vector<1x16xf32> to vector<16xf32>
      %swap3A_589 = vector.shape_cast %broadcast_in_dim3A_583 : vector<16xf32> to vector<1x16xf32>
      tpu.vector_store %arg17[%swap3A_585, %swap3A_586], %swap3A_589 {strides = array<i32>} : memref<40x16xf32, #tpu.memory_space<vmem>>, vector<1x16xf32>,
      %slice3A_590 = vector.extract_strided_slice %get3A_517 {offsets = [8], sizes = [1], strides = [1]} : vector<16xf32> to vector<1xf32>
      %squeeze3A_591 = vector.extract %slice3A_590[0] : f32 from vector<1xf32>
      %broadcast_in_dim3A_592 = vector.broadcast %squeeze3A_591 : f32 to vector<16xf32>
      %swap3A_593 = arith.constant 24 : i32
      %swap3A_594 = arith.index_cast %swap3A_593 : i32 to index
      %swap3A_595 = arith.constant 0 : index
      %swap3A_596 = tpu.vector_load %arg17[%swap3A_594, %swap3A_595] {strides = array<i32>} : memref<40x16xf32, #tpu.memory_space<vmem>>, vector<1x16xf32>,
      %swap3A_597 = vector.shape_cast %swap3A_596 : vector<1x16xf32> to vector<16xf32>
      %swap3A_598 = vector.shape_cast %broadcast_in_dim3A_592 : vector<16xf32> to vector<1x16xf32>
      tpu.vector_store %arg17[%swap3A_594, %swap3A_595], %swap3A_598 {strides = array<i32>} : memref<40x16xf32, #tpu.memory_space<vmem>>, vector<1x16xf32>,
      %slice3A_599 = vector.extract_strided_slice %get3A_517 {offsets = [9], sizes = [1], strides = [1]} : vector<16xf32> to vector<1xf32>
      %squeeze3A_600 = vector.extract %slice3A_599[0] : f32 from vector<1xf32>
      %broadcast_in_dim3A_601 = vector.broadcast %squeeze3A_600 : f32 to vector<16xf32>
      %swap3A_602 = arith.constant 25 : i32
      %swap3A_603 = arith.index_cast %swap3A_602 : i32 to index
      %swap3A_604 = arith.constant 0 : index
      %swap3A_605 = tpu.vector_load %arg17[%swap3A_603, %swap3A_604] {strides = array<i32>} : memref<40x16xf32, #tpu.memory_space<vmem>>, vector<1x16xf32>,
      %swap3A_606 = vector.shape_cast %swap3A_605 : vector<1x16xf32> to vector<16xf32>
      %swap3A_607 = vector.shape_cast %broadcast_in_dim3A_601 : vector<16xf32> to vector<1x16xf32>
      tpu.vector_store %arg17[%swap3A_603, %swap3A_604], %swap3A_607 {strides = array<i32>} : memref<40x16xf32, #tpu.memory_space<vmem>>, vector<1x16xf32>,
      %slice3A_608 = vector.extract_strided_slice %get3A_517 {offsets = [10], sizes = [1], strides = [1]} : vector<16xf32> to vector<1xf32>
      %squeeze3A_609 = vector.extract %slice3A_608[0] : f32 from vector<1xf32>
      %broadcast_in_dim3A_610 = vector.broadcast %squeeze3A_609 : f32 to vector<16xf32>
      %swap3A_611 = arith.constant 26 : i32
      %swap3A_612 = arith.index_cast %swap3A_611 : i32 to index
      %swap3A_613 = arith.constant 0 : index
      %swap3A_614 = tpu.vector_load %arg17[%swap3A_612, %swap3A_613] {strides = array<i32>} : memref<40x16xf32, #tpu.memory_space<vmem>>, vector<1x16xf32>,
      %swap3A_615 = vector.shape_cast %swap3A_614 : vector<1x16xf32> to vector<16xf32>
      %swap3A_616 = vector.shape_cast %broadcast_in_dim3A_610 : vector<16xf32> to vector<1x16xf32>
      tpu.vector_store %arg17[%swap3A_612, %swap3A_613], %swap3A_616 {strides = array<i32>} : memref<40x16xf32, #tpu.memory_space<vmem>>, vector<1x16xf32>,
      %slice3A_617 = vector.extract_strided_slice %get3A_517 {offsets = [11], sizes = [1], strides = [1]} : vector<16xf32> to vector<1xf32>
      %squeeze3A_618 = vector.extract %slice3A_617[0] : f32 from vector<1xf32>
      %broadcast_in_dim3A_619 = vector.broadcast %squeeze3A_618 : f32 to vector<16xf32>
      %swap3A_620 = arith.constant 27 : i32
      %swap3A_621 = arith.index_cast %swap3A_620 : i32 to index
      %swap3A_622 = arith.constant 0 : index
      %swap3A_623 = tpu.vector_load %arg17[%swap3A_621, %swap3A_622] {strides = array<i32>} : memref<40x16xf32, #tpu.memory_space<vmem>>, vector<1x16xf32>,
      %swap3A_624 = vector.shape_cast %swap3A_623 : vector<1x16xf32> to vector<16xf32>
      %swap3A_625 = vector.shape_cast %broadcast_in_dim3A_619 : vector<16xf32> to vector<1x16xf32>
      tpu.vector_store %arg17[%swap3A_621, %swap3A_622], %swap3A_625 {strides = array<i32>} : memref<40x16xf32, #tpu.memory_space<vmem>>, vector<1x16xf32>,
      %slice3A_626 = vector.extract_strided_slice %get3A_517 {offsets = [12], sizes = [1], strides = [1]} : vector<16xf32> to vector<1xf32>
      %squeeze3A_627 = vector.extract %slice3A_626[0] : f32 from vector<1xf32>
      %broadcast_in_dim3A_628 = vector.broadcast %squeeze3A_627 : f32 to vector<16xf32>
      %swap3A_629 = arith.constant 28 : i32
      %swap3A_630 = arith.index_cast %swap3A_629 : i32 to index
      %swap3A_631 = arith.constant 0 : index
      %swap3A_632 = tpu.vector_load %arg17[%swap3A_630, %swap3A_631] {strides = array<i32>} : memref<40x16xf32, #tpu.memory_space<vmem>>, vector<1x16xf32>,
      %swap3A_633 = vector.shape_cast %swap3A_632 : vector<1x16xf32> to vector<16xf32>
      %swap3A_634 = vector.shape_cast %broadcast_in_dim3A_628 : vector<16xf32> to vector<1x16xf32>
      tpu.vector_store %arg17[%swap3A_630, %swap3A_631], %swap3A_634 {strides = array<i32>} : memref<40x16xf32, #tpu.memory_space<vmem>>, vector<1x16xf32>,
      %slice3A_635 = vector.extract_strided_slice %get3A_517 {offsets = [13], sizes = [1], strides = [1]} : vector<16xf32> to vector<1xf32>
      %squeeze3A_636 = vector.extract %slice3A_635[0] : f32 from vector<1xf32>
      %broadcast_in_dim3A_637 = vector.broadcast %squeeze3A_636 : f32 to vector<16xf32>
      %swap3A_638 = arith.constant 29 : i32
      %swap3A_639 = arith.index_cast %swap3A_638 : i32 to index
      %swap3A_640 = arith.constant 0 : index
      %swap3A_641 = tpu.vector_load %arg17[%swap3A_639, %swap3A_640] {strides = array<i32>} : memref<40x16xf32, #tpu.memory_space<vmem>>, vector<1x16xf32>,
      %swap3A_642 = vector.shape_cast %swap3A_641 : vector<1x16xf32> to vector<16xf32>
      %swap3A_643 = vector.shape_cast %broadcast_in_dim3A_637 : vector<16xf32> to vector<1x16xf32>
      tpu.vector_store %arg17[%swap3A_639, %swap3A_640], %swap3A_643 {strides = array<i32>} : memref<40x16xf32, #tpu.memory_space<vmem>>, vector<1x16xf32>,
      %slice3A_644 = vector.extract_strided_slice %get3A_517 {offsets = [14], sizes = [1], strides = [1]} : vector<16xf32> to vector<1xf32>
      %squeeze3A_645 = vector.extract %slice3A_644[0] : f32 from vector<1xf32>
      %broadcast_in_dim3A_646 = vector.broadcast %squeeze3A_645 : f32 to vector<16xf32>
      %swap3A_647 = arith.constant 30 : i32
      %swap3A_648 = arith.index_cast %swap3A_647 : i32 to index
      %swap3A_649 = arith.constant 0 : index
      %swap3A_650 = tpu.vector_load %arg17[%swap3A_648, %swap3A_649] {strides = array<i32>} : memref<40x16xf32, #tpu.memory_space<vmem>>, vector<1x16xf32>,
      %swap3A_651 = vector.shape_cast %swap3A_650 : vector<1x16xf32> to vector<16xf32>
      %swap3A_652 = vector.shape_cast %broadcast_in_dim3A_646 : vector<16xf32> to vector<1x16xf32>
      tpu.vector_store %arg17[%swap3A_648, %swap3A_649], %swap3A_652 {strides = array<i32>} : memref<40x16xf32, #tpu.memory_space<vmem>>, vector<1x16xf32>,
      %slice3A_653 = vector.extract_strided_slice %get3A_517 {offsets = [15], sizes = [1], strides = [1]} : vector<16xf32> to vector<1xf32>
      %squeeze3A_654 = vector.extract %slice3A_653[0] : f32 from vector<1xf32>
      %broadcast_in_dim3A_655 = vector.broadcast %squeeze3A_654 : f32 to vector<16xf32>
      %swap3A_656 = arith.constant 31 : i32
      %swap3A_657 = arith.index_cast %swap3A_656 : i32 to index
      %swap3A_658 = arith.constant 0 : index
      %swap3A_659 = tpu.vector_load %arg17[%swap3A_657, %swap3A_658] {strides = array<i32>} : memref<40x16xf32, #tpu.memory_space<vmem>>, vector<1x16xf32>,
      %swap3A_660 = vector.shape_cast %swap3A_659 : vector<1x16xf32> to vector<16xf32>
      %swap3A_661 = vector.shape_cast %broadcast_in_dim3A_655 : vector<16xf32> to vector<1x16xf32>
      tpu.vector_store %arg17[%swap3A_657, %swap3A_658], %swap3A_661 {strides = array<i32>} : memref<40x16xf32, #tpu.memory_space<vmem>>, vector<1x16xf32>,
      %get3A_662 = arith.index_cast %rem3A_332 : i32 to index
      %get3A_663 = arith.constant 32 : index
      %get3A_664 = tpu.vector_load %arg12[%get3A_662, %get3A_663] {strides = array<i32>} : memref<4x48xf32, #tpu.memory_space<vmem>>, vector<1x16xf32>,
      %get3A_665 = vector.shape_cast %get3A_664 : vector<1x16xf32> to vector<16xf32>
      %slice3A_666 = vector.extract_strided_slice %get3A_665 {offsets = [0], sizes = [1], strides = [1]} : vector<16xf32> to vector<1xf32>
      %squeeze3A_667 = vector.extract %slice3A_666[0] : f32 from vector<1xf32>
      %broadcast_in_dim3A_668 = vector.broadcast %squeeze3A_667 : f32 to vector<16xf32>
      %swap3A_669 = arith.constant 32 : i32
      %swap3A_670 = arith.index_cast %swap3A_669 : i32 to index
      %swap3A_671 = arith.constant 0 : index
      %swap3A_672 = tpu.vector_load %arg17[%swap3A_670, %swap3A_671] {strides = array<i32>} : memref<40x16xf32, #tpu.memory_space<vmem>>, vector<1x16xf32>,
      %swap3A_673 = vector.shape_cast %swap3A_672 : vector<1x16xf32> to vector<16xf32>
      %swap3A_674 = vector.shape_cast %broadcast_in_dim3A_668 : vector<16xf32> to vector<1x16xf32>
      tpu.vector_store %arg17[%swap3A_670, %swap3A_671], %swap3A_674 {strides = array<i32>} : memref<40x16xf32, #tpu.memory_space<vmem>>, vector<1x16xf32>,
      %slice3A_675 = vector.extract_strided_slice %get3A_665 {offsets = [1], sizes = [1], strides = [1]} : vector<16xf32> to vector<1xf32>
      %squeeze3A_676 = vector.extract %slice3A_675[0] : f32 from vector<1xf32>
      %broadcast_in_dim3A_677 = vector.broadcast %squeeze3A_676 : f32 to vector<16xf32>
      %swap3A_678 = arith.constant 33 : i32
      %swap3A_679 = arith.index_cast %swap3A_678 : i32 to index
      %swap3A_680 = arith.constant 0 : index
      %swap3A_681 = tpu.vector_load %arg17[%swap3A_679, %swap3A_680] {strides = array<i32>} : memref<40x16xf32, #tpu.memory_space<vmem>>, vector<1x16xf32>,
      %swap3A_682 = vector.shape_cast %swap3A_681 : vector<1x16xf32> to vector<16xf32>
      %swap3A_683 = vector.shape_cast %broadcast_in_dim3A_677 : vector<16xf32> to vector<1x16xf32>
      tpu.vector_store %arg17[%swap3A_679, %swap3A_680], %swap3A_683 {strides = array<i32>} : memref<40x16xf32, #tpu.memory_space<vmem>>, vector<1x16xf32>,
      %slice3A_684 = vector.extract_strided_slice %get3A_665 {offsets = [2], sizes = [1], strides = [1]} : vector<16xf32> to vector<1xf32>
      %squeeze3A_685 = vector.extract %slice3A_684[0] : f32 from vector<1xf32>
      %broadcast_in_dim3A_686 = vector.broadcast %squeeze3A_685 : f32 to vector<16xf32>
      %swap3A_687 = arith.constant 34 : i32
      %swap3A_688 = arith.index_cast %swap3A_687 : i32 to index
      %swap3A_689 = arith.constant 0 : index
      %swap3A_690 = tpu.vector_load %arg17[%swap3A_688, %swap3A_689] {strides = array<i32>} : memref<40x16xf32, #tpu.memory_space<vmem>>, vector<1x16xf32>,
      %swap3A_691 = vector.shape_cast %swap3A_690 : vector<1x16xf32> to vector<16xf32>
      %swap3A_692 = vector.shape_cast %broadcast_in_dim3A_686 : vector<16xf32> to vector<1x16xf32>
      tpu.vector_store %arg17[%swap3A_688, %swap3A_689], %swap3A_692 {strides = array<i32>} : memref<40x16xf32, #tpu.memory_space<vmem>>, vector<1x16xf32>,
      %slice3A_693 = vector.extract_strided_slice %get3A_665 {offsets = [3], sizes = [1], strides = [1]} : vector<16xf32> to vector<1xf32>
      %squeeze3A_694 = vector.extract %slice3A_693[0] : f32 from vector<1xf32>
      %broadcast_in_dim3A_695 = vector.broadcast %squeeze3A_694 : f32 to vector<16xf32>
      %swap3A_696 = arith.constant 35 : i32
      %swap3A_697 = arith.index_cast %swap3A_696 : i32 to index
      %swap3A_698 = arith.constant 0 : index
      %swap3A_699 = tpu.vector_load %arg17[%swap3A_697, %swap3A_698] {strides = array<i32>} : memref<40x16xf32, #tpu.memory_space<vmem>>, vector<1x16xf32>,
      %swap3A_700 = vector.shape_cast %swap3A_699 : vector<1x16xf32> to vector<16xf32>
      %swap3A_701 = vector.shape_cast %broadcast_in_dim3A_695 : vector<16xf32> to vector<1x16xf32>
      tpu.vector_store %arg17[%swap3A_697, %swap3A_698], %swap3A_701 {strides = array<i32>} : memref<40x16xf32, #tpu.memory_space<vmem>>, vector<1x16xf32>,
      %slice3A_702 = vector.extract_strided_slice %get3A_665 {offsets = [4], sizes = [1], strides = [1]} : vector<16xf32> to vector<1xf32>
      %squeeze3A_703 = vector.extract %slice3A_702[0] : f32 from vector<1xf32>
      %broadcast_in_dim3A_704 = vector.broadcast %squeeze3A_703 : f32 to vector<16xf32>
      %swap3A_705 = arith.constant 36 : i32
      %swap3A_706 = arith.index_cast %swap3A_705 : i32 to index
      %swap3A_707 = arith.constant 0 : index
      %swap3A_708 = tpu.vector_load %arg17[%swap3A_706, %swap3A_707] {strides = array<i32>} : memref<40x16xf32, #tpu.memory_space<vmem>>, vector<1x16xf32>,
      %swap3A_709 = vector.shape_cast %swap3A_708 : vector<1x16xf32> to vector<16xf32>
      %swap3A_710 = vector.shape_cast %broadcast_in_dim3A_704 : vector<16xf32> to vector<1x16xf32>
      tpu.vector_store %arg17[%swap3A_706, %swap3A_707], %swap3A_710 {strides = array<i32>} : memref<40x16xf32, #tpu.memory_space<vmem>>, vector<1x16xf32>,
      %slice3A_711 = vector.extract_strided_slice %get3A_665 {offsets = [5], sizes = [1], strides = [1]} : vector<16xf32> to vector<1xf32>
      %squeeze3A_712 = vector.extract %slice3A_711[0] : f32 from vector<1xf32>
      %broadcast_in_dim3A_713 = vector.broadcast %squeeze3A_712 : f32 to vector<16xf32>
      %swap3A_714 = arith.constant 37 : i32
      %swap3A_715 = arith.index_cast %swap3A_714 : i32 to index
      %swap3A_716 = arith.constant 0 : index
      %swap3A_717 = tpu.vector_load %arg17[%swap3A_715, %swap3A_716] {strides = array<i32>} : memref<40x16xf32, #tpu.memory_space<vmem>>, vector<1x16xf32>,
      %swap3A_718 = vector.shape_cast %swap3A_717 : vector<1x16xf32> to vector<16xf32>
      %swap3A_719 = vector.shape_cast %broadcast_in_dim3A_713 : vector<16xf32> to vector<1x16xf32>
      tpu.vector_store %arg17[%swap3A_715, %swap3A_716], %swap3A_719 {strides = array<i32>} : memref<40x16xf32, #tpu.memory_space<vmem>>, vector<1x16xf32>,
      %slice3A_720 = vector.extract_strided_slice %get3A_665 {offsets = [6], sizes = [1], strides = [1]} : vector<16xf32> to vector<1xf32>
      %squeeze3A_721 = vector.extract %slice3A_720[0] : f32 from vector<1xf32>
      %broadcast_in_dim3A_722 = vector.broadcast %squeeze3A_721 : f32 to vector<16xf32>
      %swap3A_723 = arith.constant 38 : i32
      %swap3A_724 = arith.index_cast %swap3A_723 : i32 to index
      %swap3A_725 = arith.constant 0 : index
      %swap3A_726 = tpu.vector_load %arg17[%swap3A_724, %swap3A_725] {strides = array<i32>} : memref<40x16xf32, #tpu.memory_space<vmem>>, vector<1x16xf32>,
      %swap3A_727 = vector.shape_cast %swap3A_726 : vector<1x16xf32> to vector<16xf32>
      %swap3A_728 = vector.shape_cast %broadcast_in_dim3A_722 : vector<16xf32> to vector<1x16xf32>
      tpu.vector_store %arg17[%swap3A_724, %swap3A_725], %swap3A_728 {strides = array<i32>} : memref<40x16xf32, #tpu.memory_space<vmem>>, vector<1x16xf32>,
      %slice3A_729 = vector.extract_strided_slice %get3A_665 {offsets = [7], sizes = [1], strides = [1]} : vector<16xf32> to vector<1xf32>
      %squeeze3A_730 = vector.extract %slice3A_729[0] : f32 from vector<1xf32>
      %broadcast_in_dim3A_731 = vector.broadcast %squeeze3A_730 : f32 to vector<16xf32>
      %swap3A_732 = arith.constant 39 : i32
      %swap3A_733 = arith.index_cast %swap3A_732 : i32 to index
      %swap3A_734 = arith.constant 0 : index
      %swap3A_735 = tpu.vector_load %arg17[%swap3A_733, %swap3A_734] {strides = array<i32>} : memref<40x16xf32, #tpu.memory_space<vmem>>, vector<1x16xf32>,
      %swap3A_736 = vector.shape_cast %swap3A_735 : vector<1x16xf32> to vector<16xf32>
      %swap3A_737 = vector.shape_cast %broadcast_in_dim3A_731 : vector<16xf32> to vector<1x16xf32>
      tpu.vector_store %arg17[%swap3A_733, %swap3A_734], %swap3A_737 {strides = array<i32>} : memref<40x16xf32, #tpu.memory_space<vmem>>, vector<1x16xf32>,
      %parallel_loop3A = arith.constant 0 : i32
      %parallel_loop3A_738 = arith.constant 40 : i32
      %parallel_loop3A_739 = arith.constant 1 : i32
      scf.for %parallel_loop3A_759 = %parallel_loop3A to %parallel_loop3A_738 step %parallel_loop3A_739  : i32 {
        %parallel_loop3A_760 = arith.index_cast %parallel_loop3A_759 : i32 to index
        %parallel_loop3A_761 = arith.constant 0 : index
        %parallel_loop3A_762 = tpu.vector_load %arg17[%parallel_loop3A_760, %parallel_loop3A_761] {strides = array<i32>} : memref<40x16xf32, #tpu.memory_space<vmem>>, vector<1x16xf32>,
        %parallel_loop3A_763 = vector.shape_cast %parallel_loop3A_762 : vector<1x16xf32> to vector<16xf32>
        %parallel_loop3A_764 = arith.index_cast %rem3A_330 : i32 to index
        %parallel_loop3A_765 = arith.index_cast %parallel_loop3A_759 : i32 to index
        %parallel_loop3A_766 = arith.constant 0 : index
        %parallel_loop3A_767 = tpu.vector_load %arg13[%parallel_loop3A_764, %parallel_loop3A_765, %parallel_loop3A_766] {strides = array<i32>} : memref<2x40x128xf32, #tpu.memory_space<vmem>>, vector<1x1x16xf32>,
        %parallel_loop3A_768 = vector.shape_cast %parallel_loop3A_767 : vector<1x1x16xf32> to vector<16xf32>
        %parallel_loop3A_769 = arith.index_cast %rem3A_330 : i32 to index
        %parallel_loop3A_770 = arith.index_cast %parallel_loop3A_759 : i32 to index
        %parallel_loop3A_771 = arith.constant 0 : index
        %parallel_loop3A_772 = tpu.vector_load %arg14[%parallel_loop3A_769, %parallel_loop3A_770, %parallel_loop3A_771] {strides = array<i32>} : memref<2x40x128xf32, #tpu.memory_space<vmem>>, vector<1x1x16xf32>,
        %parallel_loop3A_773 = vector.shape_cast %parallel_loop3A_772 : vector<1x1x16xf32> to vector<16xf32>
        %parallel_loop3A_774 = arith.addf %parallel_loop3A_768, %parallel_loop3A_773 : vector<16xf32>
        %parallel_loop3A_775 = arith.mulf %parallel_loop3A_763, %get3A_15 : vector<16xf32>
        %parallel_loop3A_776 = arith.addf %parallel_loop3A_774, %parallel_loop3A_775 : vector<16xf32>
        %parallel_loop3A_777 = arith.constant -4.000000e+00 : f32
        %parallel_loop3A_778 = arith.constant 4.000000e+00 : f32
        %parallel_loop3A_779 = vector.broadcast %parallel_loop3A_777 : f32 to vector<16xf32>
        %parallel_loop3A_780 = arith.maximumf %parallel_loop3A_779, %parallel_loop3A_776 : vector<16xf32>
        %parallel_loop3A_781 = vector.broadcast %parallel_loop3A_778 : f32 to vector<16xf32>
        %parallel_loop3A_782 = arith.minimumf %parallel_loop3A_781, %parallel_loop3A_780 : vector<16xf32>
        %parallel_loop3A_783 = arith.mulf %parallel_loop3A_782, %parallel_loop3A_782 : vector<16xf32>
        %parallel_loop3A_784 = arith.constant -1.58096536E-9 : f32
        %parallel_loop3A_785 = vector.broadcast %parallel_loop3A_784 : f32 to vector<16xf32>
        %parallel_loop3A_786 = arith.mulf %parallel_loop3A_785, %parallel_loop3A_783 : vector<16xf32>
        %parallel_loop3A_787 = arith.constant 1.21721143E-7 : f32
        %parallel_loop3A_788 = vector.broadcast %parallel_loop3A_787 : f32 to vector<16xf32>
        %parallel_loop3A_789 = arith.addf %parallel_loop3A_786, %parallel_loop3A_788 : vector<16xf32>
        %parallel_loop3A_790 = arith.mulf %parallel_loop3A_789, %parallel_loop3A_783 : vector<16xf32>
        %parallel_loop3A_791 = arith.constant 4.10108942E-6 : f32
        %parallel_loop3A_792 = vector.broadcast %parallel_loop3A_791 : f32 to vector<16xf32>
        %parallel_loop3A_793 = arith.subf %parallel_loop3A_790, %parallel_loop3A_792 : vector<16xf32>
        %parallel_loop3A_794 = arith.mulf %parallel_loop3A_793, %parallel_loop3A_783 : vector<16xf32>
        %parallel_loop3A_795 = arith.constant 8.06698881E-5 : f32
        %parallel_loop3A_796 = vector.broadcast %parallel_loop3A_795 : f32 to vector<16xf32>
        %parallel_loop3A_797 = arith.addf %parallel_loop3A_794, %parallel_loop3A_796 : vector<16xf32>
        %parallel_loop3A_798 = arith.mulf %parallel_loop3A_797, %parallel_loop3A_783 : vector<16xf32>
        %parallel_loop3A_799 = arith.constant 0.00104821916 : f32
        %parallel_loop3A_800 = vector.broadcast %parallel_loop3A_799 : f32 to vector<16xf32>
        %parallel_loop3A_801 = arith.subf %parallel_loop3A_798, %parallel_loop3A_800 : vector<16xf32>
        %parallel_loop3A_802 = arith.mulf %parallel_loop3A_801, %parallel_loop3A_783 : vector<16xf32>
        %parallel_loop3A_803 = arith.constant 0.0096649183 : f32
        %parallel_loop3A_804 = vector.broadcast %parallel_loop3A_803 : f32 to vector<16xf32>
        %parallel_loop3A_805 = arith.addf %parallel_loop3A_802, %parallel_loop3A_804 : vector<16xf32>
        %parallel_loop3A_806 = arith.mulf %parallel_loop3A_805, %parallel_loop3A_783 : vector<16xf32>
        %parallel_loop3A_807 = arith.constant 0.0661754385 : f32
        %parallel_loop3A_808 = vector.broadcast %parallel_loop3A_807 : f32 to vector<16xf32>
        %parallel_loop3A_809 = arith.subf %parallel_loop3A_806, %parallel_loop3A_808 : vector<16xf32>
        %parallel_loop3A_810 = arith.mulf %parallel_loop3A_809, %parallel_loop3A_783 : vector<16xf32>
        %parallel_loop3A_811 = arith.constant 0.39884752 : f32
        %parallel_loop3A_812 = vector.broadcast %parallel_loop3A_811 : f32 to vector<16xf32>
        %parallel_loop3A_813 = arith.addf %parallel_loop3A_810, %parallel_loop3A_812 : vector<16xf32>
        %parallel_loop3A_814 = arith.mulf %parallel_loop3A_782, %parallel_loop3A_813 : vector<16xf32>
        %parallel_loop3A_815 = arith.constant 5.000000e-01 : f32
        %parallel_loop3A_816 = vector.broadcast %parallel_loop3A_815 : f32 to vector<16xf32>
        %parallel_loop3A_817 = arith.addf %parallel_loop3A_816, %parallel_loop3A_814 : vector<16xf32>
        %parallel_loop3A_818 = arith.mulf %parallel_loop3A_776, %parallel_loop3A_817 : vector<16xf32>
        %parallel_loop3A_819 = arith.index_cast %rem3A_330 : i32 to index
        %parallel_loop3A_820 = arith.index_cast %parallel_loop3A_759 : i32 to index
        %parallel_loop3A_821 = arith.constant 0 : index
        %parallel_loop3A_822 = tpu.vector_load %arg15[%parallel_loop3A_819, %parallel_loop3A_820, %parallel_loop3A_821] {strides = array<i32>} : memref<2x40x144xf32, #tpu.memory_space<vmem>>, vector<1x1x16xf32>,
        %parallel_loop3A_823 = vector.shape_cast %parallel_loop3A_822 : vector<1x1x16xf32> to vector<16xf32>
        %parallel_loop3A_824 = vector.shape_cast %parallel_loop3A_818 : vector<16xf32> to vector<1x1x16xf32>
        tpu.vector_store %arg15[%parallel_loop3A_819, %parallel_loop3A_820, %parallel_loop3A_821], %parallel_loop3A_824 {strides = array<i32>} : memref<2x40x144xf32, #tpu.memory_space<vmem>>, vector<1x1x16xf32>,
        %parallel_loop3A_825 = arith.index_cast %rem3A_330 : i32 to index
        %parallel_loop3A_826 = arith.index_cast %parallel_loop3A_759 : i32 to index
        %parallel_loop3A_827 = arith.constant 16 : index
        %parallel_loop3A_828 = tpu.vector_load %arg13[%parallel_loop3A_825, %parallel_loop3A_826, %parallel_loop3A_827] {strides = array<i32>} : memref<2x40x128xf32, #tpu.memory_space<vmem>>, vector<1x1x16xf32>,
        %parallel_loop3A_829 = vector.shape_cast %parallel_loop3A_828 : vector<1x1x16xf32> to vector<16xf32>
        %parallel_loop3A_830 = arith.index_cast %rem3A_330 : i32 to index
        %parallel_loop3A_831 = arith.index_cast %parallel_loop3A_759 : i32 to index
        %parallel_loop3A_832 = arith.constant 16 : index
        %parallel_loop3A_833 = tpu.vector_load %arg14[%parallel_loop3A_830, %parallel_loop3A_831, %parallel_loop3A_832] {strides = array<i32>} : memref<2x40x128xf32, #tpu.memory_space<vmem>>, vector<1x1x16xf32>,
        %parallel_loop3A_834 = vector.shape_cast %parallel_loop3A_833 : vector<1x1x16xf32> to vector<16xf32>
        %parallel_loop3A_835 = arith.addf %parallel_loop3A_829, %parallel_loop3A_834 : vector<16xf32>
        %parallel_loop3A_836 = arith.mulf %parallel_loop3A_763, %get3A_18 : vector<16xf32>
        %parallel_loop3A_837 = arith.addf %parallel_loop3A_835, %parallel_loop3A_836 : vector<16xf32>
        %parallel_loop3A_838 = arith.constant -4.000000e+00 : f32
        %parallel_loop3A_839 = arith.constant 4.000000e+00 : f32
        %parallel_loop3A_840 = vector.broadcast %parallel_loop3A_838 : f32 to vector<16xf32>
        %parallel_loop3A_841 = arith.maximumf %parallel_loop3A_840, %parallel_loop3A_837 : vector<16xf32>
        %parallel_loop3A_842 = vector.broadcast %parallel_loop3A_839 : f32 to vector<16xf32>
        %parallel_loop3A_843 = arith.minimumf %parallel_loop3A_842, %parallel_loop3A_841 : vector<16xf32>
        %parallel_loop3A_844 = arith.mulf %parallel_loop3A_843, %parallel_loop3A_843 : vector<16xf32>
        %parallel_loop3A_845 = arith.constant -1.58096536E-9 : f32
        %parallel_loop3A_846 = vector.broadcast %parallel_loop3A_845 : f32 to vector<16xf32>
        %parallel_loop3A_847 = arith.mulf %parallel_loop3A_846, %parallel_loop3A_844 : vector<16xf32>
        %parallel_loop3A_848 = arith.constant 1.21721143E-7 : f32
        %parallel_loop3A_849 = vector.broadcast %parallel_loop3A_848 : f32 to vector<16xf32>
        %parallel_loop3A_850 = arith.addf %parallel_loop3A_847, %parallel_loop3A_849 : vector<16xf32>
        %parallel_loop3A_851 = arith.mulf %parallel_loop3A_850, %parallel_loop3A_844 : vector<16xf32>
        %parallel_loop3A_852 = arith.constant 4.10108942E-6 : f32
        %parallel_loop3A_853 = vector.broadcast %parallel_loop3A_852 : f32 to vector<16xf32>
        %parallel_loop3A_854 = arith.subf %parallel_loop3A_851, %parallel_loop3A_853 : vector<16xf32>
        %parallel_loop3A_855 = arith.mulf %parallel_loop3A_854, %parallel_loop3A_844 : vector<16xf32>
        %parallel_loop3A_856 = arith.constant 8.06698881E-5 : f32
        %parallel_loop3A_857 = vector.broadcast %parallel_loop3A_856 : f32 to vector<16xf32>
        %parallel_loop3A_858 = arith.addf %parallel_loop3A_855, %parallel_loop3A_857 : vector<16xf32>
        %parallel_loop3A_859 = arith.mulf %parallel_loop3A_858, %parallel_loop3A_844 : vector<16xf32>
        %parallel_loop3A_860 = arith.constant 0.00104821916 : f32
        %parallel_loop3A_861 = vector.broadcast %parallel_loop3A_860 : f32 to vector<16xf32>
        %parallel_loop3A_862 = arith.subf %parallel_loop3A_859, %parallel_loop3A_861 : vector<16xf32>
        %parallel_loop3A_863 = arith.mulf %parallel_loop3A_862, %parallel_loop3A_844 : vector<16xf32>
        %parallel_loop3A_864 = arith.constant 0.0096649183 : f32
        %parallel_loop3A_865 = vector.broadcast %parallel_loop3A_864 : f32 to vector<16xf32>
        %parallel_loop3A_866 = arith.addf %parallel_loop3A_863, %parallel_loop3A_865 : vector<16xf32>
        %parallel_loop3A_867 = arith.mulf %parallel_loop3A_866, %parallel_loop3A_844 : vector<16xf32>
        %parallel_loop3A_868 = arith.constant 0.0661754385 : f32
        %parallel_loop3A_869 = vector.broadcast %parallel_loop3A_868 : f32 to vector<16xf32>
        %parallel_loop3A_870 = arith.subf %parallel_loop3A_867, %parallel_loop3A_869 : vector<16xf32>
        %parallel_loop3A_871 = arith.mulf %parallel_loop3A_870, %parallel_loop3A_844 : vector<16xf32>
        %parallel_loop3A_872 = arith.constant 0.39884752 : f32
        %parallel_loop3A_873 = vector.broadcast %parallel_loop3A_872 : f32 to vector<16xf32>
        %parallel_loop3A_874 = arith.addf %parallel_loop3A_871, %parallel_loop3A_873 : vector<16xf32>
        %parallel_loop3A_875 = arith.mulf %parallel_loop3A_843, %parallel_loop3A_874 : vector<16xf32>
        %parallel_loop3A_876 = arith.constant 5.000000e-01 : f32
        %parallel_loop3A_877 = vector.broadcast %parallel_loop3A_876 : f32 to vector<16xf32>
        %parallel_loop3A_878 = arith.addf %parallel_loop3A_877, %parallel_loop3A_875 : vector<16xf32>
        %parallel_loop3A_879 = arith.mulf %parallel_loop3A_837, %parallel_loop3A_878 : vector<16xf32>
        %parallel_loop3A_880 = arith.index_cast %rem3A_330 : i32 to index
        %parallel_loop3A_881 = arith.index_cast %parallel_loop3A_759 : i32 to index
        %parallel_loop3A_882 = arith.constant 16 : index
        %parallel_loop3A_883 = tpu.vector_load %arg15[%parallel_loop3A_880, %parallel_loop3A_881, %parallel_loop3A_882] {strides = array<i32>} : memref<2x40x144xf32, #tpu.memory_space<vmem>>, vector<1x1x16xf32>,
        %parallel_loop3A_884 = vector.shape_cast %parallel_loop3A_883 : vector<1x1x16xf32> to vector<16xf32>
        %parallel_loop3A_885 = vector.shape_cast %parallel_loop3A_879 : vector<16xf32> to vector<1x1x16xf32>
        tpu.vector_store %arg15[%parallel_loop3A_880, %parallel_loop3A_881, %parallel_loop3A_882], %parallel_loop3A_885 {strides = array<i32>} : memref<2x40x144xf32, #tpu.memory_space<vmem>>, vector<1x1x16xf32>,
        %parallel_loop3A_886 = arith.index_cast %rem3A_330 : i32 to index
        %parallel_loop3A_887 = arith.index_cast %parallel_loop3A_759 : i32 to index
        %parallel_loop3A_888 = arith.constant 32 : index
        %parallel_loop3A_889 = tpu.vector_load %arg13[%parallel_loop3A_886, %parallel_loop3A_887, %parallel_loop3A_888] {strides = array<i32>} : memref<2x40x128xf32, #tpu.memory_space<vmem>>, vector<1x1x16xf32>,
        %parallel_loop3A_890 = vector.shape_cast %parallel_loop3A_889 : vector<1x1x16xf32> to vector<16xf32>
        %parallel_loop3A_891 = arith.index_cast %rem3A_330 : i32 to index
        %parallel_loop3A_892 = arith.index_cast %parallel_loop3A_759 : i32 to index
        %parallel_loop3A_893 = arith.constant 32 : index
        %parallel_loop3A_894 = tpu.vector_load %arg14[%parallel_loop3A_891, %parallel_loop3A_892, %parallel_loop3A_893] {strides = array<i32>} : memref<2x40x128xf32, #tpu.memory_space<vmem>>, vector<1x1x16xf32>,
        %parallel_loop3A_895 = vector.shape_cast %parallel_loop3A_894 : vector<1x1x16xf32> to vector<16xf32>
        %parallel_loop3A_896 = arith.addf %parallel_loop3A_890, %parallel_loop3A_895 : vector<16xf32>
        %parallel_loop3A_897 = arith.mulf %parallel_loop3A_763, %get3A_21 : vector<16xf32>
        %parallel_loop3A_898 = arith.addf %parallel_loop3A_896, %parallel_loop3A_897 : vector<16xf32>
        %parallel_loop3A_899 = arith.constant -4.000000e+00 : f32
        %parallel_loop3A_900 = arith.constant 4.000000e+00 : f32
        %parallel_loop3A_901 = vector.broadcast %parallel_loop3A_899 : f32 to vector<16xf32>
        %parallel_loop3A_902 = arith.maximumf %parallel_loop3A_901, %parallel_loop3A_898 : vector<16xf32>
        %parallel_loop3A_903 = vector.broadcast %parallel_loop3A_900 : f32 to vector<16xf32>
        %parallel_loop3A_904 = arith.minimumf %parallel_loop3A_903, %parallel_loop3A_902 : vector<16xf32>
        %parallel_loop3A_905 = arith.mulf %parallel_loop3A_904, %parallel_loop3A_904 : vector<16xf32>
        %parallel_loop3A_906 = arith.constant -1.58096536E-9 : f32
        %parallel_loop3A_907 = vector.broadcast %parallel_loop3A_906 : f32 to vector<16xf32>
        %parallel_loop3A_908 = arith.mulf %parallel_loop3A_907, %parallel_loop3A_905 : vector<16xf32>
        %parallel_loop3A_909 = arith.constant 1.21721143E-7 : f32
        %parallel_loop3A_910 = vector.broadcast %parallel_loop3A_909 : f32 to vector<16xf32>
        %parallel_loop3A_911 = arith.addf %parallel_loop3A_908, %parallel_loop3A_910 : vector<16xf32>
        %parallel_loop3A_912 = arith.mulf %parallel_loop3A_911, %parallel_loop3A_905 : vector<16xf32>
        %parallel_loop3A_913 = arith.constant 4.10108942E-6 : f32
        %parallel_loop3A_914 = vector.broadcast %parallel_loop3A_913 : f32 to vector<16xf32>
        %parallel_loop3A_915 = arith.subf %parallel_loop3A_912, %parallel_loop3A_914 : vector<16xf32>
        %parallel_loop3A_916 = arith.mulf %parallel_loop3A_915, %parallel_loop3A_905 : vector<16xf32>
        %parallel_loop3A_917 = arith.constant 8.06698881E-5 : f32
        %parallel_loop3A_918 = vector.broadcast %parallel_loop3A_917 : f32 to vector<16xf32>
        %parallel_loop3A_919 = arith.addf %parallel_loop3A_916, %parallel_loop3A_918 : vector<16xf32>
        %parallel_loop3A_920 = arith.mulf %parallel_loop3A_919, %parallel_loop3A_905 : vector<16xf32>
        %parallel_loop3A_921 = arith.constant 0.00104821916 : f32
        %parallel_loop3A_922 = vector.broadcast %parallel_loop3A_921 : f32 to vector<16xf32>
        %parallel_loop3A_923 = arith.subf %parallel_loop3A_920, %parallel_loop3A_922 : vector<16xf32>
        %parallel_loop3A_924 = arith.mulf %parallel_loop3A_923, %parallel_loop3A_905 : vector<16xf32>
        %parallel_loop3A_925 = arith.constant 0.0096649183 : f32
        %parallel_loop3A_926 = vector.broadcast %parallel_loop3A_925 : f32 to vector<16xf32>
        %parallel_loop3A_927 = arith.addf %parallel_loop3A_924, %parallel_loop3A_926 : vector<16xf32>
        %parallel_loop3A_928 = arith.mulf %parallel_loop3A_927, %parallel_loop3A_905 : vector<16xf32>
        %parallel_loop3A_929 = arith.constant 0.0661754385 : f32
        %parallel_loop3A_930 = vector.broadcast %parallel_loop3A_929 : f32 to vector<16xf32>
        %parallel_loop3A_931 = arith.subf %parallel_loop3A_928, %parallel_loop3A_930 : vector<16xf32>
        %parallel_loop3A_932 = arith.mulf %parallel_loop3A_931, %parallel_loop3A_905 : vector<16xf32>
        %parallel_loop3A_933 = arith.constant 0.39884752 : f32
        %parallel_loop3A_934 = vector.broadcast %parallel_loop3A_933 : f32 to vector<16xf32>
        %parallel_loop3A_935 = arith.addf %parallel_loop3A_932, %parallel_loop3A_934 : vector<16xf32>
        %parallel_loop3A_936 = arith.mulf %parallel_loop3A_904, %parallel_loop3A_935 : vector<16xf32>
        %parallel_loop3A_937 = arith.constant 5.000000e-01 : f32
        %parallel_loop3A_938 = vector.broadcast %parallel_loop3A_937 : f32 to vector<16xf32>
        %parallel_loop3A_939 = arith.addf %parallel_loop3A_938, %parallel_loop3A_936 : vector<16xf32>
        %parallel_loop3A_940 = arith.mulf %parallel_loop3A_898, %parallel_loop3A_939 : vector<16xf32>
        %parallel_loop3A_941 = arith.index_cast %rem3A_330 : i32 to index
        %parallel_loop3A_942 = arith.index_cast %parallel_loop3A_759 : i32 to index
        %parallel_loop3A_943 = arith.constant 32 : index
        %parallel_loop3A_944 = tpu.vector_load %arg15[%parallel_loop3A_941, %parallel_loop3A_942, %parallel_loop3A_943] {strides = array<i32>} : memref<2x40x144xf32, #tpu.memory_space<vmem>>, vector<1x1x16xf32>,
        %parallel_loop3A_945 = vector.shape_cast %parallel_loop3A_944 : vector<1x1x16xf32> to vector<16xf32>
        %parallel_loop3A_946 = vector.shape_cast %parallel_loop3A_940 : vector<16xf32> to vector<1x1x16xf32>
        tpu.vector_store %arg15[%parallel_loop3A_941, %parallel_loop3A_942, %parallel_loop3A_943], %parallel_loop3A_946 {strides = array<i32>} : memref<2x40x144xf32, #tpu.memory_space<vmem>>, vector<1x1x16xf32>,
        %parallel_loop3A_947 = arith.index_cast %rem3A_330 : i32 to index
        %parallel_loop3A_948 = arith.index_cast %parallel_loop3A_759 : i32 to index
        %parallel_loop3A_949 = arith.constant 48 : index
        %parallel_loop3A_950 = tpu.vector_load %arg13[%parallel_loop3A_947, %parallel_loop3A_948, %parallel_loop3A_949] {strides = array<i32>} : memref<2x40x128xf32, #tpu.memory_space<vmem>>, vector<1x1x16xf32>,
        %parallel_loop3A_951 = vector.shape_cast %parallel_loop3A_950 : vector<1x1x16xf32> to vector<16xf32>
        %parallel_loop3A_952 = arith.index_cast %rem3A_330 : i32 to index
        %parallel_loop3A_953 = arith.index_cast %parallel_loop3A_759 : i32 to index
        %parallel_loop3A_954 = arith.constant 48 : index
        %parallel_loop3A_955 = tpu.vector_load %arg14[%parallel_loop3A_952, %parallel_loop3A_953, %parallel_loop3A_954] {strides = array<i32>} : memref<2x40x128xf32, #tpu.memory_space<vmem>>, vector<1x1x16xf32>,
        %parallel_loop3A_956 = vector.shape_cast %parallel_loop3A_955 : vector<1x1x16xf32> to vector<16xf32>
        %parallel_loop3A_957 = arith.addf %parallel_loop3A_951, %parallel_loop3A_956 : vector<16xf32>
        %parallel_loop3A_958 = arith.mulf %parallel_loop3A_763, %get3A_24 : vector<16xf32>
        %parallel_loop3A_959 = arith.addf %parallel_loop3A_957, %parallel_loop3A_958 : vector<16xf32>
        %parallel_loop3A_960 = arith.constant -4.000000e+00 : f32
        %parallel_loop3A_961 = arith.constant 4.000000e+00 : f32
        %parallel_loop3A_962 = vector.broadcast %parallel_loop3A_960 : f32 to vector<16xf32>
        %parallel_loop3A_963 = arith.maximumf %parallel_loop3A_962, %parallel_loop3A_959 : vector<16xf32>
        %parallel_loop3A_964 = vector.broadcast %parallel_loop3A_961 : f32 to vector<16xf32>
        %parallel_loop3A_965 = arith.minimumf %parallel_loop3A_964, %parallel_loop3A_963 : vector<16xf32>
        %parallel_loop3A_966 = arith.mulf %parallel_loop3A_965, %parallel_loop3A_965 : vector<16xf32>
        %parallel_loop3A_967 = arith.constant -1.58096536E-9 : f32
        %parallel_loop3A_968 = vector.broadcast %parallel_loop3A_967 : f32 to vector<16xf32>
        %parallel_loop3A_969 = arith.mulf %parallel_loop3A_968, %parallel_loop3A_966 : vector<16xf32>
        %parallel_loop3A_970 = arith.constant 1.21721143E-7 : f32
        %parallel_loop3A_971 = vector.broadcast %parallel_loop3A_970 : f32 to vector<16xf32>
        %parallel_loop3A_972 = arith.addf %parallel_loop3A_969, %parallel_loop3A_971 : vector<16xf32>
        %parallel_loop3A_973 = arith.mulf %parallel_loop3A_972, %parallel_loop3A_966 : vector<16xf32>
        %parallel_loop3A_974 = arith.constant 4.10108942E-6 : f32
        %parallel_loop3A_975 = vector.broadcast %parallel_loop3A_974 : f32 to vector<16xf32>
        %parallel_loop3A_976 = arith.subf %parallel_loop3A_973, %parallel_loop3A_975 : vector<16xf32>
        %parallel_loop3A_977 = arith.mulf %parallel_loop3A_976, %parallel_loop3A_966 : vector<16xf32>
        %parallel_loop3A_978 = arith.constant 8.06698881E-5 : f32
        %parallel_loop3A_979 = vector.broadcast %parallel_loop3A_978 : f32 to vector<16xf32>
        %parallel_loop3A_980 = arith.addf %parallel_loop3A_977, %parallel_loop3A_979 : vector<16xf32>
        %parallel_loop3A_981 = arith.mulf %parallel_loop3A_980, %parallel_loop3A_966 : vector<16xf32>
        %parallel_loop3A_982 = arith.constant 0.00104821916 : f32
        %parallel_loop3A_983 = vector.broadcast %parallel_loop3A_982 : f32 to vector<16xf32>
        %parallel_loop3A_984 = arith.subf %parallel_loop3A_981, %parallel_loop3A_983 : vector<16xf32>
        %parallel_loop3A_985 = arith.mulf %parallel_loop3A_984, %parallel_loop3A_966 : vector<16xf32>
        %parallel_loop3A_986 = arith.constant 0.0096649183 : f32
        %parallel_loop3A_987 = vector.broadcast %parallel_loop3A_986 : f32 to vector<16xf32>
        %parallel_loop3A_988 = arith.addf %parallel_loop3A_985, %parallel_loop3A_987 : vector<16xf32>
        %parallel_loop3A_989 = arith.mulf %parallel_loop3A_988, %parallel_loop3A_966 : vector<16xf32>
        %parallel_loop3A_990 = arith.constant 0.0661754385 : f32
        %parallel_loop3A_991 = vector.broadcast %parallel_loop3A_990 : f32 to vector<16xf32>
        %parallel_loop3A_992 = arith.subf %parallel_loop3A_989, %parallel_loop3A_991 : vector<16xf32>
        %parallel_loop3A_993 = arith.mulf %parallel_loop3A_992, %parallel_loop3A_966 : vector<16xf32>
        %parallel_loop3A_994 = arith.constant 0.39884752 : f32
        %parallel_loop3A_995 = vector.broadcast %parallel_loop3A_994 : f32 to vector<16xf32>
        %parallel_loop3A_996 = arith.addf %parallel_loop3A_993, %parallel_loop3A_995 : vector<16xf32>
        %parallel_loop3A_997 = arith.mulf %parallel_loop3A_965, %parallel_loop3A_996 : vector<16xf32>
        %parallel_loop3A_998 = arith.constant 5.000000e-01 : f32
        %parallel_loop3A_999 = vector.broadcast %parallel_loop3A_998 : f32 to vector<16xf32>
        %parallel_loop3A_1000 = arith.addf %parallel_loop3A_999, %parallel_loop3A_997 : vector<16xf32>
        %parallel_loop3A_1001 = arith.mulf %parallel_loop3A_959, %parallel_loop3A_1000 : vector<16xf32>
        %parallel_loop3A_1002 = arith.index_cast %rem3A_330 : i32 to index
        %parallel_loop3A_1003 = arith.index_cast %parallel_loop3A_759 : i32 to index
        %parallel_loop3A_1004 = arith.constant 48 : index
        %parallel_loop3A_1005 = tpu.vector_load %arg15[%parallel_loop3A_1002, %parallel_loop3A_1003, %parallel_loop3A_1004] {strides = array<i32>} : memref<2x40x144xf32, #tpu.memory_space<vmem>>, vector<1x1x16xf32>,
        %parallel_loop3A_1006 = vector.shape_cast %parallel_loop3A_1005 : vector<1x1x16xf32> to vector<16xf32>
        %parallel_loop3A_1007 = vector.shape_cast %parallel_loop3A_1001 : vector<16xf32> to vector<1x1x16xf32>
        tpu.vector_store %arg15[%parallel_loop3A_1002, %parallel_loop3A_1003, %parallel_loop3A_1004], %parallel_loop3A_1007 {strides = array<i32>} : memref<2x40x144xf32, #tpu.memory_space<vmem>>, vector<1x1x16xf32>,
        %parallel_loop3A_1008 = arith.index_cast %rem3A_330 : i32 to index
        %parallel_loop3A_1009 = arith.index_cast %parallel_loop3A_759 : i32 to index
        %parallel_loop3A_1010 = arith.constant 64 : index
        %parallel_loop3A_1011 = tpu.vector_load %arg13[%parallel_loop3A_1008, %parallel_loop3A_1009, %parallel_loop3A_1010] {strides = array<i32>} : memref<2x40x128xf32, #tpu.memory_space<vmem>>, vector<1x1x16xf32>,
        %parallel_loop3A_1012 = vector.shape_cast %parallel_loop3A_1011 : vector<1x1x16xf32> to vector<16xf32>
        %parallel_loop3A_1013 = arith.index_cast %rem3A_330 : i32 to index
        %parallel_loop3A_1014 = arith.index_cast %parallel_loop3A_759 : i32 to index
        %parallel_loop3A_1015 = arith.constant 64 : index
        %parallel_loop3A_1016 = tpu.vector_load %arg14[%parallel_loop3A_1013, %parallel_loop3A_1014, %parallel_loop3A_1015] {strides = array<i32>} : memref<2x40x128xf32, #tpu.memory_space<vmem>>, vector<1x1x16xf32>,
        %parallel_loop3A_1017 = vector.shape_cast %parallel_loop3A_1016 : vector<1x1x16xf32> to vector<16xf32>
        %parallel_loop3A_1018 = arith.addf %parallel_loop3A_1012, %parallel_loop3A_1017 : vector<16xf32>
        %parallel_loop3A_1019 = arith.mulf %parallel_loop3A_763, %get3A_27 : vector<16xf32>
        %parallel_loop3A_1020 = arith.addf %parallel_loop3A_1018, %parallel_loop3A_1019 : vector<16xf32>
        %parallel_loop3A_1021 = arith.constant -4.000000e+00 : f32
        %parallel_loop3A_1022 = arith.constant 4.000000e+00 : f32
        %parallel_loop3A_1023 = vector.broadcast %parallel_loop3A_1021 : f32 to vector<16xf32>
        %parallel_loop3A_1024 = arith.maximumf %parallel_loop3A_1023, %parallel_loop3A_1020 : vector<16xf32>
        %parallel_loop3A_1025 = vector.broadcast %parallel_loop3A_1022 : f32 to vector<16xf32>
        %parallel_loop3A_1026 = arith.minimumf %parallel_loop3A_1025, %parallel_loop3A_1024 : vector<16xf32>
        %parallel_loop3A_1027 = arith.mulf %parallel_loop3A_1026, %parallel_loop3A_1026 : vector<16xf32>
        %parallel_loop3A_1028 = arith.constant -1.58096536E-9 : f32
        %parallel_loop3A_1029 = vector.broadcast %parallel_loop3A_1028 : f32 to vector<16xf32>
        %parallel_loop3A_1030 = arith.mulf %parallel_loop3A_1029, %parallel_loop3A_1027 : vector<16xf32>
        %parallel_loop3A_1031 = arith.constant 1.21721143E-7 : f32
        %parallel_loop3A_1032 = vector.broadcast %parallel_loop3A_1031 : f32 to vector<16xf32>
        %parallel_loop3A_1033 = arith.addf %parallel_loop3A_1030, %parallel_loop3A_1032 : vector<16xf32>
        %parallel_loop3A_1034 = arith.mulf %parallel_loop3A_1033, %parallel_loop3A_1027 : vector<16xf32>
        %parallel_loop3A_1035 = arith.constant 4.10108942E-6 : f32
        %parallel_loop3A_1036 = vector.broadcast %parallel_loop3A_1035 : f32 to vector<16xf32>
        %parallel_loop3A_1037 = arith.subf %parallel_loop3A_1034, %parallel_loop3A_1036 : vector<16xf32>
        %parallel_loop3A_1038 = arith.mulf %parallel_loop3A_1037, %parallel_loop3A_1027 : vector<16xf32>
        %parallel_loop3A_1039 = arith.constant 8.06698881E-5 : f32
        %parallel_loop3A_1040 = vector.broadcast %parallel_loop3A_1039 : f32 to vector<16xf32>
        %parallel_loop3A_1041 = arith.addf %parallel_loop3A_1038, %parallel_loop3A_1040 : vector<16xf32>
        %parallel_loop3A_1042 = arith.mulf %parallel_loop3A_1041, %parallel_loop3A_1027 : vector<16xf32>
        %parallel_loop3A_1043 = arith.constant 0.00104821916 : f32
        %parallel_loop3A_1044 = vector.broadcast %parallel_loop3A_1043 : f32 to vector<16xf32>
        %parallel_loop3A_1045 = arith.subf %parallel_loop3A_1042, %parallel_loop3A_1044 : vector<16xf32>
        %parallel_loop3A_1046 = arith.mulf %parallel_loop3A_1045, %parallel_loop3A_1027 : vector<16xf32>
        %parallel_loop3A_1047 = arith.constant 0.0096649183 : f32
        %parallel_loop3A_1048 = vector.broadcast %parallel_loop3A_1047 : f32 to vector<16xf32>
        %parallel_loop3A_1049 = arith.addf %parallel_loop3A_1046, %parallel_loop3A_1048 : vector<16xf32>
        %parallel_loop3A_1050 = arith.mulf %parallel_loop3A_1049, %parallel_loop3A_1027 : vector<16xf32>
        %parallel_loop3A_1051 = arith.constant 0.0661754385 : f32
        %parallel_loop3A_1052 = vector.broadcast %parallel_loop3A_1051 : f32 to vector<16xf32>
        %parallel_loop3A_1053 = arith.subf %parallel_loop3A_1050, %parallel_loop3A_1052 : vector<16xf32>
        %parallel_loop3A_1054 = arith.mulf %parallel_loop3A_1053, %parallel_loop3A_1027 : vector<16xf32>
        %parallel_loop3A_1055 = arith.constant 0.39884752 : f32
        %parallel_loop3A_1056 = vector.broadcast %parallel_loop3A_1055 : f32 to vector<16xf32>
        %parallel_loop3A_1057 = arith.addf %parallel_loop3A_1054, %parallel_loop3A_1056 : vector<16xf32>
        %parallel_loop3A_1058 = arith.mulf %parallel_loop3A_1026, %parallel_loop3A_1057 : vector<16xf32>
        %parallel_loop3A_1059 = arith.constant 5.000000e-01 : f32
        %parallel_loop3A_1060 = vector.broadcast %parallel_loop3A_1059 : f32 to vector<16xf32>
        %parallel_loop3A_1061 = arith.addf %parallel_loop3A_1060, %parallel_loop3A_1058 : vector<16xf32>
        %parallel_loop3A_1062 = arith.mulf %parallel_loop3A_1020, %parallel_loop3A_1061 : vector<16xf32>
        %parallel_loop3A_1063 = arith.index_cast %rem3A_330 : i32 to index
        %parallel_loop3A_1064 = arith.index_cast %parallel_loop3A_759 : i32 to index
        %parallel_loop3A_1065 = arith.constant 64 : index
        %parallel_loop3A_1066 = tpu.vector_load %arg15[%parallel_loop3A_1063, %parallel_loop3A_1064, %parallel_loop3A_1065] {strides = array<i32>} : memref<2x40x144xf32, #tpu.memory_space<vmem>>, vector<1x1x16xf32>,
        %parallel_loop3A_1067 = vector.shape_cast %parallel_loop3A_1066 : vector<1x1x16xf32> to vector<16xf32>
        %parallel_loop3A_1068 = vector.shape_cast %parallel_loop3A_1062 : vector<16xf32> to vector<1x1x16xf32>
        tpu.vector_store %arg15[%parallel_loop3A_1063, %parallel_loop3A_1064, %parallel_loop3A_1065], %parallel_loop3A_1068 {strides = array<i32>} : memref<2x40x144xf32, #tpu.memory_space<vmem>>, vector<1x1x16xf32>,
        %parallel_loop3A_1069 = arith.index_cast %rem3A_330 : i32 to index
        %parallel_loop3A_1070 = arith.index_cast %parallel_loop3A_759 : i32 to index
        %parallel_loop3A_1071 = arith.constant 80 : index
        %parallel_loop3A_1072 = tpu.vector_load %arg13[%parallel_loop3A_1069, %parallel_loop3A_1070, %parallel_loop3A_1071] {strides = array<i32>} : memref<2x40x128xf32, #tpu.memory_space<vmem>>, vector<1x1x16xf32>,
        %parallel_loop3A_1073 = vector.shape_cast %parallel_loop3A_1072 : vector<1x1x16xf32> to vector<16xf32>
        %parallel_loop3A_1074 = arith.index_cast %rem3A_330 : i32 to index
        %parallel_loop3A_1075 = arith.index_cast %parallel_loop3A_759 : i32 to index
        %parallel_loop3A_1076 = arith.constant 80 : index
        %parallel_loop3A_1077 = tpu.vector_load %arg14[%parallel_loop3A_1074, %parallel_loop3A_1075, %parallel_loop3A_1076] {strides = array<i32>} : memref<2x40x128xf32, #tpu.memory_space<vmem>>, vector<1x1x16xf32>,
        %parallel_loop3A_1078 = vector.shape_cast %parallel_loop3A_1077 : vector<1x1x16xf32> to vector<16xf32>
        %parallel_loop3A_1079 = arith.addf %parallel_loop3A_1073, %parallel_loop3A_1078 : vector<16xf32>
        %parallel_loop3A_1080 = arith.mulf %parallel_loop3A_763, %get3A_30 : vector<16xf32>
        %parallel_loop3A_1081 = arith.addf %parallel_loop3A_1079, %parallel_loop3A_1080 : vector<16xf32>
        %parallel_loop3A_1082 = arith.constant -4.000000e+00 : f32
        %parallel_loop3A_1083 = arith.constant 4.000000e+00 : f32
        %parallel_loop3A_1084 = vector.broadcast %parallel_loop3A_1082 : f32 to vector<16xf32>
        %parallel_loop3A_1085 = arith.maximumf %parallel_loop3A_1084, %parallel_loop3A_1081 : vector<16xf32>
        %parallel_loop3A_1086 = vector.broadcast %parallel_loop3A_1083 : f32 to vector<16xf32>
        %parallel_loop3A_1087 = arith.minimumf %parallel_loop3A_1086, %parallel_loop3A_1085 : vector<16xf32>
        %parallel_loop3A_1088 = arith.mulf %parallel_loop3A_1087, %parallel_loop3A_1087 : vector<16xf32>
        %parallel_loop3A_1089 = arith.constant -1.58096536E-9 : f32
        %parallel_loop3A_1090 = vector.broadcast %parallel_loop3A_1089 : f32 to vector<16xf32>
        %parallel_loop3A_1091 = arith.mulf %parallel_loop3A_1090, %parallel_loop3A_1088 : vector<16xf32>
        %parallel_loop3A_1092 = arith.constant 1.21721143E-7 : f32
        %parallel_loop3A_1093 = vector.broadcast %parallel_loop3A_1092 : f32 to vector<16xf32>
        %parallel_loop3A_1094 = arith.addf %parallel_loop3A_1091, %parallel_loop3A_1093 : vector<16xf32>
        %parallel_loop3A_1095 = arith.mulf %parallel_loop3A_1094, %parallel_loop3A_1088 : vector<16xf32>
        %parallel_loop3A_1096 = arith.constant 4.10108942E-6 : f32
        %parallel_loop3A_1097 = vector.broadcast %parallel_loop3A_1096 : f32 to vector<16xf32>
        %parallel_loop3A_1098 = arith.subf %parallel_loop3A_1095, %parallel_loop3A_1097 : vector<16xf32>
        %parallel_loop3A_1099 = arith.mulf %parallel_loop3A_1098, %parallel_loop3A_1088 : vector<16xf32>
        %parallel_loop3A_1100 = arith.constant 8.06698881E-5 : f32
        %parallel_loop3A_1101 = vector.broadcast %parallel_loop3A_1100 : f32 to vector<16xf32>
        %parallel_loop3A_1102 = arith.addf %parallel_loop3A_1099, %parallel_loop3A_1101 : vector<16xf32>
        %parallel_loop3A_1103 = arith.mulf %parallel_loop3A_1102, %parallel_loop3A_1088 : vector<16xf32>
        %parallel_loop3A_1104 = arith.constant 0.00104821916 : f32
        %parallel_loop3A_1105 = vector.broadcast %parallel_loop3A_1104 : f32 to vector<16xf32>
        %parallel_loop3A_1106 = arith.subf %parallel_loop3A_1103, %parallel_loop3A_1105 : vector<16xf32>
        %parallel_loop3A_1107 = arith.mulf %parallel_loop3A_1106, %parallel_loop3A_1088 : vector<16xf32>
        %parallel_loop3A_1108 = arith.constant 0.0096649183 : f32
        %parallel_loop3A_1109 = vector.broadcast %parallel_loop3A_1108 : f32 to vector<16xf32>
        %parallel_loop3A_1110 = arith.addf %parallel_loop3A_1107, %parallel_loop3A_1109 : vector<16xf32>
        %parallel_loop3A_1111 = arith.mulf %parallel_loop3A_1110, %parallel_loop3A_1088 : vector<16xf32>
        %parallel_loop3A_1112 = arith.constant 0.0661754385 : f32
        %parallel_loop3A_1113 = vector.broadcast %parallel_loop3A_1112 : f32 to vector<16xf32>
        %parallel_loop3A_1114 = arith.subf %parallel_loop3A_1111, %parallel_loop3A_1113 : vector<16xf32>
        %parallel_loop3A_1115 = arith.mulf %parallel_loop3A_1114, %parallel_loop3A_1088 : vector<16xf32>
        %parallel_loop3A_1116 = arith.constant 0.39884752 : f32
        %parallel_loop3A_1117 = vector.broadcast %parallel_loop3A_1116 : f32 to vector<16xf32>
        %parallel_loop3A_1118 = arith.addf %parallel_loop3A_1115, %parallel_loop3A_1117 : vector<16xf32>
        %parallel_loop3A_1119 = arith.mulf %parallel_loop3A_1087, %parallel_loop3A_1118 : vector<16xf32>
        %parallel_loop3A_1120 = arith.constant 5.000000e-01 : f32
        %parallel_loop3A_1121 = vector.broadcast %parallel_loop3A_1120 : f32 to vector<16xf32>
        %parallel_loop3A_1122 = arith.addf %parallel_loop3A_1121, %parallel_loop3A_1119 : vector<16xf32>
        %parallel_loop3A_1123 = arith.mulf %parallel_loop3A_1081, %parallel_loop3A_1122 : vector<16xf32>
        %parallel_loop3A_1124 = arith.index_cast %rem3A_330 : i32 to index
        %parallel_loop3A_1125 = arith.index_cast %parallel_loop3A_759 : i32 to index
        %parallel_loop3A_1126 = arith.constant 80 : index
        %parallel_loop3A_1127 = tpu.vector_load %arg15[%parallel_loop3A_1124, %parallel_loop3A_1125, %parallel_loop3A_1126] {strides = array<i32>} : memref<2x40x144xf32, #tpu.memory_space<vmem>>, vector<1x1x16xf32>,
        %parallel_loop3A_1128 = vector.shape_cast %parallel_loop3A_1127 : vector<1x1x16xf32> to vector<16xf32>
        %parallel_loop3A_1129 = vector.shape_cast %parallel_loop3A_1123 : vector<16xf32> to vector<1x1x16xf32>
        tpu.vector_store %arg15[%parallel_loop3A_1124, %parallel_loop3A_1125, %parallel_loop3A_1126], %parallel_loop3A_1129 {strides = array<i32>} : memref<2x40x144xf32, #tpu.memory_space<vmem>>, vector<1x1x16xf32>,
        %parallel_loop3A_1130 = arith.index_cast %rem3A_330 : i32 to index
        %parallel_loop3A_1131 = arith.index_cast %parallel_loop3A_759 : i32 to index
        %parallel_loop3A_1132 = arith.constant 96 : index
        %parallel_loop3A_1133 = tpu.vector_load %arg13[%parallel_loop3A_1130, %parallel_loop3A_1131, %parallel_loop3A_1132] {strides = array<i32>} : memref<2x40x128xf32, #tpu.memory_space<vmem>>, vector<1x1x16xf32>,
        %parallel_loop3A_1134 = vector.shape_cast %parallel_loop3A_1133 : vector<1x1x16xf32> to vector<16xf32>
        %parallel_loop3A_1135 = arith.index_cast %rem3A_330 : i32 to index
        %parallel_loop3A_1136 = arith.index_cast %parallel_loop3A_759 : i32 to index
        %parallel_loop3A_1137 = arith.constant 96 : index
        %parallel_loop3A_1138 = tpu.vector_load %arg14[%parallel_loop3A_1135, %parallel_loop3A_1136, %parallel_loop3A_1137] {strides = array<i32>} : memref<2x40x128xf32, #tpu.memory_space<vmem>>, vector<1x1x16xf32>,
        %parallel_loop3A_1139 = vector.shape_cast %parallel_loop3A_1138 : vector<1x1x16xf32> to vector<16xf32>
        %parallel_loop3A_1140 = arith.addf %parallel_loop3A_1134, %parallel_loop3A_1139 : vector<16xf32>
        %parallel_loop3A_1141 = arith.mulf %parallel_loop3A_763, %get3A_33 : vector<16xf32>
        %parallel_loop3A_1142 = arith.addf %parallel_loop3A_1140, %parallel_loop3A_1141 : vector<16xf32>
        %parallel_loop3A_1143 = arith.constant -4.000000e+00 : f32
        %parallel_loop3A_1144 = arith.constant 4.000000e+00 : f32
        %parallel_loop3A_1145 = vector.broadcast %parallel_loop3A_1143 : f32 to vector<16xf32>
        %parallel_loop3A_1146 = arith.maximumf %parallel_loop3A_1145, %parallel_loop3A_1142 : vector<16xf32>
        %parallel_loop3A_1147 = vector.broadcast %parallel_loop3A_1144 : f32 to vector<16xf32>
        %parallel_loop3A_1148 = arith.minimumf %parallel_loop3A_1147, %parallel_loop3A_1146 : vector<16xf32>
        %parallel_loop3A_1149 = arith.mulf %parallel_loop3A_1148, %parallel_loop3A_1148 : vector<16xf32>
        %parallel_loop3A_1150 = arith.constant -1.58096536E-9 : f32
        %parallel_loop3A_1151 = vector.broadcast %parallel_loop3A_1150 : f32 to vector<16xf32>
        %parallel_loop3A_1152 = arith.mulf %parallel_loop3A_1151, %parallel_loop3A_1149 : vector<16xf32>
        %parallel_loop3A_1153 = arith.constant 1.21721143E-7 : f32
        %parallel_loop3A_1154 = vector.broadcast %parallel_loop3A_1153 : f32 to vector<16xf32>
        %parallel_loop3A_1155 = arith.addf %parallel_loop3A_1152, %parallel_loop3A_1154 : vector<16xf32>
        %parallel_loop3A_1156 = arith.mulf %parallel_loop3A_1155, %parallel_loop3A_1149 : vector<16xf32>
        %parallel_loop3A_1157 = arith.constant 4.10108942E-6 : f32
        %parallel_loop3A_1158 = vector.broadcast %parallel_loop3A_1157 : f32 to vector<16xf32>
        %parallel_loop3A_1159 = arith.subf %parallel_loop3A_1156, %parallel_loop3A_1158 : vector<16xf32>
        %parallel_loop3A_1160 = arith.mulf %parallel_loop3A_1159, %parallel_loop3A_1149 : vector<16xf32>
        %parallel_loop3A_1161 = arith.constant 8.06698881E-5 : f32
        %parallel_loop3A_1162 = vector.broadcast %parallel_loop3A_1161 : f32 to vector<16xf32>
        %parallel_loop3A_1163 = arith.addf %parallel_loop3A_1160, %parallel_loop3A_1162 : vector<16xf32>
        %parallel_loop3A_1164 = arith.mulf %parallel_loop3A_1163, %parallel_loop3A_1149 : vector<16xf32>
        %parallel_loop3A_1165 = arith.constant 0.00104821916 : f32
        %parallel_loop3A_1166 = vector.broadcast %parallel_loop3A_1165 : f32 to vector<16xf32>
        %parallel_loop3A_1167 = arith.subf %parallel_loop3A_1164, %parallel_loop3A_1166 : vector<16xf32>
        %parallel_loop3A_1168 = arith.mulf %parallel_loop3A_1167, %parallel_loop3A_1149 : vector<16xf32>
        %parallel_loop3A_1169 = arith.constant 0.0096649183 : f32
        %parallel_loop3A_1170 = vector.broadcast %parallel_loop3A_1169 : f32 to vector<16xf32>
        %parallel_loop3A_1171 = arith.addf %parallel_loop3A_1168, %parallel_loop3A_1170 : vector<16xf32>
        %parallel_loop3A_1172 = arith.mulf %parallel_loop3A_1171, %parallel_loop3A_1149 : vector<16xf32>
        %parallel_loop3A_1173 = arith.constant 0.0661754385 : f32
        %parallel_loop3A_1174 = vector.broadcast %parallel_loop3A_1173 : f32 to vector<16xf32>
        %parallel_loop3A_1175 = arith.subf %parallel_loop3A_1172, %parallel_loop3A_1174 : vector<16xf32>
        %parallel_loop3A_1176 = arith.mulf %parallel_loop3A_1175, %parallel_loop3A_1149 : vector<16xf32>
        %parallel_loop3A_1177 = arith.constant 0.39884752 : f32
        %parallel_loop3A_1178 = vector.broadcast %parallel_loop3A_1177 : f32 to vector<16xf32>
        %parallel_loop3A_1179 = arith.addf %parallel_loop3A_1176, %parallel_loop3A_1178 : vector<16xf32>
        %parallel_loop3A_1180 = arith.mulf %parallel_loop3A_1148, %parallel_loop3A_1179 : vector<16xf32>
        %parallel_loop3A_1181 = arith.constant 5.000000e-01 : f32
        %parallel_loop3A_1182 = vector.broadcast %parallel_loop3A_1181 : f32 to vector<16xf32>
        %parallel_loop3A_1183 = arith.addf %parallel_loop3A_1182, %parallel_loop3A_1180 : vector<16xf32>
        %parallel_loop3A_1184 = arith.mulf %parallel_loop3A_1142, %parallel_loop3A_1183 : vector<16xf32>
        %parallel_loop3A_1185 = arith.index_cast %rem3A_330 : i32 to index
        %parallel_loop3A_1186 = arith.index_cast %parallel_loop3A_759 : i32 to index
        %parallel_loop3A_1187 = arith.constant 96 : index
        %parallel_loop3A_1188 = tpu.vector_load %arg15[%parallel_loop3A_1185, %parallel_loop3A_1186, %parallel_loop3A_1187] {strides = array<i32>} : memref<2x40x144xf32, #tpu.memory_space<vmem>>, vector<1x1x16xf32>,
        %parallel_loop3A_1189 = vector.shape_cast %parallel_loop3A_1188 : vector<1x1x16xf32> to vector<16xf32>
        %parallel_loop3A_1190 = vector.shape_cast %parallel_loop3A_1184 : vector<16xf32> to vector<1x1x16xf32>
        tpu.vector_store %arg15[%parallel_loop3A_1185, %parallel_loop3A_1186, %parallel_loop3A_1187], %parallel_loop3A_1190 {strides = array<i32>} : memref<2x40x144xf32, #tpu.memory_space<vmem>>, vector<1x1x16xf32>,
        %parallel_loop3A_1191 = arith.index_cast %rem3A_330 : i32 to index
        %parallel_loop3A_1192 = arith.index_cast %parallel_loop3A_759 : i32 to index
        %parallel_loop3A_1193 = arith.constant 112 : index
        %parallel_loop3A_1194 = tpu.vector_load %arg13[%parallel_loop3A_1191, %parallel_loop3A_1192, %parallel_loop3A_1193] {strides = array<i32>} : memref<2x40x128xf32, #tpu.memory_space<vmem>>, vector<1x1x16xf32>,
        %parallel_loop3A_1195 = vector.shape_cast %parallel_loop3A_1194 : vector<1x1x16xf32> to vector<16xf32>
        %parallel_loop3A_1196 = arith.index_cast %rem3A_330 : i32 to index
        %parallel_loop3A_1197 = arith.index_cast %parallel_loop3A_759 : i32 to index
        %parallel_loop3A_1198 = arith.constant 112 : index
        %parallel_loop3A_1199 = tpu.vector_load %arg14[%parallel_loop3A_1196, %parallel_loop3A_1197, %parallel_loop3A_1198] {strides = array<i32>} : memref<2x40x128xf32, #tpu.memory_space<vmem>>, vector<1x1x16xf32>,
        %parallel_loop3A_1200 = vector.shape_cast %parallel_loop3A_1199 : vector<1x1x16xf32> to vector<16xf32>
        %parallel_loop3A_1201 = arith.addf %parallel_loop3A_1195, %parallel_loop3A_1200 : vector<16xf32>
        %parallel_loop3A_1202 = arith.mulf %parallel_loop3A_763, %get3A_36 : vector<16xf32>
        %parallel_loop3A_1203 = arith.addf %parallel_loop3A_1201, %parallel_loop3A_1202 : vector<16xf32>
        %parallel_loop3A_1204 = arith.constant -4.000000e+00 : f32
        %parallel_loop3A_1205 = arith.constant 4.000000e+00 : f32
        %parallel_loop3A_1206 = vector.broadcast %parallel_loop3A_1204 : f32 to vector<16xf32>
        %parallel_loop3A_1207 = arith.maximumf %parallel_loop3A_1206, %parallel_loop3A_1203 : vector<16xf32>
        %parallel_loop3A_1208 = vector.broadcast %parallel_loop3A_1205 : f32 to vector<16xf32>
        %parallel_loop3A_1209 = arith.minimumf %parallel_loop3A_1208, %parallel_loop3A_1207 : vector<16xf32>
        %parallel_loop3A_1210 = arith.mulf %parallel_loop3A_1209, %parallel_loop3A_1209 : vector<16xf32>
        %parallel_loop3A_1211 = arith.constant -1.58096536E-9 : f32
        %parallel_loop3A_1212 = vector.broadcast %parallel_loop3A_1211 : f32 to vector<16xf32>
        %parallel_loop3A_1213 = arith.mulf %parallel_loop3A_1212, %parallel_loop3A_1210 : vector<16xf32>
        %parallel_loop3A_1214 = arith.constant 1.21721143E-7 : f32
        %parallel_loop3A_1215 = vector.broadcast %parallel_loop3A_1214 : f32 to vector<16xf32>
        %parallel_loop3A_1216 = arith.addf %parallel_loop3A_1213, %parallel_loop3A_1215 : vector<16xf32>
        %parallel_loop3A_1217 = arith.mulf %parallel_loop3A_1216, %parallel_loop3A_1210 : vector<16xf32>
        %parallel_loop3A_1218 = arith.constant 4.10108942E-6 : f32
        %parallel_loop3A_1219 = vector.broadcast %parallel_loop3A_1218 : f32 to vector<16xf32>
        %parallel_loop3A_1220 = arith.subf %parallel_loop3A_1217, %parallel_loop3A_1219 : vector<16xf32>
        %parallel_loop3A_1221 = arith.mulf %parallel_loop3A_1220, %parallel_loop3A_1210 : vector<16xf32>
        %parallel_loop3A_1222 = arith.constant 8.06698881E-5 : f32
        %parallel_loop3A_1223 = vector.broadcast %parallel_loop3A_1222 : f32 to vector<16xf32>
        %parallel_loop3A_1224 = arith.addf %parallel_loop3A_1221, %parallel_loop3A_1223 : vector<16xf32>
        %parallel_loop3A_1225 = arith.mulf %parallel_loop3A_1224, %parallel_loop3A_1210 : vector<16xf32>
        %parallel_loop3A_1226 = arith.constant 0.00104821916 : f32
        %parallel_loop3A_1227 = vector.broadcast %parallel_loop3A_1226 : f32 to vector<16xf32>
        %parallel_loop3A_1228 = arith.subf %parallel_loop3A_1225, %parallel_loop3A_1227 : vector<16xf32>
        %parallel_loop3A_1229 = arith.mulf %parallel_loop3A_1228, %parallel_loop3A_1210 : vector<16xf32>
        %parallel_loop3A_1230 = arith.constant 0.0096649183 : f32
        %parallel_loop3A_1231 = vector.broadcast %parallel_loop3A_1230 : f32 to vector<16xf32>
        %parallel_loop3A_1232 = arith.addf %parallel_loop3A_1229, %parallel_loop3A_1231 : vector<16xf32>
        %parallel_loop3A_1233 = arith.mulf %parallel_loop3A_1232, %parallel_loop3A_1210 : vector<16xf32>
        %parallel_loop3A_1234 = arith.constant 0.0661754385 : f32
        %parallel_loop3A_1235 = vector.broadcast %parallel_loop3A_1234 : f32 to vector<16xf32>
        %parallel_loop3A_1236 = arith.subf %parallel_loop3A_1233, %parallel_loop3A_1235 : vector<16xf32>
        %parallel_loop3A_1237 = arith.mulf %parallel_loop3A_1236, %parallel_loop3A_1210 : vector<16xf32>
        %parallel_loop3A_1238 = arith.constant 0.39884752 : f32
        %parallel_loop3A_1239 = vector.broadcast %parallel_loop3A_1238 : f32 to vector<16xf32>
        %parallel_loop3A_1240 = arith.addf %parallel_loop3A_1237, %parallel_loop3A_1239 : vector<16xf32>
        %parallel_loop3A_1241 = arith.mulf %parallel_loop3A_1209, %parallel_loop3A_1240 : vector<16xf32>
        %parallel_loop3A_1242 = arith.constant 5.000000e-01 : f32
        %parallel_loop3A_1243 = vector.broadcast %parallel_loop3A_1242 : f32 to vector<16xf32>
        %parallel_loop3A_1244 = arith.addf %parallel_loop3A_1243, %parallel_loop3A_1241 : vector<16xf32>
        %parallel_loop3A_1245 = arith.mulf %parallel_loop3A_1203, %parallel_loop3A_1244 : vector<16xf32>
        %parallel_loop3A_1246 = arith.index_cast %rem3A_330 : i32 to index
        %parallel_loop3A_1247 = arith.index_cast %parallel_loop3A_759 : i32 to index
        %parallel_loop3A_1248 = arith.constant 112 : index
        %parallel_loop3A_1249 = tpu.vector_load %arg15[%parallel_loop3A_1246, %parallel_loop3A_1247, %parallel_loop3A_1248] {strides = array<i32>} : memref<2x40x144xf32, #tpu.memory_space<vmem>>, vector<1x1x16xf32>,
        %parallel_loop3A_1250 = vector.shape_cast %parallel_loop3A_1249 : vector<1x1x16xf32> to vector<16xf32>
        %parallel_loop3A_1251 = vector.shape_cast %parallel_loop3A_1245 : vector<16xf32> to vector<1x1x16xf32>
        tpu.vector_store %arg15[%parallel_loop3A_1246, %parallel_loop3A_1247, %parallel_loop3A_1248], %parallel_loop3A_1251 {strides = array<i32>} : memref<2x40x144xf32, #tpu.memory_space<vmem>>, vector<1x1x16xf32>,
      } {sc.loop_unroll_factor = 2 : i64, sc.parallel_access}
      %dma_start3A_740 = arith.constant 0 : i32
      %dma_start3A_741 = arith.constant 0 : i32
      %dma_start3A_742 = tpu.memref_slice %arg15[%rem3A_330, %dma_start3A_740, %dma_start3A_741] : memref<2x40x144xf32, #tpu.memory_space<vmem>> -> memref<1x40x144xf32, #tpu.memory_space<vmem>>
      %dma_start3A_743 = tpu.memref_squeeze %dma_start3A_742 : memref<1x40x144xf32, #tpu.memory_space<vmem>> -> memref<40x144xf32, #tpu.memory_space<vmem>>
      %dma_start3A_744 = arith.constant 0 : i32
      %dma_start3A_745 = tpu.memref_slice %arg11[%rem3A_332, %dma_start3A_744] : memref<4x40xi32, #tpu.memory_space<vmem>> -> memref<1x40xi32, #tpu.memory_space<vmem>>
      %dma_start3A_746 = tpu.memref_squeeze %dma_start3A_745 : memref<1x40xi32, #tpu.memory_space<vmem>> -> memref<40xi32, #tpu.memory_space<vmem>>
      %dma_start3A_747 = arith.constant 0 : i32
      %dma_start3A_748 = arith.constant 0 : i32
      %dma_start3A_749 = tpu.memref_slice %arg18[%dma_start3A_747, %dma_start3A_748] : memref<10240x144xf32, #tpu.memory_space<vmem_shared>> -> memref<10240x144xf32, #tpu.memory_space<vmem_shared>>
      %dma_start3A_750 = tpu.memref_slice %arg21[%rem3A_330] : memref<2x!tpu.dma_semaphore, #tpu.memory_space<semaphore_mem>> -> memref<1x!tpu.dma_semaphore, #tpu.memory_space<semaphore_mem>>
      %dma_start3A_751 = tpu.memref_squeeze %dma_start3A_750 : memref<1x!tpu.dma_semaphore, #tpu.memory_space<semaphore_mem>> -> memref<!tpu.dma_semaphore, #tpu.memory_space<semaphore_mem>>
      tpu.enqueue_indirect_dma source(%dma_start3A_743 : memref<40x144xf32, #tpu.memory_space<vmem>>) target(%dma_start3A_749 : memref<10240x144xf32, #tpu.memory_space<vmem_shared>>) offsets(%dma_start3A_746 : memref<40xi32, #tpu.memory_space<vmem>>) semaphore(%dma_start3A_751 : memref<!tpu.dma_semaphore, #tpu.memory_space<semaphore_mem>>) {add = true}
      %add3A_752 = arith.constant 2 : i32
      %add3A_753 = arith.addi %add3A_329, %add3A_752 : i32
      %lt3A_754 = arith.constant 250 : i32
      %lt3A_755 = arith.cmpi slt, %add3A_753, %lt3A_754 : i32
      %convert_element_type3A_756 = arith.extui %lt3A_755 : i1 to i32
      %cond3A_757 = arith.constant 0 : i32
      %cond3A_758 = arith.cmpi ne, %convert_element_type3A_756, %cond3A_757 : i32
      scf.if %cond3A_758 {
        %add3A_759 = arith.constant 2 : i32
        %add3A_760 = arith.addi %add3A_329, %add3A_759 : i32
        %mul3A_761 = arith.constant 40 : i32
        %mul3A_762 = arith.muli %add3A_760, %mul3A_761 : i32
        %dma_wait3A_763 = arith.constant 0 : i32
        %dma_wait3A_764 = tpu.memref_slice %arg10[%rem3A_336, %dma_wait3A_763] : memref<4x40xi32, #tpu.memory_space<vmem>> -> memref<1x40xi32, #tpu.memory_space<vmem>>
        %dma_wait3A_765 = tpu.memref_squeeze %dma_wait3A_764 : memref<1x40xi32, #tpu.memory_space<vmem>> -> memref<40xi32, #tpu.memory_space<vmem>>
        %dma_wait3A_766 = tpu.memref_slice %arg4[%add3A, %mul3A_762] : memref<32x10000xi32, #tpu.memory_space<hbm>> -> memref<1x40xi32, #tpu.memory_space<hbm>>
        %dma_wait3A_767 = tpu.memref_squeeze %dma_wait3A_766 : memref<1x40xi32, #tpu.memory_space<hbm>> -> memref<40xi32, #tpu.memory_space<hbm>>
        %dma_wait3A_768 = tpu.memref_slice %arg19[%rem3A_336] : memref<4x!tpu.dma_semaphore, #tpu.memory_space<semaphore_mem>> -> memref<1x!tpu.dma_semaphore, #tpu.memory_space<semaphore_mem>>
        %dma_wait3A_769 = tpu.memref_squeeze %dma_wait3A_768 : memref<1x!tpu.dma_semaphore, #tpu.memory_space<semaphore_mem>> -> memref<!tpu.dma_semaphore, #tpu.memory_space<semaphore_mem>>
        %dma_wait3A_770 = arith.constant 0 : i32
        %dma_wait3A_771 = tpu.memref_slice %arg10[%rem3A_336, %dma_wait3A_770] : memref<4x40xi32, #tpu.memory_space<vmem>> -> memref<1x40xi32, #tpu.memory_space<vmem>>
        %dma_wait3A_772 = tpu.memref_squeeze %dma_wait3A_771 : memref<1x40xi32, #tpu.memory_space<vmem>> -> memref<40xi32, #tpu.memory_space<vmem>>
        %dma_wait3A_773 = tpu.memref_slice %arg4[%add3A, %mul3A_762] : memref<32x10000xi32, #tpu.memory_space<hbm>> -> memref<1x40xi32, #tpu.memory_space<hbm>>
        %dma_wait3A_774 = tpu.memref_squeeze %dma_wait3A_773 : memref<1x40xi32, #tpu.memory_space<hbm>> -> memref<40xi32, #tpu.memory_space<hbm>>
        tpu.wait_dma2 semaphore(%dma_wait3A_769 : memref<!tpu.dma_semaphore, #tpu.memory_space<semaphore_mem>>) src(%dma_wait3A_774 : memref<40xi32, #tpu.memory_space<hbm>>) dst(%dma_wait3A_772 : memref<40xi32, #tpu.memory_space<vmem>>)
        %dma_wait3A_775 = arith.constant 0 : i32
        %dma_wait3A_776 = tpu.memref_slice %arg11[%rem3A_336, %dma_wait3A_775] : memref<4x40xi32, #tpu.memory_space<vmem>> -> memref<1x40xi32, #tpu.memory_space<vmem>>
        %dma_wait3A_777 = tpu.memref_squeeze %dma_wait3A_776 : memref<1x40xi32, #tpu.memory_space<vmem>> -> memref<40xi32, #tpu.memory_space<vmem>>
        %dma_wait3A_778 = tpu.memref_slice %arg5[%add3A, %mul3A_762] : memref<32x10000xi32, #tpu.memory_space<hbm>> -> memref<1x40xi32, #tpu.memory_space<hbm>>
        %dma_wait3A_779 = tpu.memref_squeeze %dma_wait3A_778 : memref<1x40xi32, #tpu.memory_space<hbm>> -> memref<40xi32, #tpu.memory_space<hbm>>
        %dma_wait3A_780 = tpu.memref_slice %arg19[%rem3A_336] : memref<4x!tpu.dma_semaphore, #tpu.memory_space<semaphore_mem>> -> memref<1x!tpu.dma_semaphore, #tpu.memory_space<semaphore_mem>>
        %dma_wait3A_781 = tpu.memref_squeeze %dma_wait3A_780 : memref<1x!tpu.dma_semaphore, #tpu.memory_space<semaphore_mem>> -> memref<!tpu.dma_semaphore, #tpu.memory_space<semaphore_mem>>
        %dma_wait3A_782 = arith.constant 0 : i32
        %dma_wait3A_783 = tpu.memref_slice %arg11[%rem3A_336, %dma_wait3A_782] : memref<4x40xi32, #tpu.memory_space<vmem>> -> memref<1x40xi32, #tpu.memory_space<vmem>>
        %dma_wait3A_784 = tpu.memref_squeeze %dma_wait3A_783 : memref<1x40xi32, #tpu.memory_space<vmem>> -> memref<40xi32, #tpu.memory_space<vmem>>
        %dma_wait3A_785 = tpu.memref_slice %arg5[%add3A, %mul3A_762] : memref<32x10000xi32, #tpu.memory_space<hbm>> -> memref<1x40xi32, #tpu.memory_space<hbm>>
        %dma_wait3A_786 = tpu.memref_squeeze %dma_wait3A_785 : memref<1x40xi32, #tpu.memory_space<hbm>> -> memref<40xi32, #tpu.memory_space<hbm>>
        tpu.wait_dma2 semaphore(%dma_wait3A_781 : memref<!tpu.dma_semaphore, #tpu.memory_space<semaphore_mem>>) src(%dma_wait3A_786 : memref<40xi32, #tpu.memory_space<hbm>>) dst(%dma_wait3A_784 : memref<40xi32, #tpu.memory_space<vmem>>)
        %dma_wait3A_787 = arith.constant 0 : i32
        %dma_wait3A_788 = tpu.memref_slice %arg12[%rem3A_336, %dma_wait3A_787] : memref<4x48xf32, #tpu.memory_space<vmem>> -> memref<1x40xf32, #tpu.memory_space<vmem>>
        %dma_wait3A_789 = tpu.memref_squeeze %dma_wait3A_788 : memref<1x40xf32, #tpu.memory_space<vmem>> -> memref<40xf32, #tpu.memory_space<vmem>>
        %dma_wait3A_790 = tpu.memref_slice %arg6[%add3A, %mul3A_762] : memref<32x10000xf32, #tpu.memory_space<hbm>> -> memref<1x40xf32, #tpu.memory_space<hbm>>
        %dma_wait3A_791 = tpu.memref_squeeze %dma_wait3A_790 : memref<1x40xf32, #tpu.memory_space<hbm>> -> memref<40xf32, #tpu.memory_space<hbm>>
        %dma_wait3A_792 = tpu.memref_slice %arg19[%rem3A_336] : memref<4x!tpu.dma_semaphore, #tpu.memory_space<semaphore_mem>> -> memref<1x!tpu.dma_semaphore, #tpu.memory_space<semaphore_mem>>
        %dma_wait3A_793 = tpu.memref_squeeze %dma_wait3A_792 : memref<1x!tpu.dma_semaphore, #tpu.memory_space<semaphore_mem>> -> memref<!tpu.dma_semaphore, #tpu.memory_space<semaphore_mem>>
        %dma_wait3A_794 = arith.constant 0 : i32
        %dma_wait3A_795 = tpu.memref_slice %arg12[%rem3A_336, %dma_wait3A_794] : memref<4x48xf32, #tpu.memory_space<vmem>> -> memref<1x40xf32, #tpu.memory_space<vmem>>
        %dma_wait3A_796 = tpu.memref_squeeze %dma_wait3A_795 : memref<1x40xf32, #tpu.memory_space<vmem>> -> memref<40xf32, #tpu.memory_space<vmem>>
        %dma_wait3A_797 = tpu.memref_slice %arg6[%add3A, %mul3A_762] : memref<32x10000xf32, #tpu.memory_space<hbm>> -> memref<1x40xf32, #tpu.memory_space<hbm>>
        %dma_wait3A_798 = tpu.memref_squeeze %dma_wait3A_797 : memref<1x40xf32, #tpu.memory_space<hbm>> -> memref<40xf32, #tpu.memory_space<hbm>>
        tpu.wait_dma2 semaphore(%dma_wait3A_793 : memref<!tpu.dma_semaphore, #tpu.memory_space<semaphore_mem>>) src(%dma_wait3A_798 : memref<40xf32, #tpu.memory_space<hbm>>) dst(%dma_wait3A_796 : memref<40xf32, #tpu.memory_space<vmem>>)
        %dma_start3A_799 = arith.constant 0 : i32
        %dma_start3A_800 = arith.constant 0 : i32
        %dma_start3A_801 = tpu.memref_slice %arg13[%rem3A_330, %dma_start3A_799, %dma_start3A_800] : memref<2x40x128xf32, #tpu.memory_space<vmem>> -> memref<1x40x128xf32, #tpu.memory_space<vmem>>
        %dma_start3A_802 = tpu.memref_squeeze %dma_start3A_801 : memref<1x40x128xf32, #tpu.memory_space<vmem>> -> memref<40x128xf32, #tpu.memory_space<vmem>>
        %dma_start3A_803 = arith.constant 0 : i32
        %dma_start3A_804 = tpu.memref_slice %arg10[%rem3A_336, %dma_start3A_803] : memref<4x40xi32, #tpu.memory_space<vmem>> -> memref<1x40xi32, #tpu.memory_space<vmem>>
        %dma_start3A_805 = tpu.memref_squeeze %dma_start3A_804 : memref<1x40xi32, #tpu.memory_space<vmem>> -> memref<40xi32, #tpu.memory_space<vmem>>
        %dma_start3A_806 = arith.constant 0 : i32
        %dma_start3A_807 = arith.constant 0 : i32
        %dma_start3A_808 = tpu.memref_slice %arg2[%dma_start3A_806, %dma_start3A_807] : memref<10000x128xf32, #tpu.memory_space<hbm>> -> memref<10000x128xf32, #tpu.memory_space<hbm>>
        %dma_start3A_809 = tpu.memref_slice %arg20[%rem3A_330] : memref<2x!tpu.dma_semaphore, #tpu.memory_space<semaphore_mem>> -> memref<1x!tpu.dma_semaphore, #tpu.memory_space<semaphore_mem>>
        %dma_start3A_810 = tpu.memref_squeeze %dma_start3A_809 : memref<1x!tpu.dma_semaphore, #tpu.memory_space<semaphore_mem>> -> memref<!tpu.dma_semaphore, #tpu.memory_space<semaphore_mem>>
        tpu.enqueue_indirect_dma source(%dma_start3A_808 : memref<10000x128xf32, #tpu.memory_space<hbm>>) target(%dma_start3A_802 : memref<40x128xf32, #tpu.memory_space<vmem>>) offsets(%dma_start3A_805 : memref<40xi32, #tpu.memory_space<vmem>>) semaphore(%dma_start3A_810 : memref<!tpu.dma_semaphore, #tpu.memory_space<semaphore_mem>>)
        %dma_start3A_811 = arith.constant 0 : i32
        %dma_start3A_812 = arith.constant 0 : i32
        %dma_start3A_813 = tpu.memref_slice %arg14[%rem3A_330, %dma_start3A_811, %dma_start3A_812] : memref<2x40x128xf32, #tpu.memory_space<vmem>> -> memref<1x40x128xf32, #tpu.memory_space<vmem>>
        %dma_start3A_814 = tpu.memref_squeeze %dma_start3A_813 : memref<1x40x128xf32, #tpu.memory_space<vmem>> -> memref<40x128xf32, #tpu.memory_space<vmem>>
        %dma_start3A_815 = arith.constant 0 : i32
        %dma_start3A_816 = tpu.memref_slice %arg11[%rem3A_336, %dma_start3A_815] : memref<4x40xi32, #tpu.memory_space<vmem>> -> memref<1x40xi32, #tpu.memory_space<vmem>>
        %dma_start3A_817 = tpu.memref_squeeze %dma_start3A_816 : memref<1x40xi32, #tpu.memory_space<vmem>> -> memref<40xi32, #tpu.memory_space<vmem>>
        %dma_start3A_818 = arith.constant 0 : i32
        %dma_start3A_819 = arith.constant 0 : i32
        %dma_start3A_820 = tpu.memref_slice %arg3[%dma_start3A_818, %dma_start3A_819] : memref<10000x128xf32, #tpu.memory_space<hbm>> -> memref<10000x128xf32, #tpu.memory_space<hbm>>
        %dma_start3A_821 = tpu.memref_slice %arg20[%rem3A_330] : memref<2x!tpu.dma_semaphore, #tpu.memory_space<semaphore_mem>> -> memref<1x!tpu.dma_semaphore, #tpu.memory_space<semaphore_mem>>
        %dma_start3A_822 = tpu.memref_squeeze %dma_start3A_821 : memref<1x!tpu.dma_semaphore, #tpu.memory_space<semaphore_mem>> -> memref<!tpu.dma_semaphore, #tpu.memory_space<semaphore_mem>>
        tpu.enqueue_indirect_dma source(%dma_start3A_820 : memref<10000x128xf32, #tpu.memory_space<hbm>>) target(%dma_start3A_814 : memref<40x128xf32, #tpu.memory_space<vmem>>) offsets(%dma_start3A_817 : memref<40xi32, #tpu.memory_space<vmem>>) semaphore(%dma_start3A_822 : memref<!tpu.dma_semaphore, #tpu.memory_space<semaphore_mem>>)
      } else {
      }
    }
    %scan3A_291 = arith.constant 250 : i32
    %dma_wait3A_292 = arith.constant 0 : i32
    %dma_wait3A_293 = arith.constant 0 : i32
    %dma_wait3A_294 = arith.constant 0 : i32
    %dma_wait3A_295 = arith.constant 0 : i32
    %dma_wait3A_296 = arith.constant 0 : i32
    %dma_wait3A_297 = tpu.memref_slice %arg15[%dma_wait3A_292, %dma_wait3A_295, %dma_wait3A_296] : memref<2x40x144xf32, #tpu.memory_space<vmem>> -> memref<1x40x144xf32, #tpu.memory_space<vmem>>
    %dma_wait3A_298 = tpu.memref_squeeze %dma_wait3A_297 : memref<1x40x144xf32, #tpu.memory_space<vmem>> -> memref<40x144xf32, #tpu.memory_space<vmem>>
    %dma_wait3A_299 = arith.constant 0 : i32
    %dma_wait3A_300 = tpu.memref_slice %arg11[%dma_wait3A_293, %dma_wait3A_299] : memref<4x40xi32, #tpu.memory_space<vmem>> -> memref<1x40xi32, #tpu.memory_space<vmem>>
    %dma_wait3A_301 = tpu.memref_squeeze %dma_wait3A_300 : memref<1x40xi32, #tpu.memory_space<vmem>> -> memref<40xi32, #tpu.memory_space<vmem>>
    %dma_wait3A_302 = arith.constant 0 : i32
    %dma_wait3A_303 = arith.constant 0 : i32
    %dma_wait3A_304 = tpu.memref_slice %arg18[%dma_wait3A_302, %dma_wait3A_303] : memref<10240x144xf32, #tpu.memory_space<vmem_shared>> -> memref<10240x144xf32, #tpu.memory_space<vmem_shared>>
    %dma_wait3A_305 = tpu.memref_slice %arg21[%dma_wait3A_294] : memref<2x!tpu.dma_semaphore, #tpu.memory_space<semaphore_mem>> -> memref<1x!tpu.dma_semaphore, #tpu.memory_space<semaphore_mem>>
    %dma_wait3A_306 = tpu.memref_squeeze %dma_wait3A_305 : memref<1x!tpu.dma_semaphore, #tpu.memory_space<semaphore_mem>> -> memref<!tpu.dma_semaphore, #tpu.memory_space<semaphore_mem>>
    tpu.wait_indirect_dma semaphore(%dma_wait3A_306 : memref<!tpu.dma_semaphore, #tpu.memory_space<semaphore_mem>>) src(%dma_wait3A_298 : memref<40x144xf32, #tpu.memory_space<vmem>>) dst(%dma_wait3A_304 : memref<10240x144xf32, #tpu.memory_space<vmem_shared>>)
    %dma_wait3A_307 = arith.constant 1 : i32
    %dma_wait3A_308 = arith.constant 1 : i32
    %dma_wait3A_309 = arith.constant 1 : i32
    %dma_wait3A_310 = arith.constant 0 : i32
    %dma_wait3A_311 = arith.constant 0 : i32
    %dma_wait3A_312 = tpu.memref_slice %arg15[%dma_wait3A_307, %dma_wait3A_310, %dma_wait3A_311] : memref<2x40x144xf32, #tpu.memory_space<vmem>> -> memref<1x40x144xf32, #tpu.memory_space<vmem>>
    %dma_wait3A_313 = tpu.memref_squeeze %dma_wait3A_312 : memref<1x40x144xf32, #tpu.memory_space<vmem>> -> memref<40x144xf32, #tpu.memory_space<vmem>>
    %dma_wait3A_314 = arith.constant 0 : i32
    %dma_wait3A_315 = tpu.memref_slice %arg11[%dma_wait3A_308, %dma_wait3A_314] : memref<4x40xi32, #tpu.memory_space<vmem>> -> memref<1x40xi32, #tpu.memory_space<vmem>>
    %dma_wait3A_316 = tpu.memref_squeeze %dma_wait3A_315 : memref<1x40xi32, #tpu.memory_space<vmem>> -> memref<40xi32, #tpu.memory_space<vmem>>
    %dma_wait3A_317 = arith.constant 0 : i32
    %dma_wait3A_318 = arith.constant 0 : i32
    %dma_wait3A_319 = tpu.memref_slice %arg18[%dma_wait3A_317, %dma_wait3A_318] : memref<10240x144xf32, #tpu.memory_space<vmem_shared>> -> memref<10240x144xf32, #tpu.memory_space<vmem_shared>>
    %dma_wait3A_320 = tpu.memref_slice %arg21[%dma_wait3A_309] : memref<2x!tpu.dma_semaphore, #tpu.memory_space<semaphore_mem>> -> memref<1x!tpu.dma_semaphore, #tpu.memory_space<semaphore_mem>>
    %dma_wait3A_321 = tpu.memref_squeeze %dma_wait3A_320 : memref<1x!tpu.dma_semaphore, #tpu.memory_space<semaphore_mem>> -> memref<!tpu.dma_semaphore, #tpu.memory_space<semaphore_mem>>
    tpu.wait_indirect_dma semaphore(%dma_wait3A_321 : memref<!tpu.dma_semaphore, #tpu.memory_space<semaphore_mem>>) src(%dma_wait3A_313 : memref<40x144xf32, #tpu.memory_space<vmem>>) dst(%dma_wait3A_319 : memref<10240x144xf32, #tpu.memory_space<vmem_shared>>)
    %barrier3A_322 = arith.constant 0 : index
    tpu.barrier barrier_id(%barrier3A_322)
    %mul3A_323 = arith.constant 640 : i32
    %mul3A_324 = arith.muli %arg1, %mul3A_323 : i32
    "tpu.region"() ({
      %run_scoped3A = tpu.sem_alloc : memref<!tpu.dma_semaphore, #tpu.memory_space<semaphore_mem>>
      %dma_start3A_325 = arith.constant 0 : i32
      %dma_start3A_326 = tpu.memref_slice %arg9[%arg0, %mul3A_324, %dma_start3A_325] : memref<2x10240x144xf32, #tpu.memory_space<hbm>> -> memref<1x640x144xf32, #tpu.memory_space<hbm>>
      %dma_start3A_327 = tpu.memref_squeeze %dma_start3A_326 : memref<1x640x144xf32, #tpu.memory_space<hbm>> -> memref<640x144xf32, #tpu.memory_space<hbm>>
      %dma_start3A_328 = arith.constant 0 : i32
      %dma_start3A_329 = tpu.memref_slice %arg18[%mul3A_324, %dma_start3A_328] : memref<10240x144xf32, #tpu.memory_space<vmem_shared>> -> memref<640x144xf32, #tpu.memory_space<vmem_shared>>
      tpu.enqueue_dma source(%dma_start3A_329 : memref<640x144xf32, #tpu.memory_space<vmem_shared>>) target(%dma_start3A_327 : memref<640x144xf32, #tpu.memory_space<hbm>>) target_semaphore(%run_scoped3A : memref<!tpu.dma_semaphore, #tpu.memory_space<semaphore_mem>>)
      %dma_wait3A_330 = arith.constant 0 : i32
      %dma_wait3A_331 = tpu.memref_slice %arg9[%arg0, %mul3A_324, %dma_wait3A_330] : memref<2x10240x144xf32, #tpu.memory_space<hbm>> -> memref<1x640x144xf32, #tpu.memory_space<hbm>>
      %dma_wait3A_332 = tpu.memref_squeeze %dma_wait3A_331 : memref<1x640x144xf32, #tpu.memory_space<hbm>> -> memref<640x144xf32, #tpu.memory_space<hbm>>
      %dma_wait3A_333 = arith.constant 0 : i32
      %dma_wait3A_334 = tpu.memref_slice %arg18[%mul3A_324, %dma_wait3A_333] : memref<10240x144xf32, #tpu.memory_space<vmem_shared>> -> memref<640x144xf32, #tpu.memory_space<vmem_shared>>
      tpu.wait_dma2 semaphore(%run_scoped3A : memref<!tpu.dma_semaphore, #tpu.memory_space<semaphore_mem>>) src(%dma_wait3A_334 : memref<640x144xf32, #tpu.memory_space<vmem_shared>>) dst(%dma_wait3A_332 : memref<640x144xf32, #tpu.memory_space<hbm>>)
      tpu.yield
    }) : () -> ()
    return
  }
}

module attributes {stable_mosaic.version = 14 : i64} {
  func.func @_stage1_body(%arg0: i32, %arg1: memref<1000x128xf32, #tpu.memory_space<vmem>>, %arg2: memref<128x128xf32, #tpu.memory_space<vmem>>, %arg3: memref<128x128xf32, #tpu.memory_space<vmem>>, %arg4: memref<1x128xf32, #tpu.memory_space<vmem>>, %arg5: memref<1000x128xf32, #tpu.memory_space<vmem>>, %arg6: memref<1000x128xf32, #tpu.memory_space<vmem>>) attributes {dimension_semantics = [#tpu.dimension_semantics<arbitrary>], iteration_bounds = array<i64: 10>, scalar_prefetch = 0 : i64, scratch_operands = 0 : i64, tpu.core_type = #tpu.core_type<tc>, window_params = [{transform_indices = @transform_0, window_bounds = array<i64: 1000, 128>}, {pipeline_mode = #tpu.pipeline_mode<synchronous>, transform_indices = @transform_1, window_bounds = array<i64: 128, 128>}, {pipeline_mode = #tpu.pipeline_mode<synchronous>, transform_indices = @transform_2, window_bounds = array<i64: 128, 128>}, {pipeline_mode = #tpu.pipeline_mode<synchronous>, transform_indices = @transform_3, window_bounds = array<i64: 1, 128>}, {transform_indices = @transform_4, window_bounds = array<i64: 1000, 128>}, {transform_indices = @transform_5, window_bounds = array<i64: 1000, 128>}]} {
    %get3A = arith.constant 0 : index
    %get3A_0 = arith.constant 0 : index
    %get3A_1 = vector.load %arg1[%get3A, %get3A_0] : memref<1000x128xf32, #tpu.memory_space<vmem>>, vector<1000x128xf32>
    %get3A_2 = arith.constant 0 : index
    %get3A_3 = arith.constant 0 : index
    %get3A_4 = vector.load %arg2[%get3A_2, %get3A_3] : memref<128x128xf32, #tpu.memory_space<vmem>>, vector<128x128xf32>
    %dot_general3A = arith.constant dense<0.000000e+00> : vector<1000x128xf32>
    %dot_general3A_5 = tpu.matmul %get3A_1, %get3A_4, %dot_general3A {dimension_numbers = #tpu.dot_dimension_numbers<[1], [0], [0], [1], [0, 0, 1, 1], [], []>, precision = #tpu.contract_precision<fp32>, transpose_lhs_hint = false} : vector<1000x128xf32>, vector<128x128xf32>, vector<1000x128xf32> -> vector<1000x128xf32>
    %get3A_6 = arith.constant 0 : index
    %get3A_7 = arith.constant 0 : index
    %get3A_8 = vector.load %arg4[%get3A_6, %get3A_7] : memref<1x128xf32, #tpu.memory_space<vmem>>, vector<1x128xf32>
    %add3A = vector.broadcast %get3A_8 : vector<1x128xf32> to vector<1000x128xf32>
    %add3A_9 = arith.addf %dot_general3A_5, %add3A : vector<1000x128xf32>
    %swap3A = arith.constant 0 : index
    %swap3A_10 = arith.constant 0 : index
    %swap3A_11 = vector.load %arg5[%swap3A, %swap3A_10] : memref<1000x128xf32, #tpu.memory_space<vmem>>, vector<1000x128xf32>
    tpu.vector_store %arg5[%swap3A, %swap3A_10], %add3A_9 {strides = array<i32>} : memref<1000x128xf32, #tpu.memory_space<vmem>>, vector<1000x128xf32>,
    %get3A_12 = arith.constant 0 : index
    %get3A_13 = arith.constant 0 : index
    %get3A_14 = vector.load %arg3[%get3A_12, %get3A_13] : memref<128x128xf32, #tpu.memory_space<vmem>>, vector<128x128xf32>
    %dot_general3A_15 = arith.constant dense<0.000000e+00> : vector<1000x128xf32>
    %dot_general3A_16 = tpu.matmul %get3A_1, %get3A_14, %dot_general3A_15 {dimension_numbers = #tpu.dot_dimension_numbers<[1], [0], [0], [1], [0, 0, 1, 1], [], []>, precision = #tpu.contract_precision<fp32>, transpose_lhs_hint = false} : vector<1000x128xf32>, vector<128x128xf32>, vector<1000x128xf32> -> vector<1000x128xf32>
    %swap3A_17 = arith.constant 0 : index
    %swap3A_18 = arith.constant 0 : index
    %swap3A_19 = vector.load %arg6[%swap3A_17, %swap3A_18] : memref<1000x128xf32, #tpu.memory_space<vmem>>, vector<1000x128xf32>
    tpu.vector_store %arg6[%swap3A_17, %swap3A_18], %dot_general3A_16 {strides = array<i32>} : memref<1000x128xf32, #tpu.memory_space<vmem>>, vector<1000x128xf32>,
    return
  }
  func.func @transform_0(%arg0: i32) -> (i32, i32) {
    %c0_i32 = arith.constant 0 : i32
    %c0_i32_0 = arith.constant 0 : i32
    return %arg0, %c0_i32 : i32, i32
  }
  func.func @transform_1(%arg0: i32) -> (i32, i32) {
    %c0_i32 = arith.constant 0 : i32
    %c0_i32_0 = arith.constant 0 : i32
    %c0_i32_1 = arith.constant 0 : i32
    return %c0_i32, %c0_i32_0 : i32, i32
  }
  func.func @transform_2(%arg0: i32) -> (i32, i32) {
    %c0_i32 = arith.constant 0 : i32
    %c0_i32_0 = arith.constant 0 : i32
    %c0_i32_1 = arith.constant 0 : i32
    return %c0_i32, %c0_i32_0 : i32, i32
  }
  func.func @transform_3(%arg0: i32) -> (i32, i32) {
    %c0_i32 = arith.constant 0 : i32
    %c0_i32_0 = arith.constant 0 : i32
    %c0_i32_1 = arith.constant 0 : i32
    return %c0_i32, %c0_i32_0 : i32, i32
  }
  func.func @transform_4(%arg0: i32) -> (i32, i32) {
    %c0_i32 = arith.constant 0 : i32
    %c0_i32_0 = arith.constant 0 : i32
    return %arg0, %c0_i32 : i32, i32
  }
  func.func @transform_5(%arg0: i32) -> (i32, i32) {
    %c0_i32 = arith.constant 0 : i32
    %c0_i32_0 = arith.constant 0 : i32
    return %arg0, %c0_i32 : i32, i32
  }
}

module attributes {stable_mosaic.version = 14 : i64} {
  func.func @_stage3_body(%arg0: i32, %arg1: memref<1000x128xf32, #tpu.memory_space<vmem>>, %arg2: memref<2x1000x144xf32, #tpu.memory_space<vmem>>, %arg3: memref<128x128xf32, #tpu.memory_space<vmem>>, %arg4: memref<1x128xf32, #tpu.memory_space<vmem>>, %arg5: memref<128x128xf32, #tpu.memory_space<vmem>>, %arg6: memref<128x128xf32, #tpu.memory_space<vmem>>, %arg7: memref<1x128xf32, #tpu.memory_space<vmem>>, %arg8: memref<128x128xf32, #tpu.memory_space<vmem>>, %arg9: memref<1x128xf32, #tpu.memory_space<vmem>>, %arg10: memref<1x128xf32, #tpu.memory_space<vmem>>, %arg11: memref<1x128xf32, #tpu.memory_space<vmem>>, %arg12: memref<1000x128xf32, #tpu.memory_space<vmem>>) attributes {dimension_semantics = [#tpu.dimension_semantics<arbitrary>], iteration_bounds = array<i64: 10>, scalar_prefetch = 0 : i64, scratch_operands = 0 : i64, tpu.core_type = #tpu.core_type<tc>, window_params = [{transform_indices = @transform_0, window_bounds = array<i64: 1000, 128>}, {transform_indices = @transform_1, window_bounds = array<i64: 2, 1000, 144>}, {pipeline_mode = #tpu.pipeline_mode<synchronous>, transform_indices = @transform_2, window_bounds = array<i64: 128, 128>}, {pipeline_mode = #tpu.pipeline_mode<synchronous>, transform_indices = @transform_3, window_bounds = array<i64: 1, 128>}, {pipeline_mode = #tpu.pipeline_mode<synchronous>, transform_indices = @transform_4, window_bounds = array<i64: 128, 128>}, {pipeline_mode = #tpu.pipeline_mode<synchronous>, transform_indices = @transform_5, window_bounds = array<i64: 128, 128>}, {pipeline_mode = #tpu.pipeline_mode<synchronous>, transform_indices = @transform_6, window_bounds = array<i64: 1, 128>}, {pipeline_mode = #tpu.pipeline_mode<synchronous>, transform_indices = @transform_7, window_bounds = array<i64: 128, 128>}, {pipeline_mode = #tpu.pipeline_mode<synchronous>, transform_indices = @transform_8, window_bounds = array<i64: 1, 128>}, {pipeline_mode = #tpu.pipeline_mode<synchronous>, transform_indices = @transform_9, window_bounds = array<i64: 1, 128>}, {pipeline_mode = #tpu.pipeline_mode<synchronous>, transform_indices = @transform_10, window_bounds = array<i64: 1, 128>}, {transform_indices = @transform_11, window_bounds = array<i64: 1000, 128>}]} {
    %get3A = arith.constant 0 : index
    %get3A_0 = arith.constant 0 : index
    %get3A_1 = vector.load %arg1[%get3A, %get3A_0] : memref<1000x128xf32, #tpu.memory_space<vmem>>, vector<1000x128xf32>
    %get3A_2 = arith.constant 0 : index
    %get3A_3 = arith.constant 0 : index
    %get3A_4 = arith.constant 0 : index
    %get3A_5 = vector.load %arg2[%get3A_2, %get3A_3, %get3A_4] : memref<2x1000x144xf32, #tpu.memory_space<vmem>>, vector<1x1000x144xf32>
    %get3A_6 = vector.shape_cast %get3A_5 : vector<1x1000x144xf32> to vector<1000x144xf32>
    %get3A_7 = arith.constant 1 : index
    %get3A_8 = arith.constant 0 : index
    %get3A_9 = arith.constant 0 : index
    %get3A_10 = vector.load %arg2[%get3A_7, %get3A_8, %get3A_9] : memref<2x1000x144xf32, #tpu.memory_space<vmem>>, vector<1x1000x144xf32>
    %get3A_11 = vector.shape_cast %get3A_10 : vector<1x1000x144xf32> to vector<1000x144xf32>
    %add3A = arith.addf %get3A_6, %get3A_11 : vector<1000x144xf32>
    %slice3A = vector.extract_strided_slice %add3A {offsets = [0, 0], sizes = [1000, 128], strides = [1, 1]} : vector<1000x144xf32> to vector<1000x128xf32>
    %slice3A_12 = vector.extract_strided_slice %add3A {offsets = [0, 128], sizes = [1000, 1], strides = [1, 1]} : vector<1000x144xf32> to vector<1000x1xf32>
    %get3A_13 = arith.constant 0 : index
    %get3A_14 = arith.constant 0 : index
    %get3A_15 = vector.load %arg3[%get3A_13, %get3A_14] : memref<128x128xf32, #tpu.memory_space<vmem>>, vector<128x128xf32>
    %dot_general3A = arith.constant dense<0.000000e+00> : vector<1000x128xf32>
    %dot_general3A_16 = tpu.matmul %slice3A, %get3A_15, %dot_general3A {dimension_numbers = #tpu.dot_dimension_numbers<[1], [0], [0], [1], [0, 0, 1, 1], [], []>, precision = #tpu.contract_precision<fp32>, transpose_lhs_hint = false} : vector<1000x128xf32>, vector<128x128xf32>, vector<1000x128xf32> -> vector<1000x128xf32>
    %get3A_17 = arith.constant 0 : index
    %get3A_18 = arith.constant 0 : index
    %get3A_19 = vector.load %arg4[%get3A_17, %get3A_18] : memref<1x128xf32, #tpu.memory_space<vmem>>, vector<1x128xf32>
    %mul3A = vector.broadcast %slice3A_12 : vector<1000x1xf32> to vector<1000x128xf32>
    %mul3A_20 = vector.broadcast %get3A_19 : vector<1x128xf32> to vector<1000x128xf32>
    %mul3A_21 = arith.mulf %mul3A, %mul3A_20 : vector<1000x128xf32>
    %add3A_22 = arith.addf %dot_general3A_16, %mul3A_21 : vector<1000x128xf32>
    %get3A_23 = arith.constant 0 : index
    %get3A_24 = arith.constant 0 : index
    %get3A_25 = vector.load %arg5[%get3A_23, %get3A_24] : memref<128x128xf32, #tpu.memory_space<vmem>>, vector<128x128xf32>
    %dot_general3A_26 = arith.constant dense<0.000000e+00> : vector<1000x128xf32>
    %dot_general3A_27 = tpu.matmul %get3A_1, %get3A_25, %dot_general3A_26 {dimension_numbers = #tpu.dot_dimension_numbers<[1], [0], [0], [1], [0, 0, 1, 1], [], []>, precision = #tpu.contract_precision<fp32>, transpose_lhs_hint = false} : vector<1000x128xf32>, vector<128x128xf32>, vector<1000x128xf32> -> vector<1000x128xf32>
    %get3A_28 = arith.constant 0 : index
    %get3A_29 = arith.constant 0 : index
    %get3A_30 = vector.load %arg6[%get3A_28, %get3A_29] : memref<128x128xf32, #tpu.memory_space<vmem>>, vector<128x128xf32>
    %dot_general3A_31 = arith.constant dense<0.000000e+00> : vector<1000x128xf32>
    %dot_general3A_32 = tpu.matmul %add3A_22, %get3A_30, %dot_general3A_31 {dimension_numbers = #tpu.dot_dimension_numbers<[1], [0], [0], [1], [0, 0, 1, 1], [], []>, precision = #tpu.contract_precision<fp32>, transpose_lhs_hint = false} : vector<1000x128xf32>, vector<128x128xf32>, vector<1000x128xf32> -> vector<1000x128xf32>
    %add3A_33 = arith.addf %dot_general3A_27, %dot_general3A_32 : vector<1000x128xf32>
    %get3A_34 = arith.constant 0 : index
    %get3A_35 = arith.constant 0 : index
    %get3A_36 = vector.load %arg7[%get3A_34, %get3A_35] : memref<1x128xf32, #tpu.memory_space<vmem>>, vector<1x128xf32>
    %add3A_37 = vector.broadcast %get3A_36 : vector<1x128xf32> to vector<1000x128xf32>
    %add3A_38 = arith.addf %add3A_33, %add3A_37 : vector<1000x128xf32>
    %mul3A_39 = arith.constant 5.000000e-01 : f32
    %mul3A_40 = vector.broadcast %mul3A_39 : f32 to vector<1000x128xf32>
    %mul3A_41 = arith.mulf %mul3A_40, %add3A_38 : vector<1000x128xf32>
    %mul3A_42 = arith.constant 0.707106769 : f32
    %mul3A_43 = vector.broadcast %mul3A_42 : f32 to vector<1000x128xf32>
    %mul3A_44 = arith.mulf %add3A_38, %mul3A_43 : vector<1000x128xf32>
    %erf3A = math.erf %mul3A_44 : vector<1000x128xf32>
    %add3A_45 = arith.constant 1.000000e+00 : f32
    %add3A_46 = vector.broadcast %add3A_45 : f32 to vector<1000x128xf32>
    %add3A_47 = arith.addf %add3A_46, %erf3A : vector<1000x128xf32>
    %mul3A_48 = arith.mulf %mul3A_41, %add3A_47 : vector<1000x128xf32>
    %get3A_49 = arith.constant 0 : index
    %get3A_50 = arith.constant 0 : index
    %get3A_51 = vector.load %arg8[%get3A_49, %get3A_50] : memref<128x128xf32, #tpu.memory_space<vmem>>, vector<128x128xf32>
    %dot_general3A_52 = arith.constant dense<0.000000e+00> : vector<1000x128xf32>
    %dot_general3A_53 = tpu.matmul %mul3A_48, %get3A_51, %dot_general3A_52 {dimension_numbers = #tpu.dot_dimension_numbers<[1], [0], [0], [1], [0, 0, 1, 1], [], []>, precision = #tpu.contract_precision<fp32>, transpose_lhs_hint = false} : vector<1000x128xf32>, vector<128x128xf32>, vector<1000x128xf32> -> vector<1000x128xf32>
    %get3A_54 = arith.constant 0 : index
    %get3A_55 = arith.constant 0 : index
    %get3A_56 = vector.load %arg9[%get3A_54, %get3A_55] : memref<1x128xf32, #tpu.memory_space<vmem>>, vector<1x128xf32>
    %add3A_57 = vector.broadcast %get3A_56 : vector<1x128xf32> to vector<1000x128xf32>
    %add3A_58 = arith.addf %dot_general3A_53, %add3A_57 : vector<1000x128xf32>
    %add3A_59 = arith.addf %get3A_1, %add3A_58 : vector<1000x128xf32>
    %reduce_sum3A = arith.constant dense<0.000000e+00> : vector<1000xf32>
    %reduce_sum3A_60 = vector.multi_reduction <add>, %add3A_59, %reduce_sum3A [1] : vector<1000x128xf32> to vector<1000xf32>
    %broadcast_in_dim3A = vector.shape_cast %reduce_sum3A_60 : vector<1000xf32> to vector<1000x1xf32>
    %div3A = arith.constant 1.280000e+02 : f32
    %div3A_61 = vector.broadcast %div3A : f32 to vector<1000x1xf32>
    %div3A_62 = arith.divf %broadcast_in_dim3A, %div3A_61 : vector<1000x1xf32>
    %sub3A = vector.broadcast %div3A_62 : vector<1000x1xf32> to vector<1000x128xf32>
    %sub3A_63 = arith.subf %add3A_59, %sub3A : vector<1000x128xf32>
    %integer_pow3A = arith.mulf %sub3A_63, %sub3A_63 : vector<1000x128xf32>
    %reduce_sum3A_64 = arith.constant dense<0.000000e+00> : vector<1000xf32>
    %reduce_sum3A_65 = vector.multi_reduction <add>, %integer_pow3A, %reduce_sum3A_64 [1] : vector<1000x128xf32> to vector<1000xf32>
    %broadcast_in_dim3A_66 = vector.shape_cast %reduce_sum3A_65 : vector<1000xf32> to vector<1000x1xf32>
    %div3A_67 = arith.constant 1.280000e+02 : f32
    %div3A_68 = vector.broadcast %div3A_67 : f32 to vector<1000x1xf32>
    %div3A_69 = arith.divf %broadcast_in_dim3A_66, %div3A_68 : vector<1000x1xf32>
    %sub3A_70 = vector.broadcast %div3A_62 : vector<1000x1xf32> to vector<1000x128xf32>
    %sub3A_71 = arith.subf %add3A_59, %sub3A_70 : vector<1000x128xf32>
    %add3A_72 = arith.constant 9.99999974E-6 : f32
    %add3A_73 = vector.broadcast %add3A_72 : f32 to vector<1000x1xf32>
    %add3A_74 = arith.addf %div3A_69, %add3A_73 : vector<1000x1xf32>
    %sqrt3A = math.sqrt %add3A_74 : vector<1000x1xf32>
    %div3A_75 = vector.broadcast %sqrt3A : vector<1000x1xf32> to vector<1000x128xf32>
    %div3A_76 = arith.divf %sub3A_71, %div3A_75 : vector<1000x128xf32>
    %get3A_77 = arith.constant 0 : index
    %get3A_78 = arith.constant 0 : index
    %get3A_79 = vector.load %arg10[%get3A_77, %get3A_78] : memref<1x128xf32, #tpu.memory_space<vmem>>, vector<1x128xf32>
    %mul3A_80 = vector.broadcast %get3A_79 : vector<1x128xf32> to vector<1000x128xf32>
    %mul3A_81 = arith.mulf %div3A_76, %mul3A_80 : vector<1000x128xf32>
    %get3A_82 = arith.constant 0 : index
    %get3A_83 = arith.constant 0 : index
    %get3A_84 = vector.load %arg11[%get3A_82, %get3A_83] : memref<1x128xf32, #tpu.memory_space<vmem>>, vector<1x128xf32>
    %add3A_85 = vector.broadcast %get3A_84 : vector<1x128xf32> to vector<1000x128xf32>
    %add3A_86 = arith.addf %mul3A_81, %add3A_85 : vector<1000x128xf32>
    %swap3A = arith.constant 0 : index
    %swap3A_87 = arith.constant 0 : index
    %swap3A_88 = vector.load %arg12[%swap3A, %swap3A_87] : memref<1000x128xf32, #tpu.memory_space<vmem>>, vector<1000x128xf32>
    tpu.vector_store %arg12[%swap3A, %swap3A_87], %add3A_86 {strides = array<i32>} : memref<1000x128xf32, #tpu.memory_space<vmem>>, vector<1000x128xf32>,
    return
  }
  func.func @transform_0(%arg0: i32) -> (i32, i32) {
    %c0_i32 = arith.constant 0 : i32
    %c0_i32_0 = arith.constant 0 : i32
    return %arg0, %c0_i32 : i32, i32
  }
  func.func @transform_1(%arg0: i32) -> (i32, i32, i32) {
    %c0_i32 = arith.constant 0 : i32
    %c0_i32_0 = arith.constant 0 : i32
    %c0_i32_1 = arith.constant 0 : i32
    return %c0_i32, %arg0, %c0_i32_0 : i32, i32, i32
  }
  func.func @transform_2(%arg0: i32) -> (i32, i32) {
    %c0_i32 = arith.constant 0 : i32
    %c0_i32_0 = arith.constant 0 : i32
    %c0_i32_1 = arith.constant 0 : i32
    return %c0_i32, %c0_i32_0 : i32, i32
  }
  func.func @transform_3(%arg0: i32) -> (i32, i32) {
    %c0_i32 = arith.constant 0 : i32
    %c0_i32_0 = arith.constant 0 : i32
    %c0_i32_1 = arith.constant 0 : i32
    return %c0_i32, %c0_i32_0 : i32, i32
  }
  func.func @transform_4(%arg0: i32) -> (i32, i32) {
    %c0_i32 = arith.constant 0 : i32
    %c0_i32_0 = arith.constant 0 : i32
    %c0_i32_1 = arith.constant 0 : i32
    return %c0_i32, %c0_i32_0 : i32, i32
  }
  func.func @transform_5(%arg0: i32) -> (i32, i32) {
    %c0_i32 = arith.constant 0 : i32
    %c0_i32_0 = arith.constant 0 : i32
    %c0_i32_1 = arith.constant 0 : i32
    return %c0_i32, %c0_i32_0 : i32, i32
  }
  func.func @transform_6(%arg0: i32) -> (i32, i32) {
    %c0_i32 = arith.constant 0 : i32
    %c0_i32_0 = arith.constant 0 : i32
    %c0_i32_1 = arith.constant 0 : i32
    return %c0_i32, %c0_i32_0 : i32, i32
  }
  func.func @transform_7(%arg0: i32) -> (i32, i32) {
    %c0_i32 = arith.constant 0 : i32
    %c0_i32_0 = arith.constant 0 : i32
    %c0_i32_1 = arith.constant 0 : i32
    return %c0_i32, %c0_i32_0 : i32, i32
  }
  func.func @transform_8(%arg0: i32) -> (i32, i32) {
    %c0_i32 = arith.constant 0 : i32
    %c0_i32_0 = arith.constant 0 : i32
    %c0_i32_1 = arith.constant 0 : i32
    return %c0_i32, %c0_i32_0 : i32, i32
  }
  func.func @transform_9(%arg0: i32) -> (i32, i32) {
    %c0_i32 = arith.constant 0 : i32
    %c0_i32_0 = arith.constant 0 : i32
    %c0_i32_1 = arith.constant 0 : i32
    return %c0_i32, %c0_i32_0 : i32, i32
  }
  func.func @transform_10(%arg0: i32) -> (i32, i32) {
    %c0_i32 = arith.constant 0 : i32
    %c0_i32_0 = arith.constant 0 : i32
    %c0_i32_1 = arith.constant 0 : i32
    return %c0_i32, %c0_i32_0 : i32, i32
  }
  func.func @transform_11(%arg0: i32) -> (i32, i32) {
    %c0_i32 = arith.constant 0 : i32
    %c0_i32_0 = arith.constant 0 : i32
    return %arg0, %c0_i32 : i32, i32
  }
}

</mosaic_0001>

<sc_bundles>
// kernel: kernel.5.cloned.1.call-start
scs
__scs_entry_jumppad:
0x0: {  	(pc) =	sbr.rel $0x88, $3  }
0x1: {  	(tag) =	ssettag $0x0;
	lr =	simm.s32 $0x1  }
0x2: {  	[smem:$0x3F94] =	sst lr;
	_ =	strace $0xD0000000  }
0x3: {  	_ = 	snop  }
0x4: {  	_ = 	snop  }
0x5: {  	_ = 	snop  }
0x6: {  	_ = 	snop  }
0x7: {  	_ = 	snop  }
__scs_overlays_trampoline_lowered:
0x8: {  	[smem:$0x3FA3] =	sst s0  }
0x9: {  	[smem:$0x3FA4] =	sst s1  }
0xa: {  	[smem:$0x3FA5] =	sst s2  }
0xb: {  	[smem:$0x3FA6] =	sst s3  }
0xc: {  	[smem:$0x3FA7] =	sst s4  }
0xd: {  	[smem:$0x3FA8] =	sst s5  }
0xe: {  	[smem:$0x3FA9] =	sst s6  }
0xf: {  	[smem:$0x3FAA] =	sst s7  }
0x10: {  	[smem:$0x3FAB] =	sst s8  }
0x11: {  	[smem:$0x3FAC] =	sst s9;
	s0 =	simm.s32 @!p0 $0x0  }
0x12: {  	s1 =	sld [smem:$0x3F92];
	s0 =	simm.s32 @p0 $0x1  }
0x13: {  	[smem:$0x3FAD] =	sst s0;
	s0 =	simm.s32 @!p1 $0x0  }
0x14: {  	s2 =	sld [smem:$0x3F91];
	s0 =	simm.s32 @p1 $0x1  }
0x15: {  	[smem:$0x3FAE] =	sst s0;
	s0 =	simm.s32 @!p2 $0x0  }
0x16: {  	s3 =	sld [smem:$0x3FDB];
	s0 =	simm.s32 @p2 $0x1  }
0x17: {  	s4 =	simm.s32 $0x1BF5;
	[smem:$0x3FB0] =	sst s0  }
0x18: {  	s0 =	sld [smem:$0x3F93];
	_ =	swait.ge [sflag:s4], $0x0  }
0x19: {  	s7 =	sld [smem:$0x3F94]  }
0x1a: {  	s8 =	sadd.s32 $0xFFFFE003, lr  }
0x1b: {  	s9 =	sadd.s32 $0xFFFFFEF7, lr;
	s5 =	simm.s32 $0xFFFFFFFF;
	p2 =	slt.u32 s8, $0xFFFFF086  }
0x1c: {  	p1 =	slt.u32 s9, $0xF7A;
	s5 =	simm.s32 @!p2 $0x0  }
0x1d: {  	s5 =	simm.s32 @p1 $0x1;
	p0 =	seq.s32 s7, s2  }
0x1e: {  	s7 =	smul.u32 @!p0 $0xF7A, s2;
	p2 =	seq.s32 @!p0 s5, $0x0  }
0x1f: {  	s9 =	smul.u32 $0xF7A, s1;
	s8 =	simm.s32 @!p0 $0x1BF5;
	p2 =	por !p2, p0  }
0x20: {  	[sflag:s8] =	ssyncset.s32 @!p0 $0xFFFFF086;
	s6 =	sadd.s32 @!p0 s3, s7;
	s7 =	simm.s32 @!p0 $0x108  }
0x21: {  	s3 =	sadd.s32 s3, s9;
	s6 =	sadd.s32 @!p0 $0x88, s6;
	s7 =	simm.s32 @p2 $0x1082  }
0x22: {  	[simem:s7], [sflag:s8] =	dma.local @!p0 [hbm:s6], $0xF7A  }
0x23: {  	s9 =	sor.u32 $0xD0000000, s2;
	s6 =	simm.s32 $0x108;
	_ =	swait.ge @!p0 [sflag:s8], $0x0  }
0x24: {  	s3 =	sadd.s32 $0x88, s3;
	s6 =	simm.s32 @!p1 $0x1082;
	[sflag:s4] =	ssyncset.s32 $0xFFFFF086  }
0x25: {  	[simem:s6], [sflag:s4] =	dma.local [hbm:s3], $0xF7A  }
0x26: {  	[smem:$0x3F94] =	sst s1;
	(tag) =	ssettag s2;
	_ =	strace s9  }
0x27: {  	s1 =	sld [smem:$0x3FA4]  }
0x28: {  	s2 =	sld [smem:$0x3FA5]  }
0x29: {  	s4 =	sld [smem:$0x3FA7]  }
0x2a: {  	p0 =	seq.s32 s5, $0x0;
	s5 =	sld [smem:$0x3FA8]  }
0x2b: {  	s6 =	sld [smem:$0x3FA9]  }
0x2c: {  	s7 =	sld [smem:$0x3FAA]  }
0x2d: {  	s3 =	simm.s32 $0x108;
	s8 =	sld [smem:$0x3FAB]  }
0x2e: {  	s3 =	simm.s32 @!p0 $0x1082;
	s9 =	sld [smem:$0x3FAC]  }
0x2f: {  	lr =	sadd.s32 s0, s3;
	s0 =	sld [smem:$0x3FA3]  }
0x30: {  	s3 =	sld [smem:$0x3FA6]  }
0x31: {  	[smem:$0x3FAF] =	sst s10  }
0x32: {  	s10 =	sld [smem:$0x3FAD];
	_ =	sdelay $0x3  }
0x33: {  	p0 =	seq.s32 s10, $0x1;
	s10 =	sld [smem:$0x3FAF];
	_ =	sdelay $0x3  }
0x34: {  	[smem:$0x3FAF] =	sst s10  }
0x35: {  	s10 =	sld [smem:$0x3FAE];
	_ =	sdelay $0x3  }
0x36: {  	p1 =	seq.s32 s10, $0x1;
	s10 =	sld [smem:$0x3FAF];
	_ =	sdelay $0x3  }
0x37: {  	[smem:$0x3FAF] =	sst s10  }
0x38: {  	s10 =	sld [smem:$0x3FB0]  }
0x39: {  	_ = 	snop;
	(pc) =	sbr.ind lr, $3  }
0x3a: {  	_ = 	snop  }
0x3b: {  	_ = 	snop  }
0x3c: {  	p2 =	seq.s32 s10, $0x1;
	s10 =	sld [smem:$0x3FAF]  }
0x3d: {  	_ =	shalt  }
0x3e: {  	_ =	shalt  }
0x3f: {  	_ =	shalt  }
0x40: {  	_ =	shalt  }
0x41: {  	_ =	shalt  }
0x42: {  	_ =	shalt  }
0x43: {  	_ =	shalt  }
0x44: {  	_ =	shalt  }
0x45: {  	_ =	shalt  }
0x46: {  	_ =	shalt  }
0x47: {  	_ =	shalt  }
0x48: {  	_ =	shalt  }
0x49: {  	_ =	shalt  }
0x4a: {  	_ =	shalt  }
0x4b: {  	_ =	shalt  }
0x4c: {  	_ =	shalt  }
0x4d: {  	_ =	shalt  }
0x4e: {  	_ =	shalt  }
0x4f: {  	_ =	shalt  }
0x50: {  	_ =	shalt  }
0x51: {  	_ =	shalt  }
0x52: {  	_ =	shalt  }
0x53: {  	_ =	shalt  }
0x54: {  	_ =	shalt  }
0x55: {  	_ =	shalt  }
0x56: {  	_ =	shalt  }
0x57: {  	_ =	shalt  }
0x58: {  	_ =	shalt  }
0x59: {  	_ =	shalt  }
0x5a: {  	_ =	shalt  }
0x5b: {  	_ =	shalt  }
0x5c: {  	_ =	shalt  }
0x5d: {  	_ =	shalt  }
0x5e: {  	_ =	shalt  }
0x5f: {  	_ =	shalt  }
0x60: {  	_ =	shalt  }
0x61: {  	_ =	shalt  }
0x62: {  	_ =	shalt  }
0x63: {  	_ =	shalt  }
0x64: {  	_ =	shalt  }
0x65: {  	_ =	shalt  }
0x66: {  	_ =	shalt  }
0x67: {  	_ =	shalt  }
0x68: {  	_ =	shalt  }
0x69: {  	_ =	shalt  }
0x6a: {  	_ =	shalt  }
0x6b: {  	_ =	shalt  }
0x6c: {  	_ =	shalt  }
0x6d: {  	_ =	shalt  }
0x6e: {  	_ =	shalt  }
0x6f: {  	_ =	shalt  }
0x70: {  	_ =	shalt  }
0x71: {  	_ =	shalt  }
0x72: {  	_ =	shalt  }
0x73: {  	_ =	shalt  }
0x74: {  	_ =	shalt  }
0x75: {  	_ =	shalt  }
0x76: {  	_ =	shalt  }
0x77: {  	_ =	shalt  }
0x78: {  	_ =	shalt  }
0x79: {  	_ =	shalt  }
0x7a: {  	_ =	shalt  }
0x7b: {  	_ =	shalt  }
0x7c: {  	_ =	shalt  }
0x7d: {  	_ =	shalt  }
0x7e: {  	_ =	shalt  }
0x7f: {  	_ =	shalt  }
0x80: {  	_ =	shalt  }
0x81: {  	_ =	shalt  }
0x82: {  	_ =	shalt  }
0x83: {  	_ =	shalt  }
0x84: {  	_ =	shalt  }
0x85: {  	_ =	shalt  }
0x86: {  	_ =	shalt  }
0x87: {  	_ =	shalt  }
.Lfunc_end0:
.L_simem_size_0:
called_computation_lowered:
.L_overlay_start_0:
0x88: {  	s2 =	sld [smem:$0x3FD9]  }
0x89: {  	s3 =	sld [smem:$0x3FFE];
	_ =	sdelay $0x1  }
0x8a: {  	s1 =	srdreg.scid  }
0x8b: {  	s0 =	sand.u32 $0x1, s1  }
0x8c: {  	s17 =	sshll.u32 s0, $0xA;
	s2 =	sadd.s32 s3, s2  }
0x8d: {  	s2 =	sadd.s32 s2, s17  }
0x8e: {  	[smem:$0x3FBB] =	sst s2  }
0x8f: {  	_ = 	snop  }
0x90: {  	s2 =	sld [smem:$0x3FC7]  }
0x91: {  	s18 =	sld [smem:$0x3FD0];
	(tm) =	ssettm $0x1  }
0x92: {  	s4 =	sld [smem:$0x3FFB];
	_ =	sdelay $0x3  }
0x93: {  	_ =	strace s4  }
0x94: {  	s4 =	sld [smem:$0x3FFC];
	_ =	sdelay $0x3  }
0x95: {  	_ =	strace s4  }
0x96: {  	s4 =	sld [smem:$0x3FFD];
	_ =	sdelay $0x3  }
0x97: {  	_ =	strace s4  }
0x98: {  	_ =	strace $0x8FFFFFFF  }
0x99: {  	s19 =	sld [smem:$0x3FDB];
	_ =	sdelay $0x1  }
0x9a: {  	s5 =	simm.s32 $_scs_section_size  }
0x9b: {  	s6 =	simm.s32 $_size__tile_overlayer_lowered;
	s7 =	simm.s32 $_tile_overlayer_lowered  }
0x9c: {  	s22 =	simm.s32 $0x1BFF;
	s21 =	sshll.u32 s7, $0x1;
	s4 =	sadd.s32 s5, s19  }
0x9d: {  	s8 =	simm.s32 $0x0;
	s20 =	sshll.u32 s6, $0x1;
	s6 =	sadd.s32 s21, s4  }
0x9e: {  	[timem:s8], [sflag:s22] =	dma.local [hbm:s6], s20  }
0x9f: {  	_ =	swait.ge [sflag:s22], s20  }
0xa0: {  	s5 =	ssub.s32 $0x0, s20;
	[sflag:s22] =	ssyncset.done $0x0  }
0xa1: {  	[sflag:s22] =	ssyncadd.s32 s5;
	_ =	sdelay $0x1  }
0xa2: {  	s23 =	simm.s32 $0x1B8B  }
0xa3: {  	_ =	swait.ge [sflag:s23], $0x1  }
0xa4: {  	[sflag:s23] =	ssyncset.done $0x0  }
0xa5: {  	s25 =	simm.s32 $0x1B8E;
	s24 =	sld [smem:$0x3FFE];
	[sflag:s23] =	ssyncadd.s32 $0xFFFFFFFF  }
0xa6: {  	s26 =	simm.s32 $execute0_lowered;
	[smem:$0x3FD2] =	sst s25  }
0xa7: {  	s6 =	sshll.u32 s26, $0x1;
	_ =	strace $0x80000046;
	[dreg:$0x1] =	wrdreg $0xFFFFFFFF  }
0xa8: {  	s28 =	simm.s32 $_size_execute0_lowered;
	s4 =	sadd.s32 s4, s6;
	[dreg:$0x0] =	wrdreg $0x0  }
0xa9: {  	s6 =	sshll.u32 s28, $0x1;
	[dreg:$0x2] =	wrdreg s4  }
0xaa: {  	[dreg:$0x3] =	wrdreg s6  }
0xab: {  	[dreg:$0x4] =	wrdreg $0xC0  }
0xac: {  	_ =	task [dreg:s8], $0x5FFFF  }
0xad: {  	[dreg:$0x1] =	wrdreg $0xFFFFFFFF  }
0xae: {  	[dreg:$0x0] =	wrdreg $0x60  }
0xaf: {  	[dreg:$0x2] =	wrdreg s18  }
0xb0: {  	[dreg:$0x3] =	wrdreg s24  }
0xb1: {  	[dreg:$0x4] =	wrdreg s2  }
0xb2: {  	[dreg:$0x5] =	wrdreg $0x82000  }
0xb3: {  	[dreg:$0x6] =	wrdreg $0x9  }
0xb4: {  	_ =	task.clear_ibuf [dreg:s8], $0x7FFFF;
	_ =	strace $0x90000046  }
0xb5: {  	s29 =	simm.s32 $0x9;
	_ =	strace $0x80000048  }
0xb6: {  	_ =	swait.ge [sflag:s29], $0x1  }
0xb7: {  	[sflag:s29] =	ssyncadd.s32 $0xFFFFFFFF  }
0xb8: {  	_ =	strace $0x90000048  }
0xb9: {  	_ =	sfence  }
0xba: {  	s30 =	sld [smem:$0x0];
	_ =	sdelay $0x2  }
0xbb: {  	s31 =	sshll.u32 s1, $0xD;
	s1 =	sshrl.u32 s1, $0x2  }
0xbc: {  	s3 =	sand.u32 $0x4000, s31;
	s1 =	sadd.s32 s1, s30  }
0xbd: {  	s0 =	sor.u32 s3, s0;
	s1 =	sshll.u32 s1, $0x11  }
0xbe: {  	s0 =	sor.u32 s1, s0  }
0xbf: {  	s0 =	sadd.s32 $0x8F2B, s0  }
0xc0: {  	[sflag:s0] =	ssyncadd.remote.s32 $0x1  }
0xc1: {  	_ =	sfence.sel $0xFFFF  }
0xc2: {  	[dreg:$0x0] =	wrdreg $0xFFFFFFFF;
	(pc) =	sbr.abs _section_cstart, $3  }
0xc3: {  	[dreg:$0x1] =	wrdreg $0xFFFFFFFF  }
0xc4: {  	_ =	task.clear_ibuf [dreg:s8], $0x2FFFF;
	_ =	strace $0x9FFFFFFF  }
0xc5: {  	(tm) =	ssettm $0x7FFFFFFF  }
tec
execute0_lowered:
.L_overlay_start_1:
0x0: {  	(tag) =	ssettag $0x1  }
0x1: {  	s1 =	rddreg [dreg:$0x0]  }
0x2: {  	s0 =	rddreg [dreg:$0x1]  }
0x3: {  	s9 =	rddreg [dreg:$0x2]  }
0x4: {  	s10 =	rddreg [dreg:$0x3];
	s4 =	simm.s32 $0x0;
	s2 =	srdreg.scid  }
0x5: {  	s11 =	stileid.u32;
	[smem:$0x7FF] =	sst s4  }
0x6: {  	s2 =	sand.u32 $0x1, s2;
	s6 =	sadd.s32 $0x15800, s0;
	s13 =	sadd.s32 $0xBA00, s0  }
0x7: {  	s14 =	sadd.s32 $0x1C00, s0;
	s5 =	smul.u32 $0x16800, s11;
	s7 =	sadd.s32 $0x1A00, s0  }
0x8: {  	s18 =	sadd.s32 $0x3CA00, s0;
	_ =	strace $0x80000047;
	[dreg:$0x7] =	wrdreg s7  }
0x9: {  	s19 =	sshll.u32 s11, $0x1;
	s3 =	smul.u32 $0x168000, s2;
	[dreg:$0x8] =	wrdreg s18  }
0xa: {  	s8 =	ssub.s32 $0x2, s2;
	s2 =	sor.u32 s2, s19;
	[dreg:$0x5] =	wrdreg s13  }
0xb: {  	s20 =	sshrl.u32 s8, $0x1;
	s15 =	smul.u32 $0x2710, s2;
	s3 =	sadd.s32 s5, s3  }
0xc: {  	[dreg:$0x6] =	wrdreg s14;
	s21 =	ssub.s32 s8, s20;
	s3 =	sshrl.u32 s3, $0x3  }
0xd: {  	s23 =	sshrl.u32 s15, $0x3;
	[dreg:$0x9] =	wrdreg s15;
	s2 =	smax.u32 s21, $0x1  }
0xe: {  	s24 =	sadd.s32 $0x28, s15;
	s25 =	sadd.s32 s13, s23;
	[dreg:$0x12] =	wrdreg s2  }
0xf: {  	s0 =	sadd.s32 s3, s0;
	s28 =	sadd.s32 s14, s23;
	[dreg:$0xa] =	wrdreg s25  }
0x10: {  	s7 =	sshrl.u32 s24, $0x3;
	s3 =	sadd.s32 s9, s23;
	[dreg:$0xb] =	wrdreg s28  }
0x11: {  	s22 =	sshll.u32 s11, $0x6;
	[dreg:$0xc] =	wrdreg s3;
	s29 =	sadd.s32 s13, s7  }
0x12: {  	s26 =	smul.u32 $0x5A000, s11;
	s30 =	sadd.s32 s14, s7;
	[dreg:$0xd] =	wrdreg s29  }
0x13: {  	s12 =	sor.u32 $0x1C09, s22;
	s31 =	sadd.s32 s9, s7;
	[dreg:$0xe] =	wrdreg s30  }
0x14: {  	s7 =	sshrl.u32 s26, $0x2;
	s0 =	sadd.s32 $0x3CE00, s0;
	[dreg:$0xf] =	wrdreg s31  }
0x15: {  	s8 =	sadd.s32 s5, s10;
	[dreg:$0x10] =	wrdreg s0;
	s9 =	sadd.s32 s7, s10  }
0x16: {  	s0 =	sshrl.u32 s8, $0x3;
	s10 =	sadd.s32 $0x1680, s9;
	[dreg:$0x11] =	wrdreg s9  }
0x17: {  	s3 =	sadd.s32 $0x2D00, s9;
	[smem:$0x7FD] =	sst s0;
	s2 =	sshrl.u32 s10, $0x3  }
0x18: {  	s11 =	sadd.s32 $0x4380, s9;
	s13 =	sshrl.u32 s3, $0x3;
	[dreg:$0x13] =	wrdreg s2  }
0x19: {  	s16 =	sadd.s32 $0x7080, s9;
	s14 =	sshrl.u32 s11, $0x3;
	[dreg:$0x14] =	wrdreg s13  }
0x1a: {  	s20 =	sadd.s32 $0xB400, s9;
	s17 =	sshrl.u32 s16, $0x3;
	[dreg:$0x15] =	wrdreg s14  }
0x1b: {  	s24 =	sadd.s32 $0xF780, s9;
	s21 =	sshrl.u32 s20, $0x3;
	[dreg:$0x17] =	wrdreg s17  }
0x1c: {  	s29 =	sadd.s32 $0x13B00, s9;
	s25 =	sshrl.u32 s24, $0x3;
	[dreg:$0x1a] =	wrdreg s21  }
0x1d: {  	s15 =	sadd.s32 $0x5A00, s9;
	s30 =	sshrl.u32 s29, $0x3;
	[dreg:$0x1d] =	wrdreg s25  }
0x1e: {  	s18 =	sadd.s32 $0x8700, s9;
	s2 =	sshrl.u32 s15, $0x3;
	[smem:$0x7FB] =	sst s30  }
0x1f: {  	s19 =	sadd.s32 $0x9D80, s9;
	[dreg:$0x16] =	wrdreg s2;
	s2 =	sshrl.u32 s18, $0x3  }
0x20: {  	s22 =	sadd.s32 $0xCA80, s9;
	[dreg:$0x18] =	wrdreg s2;
	s2 =	sshrl.u32 s19, $0x3  }
0x21: {  	s23 =	sadd.s32 $0xE100, s9;
	[dreg:$0x19] =	wrdreg s2;
	s2 =	sshrl.u32 s22, $0x3  }
0x22: {  	s26 =	sadd.s32 $0x10E00, s9;
	[dreg:$0x1b] =	wrdreg s2;
	s2 =	sshrl.u32 s23, $0x3  }
0x23: {  	s28 =	sadd.s32 $0x12480, s9;
	[dreg:$0x1c] =	wrdreg s2;
	s2 =	sshrl.u32 s26, $0x3  }
0x24: {  	s31 =	sadd.s32 $0x15180, s9;
	[dreg:$0x1e] =	wrdreg s2;
	s2 =	sshrl.u32 s28, $0x3  }
0x25: {  	v0 =	vimm.f32 $0.0e+00;
	vm0 =	vcmask $0x300;
	s17 =	simm.s32 $0x9;
	[dreg:$0x1f] =	wrdreg s2;
	s2 =	sshrl.u32 s31, $0x3  }
0x26: {  	v0 =	vsel vm0, $0x3F800000, v0;
	s18 =	simm.s32 $0x28;
	[smem:$0x7FC] =	sst s2;
	s2 =	simm.s32 $0x0  }
.LBB2_1:
0x27: {  	[smem:$0x7FA] =	sst s2  }
0x28: {  	s0 =	rddreg [dreg:$0x11]  }
0x29: {  	s10 =	rddreg [dreg:$0x8];
	s0 =	sshrl.u32 s0, $0x3  }
0x2a: {  	[spmem:s0], [sflag:s12] =	dma.local [hbm:s10], $0x2D0  }
0x2b: {  	_ =	swait.ge [sflag:s17], $0x2D0  }
0x2c: {  	[sflag:s17] =	ssyncset.done $0x0  }
0x2d: {  	s11 =	rddreg [dreg:$0x13];
	[sflag:s17] =	ssyncadd.s32 $0xFFFFFD30  }
0x2e: {  	[spmem:s11], [sflag:s12] =	dma.local [hbm:s10], $0x2D0  }
0x2f: {  	_ =	swait.ge [sflag:s17], $0x2D0  }
0x30: {  	[sflag:s17] =	ssyncset.done $0x0  }
0x31: {  	s13 =	rddreg [dreg:$0x14];
	[sflag:s17] =	ssyncadd.s32 $0xFFFFFD30  }
0x32: {  	[spmem:s13], [sflag:s12] =	dma.local [hbm:s10], $0x2D0  }
0x33: {  	_ =	swait.ge [sflag:s17], $0x2D0  }
0x34: {  	[sflag:s17] =	ssyncset.done $0x0  }
0x35: {  	s14 =	rddreg [dreg:$0x15];
	[sflag:s17] =	ssyncadd.s32 $0xFFFFFD30  }
0x36: {  	[spmem:s14], [sflag:s12] =	dma.local [hbm:s10], $0x2D0  }
0x37: {  	_ =	swait.ge [sflag:s17], $0x2D0  }
0x38: {  	[sflag:s17] =	ssyncset.done $0x0  }
0x39: {  	s15 =	rddreg [dreg:$0x16];
	[sflag:s17] =	ssyncadd.s32 $0xFFFFFD30  }
0x3a: {  	[spmem:s15], [sflag:s12] =	dma.local [hbm:s10], $0x2D0  }
0x3b: {  	_ =	swait.ge [sflag:s17], $0x2D0  }
0x3c: {  	[sflag:s17] =	ssyncset.done $0x0  }
0x3d: {  	s16 =	rddreg [dreg:$0x17];
	[sflag:s17] =	ssyncadd.s32 $0xFFFFFD30  }
0x3e: {  	[spmem:s16], [sflag:s12] =	dma.local [hbm:s10], $0x2D0  }
0x3f: {  	_ =	swait.ge [sflag:s17], $0x2D0  }
0x40: {  	[sflag:s17] =	ssyncset.done $0x0  }
0x41: {  	s19 =	rddreg [dreg:$0x18];
	[sflag:s17] =	ssyncadd.s32 $0xFFFFFD30  }
0x42: {  	[spmem:s19], [sflag:s12] =	dma.local [hbm:s10], $0x2D0  }
0x43: {  	_ =	swait.ge [sflag:s17], $0x2D0  }
0x44: {  	[sflag:s17] =	ssyncset.done $0x0  }
0x45: {  	s20 =	rddreg [dreg:$0x19];
	[sflag:s17] =	ssyncadd.s32 $0xFFFFFD30  }
0x46: {  	[spmem:s20], [sflag:s12] =	dma.local [hbm:s10], $0x2D0  }
0x47: {  	_ =	swait.ge [sflag:s17], $0x2D0  }
0x48: {  	[sflag:s17] =	ssyncset.done $0x0  }
0x49: {  	s21 =	rddreg [dreg:$0x1a];
	[sflag:s17] =	ssyncadd.s32 $0xFFFFFD30  }
0x4a: {  	[spmem:s21], [sflag:s12] =	dma.local [hbm:s10], $0x2D0  }
0x4b: {  	_ =	swait.ge [sflag:s17], $0x2D0  }
0x4c: {  	[sflag:s17] =	ssyncset.done $0x0  }
0x4d: {  	s22 =	rddreg [dreg:$0x1b];
	[sflag:s17] =	ssyncadd.s32 $0xFFFFFD30  }
0x4e: {  	[spmem:s22], [sflag:s12] =	dma.local [hbm:s10], $0x2D0  }
0x4f: {  	_ =	swait.ge [sflag:s17], $0x2D0  }
0x50: {  	[sflag:s17] =	ssyncset.done $0x0  }
0x51: {  	s23 =	rddreg [dreg:$0x1c];
	[sflag:s17] =	ssyncadd.s32 $0xFFFFFD30  }
0x52: {  	[spmem:s23], [sflag:s12] =	dma.local [hbm:s10], $0x2D0  }
0x53: {  	_ =	swait.ge [sflag:s17], $0x2D0  }
0x54: {  	[sflag:s17] =	ssyncset.done $0x0  }
0x55: {  	s24 =	rddreg [dreg:$0x1d];
	[sflag:s17] =	ssyncadd.s32 $0xFFFFFD30  }
0x56: {  	[spmem:s24], [sflag:s12] =	dma.local [hbm:s10], $0x2D0  }
0x57: {  	_ =	swait.ge [sflag:s17], $0x2D0  }
0x58: {  	[sflag:s17] =	ssyncset.done $0x0  }
0x59: {  	s25 =	rddreg [dreg:$0x1e];
	[sflag:s17] =	ssyncadd.s32 $0xFFFFFD30  }
0x5a: {  	[spmem:s25], [sflag:s12] =	dma.local [hbm:s10], $0x2D0  }
0x5b: {  	_ =	swait.ge [sflag:s17], $0x2D0  }
0x5c: {  	[sflag:s17] =	ssyncset.done $0x0  }
0x5d: {  	s26 =	rddreg [dreg:$0x1f];
	[sflag:s17] =	ssyncadd.s32 $0xFFFFFD30  }
0x5e: {  	[spmem:s26], [sflag:s12] =	dma.local [hbm:s10], $0x2D0  }
0x5f: {  	_ =	swait.ge [sflag:s17], $0x2D0  }
0x60: {  	s28 =	sld [smem:$0x7FB]  }
0x61: {  	[sflag:s17] =	ssyncset.done $0x0  }
0x62: {  	[sflag:s17] =	ssyncadd.s32 $0xFFFFFD30  }
0x63: {  	[spmem:s28], [sflag:s12] =	dma.local [hbm:s10], $0x2D0  }
0x64: {  	_ =	swait.ge [sflag:s17], $0x2D0  }
0x65: {  	s29 =	sld [smem:$0x7FC]  }
0x66: {  	[sflag:s17] =	ssyncset.done $0x0  }
0x67: {  	[sflag:s17] =	ssyncadd.s32 $0xFFFFFD30  }
0x68: {  	[spmem:s29], [sflag:s12] =	dma.local [hbm:s10], $0x2D0  }
0x69: {  	_ =	swait.ge [sflag:s17], $0x2D0  }
0x6a: {  	[sflag:s17] =	ssyncset.done $0x0  }
0x6b: {  	s31 =	simm.s32 $0x7F00;
	s30 =	rddreg [dreg:$0x7];
	[sflag:s17] =	ssyncadd.s32 $0xFFFFFD30  }
0x6c: {  	[tilespmem:s31], [sflag:$0x9] =	stream.linear.gather [hbm4b:s30+s4], $0x80, $0x38;
	[tilespmem:$0x1EA00] =	vst v63  }
0x6d: {  	_ =	swait.ge [sflag:s17], $0x80  }
0x6e: {  	[sflag:s17] =	ssyncset.done $0x0  }
0x6f: {  	s2 =	simm.s32 $0x0;
	s0 =	simm.s32 $0x240;
	[sflag:s17] =	ssyncadd.s32 $0xFFFFFF80  }
.LBB2_2:
0x70: {  	p0 =	sne.s32 s0, $0x57C0;
	[tilespmem:s2+$0x5280] =	vst v0;
	s3 =	smov.u32 s0;
	s0 =	sadd.s32 $0x240, s0  }
.Ltmp0:
0x71: {  	[tilespmem:s2+$0x6900] =	vst v0;
	(pc) =	sbr.rel @p0 .LBB2_2-.Ltmp0, $2  }
0x72: {  	_ =	sdelay $0x2  }
0x73: {  	s2 =	sshra.s32 s3, $0x2  }
0x74: {  	[tilespmem:s2+$0x5280] =	vst v0  }
0x75: {  	[tilespmem:s2+$0x6900] =	vst v0  }
0x76: {  	[bflag:$0x0] =	sbarrier.arrive $0xFFFF  }
0x77: {  	v1 =	vld [tilespmem:$0x7F00]  }
0x78: {  	v2 =	vld [tilespmem:$0x7F10]  }
0x79: {  	v3 =	vld [tilespmem:$0x7F20]  }
0x7a: {  	v4 =	vld [tilespmem:$0x7F30]  }
0x7b: {  	v5 =	vld [tilespmem:$0x7F40]  }
0x7c: {  	v6 =	vld [tilespmem:$0x7F50]  }
0x7d: {  	s25 =	simm.s32 $0x0;
	v7 =	vld [tilespmem:$0x7F60];
	s0 =	rddreg [dreg:$0xa]  }
0x7e: {  	v8 =	vld [tilespmem:$0x7F70];
	[tilespmem:s25], [sflag:$0x1] =	stream.linear.gather [hbm4b:s0+s25], $0x28, $0x38  }
0x7f: {  	s16 =	simm.s32 $0xA0;
	s15 =	rddreg [dreg:$0xb]  }
0x80: {  	[tilespmem:s16], [sflag:$0x1] =	stream.linear.gather [hbm4b:s15+s25], $0x28, $0x38;
	[tilespmem:$0x1EA00] =	vst v63  }
0x81: {  	s3 =	simm.s32 $0x140;
	s19 =	rddreg [dreg:$0xc]  }
0x82: {  	[tilespmem:s3], [sflag:$0x1] =	stream.linear.gather [hbm4b:s19+s25], $0x28, $0x38;
	[tilespmem:$0x1EA00] =	vst v63  }
0x83: {  	s20 =	rddreg [dreg:$0xd]  }
0x84: {  	[tilespmem:s18], [sflag:$0x2] =	stream.linear.gather [hbm4b:s20+s25], $0x28, $0x38;
	[tilespmem:$0x1EA00] =	vst v63  }
0x85: {  	s22 =	simm.s32 $0xC8;
	s21 =	rddreg [dreg:$0xe]  }
0x86: {  	[tilespmem:s22], [sflag:$0x2] =	stream.linear.gather [hbm4b:s21+s25], $0x28, $0x38;
	[tilespmem:$0x1EA00] =	vst v63  }
0x87: {  	s5 =	simm.s32 $0x170;
	s24 =	simm.s32 $0x1;
	s23 =	rddreg [dreg:$0xf]  }
0x88: {  	[tilespmem:s5], [sflag:$0x2] =	stream.linear.gather [hbm4b:s23+s25], $0x28, $0x38;
	[tilespmem:$0x1EA00] =	vst v63  }
0x89: {  	_ =	swait.ge [sflag:s24], $0x28  }
0x8a: {  	[sflag:s24] =	ssyncset.done $0x0  }
0x8b: {  	[sflag:s24] =	ssyncadd.s32 $0xFFFFFFD8  }
0x8c: {  	_ =	swait.ge [sflag:s24], $0x28  }
0x8d: {  	[sflag:s24] =	ssyncset.done $0x0  }
0x8e: {  	[sflag:s24] =	ssyncadd.s32 $0xFFFFFFD8  }
0x8f: {  	_ =	swait.ge [sflag:s24], $0x28  }
0x90: {  	[sflag:s24] =	ssyncset.done $0x0  }
0x91: {  	s26 =	simm.s32 $0x200;
	[sflag:s24] =	ssyncadd.s32 $0xFFFFFFD8  }
0x92: {  	[tilespmem:s26], [sflag:$0x5] =	stream.indirect.gather [hbm4b:s1+s18], $0x80, s25, s18, $0xb8;
	[tilespmem:$0x1EA00] =	vst v63  }
0x93: {  	s28 =	simm.s32 $0x2A00;
	s29 =	simm.s32 $0x2  }
0x94: {  	[tilespmem:s28], [sflag:$0x5] =	stream.indirect.gather [hbm4b:s6+s18], $0x80, s16, s18, $0xb8;
	[tilespmem:$0x1EA00] =	vst v63  }
0x95: {  	_ =	swait.ge [sflag:s29], $0x28  }
0x96: {  	[sflag:s29] =	ssyncset.done $0x0  }
0x97: {  	[sflag:s29] =	ssyncadd.s32 $0xFFFFFFD8  }
0x98: {  	_ =	swait.ge [sflag:s29], $0x28  }
0x99: {  	[sflag:s29] =	ssyncset.done $0x0  }
0x9a: {  	[sflag:s29] =	ssyncadd.s32 $0xFFFFFFD8  }
0x9b: {  	_ =	swait.ge [sflag:s29], $0x28  }
0x9c: {  	[sflag:s29] =	ssyncset.done $0x0  }
0x9d: {  	s30 =	simm.s32 $0x1600;
	[sflag:s29] =	ssyncadd.s32 $0xFFFFFFD8  }
0x9e: {  	[tilespmem:s30], [sflag:$0x6] =	stream.indirect.gather [hbm4b:s1+s18], $0x80, s18, s18, $0xb8;
	[tilespmem:$0x1EA00] =	vst v63  }
0x9f: {  	s31 =	simm.s32 $0x3E00;
	p0 =	por $0x0, $0x0  }
0xa0: {  	[tilespmem:s31], [sflag:$0x6] =	stream.indirect.gather [hbm4b:s6+s18], $0x80, s22, s18, $0xb8;
	[tilespmem:$0x1EA00] =	vst v63  }
.LBB2_4:
0xa1: {  	s28 =	sand.u32 $0x1, s25  }
0xa2: {  	s26 =	sadd.s32 $0x5, s28  }
0xa3: {  	_ =	swait.ge [sflag:s26], $0x1400  }
0xa4: {  	[sflag:s26] =	ssyncset.done $0x0  }
0xa5: {  	[sflag:s26] =	ssyncadd.s32 $0xFFFFEC00  }
0xa6: {  	_ =	swait.ge [sflag:s26], $0x1400  }
0xa7: {  	p1 =	slt.u32 s25, $0x2;
	[sflag:s26] =	ssyncset.done $0x0  }
0xa8: {  	s2 =	sadd.s32 @!p1 $0x7, s28;
	p2 =	sgt.u32 @!p1 s25, $0xF7;
	[sflag:s26] =	ssyncadd.s32 $0xFFFFEC00  }
0xa9: {  	s0 =	sadd.s32 $0x2, s25;
	p2 =	por p1, !p2;
	_ =	swait.ge @!p1 [sflag:s2], $0x1680  }
0xaa: {  	s29 =	sand.u32 $0x3, s0;
	s0 =	smul.u32 @p2 $0x28, s0;
	[sflag:s2] =	ssyncset.done @!p1 $0x0  }
0xab: {  	[sflag:s2] =	ssyncadd.s32 @!p1 $0xFFFFE980;
	s2 =	rddreg @p2 [dreg:$0x9]  }
0xac: {  	s0 =	sadd.s32 @p2 s2, s0  }
0xad: {  	s5 =	rddreg @p2 [dreg:$0x5];
	s2 =	smul.u32 @p2 $0x28, s29;
	s0 =	sshrl.u32 @p2 s0, $0x3  }
0xae: {  	s3 =	sadd.s32 @p2 $0x1, s29;
	s5 =	sadd.s32 @p2 s5, s0  }
0xaf: {  	[tilespmem:s2], [sflag:s3] =	stream.linear.gather @p2 [hbm4b:s5+s4], $0x28, $0x38;
	[tilespmem:$0x1EA00] =	vst v63  }
0xb0: {  	s5 =	rddreg @p2 [dreg:$0x6]  }
0xb1: {  	s7 =	smul.u32 @p2 $0xC0, s29;
	s2 =	sadd.s32 @p2 $0xA0, s2;
	s5 =	sadd.s32 @p2 s5, s0  }
0xb2: {  	[tilespmem:s2], [sflag:s3] =	stream.linear.gather @p2 [hbm4b:s5+s4], $0x28, $0x38;
	[tilespmem:$0x1EA00] =	vst v63  }
0xb3: {  	s30 =	sand.u32 $0x3, s25;
	s2 =	sshrl.u32 @p2 s7, $0x2;
	s5 =	rddreg @p2 [dreg:$0x2]  }
0xb4: {  	s21 =	smul.u32 $0xC0, s30;
	s2 =	sadd.s32 @p2 $0x140, s2;
	s0 =	sadd.s32 @p2 s5, s0  }
0xb5: {  	[tilespmem:s2], [sflag:s3] =	stream.linear.gather @p2 [hbm4b:s0+s4], $0x28, $0x38;
	[tilespmem:$0x1EA00] =	vst v63  }
0xb6: {  	s0 =	sshrl.u32 s21, $0x2  }
0xb7: {  	v9 =	vld [tilespmem:s0+$0x140];
	_ =	sdelay $0x4  }
0xb8: {  	v10 =	vbroadcast v9, $0x0  }
0xb9: {  	v11 =	vbroadcast v9, $0x1  }
0xba: {  	[tilespmem:$0x7F80] =	vst v10;
	v10 =	vbroadcast v9, $0x2  }
0xbb: {  	[tilespmem:$0x7F90] =	vst v11;
	v11 =	vbroadcast v9, $0x3  }
0xbc: {  	[tilespmem:$0x7FA0] =	vst v10;
	v10 =	vbroadcast v9, $0x4  }
0xbd: {  	[tilespmem:$0x7FB0] =	vst v11;
	v11 =	vbroadcast v9, $0x5  }
0xbe: {  	[tilespmem:$0x7FC0] =	vst v10;
	v10 =	vbroadcast v9, $0x6  }
0xbf: {  	[tilespmem:$0x7FD0] =	vst v11;
	v11 =	vbroadcast v9, $0x7  }
0xc0: {  	[tilespmem:$0x7FE0] =	vst v10;
	v10 =	vbroadcast v9, $0x8  }
0xc1: {  	[tilespmem:$0x7FF0] =	vst v11;
	v11 =	vbroadcast v9, $0x9  }
0xc2: {  	[tilespmem:$0x8000] =	vst v10;
	v10 =	vbroadcast v9, $0xA  }
0xc3: {  	[tilespmem:$0x8010] =	vst v11;
	v11 =	vbroadcast v9, $0xB  }
0xc4: {  	[tilespmem:$0x8020] =	vst v10;
	v10 =	vbroadcast v9, $0xC  }
0xc5: {  	[tilespmem:$0x8030] =	vst v11;
	v11 =	vbroadcast v9, $0xD  }
0xc6: {  	[tilespmem:$0x8040] =	vst v10;
	v10 =	vbroadcast v9, $0xE  }
0xc7: {  	[tilespmem:$0x8050] =	vst v11;
	v9 =	vbroadcast v9, $0xF  }
0xc8: {  	[tilespmem:$0x8060] =	vst v10  }
0xc9: {  	[tilespmem:$0x8070] =	vst v9  }
0xca: {  	v9 =	vld [tilespmem:s0+$0x150];
	_ =	sdelay $0x4  }
0xcb: {  	v10 =	vbroadcast v9, $0x0  }
0xcc: {  	v11 =	vbroadcast v9, $0x1  }
0xcd: {  	[tilespmem:$0x8080] =	vst v10;
	v10 =	vbroadcast v9, $0x2  }
0xce: {  	[tilespmem:$0x8090] =	vst v11;
	v11 =	vbroadcast v9, $0x3  }
0xcf: {  	[tilespmem:$0x80A0] =	vst v10;
	v10 =	vbroadcast v9, $0x4  }
0xd0: {  	[tilespmem:$0x80B0] =	vst v11;
	v11 =	vbroadcast v9, $0x5  }
0xd1: {  	[tilespmem:$0x80C0] =	vst v10;
	v10 =	vbroadcast v9, $0x6  }
0xd2: {  	[tilespmem:$0x80D0] =	vst v11;
	v11 =	vbroadcast v9, $0x7  }
0xd3: {  	[tilespmem:$0x80E0] =	vst v10;
	v10 =	vbroadcast v9, $0x8  }
0xd4: {  	[tilespmem:$0x80F0] =	vst v11;
	v11 =	vbroadcast v9, $0x9  }
0xd5: {  	[tilespmem:$0x8100] =	vst v10;
	v10 =	vbroadcast v9, $0xA  }
0xd6: {  	[tilespmem:$0x8110] =	vst v11;
	v11 =	vbroadcast v9, $0xB  }
0xd7: {  	[tilespmem:$0x8120] =	vst v10;
	v10 =	vbroadcast v9, $0xC  }
0xd8: {  	[tilespmem:$0x8130] =	vst v11;
	v11 =	vbroadcast v9, $0xD  }
0xd9: {  	[tilespmem:$0x8140] =	vst v10;
	v10 =	vbroadcast v9, $0xE  }
0xda: {  	[tilespmem:$0x8150] =	vst v11;
	v9 =	vbroadcast v9, $0xF  }
0xdb: {  	[tilespmem:$0x8160] =	vst v10  }
0xdc: {  	[tilespmem:$0x8170] =	vst v9  }
0xdd: {  	v9 =	vld [tilespmem:s0+$0x160];
	_ =	sdelay $0x4  }
0xde: {  	v10 =	vbroadcast v9, $0x0  }
0xdf: {  	v11 =	vbroadcast v9, $0x1  }
0xe0: {  	[tilespmem:$0x8180] =	vst v10;
	v10 =	vbroadcast v9, $0x2  }
0xe1: {  	[tilespmem:$0x8190] =	vst v11;
	v11 =	vbroadcast v9, $0x3  }
0xe2: {  	[tilespmem:$0x81A0] =	vst v10;
	v10 =	vbroadcast v9, $0x4  }
0xe3: {  	s0 =	simm.s32 $0x1;
	[tilespmem:$0x81B0] =	vst v11;
	v11 =	vbroadcast v9, $0x5  }
0xe4: {  	s0 =	simm.s32 @!p0 $0x0;
	[tilespmem:$0x81C0] =	vst v10;
	v10 =	vbroadcast v9, $0x6  }
0xe5: {  	s22 =	smul.u32 $0x5000, s0;
	[tilespmem:$0x81D0] =	vst v11;
	v9 =	vbroadcast v9, $0x7  }
0xe6: {  	[tilespmem:$0x81E0] =	vst v10  }
0xe7: {  	s23 =	simm.s32 $0x7F90;
	s2 =	sshrl.u32 s22, $0x2;
	[tilespmem:$0x81F0] =	vst v9  }
0xe8: {  	s24 =	sor.u32 $0x280, s2;
	v11 =	vld [tilespmem:s23+$0x0]  }
0xe9: {  	s20 =	sadd.s32 $0x2A80, s2;
	v9 =	vld [tilespmem:s24+$0x0]  }
0xea: {  	v10 =	vld [tilespmem:s20+$0x0];
	_ =	sdelay $0x4  }
0xeb: {  	v9 =	vadd.f32 v10, v9;
	v10 =	vmul.f32 v11, v1;
	_ =	sdelay $0x1  }
0xec: {  	v10 =	vadd.f32 v9, v10;
	_ =	sdelay $0x1  }
0xed: {  	v9 =	vmax.f32 v10, $-4.000000000e+00  }
0xee: {  	v12 =	vmin.f32 v9, $4.000000000e+00  }
0xef: {  	v13 =	vmul.f32 v12, v12;
	_ =	sdelay $0x1  }
0xf0: {  	v9 =	vmul.f32 $1.580965360e-09, v13;
	_ =	sdelay $0x1  }
0xf1: {  	v9 =	vsub.f32 $1.217211430e-07, v9;
	_ =	sdelay $0x1  }
0xf2: {  	v9 =	vmul.f32 v9, v13;
	_ =	sdelay $0x1  }
0xf3: {  	v9 =	vadd.f32 $-4.101089420e-06, v9;
	_ =	sdelay $0x1  }
0xf4: {  	v9 =	vmul.f32 v9, v13;
	_ =	sdelay $0x1  }
0xf5: {  	v9 =	vadd.f32 $8.066988810e-05, v9;
	_ =	sdelay $0x1  }
0xf6: {  	v9 =	vmul.f32 v9, v13;
	_ =	sdelay $0x1  }
0xf7: {  	v9 =	vadd.f32 $-1.048219160e-03, v9;
	_ =	sdelay $0x1  }
0xf8: {  	v9 =	vmul.f32 v9, v13  }
0xf9: {  	v14 =	vld [tilespmem:s24+$0xFFFFFF80]  }
0xfa: {  	v15 =	vld [tilespmem:s20+$0xFFFFFF80];
	v16 =	vadd.f32 $9.664918300e-03, v9  }
0xfb: {  	v9 =	vld [tilespmem:s23+$0xFFFFFFF0]  }
0xfc: {  	v16 =	vmul.f32 v16, v13;
	_ =	sdelay $0x1  }
0xfd: {  	v16 =	vadd.f32 $-6.617543850e-02, v16;
	_ =	sdelay $0x1  }
0xfe: {  	v14 =	vadd.f32 v15, v14;
	v15 =	vmul.f32 v9, v1;
	v13 =	vmul.f32 v16, v13;
	_ =	sdelay $0x1  }
0xff: {  	v14 =	vadd.f32 v14, v15;
	v13 =	vadd.f32 $3.988475200e-01, v13;
	_ =	sdelay $0x1  }
0x100: {  	v15 =	vmax.f32 v14, $-4.000000000e+00;
	v12 =	vmul.f32 v13, v12  }
0x101: {  	v13 =	vmin.f32 v15, $4.000000000e+00  }
0x102: {  	s0 =	smul.u32 $0x5A00, s0;
	v15 =	vmul.f32 v13, v13;
	v12 =	vadd.f32 $5.000000000e-01, v12;
	_ =	sdelay $0x1  }
0x103: {  	s0 =	sshrl.u32 s0, $0x2;
	v16 =	vmul.f32 $1.580965360e-09, v15;
	v10 =	vmul.f32 v12, v10  }
0x104: {  	s31 =	sadd.s32 $0x5290, s0  }
0x105: {  	v12 =	vsub.f32 $1.217211430e-07, v16;
	[tilespmem:s31+$0x0] =	vst v10  }
0x106: {  	v10 =	vld [tilespmem:s24+$0x10]  }
0x107: {  	v12 =	vmul.f32 v12, v15;
	v16 =	vld [tilespmem:s20+$0x10];
	_ =	sdelay $0x1  }
0x108: {  	v12 =	vadd.f32 $-4.101089420e-06, v12;
	_ =	sdelay $0x1  }
0x109: {  	v12 =	vmul.f32 v12, v15  }
0x10a: {  	v10 =	vadd.f32 v16, v10;
	v16 =	vmul.f32 v11, v2  }
0x10b: {  	v12 =	vadd.f32 $8.066988810e-05, v12  }
0x10c: {  	v10 =	vadd.f32 v10, v16  }
0x10d: {  	v12 =	vmul.f32 v12, v15  }
0x10e: {  	v16 =	vmax.f32 v10, $-4.000000000e+00  }
0x10f: {  	v12 =	vadd.f32 $-1.048219160e-03, v12;
	v16 =	vmin.f32 v16, $4.000000000e+00  }
0x110: {  	v17 =	vmul.f32 v16, v16  }
0x111: {  	v12 =	vmul.f32 v12, v15  }
0x112: {  	v18 =	vmul.f32 $1.580965360e-09, v17  }
0x113: {  	v12 =	vadd.f32 $9.664918300e-03, v12  }
0x114: {  	v18 =	vsub.f32 $1.217211430e-07, v18  }
0x115: {  	v12 =	vmul.f32 v12, v15  }
0x116: {  	v18 =	vmul.f32 v18, v17  }
0x117: {  	v12 =	vadd.f32 $-6.617543850e-02, v12  }
0x118: {  	v18 =	vadd.f32 $-4.101089420e-06, v18  }
0x119: {  	v12 =	vmul.f32 v12, v15  }
0x11a: {  	v15 =	vmul.f32 v18, v17  }
0x11b: {  	v12 =	vadd.f32 $3.988475200e-01, v12  }
0x11c: {  	v15 =	vadd.f32 $8.066988810e-05, v15  }
0x11d: {  	v12 =	vmul.f32 v12, v13  }
0x11e: {  	v13 =	vmul.f32 v15, v17  }
0x11f: {  	v12 =	vadd.f32 $5.000000000e-01, v12  }
0x120: {  	v13 =	vadd.f32 $-1.048219160e-03, v13  }
0x121: {  	v12 =	vmul.f32 v12, v14  }
0x122: {  	v13 =	vmul.f32 v13, v17  }
0x123: {  	[tilespmem:s31+$0xFFFFFF70] =	vst v12  }
0x124: {  	v12 =	vld [tilespmem:s24+$0xFFFFFF90];
	v13 =	vadd.f32 $9.664918300e-03, v13  }
0x125: {  	v14 =	vld [tilespmem:s20+$0xFFFFFF90]  }
0x126: {  	v13 =	vmul.f32 v13, v17;
	_ =	sdelay $0x1  }
0x127: {  	v13 =	vadd.f32 $-6.617543850e-02, v13;
	_ =	sdelay $0x1  }
0x128: {  	v15 =	vmul.f32 v9, v2;
	v12 =	vadd.f32 v14, v12;
	v13 =	vmul.f32 v13, v17;
	_ =	sdelay $0x1  }
0x129: {  	v12 =	vadd.f32 v12, v15;
	v13 =	vadd.f32 $3.988475200e-01, v13;
	_ =	sdelay $0x1  }
0x12a: {  	v14 =	vmax.f32 v12, $-4.000000000e+00;
	v13 =	vmul.f32 v13, v16  }
0x12b: {  	v14 =	vmin.f32 v14, $4.000000000e+00  }
0x12c: {  	v15 =	vmul.f32 v14, v14;
	v13 =	vadd.f32 $5.000000000e-01, v13;
	_ =	sdelay $0x1  }
0x12d: {  	v16 =	vmul.f32 $1.580965360e-09, v15;
	v10 =	vmul.f32 v13, v10;
	_ =	sdelay $0x1  }
0x12e: {  	v13 =	vsub.f32 $1.217211430e-07, v16;
	[tilespmem:s31+$0x10] =	vst v10  }
0x12f: {  	v10 =	vld [tilespmem:s24+$0x20]  }
0x130: {  	v13 =	vmul.f32 v13, v15;
	v16 =	vld [tilespmem:s20+$0x20];
	_ =	sdelay $0x1  }
0x131: {  	v13 =	vadd.f32 $-4.101089420e-06, v13;
	_ =	sdelay $0x1  }
0x132: {  	v13 =	vmul.f32 v13, v15  }
0x133: {  	v10 =	vadd.f32 v16, v10;
	v16 =	vmul.f32 v11, v3  }
0x134: {  	v13 =	vadd.f32 $8.066988810e-05, v13  }
0x135: {  	v16 =	vadd.f32 v10, v16  }
0x136: {  	v10 =	vmul.f32 v13, v15  }
0x137: {  	v13 =	vmax.f32 v16, $-4.000000000e+00  }
0x138: {  	v10 =	vadd.f32 $-1.048219160e-03, v10;
	v13 =	vmin.f32 v13, $4.000000000e+00  }
0x139: {  	v17 =	vmul.f32 v13, v13  }
0x13a: {  	v10 =	vmul.f32 v10, v15  }
0x13b: {  	v18 =	vmul.f32 $1.580965360e-09, v17  }
0x13c: {  	v10 =	vadd.f32 $9.664918300e-03, v10  }
0x13d: {  	v18 =	vsub.f32 $1.217211430e-07, v18  }
0x13e: {  	v10 =	vmul.f32 v10, v15  }
0x13f: {  	v18 =	vmul.f32 v18, v17  }
0x140: {  	v10 =	vadd.f32 $-6.617543850e-02, v10  }
0x141: {  	v18 =	vadd.f32 $-4.101089420e-06, v18  }
0x142: {  	v10 =	vmul.f32 v10, v15  }
0x143: {  	s3 =	sadd.s32 $0x100, s24;
	v15 =	vmul.f32 v18, v17  }
0x144: {  	s5 =	simm.s32 $0x7FB0;
	v19 =	vld [tilespmem:s3+$0x0];
	v18 =	vadd.f32 $3.988475200e-01, v10  }
0x145: {  	s22 =	sadd.s32 $0x100, s20;
	v10 =	vld [tilespmem:s5+$0x0];
	v15 =	vadd.f32 $8.066988810e-05, v15  }
0x146: {  	v14 =	vmul.f32 v18, v14;
	v18 =	vld [tilespmem:s22+$0x0]  }
0x147: {  	v15 =	vmul.f32 v15, v17  }
0x148: {  	v14 =	vadd.f32 $5.000000000e-01, v14  }
0x149: {  	v15 =	vadd.f32 $-1.048219160e-03, v15  }
0x14a: {  	v12 =	vmul.f32 v14, v12  }
0x14b: {  	v14 =	vmul.f32 v15, v17;
	v15 =	vadd.f32 v18, v19;
	v18 =	vmul.f32 v10, v1;
	_ =	sdelay $0x1  }
0x14c: {  	[tilespmem:s31+$0xFFFFFF80] =	vst v12;
	v12 =	vadd.f32 $9.664918300e-03, v14;
	v14 =	vadd.f32 v15, v18  }
0x14d: {  	v15 =	vld [tilespmem:s24+$0xFFFFFFA0]  }
0x14e: {  	v18 =	vld [tilespmem:s20+$0xFFFFFFA0];
	v12 =	vmul.f32 v12, v17;
	v19 =	vmax.f32 v14, $-4.000000000e+00  }
0x14f: {  	v19 =	vmin.f32 v19, $4.000000000e+00  }
0x150: {  	v12 =	vadd.f32 $-6.617543850e-02, v12;
	v20 =	vmul.f32 v19, v19;
	_ =	sdelay $0x1  }
0x151: {  	v12 =	vmul.f32 v12, v17;
	v17 =	vmul.f32 $1.580965360e-09, v20  }
0x152: {  	v21 =	vmul.f32 v9, v3;
	v15 =	vadd.f32 v18, v15  }
0x153: {  	v12 =	vadd.f32 $3.988475200e-01, v12;
	v17 =	vsub.f32 $1.217211430e-07, v17  }
0x154: {  	v15 =	vadd.f32 v15, v21  }
0x155: {  	v12 =	vmul.f32 v12, v13;
	v13 =	vmul.f32 v17, v20  }
0x156: {  	v18 =	vld [tilespmem:s3+$0xFFFFFF80];
	v17 =	vmax.f32 v15, $-4.000000000e+00  }
0x157: {  	v21 =	vld [tilespmem:s22+$0xFFFFFF80];
	v17 =	vmin.f32 v17, $4.000000000e+00;
	v22 =	vadd.f32 $5.000000000e-01, v12;
	v13 =	vadd.f32 $-4.101089420e-06, v13  }
0x158: {  	v23 =	vmul.f32 v17, v17;
	v12 =	vld [tilespmem:s5+$0xFFFFFFF0]  }
0x159: {  	v16 =	vmul.f32 v22, v16;
	v13 =	vmul.f32 v13, v20  }
0x15a: {  	v22 =	vmul.f32 $1.580965360e-09, v23  }
0x15b: {  	[tilespmem:s31+$0x20] =	vst v16;
	v13 =	vadd.f32 $8.066988810e-05, v13  }
0x15c: {  	v16 =	vsub.f32 $1.217211430e-07, v22;
	v22 =	vld [tilespmem:s24+$0x30]  }
0x15d: {  	v18 =	vadd.f32 v21, v18;
	v21 =	vmul.f32 v12, v1;
	v24 =	vld [tilespmem:s20+$0x30];
	v13 =	vmul.f32 v13, v20;
	_ =	sdelay $0x1  }
0x15e: {  	v16 =	vmul.f32 v16, v23;
	v18 =	vadd.f32 v18, v21;
	v13 =	vadd.f32 $-1.048219160e-03, v13;
	_ =	sdelay $0x1  }
0x15f: {  	v16 =	vadd.f32 $-4.101089420e-06, v16;
	v21 =	vmax.f32 v18, $-4.000000000e+00;
	v13 =	vmul.f32 v13, v20  }
0x160: {  	v21 =	vmin.f32 v21, $4.000000000e+00;
	v22 =	vadd.f32 v24, v22;
	v24 =	vmul.f32 v11, v4  }
0x161: {  	v25 =	vmul.f32 v21, v21;
	v13 =	vadd.f32 $9.664918300e-03, v13  }
0x162: {  	v16 =	vmul.f32 v16, v23;
	v22 =	vadd.f32 v22, v24  }
0x163: {  	v24 =	vmul.f32 $1.580965360e-09, v25;
	v13 =	vmul.f32 v13, v20  }
0x164: {  	v16 =	vadd.f32 $8.066988810e-05, v16;
	v26 =	vmax.f32 v22, $-4.000000000e+00  }
0x165: {  	v24 =	vsub.f32 $1.217211430e-07, v24;
	v26 =	vmin.f32 v26, $4.000000000e+00;
	v13 =	vadd.f32 $-6.617543850e-02, v13  }
0x166: {  	v16 =	vmul.f32 v16, v23;
	v27 =	vmul.f32 v26, v26  }
0x167: {  	v24 =	vmul.f32 v24, v25;
	v13 =	vmul.f32 v13, v20  }
0x168: {  	v16 =	vadd.f32 $-1.048219160e-03, v16;
	v20 =	vmul.f32 $1.580965360e-09, v27  }
0x169: {  	v24 =	vadd.f32 $-4.101089420e-06, v24;
	v13 =	vadd.f32 $3.988475200e-01, v13  }
0x16a: {  	v16 =	vmul.f32 v16, v23;
	v20 =	vsub.f32 $1.217211430e-07, v20  }
0x16b: {  	v24 =	vmul.f32 v24, v25;
	v13 =	vmul.f32 v13, v19  }
0x16c: {  	v16 =	vadd.f32 $9.664918300e-03, v16;
	v19 =	vmul.f32 v20, v27  }
0x16d: {  	v20 =	vadd.f32 $8.066988810e-05, v24;
	v13 =	vadd.f32 $5.000000000e-01, v13  }
0x16e: {  	v16 =	vmul.f32 v16, v23;
	v19 =	vadd.f32 $-4.101089420e-06, v19  }
0x16f: {  	v20 =	vmul.f32 v20, v25;
	v13 =	vmul.f32 v13, v14  }
0x170: {  	s0 =	sadd.s32 $0x120, s31;
	v14 =	vmul.f32 v19, v27  }
0x171: {  	v16 =	vadd.f32 $-6.617543850e-02, v16;
	v19 =	vadd.f32 $-1.048219160e-03, v20;
	[tilespmem:s0+$0x0] =	vst v13  }
0x172: {  	v13 =	vadd.f32 $8.066988810e-05, v14;
	v14 =	vld [tilespmem:s3+$0x10]  }
0x173: {  	v16 =	vmul.f32 v16, v23;
	v19 =	vmul.f32 v19, v25;
	v20 =	vld [tilespmem:s22+$0x10]  }
0x174: {  	v13 =	vmul.f32 v13, v27  }
0x175: {  	v16 =	vadd.f32 $3.988475200e-01, v16;
	v19 =	vadd.f32 $9.664918300e-03, v19  }
0x176: {  	v13 =	vadd.f32 $-1.048219160e-03, v13  }
0x177: {  	v16 =	vmul.f32 v16, v17;
	v17 =	vmul.f32 v19, v25  }
0x178: {  	v19 =	vmul.f32 v10, v2;
	v13 =	vmul.f32 v13, v27;
	v14 =	vadd.f32 v20, v14  }
0x179: {  	v16 =	vadd.f32 $5.000000000e-01, v16;
	v17 =	vadd.f32 $-6.617543850e-02, v17  }
0x17a: {  	v13 =	vadd.f32 $9.664918300e-03, v13;
	v14 =	vadd.f32 v14, v19  }
0x17b: {  	v17 =	vmul.f32 v17, v25  }
0x17c: {  	v15 =	vmul.f32 v16, v15;
	v13 =	vmul.f32 v13, v27;
	v16 =	vmax.f32 v14, $-4.000000000e+00  }
0x17d: {  	v17 =	vadd.f32 $3.988475200e-01, v17;
	v16 =	vmin.f32 v16, $4.000000000e+00  }
0x17e: {  	[tilespmem:s31+$0xFFFFFF90] =	vst v15;
	v13 =	vadd.f32 $-6.617543850e-02, v13;
	v15 =	vmul.f32 v16, v16  }
0x17f: {  	v19 =	vld [tilespmem:s24+$0xFFFFFFB0];
	v17 =	vmul.f32 v17, v21  }
0x180: {  	v20 =	vld [tilespmem:s20+$0xFFFFFFB0];
	v13 =	vmul.f32 v13, v27;
	v21 =	vmul.f32 $1.580965360e-09, v15  }
0x181: {  	v17 =	vadd.f32 $5.000000000e-01, v17  }
0x182: {  	v13 =	vadd.f32 $3.988475200e-01, v13;
	v21 =	vsub.f32 $1.217211430e-07, v21  }
0x183: {  	v17 =	vmul.f32 v17, v18  }
0x184: {  	v13 =	vmul.f32 v13, v26;
	v18 =	vmul.f32 v21, v15  }
0x185: {  	v19 =	vadd.f32 v20, v19;
	[tilespmem:s0+$0xFFFFFF70] =	vst v17  }
0x186: {  	v17 =	vmul.f32 v9, v4;
	v20 =	vld [tilespmem:s3+$0xFFFFFF90];
	v13 =	vadd.f32 $5.000000000e-01, v13;
	v18 =	vadd.f32 $-4.101089420e-06, v18  }
0x187: {  	v21 =	vld [tilespmem:s22+$0xFFFFFF90]  }
0x188: {  	v17 =	vadd.f32 v19, v17;
	v13 =	vmul.f32 v13, v22;
	v18 =	vmul.f32 v18, v15;
	_ =	sdelay $0x1  }
0x189: {  	v19 =	vmax.f32 v17, $-4.000000000e+00;
	[tilespmem:s31+$0x30] =	vst v13;
	v13 =	vadd.f32 $8.066988810e-05, v18  }
0x18a: {  	v18 =	vmul.f32 v12, v2;
	v19 =	vmin.f32 v19, $4.000000000e+00;
	v22 =	vld [tilespmem:s24+$0x40]  }
0x18b: {  	v23 =	vmul.f32 v19, v19;
	v20 =	vadd.f32 v21, v20;
	v21 =	vld [tilespmem:s20+$0x40];
	v13 =	vmul.f32 v13, v15;
	_ =	sdelay $0x1  }
0x18c: {  	v24 =	vmul.f32 $1.580965360e-09, v23;
	v18 =	vadd.f32 v20, v18;
	v13 =	vadd.f32 $-1.048219160e-03, v13;
	_ =	sdelay $0x1  }
0x18d: {  	v20 =	vsub.f32 $1.217211430e-07, v24;
	v24 =	vmax.f32 v18, $-4.000000000e+00;
	v13 =	vmul.f32 v13, v15  }
0x18e: {  	v24 =	vmin.f32 v24, $4.000000000e+00;
	v21 =	vadd.f32 v21, v22;
	v22 =	vmul.f32 v11, v5  }
0x18f: {  	v25 =	vmul.f32 v24, v24;
	v13 =	vadd.f32 $9.664918300e-03, v13  }
0x190: {  	v20 =	vmul.f32 v20, v23;
	v21 =	vadd.f32 v21, v22  }
0x191: {  	v22 =	vmul.f32 $1.580965360e-09, v25;
	v13 =	vmul.f32 v13, v15  }
0x192: {  	v20 =	vadd.f32 $-4.101089420e-06, v20;
	v26 =	vmax.f32 v21, $-4.000000000e+00  }
0x193: {  	v22 =	vsub.f32 $1.217211430e-07, v22;
	v26 =	vmin.f32 v26, $4.000000000e+00;
	v13 =	vadd.f32 $-6.617543850e-02, v13  }
0x194: {  	v20 =	vmul.f32 v20, v23;
	v27 =	vmul.f32 v26, v26  }
0x195: {  	v22 =	vmul.f32 v22, v25;
	v13 =	vmul.f32 v13, v15  }
0x196: {  	v15 =	vadd.f32 $8.066988810e-05, v20;
	v20 =	vmul.f32 $1.580965360e-09, v27  }
0x197: {  	v22 =	vadd.f32 $-4.101089420e-06, v22;
	v13 =	vadd.f32 $3.988475200e-01, v13  }
0x198: {  	v15 =	vmul.f32 v15, v23;
	v20 =	vsub.f32 $1.217211430e-07, v20  }
0x199: {  	v22 =	vmul.f32 v22, v25;
	v13 =	vmul.f32 v13, v16  }
0x19a: {  	v15 =	vadd.f32 $-1.048219160e-03, v15;
	v16 =	vmul.f32 v20, v27  }
0x19b: {  	v20 =	vadd.f32 $8.066988810e-05, v22;
	v13 =	vadd.f32 $5.000000000e-01, v13  }
0x19c: {  	v15 =	vmul.f32 v15, v23;
	v16 =	vadd.f32 $-4.101089420e-06, v16  }
0x19d: {  	v20 =	vmul.f32 v20, v25;
	v13 =	vmul.f32 v13, v14  }
0x19e: {  	v14 =	vmul.f32 v16, v27  }
0x19f: {  	v15 =	vadd.f32 $9.664918300e-03, v15;
	v16 =	vadd.f32 $-1.048219160e-03, v20;
	[tilespmem:s0+$0x10] =	vst v13  }
0x1a0: {  	v13 =	vadd.f32 $8.066988810e-05, v14;
	v14 =	vld [tilespmem:s3+$0x20]  }
0x1a1: {  	v15 =	vmul.f32 v15, v23;
	v16 =	vmul.f32 v16, v25;
	v20 =	vld [tilespmem:s22+$0x20]  }
0x1a2: {  	v13 =	vmul.f32 v13, v27  }
0x1a3: {  	v15 =	vadd.f32 $-6.617543850e-02, v15;
	v16 =	vadd.f32 $9.664918300e-03, v16  }
0x1a4: {  	v13 =	vadd.f32 $-1.048219160e-03, v13  }
0x1a5: {  	v15 =	vmul.f32 v15, v23;
	v16 =	vmul.f32 v16, v25  }
0x1a6: {  	v13 =	vmul.f32 v13, v27;
	v14 =	vadd.f32 v20, v14;
	v20 =	vmul.f32 v10, v3  }
0x1a7: {  	v15 =	vadd.f32 $3.988475200e-01, v15;
	v16 =	vadd.f32 $-6.617543850e-02, v16  }
0x1a8: {  	v13 =	vadd.f32 $9.664918300e-03, v13;
	v20 =	vadd.f32 v14, v20  }
0x1a9: {  	v14 =	vmul.f32 v15, v19;
	v15 =	vmul.f32 v16, v25  }
0x1aa: {  	v13 =	vmul.f32 v13, v27;
	v16 =	vmax.f32 v20, $-4.000000000e+00  }
0x1ab: {  	v14 =	vadd.f32 $5.000000000e-01, v14;
	v15 =	vadd.f32 $3.988475200e-01, v15;
	v19 =	vmin.f32 v16, $4.000000000e+00  }
0x1ac: {  	v13 =	vadd.f32 $-6.617543850e-02, v13;
	v22 =	vmul.f32 v19, v19  }
0x1ad: {  	v14 =	vmul.f32 v14, v17;
	v15 =	vmul.f32 v15, v24  }
0x1ae: {  	v13 =	vmul.f32 v13, v27;
	v16 =	vmul.f32 $1.580965360e-09, v22  }
0x1af: {  	s21 =	sadd.s32 $0x100, s22;
	[tilespmem:s31+$0xFFFFFFA0] =	vst v14;
	v14 =	vadd.f32 $5.000000000e-01, v15  }
0x1b0: {  	v23 =	vld [tilespmem:s21+$0x0];
	v13 =	vadd.f32 $3.988475200e-01, v13;
	v17 =	vsub.f32 $1.217211430e-07, v16  }
0x1b1: {  	s7 =	simm.s32 $0x7FD0;
	v15 =	vld [tilespmem:s24+$0xFFFFFFC0];
	v14 =	vmul.f32 v14, v18  }
0x1b2: {  	s19 =	sadd.s32 $0x100, s3;
	v16 =	vld [tilespmem:s7+$0x0];
	v13 =	vmul.f32 v13, v26;
	v17 =	vmul.f32 v17, v22  }
0x1b3: {  	v18 =	vld [tilespmem:s19+$0x0]  }
0x1b4: {  	v24 =	vld [tilespmem:s20+$0xFFFFFFC0];
	[tilespmem:s0+$0xFFFFFF80] =	vst v14;
	v13 =	vadd.f32 $5.000000000e-01, v13;
	v14 =	vadd.f32 $-4.101089420e-06, v17  }
0x1b5: {  	v17 =	vld [tilespmem:s3+$0xFFFFFFA0]  }
0x1b6: {  	v25 =	vld [tilespmem:s22+$0xFFFFFFA0];
	v13 =	vmul.f32 v13, v21;
	v14 =	vmul.f32 v14, v22  }
0x1b7: {  	v28 =	vld [tilespmem:s21+$0xFFFFFF80]  }
0x1b8: {  	v27 =	vld [tilespmem:s19+$0xFFFFFF80];
	[tilespmem:s31+$0x40] =	vst v13;
	v13 =	vadd.f32 $8.066988810e-05, v14;
	v14 =	vadd.f32 v23, v18;
	v18 =	vmul.f32 v16, v1  }
0x1b9: {  	v15 =	vadd.f32 v24, v15;
	v21 =	vmul.f32 v9, v5;
	v23 =	vld [tilespmem:s24+$0x50]  }
0x1ba: {  	v24 =	vld [tilespmem:s20+$0x50];
	v26 =	vmul.f32 v13, v22;
	v18 =	vadd.f32 v14, v18  }
0x1bb: {  	v14 =	vmul.f32 v12, v3;
	v13 =	vadd.f32 v15, v21;
	v15 =	vadd.f32 v25, v17  }
0x1bc: {  	v17 =	vadd.f32 $-1.048219160e-03, v26;
	v21 =	vmax.f32 v18, $-4.000000000e+00  }
0x1bd: {  	v15 =	vadd.f32 v15, v14;
	v21 =	vmin.f32 v21, $4.000000000e+00  }
0x1be: {  	v27 =	vadd.f32 v28, v27;
	v14 =	vmul.f32 v17, v22;
	v17 =	vmul.f32 v21, v21  }
0x1bf: {  	v26 =	vmax.f32 v15, $-4.000000000e+00;
	v23 =	vadd.f32 v24, v23;
	v24 =	vmul.f32 v11, v6  }
0x1c0: {  	v26 =	vmin.f32 v26, $4.000000000e+00;
	v29 =	vadd.f32 $9.664918300e-03, v14;
	v30 =	vmul.f32 $1.580965360e-09, v17  }
0x1c1: {  	v25 =	vmax.f32 v13, $-4.000000000e+00;
	v32 =	vmul.f32 v26, v26;
	v14 =	vld [tilespmem:s7+$0xFFFFFFF0];
	v23 =	vadd.f32 v23, v24  }
0x1c2: {  	v25 =	vmin.f32 v25, $4.000000000e+00;
	v24 =	vmul.f32 v29, v22;
	v29 =	vsub.f32 $1.217211430e-07, v30  }
0x1c3: {  	v31 =	vmul.f32 v25, v25;
	v33 =	vmul.f32 $1.580965360e-09, v32;
	v34 =	vmax.f32 v23, $-4.000000000e+00  }
0x1c4: {  	v34 =	vmin.f32 v34, $4.000000000e+00;
	v24 =	vadd.f32 $-6.617543850e-02, v24;
	v29 =	vmul.f32 v29, v17  }
0x1c5: {  	v30 =	vmul.f32 $1.580965360e-09, v31;
	v33 =	vsub.f32 $1.217211430e-07, v33;
	v28 =	vmul.f32 v34, v34  }
0x1c6: {  	v35 =	vmul.f32 v14, v1;
	v22 =	vmul.f32 v24, v22;
	v24 =	vadd.f32 $-4.101089420e-06, v29  }
0x1c7: {  	v29 =	vsub.f32 $1.217211430e-07, v30;
	v30 =	vmul.f32 v33, v32;
	v40 =	vmul.f32 $1.580965360e-09, v28  }
0x1c8: {  	v27 =	vadd.f32 v27, v35;
	v22 =	vadd.f32 $3.988475200e-01, v22;
	v24 =	vmul.f32 v24, v17  }
0x1c9: {  	v29 =	vmul.f32 v29, v31;
	v30 =	vadd.f32 $-4.101089420e-06, v30;
	v33 =	vsub.f32 $1.217211430e-07, v40  }
0x1ca: {  	v35 =	vmax.f32 v27, $-4.000000000e+00;
	v19 =	vmul.f32 v22, v19;
	v22 =	vadd.f32 $8.066988810e-05, v24  }
0x1cb: {  	v24 =	vadd.f32 $-4.101089420e-06, v29;
	v29 =	vmul.f32 v30, v32;
	v30 =	vmin.f32 v35, $4.000000000e+00  }
0x1cc: {  	v33 =	vmul.f32 v33, v28;
	v19 =	vadd.f32 $5.000000000e-01, v19;
	v22 =	vmul.f32 v22, v17  }
0x1cd: {  	v35 =	vmul.f32 v30, v30;
	v24 =	vmul.f32 v24, v31;
	v29 =	vadd.f32 $8.066988810e-05, v29  }
0x1ce: {  	v33 =	vadd.f32 $-4.101089420e-06, v33;
	v19 =	vmul.f32 v19, v20;
	v20 =	vadd.f32 $-1.048219160e-03, v22  }
0x1cf: {  	v22 =	vmul.f32 v29, v32;
	v29 =	vmul.f32 $1.580965360e-09, v35  }
0x1d0: {  	v24 =	vadd.f32 $8.066988810e-05, v24;
	v33 =	vmul.f32 v33, v28;
	[tilespmem:s0+$0x20] =	vst v19;
	v19 =	vmul.f32 v20, v17  }
0x1d1: {  	v20 =	vadd.f32 $-1.048219160e-03, v22;
	v22 =	vsub.f32 $1.217211430e-07, v29;
	v29 =	vld [tilespmem:s3+$0x30]  }
0x1d2: {  	v24 =	vmul.f32 v24, v31;
	v33 =	vadd.f32 $8.066988810e-05, v33;
	v36 =	vld [tilespmem:s22+$0x30];
	v19 =	vadd.f32 $9.664918300e-03, v19  }
0x1d3: {  	v22 =	vmul.f32 v22, v35  }
0x1d4: {  	v24 =	vadd.f32 $-1.048219160e-03, v24;
	v33 =	vmul.f32 v33, v28;
	v19 =	vmul.f32 v19, v17  }
0x1d5: {  	v41 =	vmul.f32 v10, v4;
	v20 =	vmul.f32 v20, v32;
	v22 =	vadd.f32 $-4.101089420e-06, v22  }
0x1d6: {  	v24 =	vmul.f32 v24, v31;
	v33 =	vadd.f32 $-1.048219160e-03, v33;
	v19 =	vadd.f32 $-6.617543850e-02, v19  }
0x1d7: {  	v20 =	vadd.f32 $9.664918300e-03, v20;
	v22 =	vmul.f32 v22, v35;
	v29 =	vadd.f32 v36, v29  }
0x1d8: {  	v24 =	vadd.f32 $9.664918300e-03, v24;
	v33 =	vmul.f32 v33, v28;
	v17 =	vmul.f32 v19, v17  }
0x1d9: {  	v19 =	vmul.f32 v20, v32;
	v20 =	vadd.f32 $8.066988810e-05, v22;
	v22 =	vadd.f32 v29, v41  }
0x1da: {  	v29 =	vadd.f32 $9.664918300e-03, v33;
	v17 =	vadd.f32 $3.988475200e-01, v17  }
0x1db: {  	v19 =	vadd.f32 $-6.617543850e-02, v19;
	v20 =	vmul.f32 v20, v35;
	v42 =	vmax.f32 v22, $-4.000000000e+00  }
0x1dc: {  	v29 =	vmul.f32 v29, v28;
	v33 =	vmin.f32 v42, $4.000000000e+00;
	v17 =	vmul.f32 v17, v21  }
0x1dd: {  	v19 =	vmul.f32 v19, v32;
	v20 =	vadd.f32 $-1.048219160e-03, v20;
	v21 =	vmul.f32 v33, v33  }
0x1de: {  	v24 =	vmul.f32 v24, v31;
	v29 =	vadd.f32 $-6.617543850e-02, v29;
	v17 =	vadd.f32 $5.000000000e-01, v17  }
0x1df: {  	v19 =	vadd.f32 $3.988475200e-01, v19;
	v20 =	vmul.f32 v20, v35;
	v43 =	vmul.f32 $1.580965360e-09, v21  }
0x1e0: {  	v28 =	vmul.f32 v29, v28;
	v17 =	vmul.f32 v17, v18  }
0x1e1: {  	s5 =	sadd.s32 $0x120, s0;
	v18 =	vadd.f32 $-6.617543850e-02, v24;
	v19 =	vmul.f32 v19, v26;
	v24 =	vsub.f32 $1.217211430e-07, v43  }
0x1e2: {  	v20 =	vadd.f32 $9.664918300e-03, v20;
	v26 =	vadd.f32 $3.988475200e-01, v28;
	[tilespmem:s5+$0x0] =	vst v17  }
0x1e3: {  	v17 =	vmul.f32 v18, v31;
	v18 =	vadd.f32 $5.000000000e-01, v19;
	v19 =	vmul.f32 v24, v21;
	v24 =	vld [tilespmem:s19+$0x10]  }
0x1e4: {  	v20 =	vmul.f32 v20, v35;
	v26 =	vmul.f32 v26, v34;
	v28 =	vld [tilespmem:s21+$0x10]  }
0x1e5: {  	v17 =	vadd.f32 $3.988475200e-01, v17;
	v15 =	vmul.f32 v18, v15;
	v18 =	vadd.f32 $-4.101089420e-06, v19  }
0x1e6: {  	v19 =	vadd.f32 $-6.617543850e-02, v20;
	v20 =	vadd.f32 $5.000000000e-01, v26  }
0x1e7: {  	v17 =	vmul.f32 v17, v25;
	[tilespmem:s0+$0xFFFFFF90] =	vst v15;
	v15 =	vmul.f32 v18, v21  }
0x1e8: {  	v19 =	vmul.f32 v19, v35;
	v20 =	vmul.f32 v20, v23;
	v18 =	vld [tilespmem:s3+$0xFFFFFFB0]  }
0x1e9: {  	v25 =	vmul.f32 v16, v2;
	v23 =	vld [tilespmem:s22+$0xFFFFFFB0];
	v15 =	vadd.f32 $8.066988810e-05, v15;
	v24 =	vadd.f32 v28, v24  }
0x1ea: {  	v19 =	vadd.f32 $3.988475200e-01, v19  }
0x1eb: {  	v17 =	vadd.f32 $5.000000000e-01, v17;
	[tilespmem:s31+$0x50] =	vst v20;
	v15 =	vmul.f32 v15, v21;
	v20 =	vadd.f32 v24, v25  }
0x1ec: {  	v24 =	vmul.f32 v12, v4;
	v19 =	vmul.f32 v19, v30;
	v25 =	vld [tilespmem:s24+$0x60]  }
0x1ed: {  	v13 =	vmul.f32 v17, v13;
	v17 =	vld [tilespmem:s20+$0x60];
	v15 =	vadd.f32 $-1.048219160e-03, v15;
	v26 =	vmax.f32 v20, $-4.000000000e+00  }
0x1ee: {  	v18 =	vadd.f32 v23, v18;
	v19 =	vadd.f32 $5.000000000e-01, v19;
	v23 =	vmin.f32 v26, $4.000000000e+00  }
0x1ef: {  	v15 =	vmul.f32 v15, v21;
	v26 =	vmul.f32 v23, v23  }
0x1f0: {  	[tilespmem:s31+$0xFFFFFFB0] =	vst v13;
	v18 =	vadd.f32 v18, v24;
	v13 =	vmul.f32 v19, v27  }
0x1f1: {  	v19 =	vld [tilespmem:s24+$0xFFFFFFD0];
	v15 =	vadd.f32 $9.664918300e-03, v15;
	v24 =	vmul.f32 $1.580965360e-09, v26  }
0x1f2: {  	v27 =	vld [tilespmem:s20+$0xFFFFFFD0];
	v28 =	vmax.f32 v18, $-4.000000000e+00;
	[tilespmem:s5+$0xFFFFFF70] =	vst v13;
	v13 =	vadd.f32 v17, v25;
	v17 =	vmul.f32 v11, v7  }
0x1f3: {  	v25 =	vmin.f32 v28, $4.000000000e+00;
	v28 =	vld [tilespmem:s19+$0xFFFFFF90];
	v15 =	vmul.f32 v15, v21;
	v24 =	vsub.f32 $1.217211430e-07, v24  }
0x1f4: {  	v30 =	vld [tilespmem:s21+$0xFFFFFF90];
	v29 =	vmul.f32 v25, v25;
	v17 =	vadd.f32 v13, v17  }
0x1f5: {  	v31 =	vmul.f32 v14, v2;
	v15 =	vadd.f32 $-6.617543850e-02, v15;
	v24 =	vmul.f32 v24, v26  }
0x1f6: {  	v13 =	vmul.f32 v9, v6;
	v44 =	vmul.f32 $1.580965360e-09, v29;
	v45 =	vmax.f32 v17, $-4.000000000e+00  }
0x1f7: {  	v34 =	vmin.f32 v45, $4.000000000e+00;
	v15 =	vmul.f32 v15, v21;
	v21 =	vadd.f32 $-4.101089420e-06, v24  }
0x1f8: {  	v19 =	vadd.f32 v27, v19;
	v24 =	vsub.f32 $1.217211430e-07, v44;
	v27 =	vmul.f32 v34, v34  }
0x1f9: {  	v28 =	vadd.f32 v30, v28;
	v15 =	vadd.f32 $3.988475200e-01, v15;
	v21 =	vmul.f32 v21, v26  }
0x1fa: {  	v13 =	vadd.f32 v19, v13;
	v19 =	vmul.f32 v24, v29;
	v24 =	vmul.f32 $1.580965360e-09, v27  }
0x1fb: {  	v28 =	vadd.f32 v28, v31;
	v15 =	vmul.f32 v15, v33;
	v21 =	vadd.f32 $8.066988810e-05, v21  }
0x1fc: {  	v24 =	vsub.f32 $1.217211430e-07, v24  }
0x1fd: {  	v30 =	vmax.f32 v28, $-4.000000000e+00;
	v15 =	vadd.f32 $5.000000000e-01, v15;
	v21 =	vmul.f32 v21, v26  }
0x1fe: {  	v31 =	vmax.f32 v13, $-4.000000000e+00;
	v19 =	vadd.f32 $-4.101089420e-06, v19;
	v30 =	vmin.f32 v30, $4.000000000e+00  }
0x1ff: {  	v24 =	vmul.f32 v24, v27;
	v15 =	vmul.f32 v15, v22;
	v21 =	vadd.f32 $-1.048219160e-03, v21  }
0x200: {  	v19 =	vmul.f32 v19, v29;
	v22 =	vmin.f32 v31, $4.000000000e+00;
	v31 =	vmul.f32 v30, v30  }
0x201: {  	v24 =	vadd.f32 $-4.101089420e-06, v24;
	[tilespmem:s0+$0x30] =	vst v15;
	v15 =	vmul.f32 v21, v26  }
0x202: {  	v19 =	vadd.f32 $8.066988810e-05, v19;
	v46 =	vmul.f32 $1.580965360e-09, v31;
	v47 =	vld [tilespmem:s3+$0x40]  }
0x203: {  	v21 =	vmul.f32 v22, v22;
	v24 =	vmul.f32 v24, v27;
	v48 =	vld [tilespmem:s22+$0x40];
	v15 =	vadd.f32 $9.664918300e-03, v15  }
0x204: {  	v19 =	vmul.f32 v19, v29;
	v32 =	vsub.f32 $1.217211430e-07, v46  }
0x205: {  	v49 =	vmul.f32 $1.580965360e-09, v21;
	v24 =	vadd.f32 $8.066988810e-05, v24;
	v15 =	vmul.f32 v15, v26  }
0x206: {  	v50 =	vmul.f32 v10, v5;
	v19 =	vadd.f32 $-1.048219160e-03, v19;
	v32 =	vmul.f32 v32, v31  }
0x207: {  	v36 =	vsub.f32 $1.217211430e-07, v49;
	v24 =	vmul.f32 v24, v27;
	v15 =	vadd.f32 $-6.617543850e-02, v15  }
0x208: {  	v19 =	vmul.f32 v19, v29;
	v32 =	vadd.f32 $-4.101089420e-06, v32;
	v33 =	vadd.f32 v48, v47  }
0x209: {  	v36 =	vmul.f32 v36, v21;
	v24 =	vadd.f32 $-1.048219160e-03, v24;
	v15 =	vmul.f32 v15, v26  }
0x20a: {  	v19 =	vadd.f32 $9.664918300e-03, v19;
	v26 =	vmul.f32 v32, v31;
	v51 =	vadd.f32 v33, v50  }
0x20b: {  	v52 =	vadd.f32 $-4.101089420e-06, v36;
	v24 =	vmul.f32 v24, v27;
	v15 =	vadd.f32 $3.988475200e-01, v15  }
0x20c: {  	v19 =	vmul.f32 v19, v29;
	v26 =	vadd.f32 $8.066988810e-05, v26;
	v35 =	vmax.f32 v51, $-4.000000000e+00  }
0x20d: {  	v24 =	vadd.f32 $9.664918300e-03, v24;
	v35 =	vmin.f32 v35, $4.000000000e+00;
	v15 =	vmul.f32 v15, v23  }
0x20e: {  	v19 =	vadd.f32 $-6.617543850e-02, v19;
	v23 =	vmul.f32 v52, v21;
	v53 =	vmul.f32 v35, v35  }
0x20f: {  	v26 =	vmul.f32 v26, v31;
	v24 =	vmul.f32 v24, v27;
	v15 =	vadd.f32 $5.000000000e-01, v15  }
0x210: {  	v19 =	vmul.f32 v19, v29;
	v23 =	vadd.f32 $8.066988810e-05, v23;
	v29 =	vmul.f32 $1.580965360e-09, v53  }
0x211: {  	v26 =	vadd.f32 $-1.048219160e-03, v26;
	v24 =	vadd.f32 $-6.617543850e-02, v24;
	v15 =	vmul.f32 v15, v20  }
0x212: {  	v20 =	vmul.f32 v23, v21;
	v23 =	vsub.f32 $1.217211430e-07, v29  }
0x213: {  	v19 =	vadd.f32 $3.988475200e-01, v19;
	v26 =	vmul.f32 v26, v31;
	v24 =	vmul.f32 v24, v27;
	[tilespmem:s5+$0x10] =	vst v15  }
0x214: {  	v15 =	vadd.f32 $-1.048219160e-03, v20;
	v20 =	vmul.f32 v23, v53;
	v23 =	vld [tilespmem:s19+$0x20]  }
0x215: {  	v19 =	vmul.f32 v19, v25;
	v26 =	vadd.f32 $9.664918300e-03, v26;
	v24 =	vadd.f32 $3.988475200e-01, v24;
	v25 =	vld [tilespmem:s21+$0x20]  }
0x216: {  	v15 =	vmul.f32 v15, v21;
	v20 =	vadd.f32 $-4.101089420e-06, v20  }
0x217: {  	v19 =	vadd.f32 $5.000000000e-01, v19;
	v26 =	vmul.f32 v26, v31;
	v24 =	vmul.f32 v24, v34  }
0x218: {  	v15 =	vadd.f32 $9.664918300e-03, v15;
	v20 =	vmul.f32 v20, v53  }
0x219: {  	v18 =	vmul.f32 v19, v18;
	v26 =	vadd.f32 $-6.617543850e-02, v26;
	v19 =	vadd.f32 $5.000000000e-01, v24  }
0x21a: {  	v24 =	vmul.f32 v16, v3;
	v20 =	vadd.f32 $8.066988810e-05, v20;
	v23 =	vadd.f32 v25, v23  }
0x21b: {  	v15 =	vmul.f32 v15, v21;
	v25 =	vmul.f32 v26, v31  }
0x21c: {  	[tilespmem:s0+$0xFFFFFFA0] =	vst v18;
	v17 =	vmul.f32 v19, v17;
	v18 =	vmul.f32 v20, v53;
	v29 =	vadd.f32 v23, v24  }
0x21d: {  	v19 =	vld [tilespmem:s3+$0xFFFFFFC0];
	v15 =	vadd.f32 $-6.617543850e-02, v15;
	v20 =	vadd.f32 $3.988475200e-01, v25  }
0x21e: {  	v23 =	vld [tilespmem:s22+$0xFFFFFFC0];
	[tilespmem:s31+$0x60] =	vst v17;
	v17 =	vadd.f32 $-1.048219160e-03, v18;
	v18 =	vmax.f32 v29, $-4.000000000e+00  }
0x21f: {  	v15 =	vmul.f32 v15, v21;
	v20 =	vmul.f32 v20, v30;
	v21 =	vld [tilespmem:s24+$0x70];
	v24 =	vmin.f32 v18, $4.000000000e+00  }
0x220: {  	v18 =	vld [tilespmem:s20+$0x70];
	v17 =	vmul.f32 v17, v53;
	v27 =	vmul.f32 v24, v24  }
0x221: {  	v20 =	vadd.f32 $5.000000000e-01, v20  }
0x222: {  	v30 =	vmul.f32 v12, v5;
	v17 =	vadd.f32 $9.664918300e-03, v17;
	v26 =	vmul.f32 $1.580965360e-09, v27  }
0x223: {  	v15 =	vadd.f32 $3.988475200e-01, v15;
	v19 =	vadd.f32 v23, v19;
	v20 =	vmul.f32 v20, v28  }
0x224: {  	v11 =	vmul.f32 v11, v8;
	v17 =	vmul.f32 v17, v53;
	v23 =	vsub.f32 $1.217211430e-07, v26  }
0x225: {  	v22 =	vmul.f32 v15, v22;
	v15 =	vadd.f32 v19, v30;
	[tilespmem:s5+$0xFFFFFF80] =	vst v20;
	v18 =	vadd.f32 v18, v21  }
0x226: {  	v31 =	vld [tilespmem:s19+$0xFFFFFFA0];
	v17 =	vadd.f32 $-6.617543850e-02, v17;
	v20 =	vmul.f32 v23, v27  }
0x227: {  	v21 =	vadd.f32 $5.000000000e-01, v22;
	v22 =	vmax.f32 v15, $-4.000000000e+00;
	v54 =	vld [tilespmem:s21+$0xFFFFFFA0];
	v19 =	vadd.f32 v18, v11  }
0x228: {  	s9 =	sadd.s32 $0x100, s19;
	v26 =	vmin.f32 v22, $4.000000000e+00;
	v11 =	vmul.f32 v17, v53;
	v17 =	vadd.f32 $-4.101089420e-06, v20  }
0x229: {  	s13 =	sadd.s32 $0x100, s21;
	v62 =	vld [tilespmem:s9+$0xFFFFFF80];
	v18 =	vmul.f32 v21, v13;
	v30 =	vmul.f32 v26, v26;
	v13 =	vmax.f32 v19, $-4.000000000e+00  }
0x22a: {  	v40 =	vld [tilespmem:s13+$0xFFFFFF80];
	v23 =	vmin.f32 v13, $4.000000000e+00;
	v11 =	vadd.f32 $3.988475200e-01, v11;
	v13 =	vmul.f32 v17, v27  }
0x22b: {  	v63 =	vmul.f32 v10, v6;
	v17 =	vmul.f32 $1.580965360e-09, v30  }
0x22c: {  	s8 =	simm.s32 $0x7FF0;
	v55 =	vld [tilespmem:s9+$0x0];
	v22 =	vadd.f32 v54, v31;
	v11 =	vmul.f32 v11, v35;
	v31 =	vadd.f32 $8.066988810e-05, v13  }
0x22d: {  	v25 =	vmul.f32 v9, v7;
	v28 =	vmul.f32 v14, v3;
	v20 =	vld [tilespmem:s8+$0x0]  }
0x22e: {  	v57 =	vld [tilespmem:s13+$0x0];
	[tilespmem:s31+$0xFFFFFFC0] =	vst v18;
	v17 =	vsub.f32 $1.217211430e-07, v17;
	v11 =	vadd.f32 $5.000000000e-01, v11;
	v18 =	vmul.f32 v31, v27  }
0x22f: {  	v36 =	vadd.f32 v40, v62;
	v21 =	vmul.f32 v23, v23;
	v13 =	vmul.f32 v9, v8  }
0x230: {  	v58 =	vld [tilespmem:s20+$0xFFFFFFE0];
	v17 =	vmul.f32 v17, v30;
	v11 =	vmul.f32 v11, v51;
	v18 =	vadd.f32 $-1.048219160e-03, v18  }
0x231: {  	v56 =	vmul.f32 $1.580965360e-09, v21;
	v9 =	vadd.f32 v22, v28;
	v22 =	vmul.f32 v12, v6;
	v28 =	vld [tilespmem:s24+$0xFFFFFFE0]  }
0x232: {  	v60 =	vmul.f32 v20, v1;
	v17 =	vadd.f32 $-4.101089420e-06, v17;
	[tilespmem:s0+$0x40] =	vst v11;
	v11 =	vmul.f32 v18, v27  }
0x233: {  	v31 =	vsub.f32 $1.217211430e-07, v56;
	v59 =	vmax.f32 v9, $-4.000000000e+00;
	v18 =	vadd.f32 v57, v55;
	v37 =	vld [tilespmem:s3+$0x50]  }
0x234: {  	v32 =	vmin.f32 v59, $4.000000000e+00;
	v61 =	vmul.f32 v17, v30;
	v38 =	vld [tilespmem:s22+$0x50];
	v11 =	vadd.f32 $9.664918300e-03, v11  }
0x235: {  	v31 =	vmul.f32 v31, v21;
	v35 =	vmul.f32 v32, v32;
	v33 =	vadd.f32 v18, v60  }
0x236: {  	v34 =	vadd.f32 v58, v28;
	v28 =	vadd.f32 $8.066988810e-05, v61;
	v39 =	vmul.f32 v11, v27  }
0x237: {  	v31 =	vadd.f32 $-4.101089420e-06, v31;
	v18 =	vmul.f32 $1.580965360e-09, v35;
	v11 =	vmax.f32 v33, $-4.000000000e+00  }
0x238: {  	v28 =	vmul.f32 v28, v30;
	v41 =	vmin.f32 v11, $4.000000000e+00;
	v39 =	vadd.f32 $-6.617543850e-02, v39  }
0x239: {  	v31 =	vmul.f32 v31, v21;
	v11 =	vld [tilespmem:s8+$0xFFFFFFF0];
	v42 =	vmul.f32 v41, v41;
	v37 =	vadd.f32 v38, v37  }
0x23a: {  	v18 =	vsub.f32 $1.217211430e-07, v18;
	v44 =	vadd.f32 $-1.048219160e-03, v28;
	v28 =	vmul.f32 v39, v27  }
0x23b: {  	v17 =	vmul.f32 v12, v7;
	v47 =	vmul.f32 $1.580965360e-09, v42;
	v37 =	vadd.f32 v37, v63  }
0x23c: {  	v31 =	vadd.f32 $8.066988810e-05, v31;
	v43 =	vmul.f32 v18, v35;
	v28 =	vadd.f32 $3.988475200e-01, v28  }
0x23d: {  	v18 =	vmul.f32 v12, v8;
	v48 =	vsub.f32 $1.217211430e-07, v47;
	v49 =	vmax.f32 v37, $-4.000000000e+00  }
0x23e: {  	v50 =	vmul.f32 v11, v1;
	v39 =	vmin.f32 v49, $4.000000000e+00;
	v51 =	vmul.f32 v28, v24  }
0x23f: {  	v12 =	vadd.f32 $-4.101089420e-06, v43;
	v38 =	vmul.f32 v48, v42;
	v45 =	vmul.f32 v39, v39  }
0x240: {  	v60 =	vmul.f32 v16, v4;
	v28 =	vadd.f32 v36, v50;
	v52 =	vadd.f32 $5.000000000e-01, v51  }
0x241: {  	v31 =	vmul.f32 v31, v21;
	v38 =	vadd.f32 $-4.101089420e-06, v38;
	v53 =	vmul.f32 $1.580965360e-09, v45  }
0x242: {  	v12 =	vmul.f32 v12, v35;
	v54 =	vmax.f32 v28, $-4.000000000e+00;
	v29 =	vmul.f32 v52, v29  }
0x243: {  	v43 =	vmin.f32 v54, $4.000000000e+00;
	v55 =	vmul.f32 v38, v42;
	v40 =	vsub.f32 $1.217211430e-07, v53  }
0x244: {  	v56 =	vmul.f32 v44, v30;
	v12 =	vadd.f32 $8.066988810e-05, v12;
	v44 =	vmul.f32 v43, v43;
	[tilespmem:s5+$0x20] =	vst v29  }
0x245: {  	v31 =	vadd.f32 $-1.048219160e-03, v31;
	v29 =	vadd.f32 $8.066988810e-05, v55;
	v58 =	vmul.f32 v40, v45;
	v59 =	vld [tilespmem:s19+$0x30]  }
0x246: {  	v57 =	vadd.f32 $9.664918300e-03, v56;
	v12 =	vmul.f32 v12, v35;
	v46 =	vmul.f32 $1.580965360e-09, v44;
	v47 =	vld [tilespmem:s21+$0x30]  }
0x247: {  	v31 =	vmul.f32 v31, v21;
	v29 =	vmul.f32 v29, v42;
	v38 =	vadd.f32 $-4.101089420e-06, v58  }
0x248: {  	v36 =	vmul.f32 v57, v30;
	v12 =	vadd.f32 $-1.048219160e-03, v12;
	v46 =	vsub.f32 $1.217211430e-07, v46  }
0x249: {  	v31 =	vadd.f32 $9.664918300e-03, v31;
	v29 =	vadd.f32 $-1.048219160e-03, v29;
	v38 =	vmul.f32 v38, v45  }
0x24a: {  	v36 =	vadd.f32 $-6.617543850e-02, v36;
	v12 =	vmul.f32 v12, v35;
	v46 =	vmul.f32 v46, v44  }
0x24b: {  	v29 =	vmul.f32 v29, v42;
	v38 =	vadd.f32 $8.066988810e-05, v38;
	v40 =	vadd.f32 v47, v59  }
0x24c: {  	v31 =	vmul.f32 v31, v21;
	v12 =	vadd.f32 $9.664918300e-03, v12;
	v46 =	vadd.f32 $-4.101089420e-06, v46  }
0x24d: {  	v29 =	vadd.f32 $9.664918300e-03, v29;
	v38 =	vmul.f32 v38, v45;
	v40 =	vadd.f32 v40, v60  }
0x24e: {  	v48 =	vmul.f32 v12, v35;
	v12 =	vadd.f32 v34, v25;
	v25 =	vmul.f32 v46, v44  }
0x24f: {  	v29 =	vmul.f32 v29, v42;
	v61 =	vadd.f32 $-1.048219160e-03, v38;
	v62 =	vmax.f32 v40, $-4.000000000e+00  }
0x250: {  	v30 =	vmul.f32 v36, v30;
	v25 =	vadd.f32 $8.066988810e-05, v25;
	v36 =	vmin.f32 v62, $4.000000000e+00  }
0x251: {  	v29 =	vadd.f32 $-6.617543850e-02, v29;
	v34 =	vmul.f32 v61, v45;
	v49 =	vmul.f32 v36, v36  }
0x252: {  	v30 =	vadd.f32 $3.988475200e-01, v30;
	v50 =	vadd.f32 $-6.617543850e-02, v48;
	v25 =	vmul.f32 v25, v44  }
0x253: {  	v29 =	vmul.f32 v29, v42;
	v34 =	vadd.f32 $9.664918300e-03, v34;
	v51 =	vmul.f32 $1.580965360e-09, v49  }
0x254: {  	v26 =	vmul.f32 v30, v26;
	v35 =	vmul.f32 v50, v35;
	v25 =	vadd.f32 $-1.048219160e-03, v25  }
0x255: {  	v29 =	vadd.f32 $3.988475200e-01, v29;
	v30 =	vmul.f32 v34, v45;
	v52 =	vsub.f32 $1.217211430e-07, v51  }
0x256: {  	v26 =	vadd.f32 $5.000000000e-01, v26;
	v35 =	vadd.f32 $3.988475200e-01, v35;
	v25 =	vmul.f32 v25, v44  }
0x257: {  	v29 =	vmul.f32 v29, v41;
	v30 =	vadd.f32 $-6.617543850e-02, v30;
	v34 =	vmul.f32 v52, v49  }
0x258: {  	v15 =	vmul.f32 v26, v15;
	v32 =	vmul.f32 v35, v32;
	v25 =	vadd.f32 $9.664918300e-03, v25  }
0x259: {  	v29 =	vadd.f32 $5.000000000e-01, v29;
	v30 =	vmul.f32 v30, v45;
	v26 =	vadd.f32 $-4.101089420e-06, v34  }
0x25a: {  	v31 =	vadd.f32 $-6.617543850e-02, v31;
	v32 =	vadd.f32 $5.000000000e-01, v32;
	v53 =	vmul.f32 v25, v44  }
0x25b: {  	[tilespmem:s0+$0xFFFFFFB0] =	vst v15;
	v29 =	vmul.f32 v29, v33;
	v30 =	vadd.f32 $3.988475200e-01, v30;
	v15 =	vmul.f32 v26, v49  }
0x25c: {  	s14 =	sadd.s32 $0x120, s5;
	v9 =	vmul.f32 v32, v9;
	v55 =	vadd.f32 $-6.617543850e-02, v53  }
0x25d: {  	v21 =	vmul.f32 v31, v21;
	v54 =	vld [tilespmem:s3+$0xFFFFFFD0];
	[tilespmem:s14+$0x0] =	vst v29;
	v29 =	vmul.f32 v30, v39;
	v30 =	vadd.f32 $8.066988810e-05, v15  }
0x25e: {  	v27 =	vmul.f32 v14, v4;
	[tilespmem:s5+$0xFFFFFF90] =	vst v9;
	v9 =	vmul.f32 v55, v44;
	v56 =	vld [tilespmem:s9+$0x10]  }
0x25f: {  	v59 =	vadd.f32 $3.988475200e-01, v21;
	v31 =	vld [tilespmem:s13+$0x10];
	v29 =	vadd.f32 $5.000000000e-01, v29;
	v30 =	vmul.f32 v30, v49  }
0x260: {  	v24 =	vmul.f32 v14, v5;
	v21 =	vmul.f32 v14, v7;
	v57 =	vld [tilespmem:s19+$0xFFFFFFB0];
	v9 =	vadd.f32 $3.988475200e-01, v9  }
0x261: {  	v23 =	vmul.f32 v59, v23;
	v60 =	vld [tilespmem:s21+$0xFFFFFFB0];
	v29 =	vmul.f32 v29, v37;
	v30 =	vadd.f32 $-1.048219160e-03, v30  }
0x262: {  	v61 =	vld [tilespmem:s22+$0xFFFFFFD0];
	v15 =	vmul.f32 v14, v6;
	v62 =	vmul.f32 v9, v43  }
0x263: {  	v63 =	vmax.f32 v12, $-4.000000000e+00;
	v9 =	vmul.f32 v14, v8;
	[tilespmem:s0+$0x50] =	vst v29;
	v29 =	vmul.f32 v30, v49  }
0x264: {  	v14 =	vadd.f32 $5.000000000e-01, v23;
	v30 =	vadd.f32 v31, v56;
	v31 =	vmul.f32 v20, v2  }
0x265: {  	v25 =	vmin.f32 v63, $4.000000000e+00;
	v63 =	vadd.f32 $5.000000000e-01, v62;
	v23 =	vld [tilespmem:s3+$0x60];
	v29 =	vadd.f32 $9.664918300e-03, v29  }
0x266: {  	v26 =	vmul.f32 v25, v25;
	v33 =	vadd.f32 v60, v57;
	v42 =	vld [tilespmem:s22+$0x60];
	v30 =	vadd.f32 v30, v31  }
0x267: {  	v32 =	vadd.f32 v61, v54;
	v34 =	vmul.f32 v63, v28;
	v43 =	vmul.f32 v29, v49  }
0x268: {  	v58 =	vmul.f32 $1.580965360e-09, v26;
	v27 =	vadd.f32 v33, v27;
	v28 =	vmax.f32 v30, $-4.000000000e+00  }
0x269: {  	[tilespmem:s14+$0xFFFFFF70] =	vst v34;
	v33 =	vmin.f32 v28, $4.000000000e+00;
	v28 =	vadd.f32 v32, v22;
	v22 =	vadd.f32 $-6.617543850e-02, v43  }
0x26a: {  	v45 =	vmul.f32 v10, v7;
	v35 =	vsub.f32 $1.217211430e-07, v58;
	v47 =	vld [tilespmem:s9+$0xFFFFFF90];
	v32 =	vmul.f32 v33, v33  }
0x26b: {  	v44 =	vmax.f32 v27, $-4.000000000e+00;
	v48 =	vld [tilespmem:s13+$0xFFFFFF90];
	v23 =	vadd.f32 v42, v23;
	v49 =	vmul.f32 v22, v49  }
0x26c: {  	v34 =	vmin.f32 v44, $4.000000000e+00;
	v50 =	vmul.f32 $1.580965360e-09, v32;
	v22 =	vmul.f32 v14, v19  }
0x26d: {  	v19 =	vmul.f32 v34, v34;
	v37 =	vadd.f32 v23, v45;
	v14 =	vmax.f32 v28, $-4.000000000e+00  }
0x26e: {  	v31 =	vmul.f32 v11, v2;
	v42 =	vmin.f32 v14, $4.000000000e+00;
	v23 =	vadd.f32 $3.988475200e-01, v49  }
0x26f: {  	v51 =	vsub.f32 $1.217211430e-07, v50;
	v14 =	vmul.f32 $1.580965360e-09, v19;
	v52 =	vmax.f32 v37, $-4.000000000e+00  }
0x270: {  	v38 =	vadd.f32 v48, v47;
	v43 =	vmin.f32 v52, $4.000000000e+00;
	v23 =	vmul.f32 v23, v36  }
0x271: {  	v53 =	vmul.f32 v51, v32;
	v14 =	vsub.f32 $1.217211430e-07, v14;
	v41 =	vmul.f32 v43, v43  }
0x272: {  	v35 =	vmul.f32 v35, v26;
	v31 =	vadd.f32 v38, v31;
	v23 =	vadd.f32 $5.000000000e-01, v23  }
0x273: {  	v39 =	vmul.f32 v42, v42;
	v36 =	vadd.f32 $-4.101089420e-06, v53;
	v55 =	vmul.f32 $1.580965360e-09, v41  }
0x274: {  	v54 =	vmul.f32 v14, v19;
	v59 =	vmax.f32 v31, $-4.000000000e+00;
	v23 =	vmul.f32 v23, v40  }
0x275: {  	v38 =	vmin.f32 v59, $4.000000000e+00;
	v36 =	vmul.f32 v36, v32;
	v57 =	vsub.f32 $1.217211430e-07, v55  }
0x276: {  	v58 =	vmul.f32 $1.580965360e-09, v39;
	v56 =	vadd.f32 $-4.101089420e-06, v54;
	v46 =	vmul.f32 v38, v38;
	[tilespmem:s5+$0x30] =	vst v23  }
0x277: {  	v35 =	vadd.f32 $-4.101089420e-06, v35;
	v23 =	vadd.f32 $8.066988810e-05, v36;
	v40 =	vmul.f32 v57, v41;
	v61 =	vld [tilespmem:s19+$0x40]  }
0x278: {  	v44 =	vsub.f32 $1.217211430e-07, v58;
	v60 =	vmul.f32 v56, v19;
	v63 =	vmul.f32 $1.580965360e-09, v46;
	v62 =	vld [tilespmem:s21+$0x40]  }
0x279: {  	v35 =	vmul.f32 v35, v26;
	v23 =	vmul.f32 v23, v32;
	v40 =	vadd.f32 $-4.101089420e-06, v40  }
0x27a: {  	v44 =	vmul.f32 v44, v39;
	v36 =	vadd.f32 $8.066988810e-05, v60;
	v48 =	vsub.f32 $1.217211430e-07, v63  }
0x27b: {  	v52 =	vmul.f32 v16, v5;
	v23 =	vadd.f32 $-1.048219160e-03, v23;
	v40 =	vmul.f32 v40, v41  }
0x27c: {  	v44 =	vadd.f32 $-4.101089420e-06, v44;
	v36 =	vmul.f32 v36, v19;
	v48 =	vmul.f32 v48, v46  }
0x27d: {  	v23 =	vmul.f32 v23, v32;
	v40 =	vadd.f32 $8.066988810e-05, v40;
	v45 =	vadd.f32 v62, v61  }
0x27e: {  	v44 =	vmul.f32 v44, v39;
	v36 =	vadd.f32 $-1.048219160e-03, v36;
	v53 =	vadd.f32 $-4.101089420e-06, v48  }
0x27f: {  	v23 =	vadd.f32 $9.664918300e-03, v23;
	v40 =	vmul.f32 v40, v41;
	v45 =	vadd.f32 v45, v52  }
0x280: {  	v36 =	vmul.f32 v36, v19;
	v47 =	vmul.f32 v53, v46  }
0x281: {  	v23 =	vmul.f32 v23, v32;
	v40 =	vadd.f32 $-1.048219160e-03, v40;
	v54 =	vmax.f32 v45, $-4.000000000e+00  }
0x282: {  	v36 =	vadd.f32 $9.664918300e-03, v36;
	v47 =	vadd.f32 $8.066988810e-05, v47;
	v48 =	vmin.f32 v54, $4.000000000e+00  }
0x283: {  	v23 =	vadd.f32 $-6.617543850e-02, v23;
	v40 =	vmul.f32 v40, v41;
	v49 =	vmul.f32 v48, v48  }
0x284: {  	v44 =	vadd.f32 $8.066988810e-05, v44;
	v55 =	vmul.f32 v36, v19;
	v47 =	vmul.f32 v47, v46  }
0x285: {  	v23 =	vmul.f32 v23, v32;
	v56 =	vadd.f32 $9.664918300e-03, v40;
	v57 =	vmul.f32 $1.580965360e-09, v49  }
0x286: {  	v44 =	vmul.f32 v44, v39;
	v32 =	vadd.f32 $-6.617543850e-02, v55;
	v47 =	vadd.f32 $-1.048219160e-03, v47  }
0x287: {  	v23 =	vadd.f32 $3.988475200e-01, v23;
	v36 =	vmul.f32 v56, v41;
	v40 =	vsub.f32 $1.217211430e-07, v57  }
0x288: {  	v44 =	vadd.f32 $-1.048219160e-03, v44;
	v19 =	vmul.f32 v32, v19;
	v61 =	vmul.f32 v47, v46  }
0x289: {  	v23 =	vmul.f32 v23, v33;
	v58 =	vadd.f32 $-6.617543850e-02, v36;
	v59 =	vmul.f32 v40, v49  }
0x28a: {  	v60 =	vmul.f32 v44, v39;
	v19 =	vadd.f32 $3.988475200e-01, v19;
	v40 =	vadd.f32 $9.664918300e-03, v61  }
0x28b: {  	v23 =	vadd.f32 $5.000000000e-01, v23;
	v32 =	vmul.f32 v58, v41;
	v33 =	vadd.f32 $-4.101089420e-06, v59  }
0x28c: {  	v36 =	vadd.f32 $9.664918300e-03, v60;
	v19 =	vmul.f32 v19, v34;
	v41 =	vmul.f32 v40, v46  }
0x28d: {  	v23 =	vmul.f32 v23, v30;
	v30 =	vadd.f32 $3.988475200e-01, v32;
	v62 =	vmul.f32 v33, v49  }
0x28e: {  	v63 =	vadd.f32 $8.066988810e-05, v35;
	v36 =	vmul.f32 v36, v39;
	v35 =	vadd.f32 $-6.617543850e-02, v41  }
0x28f: {  	v19 =	vadd.f32 $5.000000000e-01, v19;
	[tilespmem:s14+$0x10] =	vst v23;
	v23 =	vmul.f32 v30, v43;
	v30 =	vadd.f32 $8.066988810e-05, v62  }
0x290: {  	v33 =	vmul.f32 v63, v26;
	v34 =	vadd.f32 $-6.617543850e-02, v36;
	v35 =	vmul.f32 v35, v46;
	v43 =	vld [tilespmem:s9+$0x20]  }
0x291: {  	v19 =	vmul.f32 v19, v27;
	v44 =	vld [tilespmem:s13+$0x20];
	v27 =	vadd.f32 $5.000000000e-01, v23;
	v30 =	vmul.f32 v30, v49  }
0x292: {  	v10 =	vmul.f32 v10, v8;
	v34 =	vmul.f32 v34, v39;
	v35 =	vadd.f32 $3.988475200e-01, v35  }
0x293: {  	v33 =	vadd.f32 $-1.048219160e-03, v33;
	[tilespmem:s5+$0xFFFFFFA0] =	vst v19;
	v19 =	vmul.f32 v27, v37;
	v27 =	vadd.f32 $-1.048219160e-03, v30  }
0x294: {  	v51 =	vmul.f32 v20, v3;
	v46 =	vadd.f32 $3.988475200e-01, v34;
	v47 =	vld [tilespmem:s19+$0xFFFFFFC0];
	v35 =	vmul.f32 v35, v38  }
0x295: {  	v50 =	vld [tilespmem:s21+$0xFFFFFFC0];
	v30 =	vmul.f32 v33, v26;
	v27 =	vmul.f32 v27, v49  }
0x296: {  	v33 =	vmul.f32 v46, v42;
	[tilespmem:s0+$0x60] =	vst v19;
	v32 =	vadd.f32 v44, v43;
	v56 =	vadd.f32 $5.000000000e-01, v35  }
0x297: {  	v29 =	vmul.f32 v11, v3;
	v14 =	vmul.f32 v11, v4;
	v52 =	vld [tilespmem:s3+$0x70];
	v54 =	vadd.f32 $9.664918300e-03, v27  }
0x298: {  	v55 =	vadd.f32 $5.000000000e-01, v33;
	v53 =	vld [tilespmem:s22+$0x70];
	v36 =	vadd.f32 v32, v51;
	v31 =	vmul.f32 v56, v31  }
0x299: {  	v23 =	vmul.f32 v11, v5;
	v30 =	vadd.f32 $9.664918300e-03, v30;
	v57 =	vmul.f32 v54, v49  }
0x29a: {  	v32 =	vmul.f32 v55, v28;
	v28 =	vadd.f32 v50, v47;
	v58 =	vmax.f32 v36, $-4.000000000e+00;
	[tilespmem:s14+$0xFFFFFF80] =	vst v31  }
0x29b: {  	v19 =	vmul.f32 v11, v6;
	v40 =	vmin.f32 v58, $4.000000000e+00;
	v62 =	vld [tilespmem:s9+$0xFFFFFFA0];
	v59 =	vadd.f32 $-6.617543850e-02, v57  }
0x29c: {  	v30 =	vmul.f32 v30, v26;
	v28 =	vadd.f32 v28, v24;
	[tilespmem:s0+$0xFFFFFFC0] =	vst v32;
	v63 =	vld [tilespmem:s13+$0xFFFFFFA0];
	v41 =	vmul.f32 v40, v40  }
0x29d: {  	v27 =	vmul.f32 v11, v7;
	v46 =	vld [tilespmem:s3+$0xFFFFFFE0];
	v24 =	vadd.f32 v53, v52;
	v31 =	vmul.f32 v59, v49  }
0x29e: {  	v61 =	vadd.f32 $-6.617543850e-02, v30;
	v47 =	vld [tilespmem:s22+$0xFFFFFFE0];
	v30 =	vmax.f32 v28, $-4.000000000e+00;
	v60 =	vmul.f32 $1.580965360e-09, v41  }
0x29f: {  	v30 =	vmin.f32 v30, $4.000000000e+00;
	v24 =	vadd.f32 v24, v10;
	v10 =	vadd.f32 $3.988475200e-01, v31  }
0x2a0: {  	v26 =	vmul.f32 v61, v26;
	v33 =	vmul.f32 v30, v30;
	v31 =	vsub.f32 $1.217211430e-07, v60  }
0x2a1: {  	v49 =	vmax.f32 v24, $-4.000000000e+00;
	v35 =	vadd.f32 v63, v62;
	v50 =	vmul.f32 v10, v48  }
0x2a2: {  	v31 =	vmul.f32 v31, v41;
	v10 =	vmul.f32 v11, v8;
	v11 =	vadd.f32 $3.988475200e-01, v26  }
0x2a3: {  	v38 =	vadd.f32 v47, v46;
	v32 =	vmin.f32 v49, $4.000000000e+00;
	v26 =	vmul.f32 $1.580965360e-09, v33  }
0x2a4: {  	v51 =	vadd.f32 $5.000000000e-01, v50;
	v31 =	vadd.f32 $-4.101089420e-06, v31;
	v25 =	vmul.f32 v11, v25  }
0x2a5: {  	s10 =	simm.s32 $0x8010;
	v34 =	vmul.f32 v32, v32;
	v35 =	vadd.f32 v35, v29;
	v26 =	vsub.f32 $1.217211430e-07, v26  }
0x2a6: {  	s15 =	sadd.s32 $0x100, s9;
	v11 =	vld [tilespmem:s10+$0x0];
	v52 =	vmul.f32 v51, v45;
	v31 =	vmul.f32 v31, v41;
	v25 =	vadd.f32 $5.000000000e-01, v25  }
0x2a7: {  	s16 =	sadd.s32 $0x100, s13;
	v54 =	vld [tilespmem:s15+$0x0];
	v62 =	vmul.f32 v16, v6;
	v53 =	vmul.f32 $1.580965360e-09, v34;
	v55 =	vmax.f32 v35, $-4.000000000e+00  }
0x2a8: {  	v26 =	vmul.f32 v26, v33;
	[tilespmem:s5+$0x40] =	vst v52;
	v29 =	vadd.f32 $8.066988810e-05, v31;
	v31 =	vld [tilespmem:s16+$0x0];
	v12 =	vmul.f32 v25, v12  }
0x2a9: {  	v25 =	vadd.f32 v38, v17;
	v17 =	vsub.f32 $1.217211430e-07, v53;
	v38 =	vmin.f32 v55, $4.000000000e+00;
	v37 =	vld [tilespmem:s19+$0x50]  }
0x2aa: {  	v26 =	vadd.f32 $-4.101089420e-06, v26;
	v56 =	vld [tilespmem:s21+$0x50];
	v44 =	vmul.f32 v38, v38;
	v29 =	vmul.f32 v29, v41  }
0x2ab: {  	v59 =	vmul.f32 v11, v1;
	v57 =	vmax.f32 v25, $-4.000000000e+00;
	v17 =	vmul.f32 v17, v34  }
0x2ac: {  	v58 =	vmul.f32 v26, v33;
	v60 =	vmul.f32 $1.580965360e-09, v44;
	v29 =	vadd.f32 $-1.048219160e-03, v29  }
0x2ad: {  	v26 =	vmin.f32 v57, $4.000000000e+00;
	v17 =	vadd.f32 $-4.101089420e-06, v17;
	v31 =	vadd.f32 v31, v54  }
0x2ae: {  	v45 =	vadd.f32 $8.066988810e-05, v58;
	v58 =	vsub.f32 $1.217211430e-07, v60;
	v29 =	vmul.f32 v29, v41  }
0x2af: {  	v61 =	vld [tilespmem:s15+$0xFFFFFF80];
	v37 =	vadd.f32 v56, v37;
	v57 =	vmul.f32 v17, v34;
	v42 =	vadd.f32 v31, v59  }
0x2b0: {  	v63 =	vld [tilespmem:s16+$0xFFFFFF80];
	v45 =	vmul.f32 v45, v33;
	v31 =	vmul.f32 v26, v26;
	v56 =	vadd.f32 $9.664918300e-03, v29  }
0x2b1: {  	v39 =	vmul.f32 v58, v44;
	v37 =	vadd.f32 v37, v62;
	v17 =	vmax.f32 v42, $-4.000000000e+00  }
0x2b2: {  	v29 =	vld [tilespmem:s10+$0xFFFFFFF0];
	v49 =	vadd.f32 $8.066988810e-05, v57;
	v59 =	vmul.f32 v56, v41;
	v48 =	vmin.f32 v17, $4.000000000e+00  }
0x2b3: {  	v39 =	vadd.f32 $-4.101089420e-06, v39;
	v17 =	vmax.f32 v37, $-4.000000000e+00;
	v50 =	vmul.f32 v48, v48  }
0x2b4: {  	v56 =	vmul.f32 v49, v34;
	v51 =	vmin.f32 v17, $4.000000000e+00;
	v17 =	vadd.f32 $-6.617543850e-02, v59  }
0x2b5: {  	v46 =	vadd.f32 v63, v61;
	v39 =	vmul.f32 v39, v44;
	v52 =	vmul.f32 $1.580965360e-09, v50  }
0x2b6: {  	v58 =	vadd.f32 $-1.048219160e-03, v45;
	v43 =	vmul.f32 v51, v51;
	v41 =	vmul.f32 v17, v41  }
0x2b7: {  	[tilespmem:s31+$0xFFFFFFD0] =	vst v12;
	v60 =	vmul.f32 v29, v1;
	v39 =	vadd.f32 $8.066988810e-05, v39;
	v52 =	vsub.f32 $1.217211430e-07, v52  }
0x2b8: {  	v59 =	vadd.f32 $-1.048219160e-03, v56;
	v12 =	vmul.f32 $1.580965360e-09, v43;
	v41 =	vadd.f32 $3.988475200e-01, v41  }
0x2b9: {  	v17 =	vadd.f32 v46, v60;
	v39 =	vmul.f32 v39, v44;
	v62 =	vmul.f32 v52, v50  }
0x2ba: {  	v45 =	vmul.f32 v59, v34;
	v12 =	vsub.f32 $1.217211430e-07, v12;
	v40 =	vmul.f32 v41, v40  }
0x2bb: {  	v54 =	vmax.f32 v17, $-4.000000000e+00;
	v39 =	vadd.f32 $-1.048219160e-03, v39;
	v47 =	vadd.f32 $-4.101089420e-06, v62  }
0x2bc: {  	v61 =	vld [tilespmem:s24+$0xFFFFFFF0];
	v41 =	vmin.f32 v54, $4.000000000e+00;
	v12 =	vmul.f32 v12, v43;
	v40 =	vadd.f32 $5.000000000e-01, v40  }
0x2bd: {  	v63 =	vld [tilespmem:s20+$0xFFFFFFF0];
	v45 =	vadd.f32 $9.664918300e-03, v45;
	v54 =	vmul.f32 v41, v41;
	v47 =	vmul.f32 v47, v50  }
0x2be: {  	v39 =	vmul.f32 v39, v44;
	v12 =	vadd.f32 $-4.101089420e-06, v12;
	v36 =	vmul.f32 v40, v36  }
0x2bf: {  	v53 =	vmul.f32 $1.580965360e-09, v31;
	v55 =	vmul.f32 $1.580965360e-09, v54;
	v47 =	vadd.f32 $8.066988810e-05, v47  }
0x2c0: {  	v45 =	vmul.f32 v45, v34;
	v39 =	vadd.f32 $9.664918300e-03, v39;
	v12 =	vmul.f32 v12, v43;
	[tilespmem:s14+$0x20] =	vst v36  }
0x2c1: {  	v62 =	vmul.f32 v20, v4;
	v57 =	vsub.f32 $1.217211430e-07, v55;
	v60 =	vld [tilespmem:s9+$0x30];
	v47 =	vmul.f32 v47, v50  }
0x2c2: {  	v40 =	vadd.f32 v63, v61;
	v39 =	vmul.f32 v39, v44;
	v12 =	vadd.f32 $8.066988810e-05, v12;
	v61 =	vld [tilespmem:s13+$0x30]  }
0x2c3: {  	v45 =	vadd.f32 $-6.617543850e-02, v45;
	v49 =	vmul.f32 v57, v54;
	v47 =	vadd.f32 $-1.048219160e-03, v47  }
0x2c4: {  	v36 =	vmul.f32 v58, v33;
	v39 =	vadd.f32 $-6.617543850e-02, v39;
	v12 =	vmul.f32 v12, v43  }
0x2c5: {  	v34 =	vmul.f32 v45, v34;
	v49 =	vadd.f32 $-4.101089420e-06, v49;
	v47 =	vmul.f32 v47, v50  }
0x2c6: {  	v36 =	vadd.f32 $9.664918300e-03, v36;
	v39 =	vmul.f32 v39, v44;
	v12 =	vadd.f32 $-1.048219160e-03, v12  }
0x2c7: {  	v49 =	vmul.f32 v49, v54;
	v46 =	vadd.f32 v61, v60;
	v47 =	vadd.f32 $9.664918300e-03, v47  }
0x2c8: {  	v63 =	vmul.f32 v36, v33;
	v39 =	vadd.f32 $3.988475200e-01, v39;
	v12 =	vmul.f32 v12, v43  }
0x2c9: {  	v49 =	vadd.f32 $8.066988810e-05, v49;
	v36 =	vadd.f32 v46, v62;
	v52 =	vmul.f32 v47, v50  }
0x2ca: {  	v38 =	vmul.f32 v39, v38;
	v12 =	vadd.f32 $9.664918300e-03, v12;
	v62 =	vadd.f32 $-6.617543850e-02, v63  }
0x2cb: {  	v56 =	vmul.f32 v49, v54;
	v57 =	vmax.f32 v36, $-4.000000000e+00;
	v46 =	vadd.f32 $-6.617543850e-02, v52  }
0x2cc: {  	v38 =	vadd.f32 $5.000000000e-01, v38;
	v12 =	vmul.f32 v12, v43;
	v47 =	vmin.f32 v57, $4.000000000e+00  }
0x2cd: {  	v44 =	vadd.f32 $-1.048219160e-03, v56;
	v49 =	vmul.f32 v47, v47;
	v46 =	vmul.f32 v46, v50  }
0x2ce: {  	v33 =	vmul.f32 v62, v33;
	v35 =	vmul.f32 v38, v35;
	v12 =	vadd.f32 $-6.617543850e-02, v12  }
0x2cf: {  	v58 =	vmul.f32 v44, v54;
	v59 =	vmul.f32 $1.580965360e-09, v49;
	v46 =	vadd.f32 $3.988475200e-01, v46  }
0x2d0: {  	v52 =	vsub.f32 $1.217211430e-07, v53;
	v33 =	vadd.f32 $3.988475200e-01, v33;
	v12 =	vmul.f32 v12, v43  }
0x2d1: {  	v39 =	vadd.f32 $9.664918300e-03, v58;
	v60 =	vsub.f32 $1.217211430e-07, v59;
	v61 =	vmul.f32 v46, v48  }
0x2d2: {  	v57 =	vmul.f32 v52, v31;
	v30 =	vmul.f32 v33, v30;
	v12 =	vadd.f32 $3.988475200e-01, v12  }
0x2d3: {  	[tilespmem:s14+$0xFFFFFF90] =	vst v35;
	v63 =	vmul.f32 v39, v54;
	v48 =	vmul.f32 v60, v49;
	v50 =	vadd.f32 $5.000000000e-01, v61  }
0x2d4: {  	v34 =	vadd.f32 $3.988475200e-01, v34;
	v58 =	vld [tilespmem:s9+$0xFFFFFFB0];
	v39 =	vmul.f32 v29, v2;
	v12 =	vmul.f32 v12, v51  }
0x2d5: {  	v59 =	vld [tilespmem:s13+$0xFFFFFFB0];
	v53 =	vadd.f32 $-6.617543850e-02, v63;
	v55 =	vadd.f32 $-4.101089420e-06, v48;
	v56 =	vmul.f32 v50, v42  }
0x2d6: {  	s20 =	sadd.s32 $0x120, s14;
	v60 =	vadd.f32 $5.000000000e-01, v12;
	v12 =	vadd.f32 v40, v13;
	v13 =	vmul.f32 v34, v32  }
0x2d7: {  	v35 =	vmul.f32 v53, v54;
	v38 =	vmul.f32 v55, v49;
	[tilespmem:s20+$0x0] =	vst v56  }
0x2d8: {  	v46 =	vadd.f32 $5.000000000e-01, v30;
	v62 =	vmul.f32 v60, v37;
	v13 =	vadd.f32 $5.000000000e-01, v13;
	v61 =	vld [tilespmem:s15+$0x10]  }
0x2d9: {  	v32 =	vmul.f32 v29, v3;
	v35 =	vadd.f32 $3.988475200e-01, v35;
	v63 =	vadd.f32 $8.066988810e-05, v38;
	v45 =	vld [tilespmem:s16+$0x10]  }
0x2da: {  	v40 =	vmul.f32 v46, v28;
	[tilespmem:s5+$0x50] =	vst v62;
	v30 =	vmul.f32 v13, v24;
	v13 =	vadd.f32 v59, v58  }
0x2db: {  	v48 =	vmul.f32 v35, v41;
	v51 =	vld [tilespmem:s19+$0x60];
	v50 =	vmul.f32 v63, v49  }
0x2dc: {  	v28 =	vmul.f32 v29, v5;
	v54 =	vadd.f32 $-4.101089420e-06, v57;
	v52 =	vld [tilespmem:s21+$0x60];
	v13 =	vadd.f32 v13, v14  }
0x2dd: {  	v53 =	vmul.f32 v11, v2;
	v34 =	vadd.f32 $5.000000000e-01, v48;
	v35 =	vadd.f32 $-1.048219160e-03, v50  }
0x2de: {  	v57 =	vmul.f32 v16, v7;
	[tilespmem:s5+$0xFFFFFFB0] =	vst v40;
	v55 =	vmax.f32 v13, $-4.000000000e+00;
	v14 =	vadd.f32 v45, v61  }
0x2df: {  	v56 =	vld [tilespmem:s19+$0xFFFFFFD0];
	v17 =	vmul.f32 v34, v17;
	v34 =	vmin.f32 v55, $4.000000000e+00;
	v35 =	vmul.f32 v35, v49  }
0x2e0: {  	v16 =	vmul.f32 v16, v8;
	v40 =	vld [tilespmem:s21+$0xFFFFFFD0];
	v42 =	vmul.f32 v34, v34;
	v14 =	vadd.f32 v14, v53  }
0x2e1: {  	v24 =	vmul.f32 v29, v4;
	[tilespmem:s20+$0xFFFFFF70] =	vst v17;
	v17 =	vadd.f32 v52, v51;
	v35 =	vadd.f32 $9.664918300e-03, v35  }
0x2e2: {  	v38 =	vmul.f32 v54, v31;
	v61 =	vmul.f32 $1.580965360e-09, v42;
	v58 =	vmax.f32 v14, $-4.000000000e+00  }
0x2e3: {  	v59 =	vld [tilespmem:s15+$0xFFFFFF90];
	v37 =	vadd.f32 v17, v57;
	v35 =	vmul.f32 v35, v49;
	v41 =	vmin.f32 v58, $4.000000000e+00  }
0x2e4: {  	v38 =	vadd.f32 $8.066988810e-05, v38;
	v60 =	vld [tilespmem:s16+$0xFFFFFF90];
	v46 =	vsub.f32 $1.217211430e-07, v61;
	v45 =	vmul.f32 v41, v41  }
0x2e5: {  	v33 =	vadd.f32 v40, v56;
	v62 =	vmax.f32 v37, $-4.000000000e+00;
	v35 =	vadd.f32 $-6.617543850e-02, v35  }
0x2e6: {  	v48 =	vmin.f32 v62, $4.000000000e+00;
	v46 =	vmul.f32 v46, v42;
	v63 =	vmul.f32 $1.580965360e-09, v45  }
0x2e7: {  	v33 =	vadd.f32 v33, v15;
	v40 =	vmul.f32 v48, v48;
	v35 =	vmul.f32 v35, v49  }
0x2e8: {  	v38 =	vmul.f32 v38, v31;
	v46 =	vadd.f32 $-4.101089420e-06, v46;
	v52 =	vsub.f32 $1.217211430e-07, v63  }
0x2e9: {  	v43 =	vadd.f32 v60, v59;
	v15 =	vmul.f32 $1.580965360e-09, v40;
	v35 =	vadd.f32 $3.988475200e-01, v35  }
0x2ea: {  	v54 =	vmax.f32 v33, $-4.000000000e+00;
	v46 =	vmul.f32 v46, v42;
	v53 =	vmul.f32 v52, v45  }
0x2eb: {  	v43 =	vadd.f32 v43, v39;
	v15 =	vsub.f32 $1.217211430e-07, v15;
	v35 =	vmul.f32 v35, v47  }
0x2ec: {  	v39 =	vmin.f32 v54, $4.000000000e+00;
	v46 =	vadd.f32 $8.066988810e-05, v46;
	v44 =	vadd.f32 $-4.101089420e-06, v53  }
0x2ed: {  	v55 =	vmax.f32 v43, $-4.000000000e+00;
	v56 =	vmul.f32 v15, v40;
	v35 =	vadd.f32 $5.000000000e-01, v35  }
0x2ee: {  	v47 =	vmin.f32 v55, $4.000000000e+00;
	v46 =	vmul.f32 v46, v42;
	v15 =	vmul.f32 v44, v45  }
0x2ef: {  	v44 =	vmul.f32 v47, v47;
	v49 =	vadd.f32 $-4.101089420e-06, v56;
	v35 =	vmul.f32 v35, v36  }
0x2f0: {  	v17 =	vmul.f32 v29, v6;
	v36 =	vmul.f32 v39, v39;
	v57 =	vadd.f32 $8.066988810e-05, v15  }
0x2f1: {  	v46 =	vadd.f32 $-1.048219160e-03, v46;
	v58 =	vmul.f32 $1.580965360e-09, v44;
	v49 =	vmul.f32 v49, v40;
	[tilespmem:s14+$0x30] =	vst v35  }
0x2f2: {  	v59 =	vadd.f32 $-1.048219160e-03, v38;
	v60 =	vmul.f32 $1.580965360e-09, v36;
	v61 =	vld [tilespmem:s9+$0x40];
	v50 =	vmul.f32 v57, v45  }
0x2f3: {  	v46 =	vmul.f32 v46, v42;
	v51 =	vsub.f32 $1.217211430e-07, v58;
	v62 =	vld [tilespmem:s13+$0x40];
	v49 =	vadd.f32 $8.066988810e-05, v49  }
0x2f4: {  	v63 =	vmul.f32 v59, v31;
	v57 =	vsub.f32 $1.217211430e-07, v60;
	v58 =	vadd.f32 $-1.048219160e-03, v50  }
0x2f5: {  	v46 =	vadd.f32 $9.664918300e-03, v46;
	v59 =	vmul.f32 v51, v44;
	v49 =	vmul.f32 v49, v40  }
0x2f6: {  	v35 =	vmul.f32 v57, v36;
	v38 =	vmul.f32 v58, v45  }
0x2f7: {  	v46 =	vmul.f32 v46, v42;
	v50 =	vadd.f32 $-4.101089420e-06, v59;
	v49 =	vadd.f32 $-1.048219160e-03, v49  }
0x2f8: {  	v60 =	vmul.f32 v20, v5;
	v52 =	vadd.f32 v62, v61;
	v38 =	vadd.f32 $9.664918300e-03, v38  }
0x2f9: {  	v61 =	vadd.f32 $-4.101089420e-06, v35;
	v46 =	vadd.f32 $-6.617543850e-02, v46;
	v50 =	vmul.f32 v50, v44  }
0x2fa: {  	v49 =	vmul.f32 v49, v40;
	v35 =	vadd.f32 v52, v60;
	v38 =	vmul.f32 v38, v45  }
0x2fb: {  	v62 =	vmul.f32 v61, v36;
	v42 =	vmul.f32 v46, v42;
	v50 =	vadd.f32 $8.066988810e-05, v50  }
0x2fc: {  	v49 =	vadd.f32 $9.664918300e-03, v49;
	v53 =	vmax.f32 v35, $-4.000000000e+00;
	v38 =	vadd.f32 $-6.617543850e-02, v38  }
0x2fd: {  	v52 =	vadd.f32 $8.066988810e-05, v62;
	v50 =	vmul.f32 v50, v44;
	v53 =	vmin.f32 v53, $4.000000000e+00  }
0x2fe: {  	v42 =	vadd.f32 $3.988475200e-01, v42;
	v55 =	vmul.f32 v53, v53;
	v38 =	vmul.f32 v38, v45  }
0x2ff: {  	v49 =	vmul.f32 v49, v40;
	v52 =	vmul.f32 v52, v36;
	v50 =	vadd.f32 $-1.048219160e-03, v50  }
0x300: {  	v45 =	vadd.f32 $9.664918300e-03, v63;
	v63 =	vmul.f32 $1.580965360e-09, v55;
	v38 =	vadd.f32 $3.988475200e-01, v38  }
0x301: {  	v34 =	vmul.f32 v42, v34;
	v56 =	vadd.f32 $-6.617543850e-02, v49;
	v57 =	vmul.f32 v50, v44  }
0x302: {  	v59 =	vadd.f32 $-1.048219160e-03, v52;
	v58 =	vsub.f32 $1.217211430e-07, v63;
	v38 =	vmul.f32 v38, v41  }
0x303: {  	v34 =	vadd.f32 $5.000000000e-01, v34;
	v40 =	vmul.f32 v56, v40;
	v60 =	vadd.f32 $9.664918300e-03, v57  }
0x304: {  	v41 =	vmul.f32 v59, v36;
	v61 =	vmul.f32 v58, v55;
	v38 =	vadd.f32 $5.000000000e-01, v38  }
0x305: {  	v34 =	vmul.f32 v34, v13;
	v40 =	vadd.f32 $3.988475200e-01, v40;
	v62 =	vmul.f32 v60, v44  }
0x306: {  	v41 =	vadd.f32 $9.664918300e-03, v41;
	v63 =	vadd.f32 $-4.101089420e-06, v61;
	v14 =	vmul.f32 v38, v14  }
0x307: {  	v15 =	vmul.f32 v29, v7;
	[tilespmem:s14+$0xFFFFFFA0] =	vst v34;
	v40 =	vmul.f32 v40, v48;
	v42 =	vadd.f32 $-6.617543850e-02, v62  }
0x308: {  	v51 =	vmax.f32 v12, $-4.000000000e+00;
	v34 =	vld [tilespmem:s9+$0xFFFFFFC0];
	v41 =	vmul.f32 v41, v36;
	v50 =	vmul.f32 v63, v55;
	[tilespmem:s20+$0x10] =	vst v14  }
0x309: {  	v40 =	vadd.f32 $5.000000000e-01, v40;
	v14 =	vmin.f32 v51, $4.000000000e+00;
	v42 =	vmul.f32 v42, v44;
	v51 =	vld [tilespmem:s15+$0x20]  }
0x30a: {  	v49 =	vmul.f32 v45, v31;
	v41 =	vadd.f32 $-6.617543850e-02, v41;
	v52 =	vadd.f32 $8.066988810e-05, v50;
	v54 =	vld [tilespmem:s16+$0x20]  }
0x30b: {  	v13 =	vmul.f32 v29, v8;
	v58 =	vld [tilespmem:s13+$0xFFFFFFC0];
	v37 =	vmul.f32 v40, v37;
	v56 =	vadd.f32 $3.988475200e-01, v42  }
0x30c: {  	v38 =	vadd.f32 $-6.617543850e-02, v49;
	v36 =	vmul.f32 v41, v36;
	v57 =	vmul.f32 v52, v55  }
0x30d: {  	v63 =	vmul.f32 v11, v3;
	[tilespmem:s5+$0x60] =	vst v37;
	v59 =	vmul.f32 v56, v47  }
0x30e: {  	v31 =	vmul.f32 v38, v31;
	v61 =	vld [tilespmem:s19+$0x70];
	v36 =	vadd.f32 $3.988475200e-01, v36;
	v60 =	vadd.f32 $-1.048219160e-03, v57  }
0x30f: {  	v29 =	vmul.f32 v14, v14;
	v49 =	vld [tilespmem:s21+$0x70];
	v62 =	vadd.f32 v54, v51;
	v37 =	vadd.f32 $5.000000000e-01, v59  }
0x310: {  	v34 =	vadd.f32 v58, v34;
	v31 =	vadd.f32 $3.988475200e-01, v31;
	v38 =	vmul.f32 v60, v55  }
0x311: {  	v36 =	vmul.f32 v36, v39;
	v39 =	vadd.f32 v62, v63;
	v37 =	vmul.f32 v37, v43  }
0x312: {  	v48 =	vmul.f32 $1.580965360e-09, v29;
	v34 =	vadd.f32 v34, v23;
	v38 =	vadd.f32 $9.664918300e-03, v38  }
0x313: {  	v31 =	vmul.f32 v31, v26;
	v36 =	vadd.f32 $5.000000000e-01, v36;
	v26 =	vmax.f32 v39, $-4.000000000e+00;
	[tilespmem:s20+$0xFFFFFF80] =	vst v37  }
0x314: {  	v23 =	vmul.f32 v38, v55;
	v41 =	vmin.f32 v26, $4.000000000e+00;
	v26 =	vadd.f32 v49, v61;
	v50 =	vld [tilespmem:s15+$0xFFFFFFA0]  }
0x315: {  	v51 =	vmax.f32 v34, $-4.000000000e+00;
	v36 =	vmul.f32 v36, v33;
	v52 =	vld [tilespmem:s16+$0xFFFFFFA0];
	v40 =	vmul.f32 v41, v41  }
0x316: {  	v37 =	vmin.f32 v51, $4.000000000e+00;
	v23 =	vadd.f32 $-6.617543850e-02, v23;
	v26 =	vadd.f32 v26, v16  }
0x317: {  	v54 =	vsub.f32 $1.217211430e-07, v48;
	v33 =	vmul.f32 v37, v37;
	v16 =	vmul.f32 $1.580965360e-09, v40  }
0x318: {  	v31 =	vadd.f32 $5.000000000e-01, v31;
	[tilespmem:s5+$0xFFFFFFC0] =	vst v36;
	v23 =	vmul.f32 v23, v55;
	v56 =	vmax.f32 v26, $-4.000000000e+00  }
0x319: {  	v57 =	vld [tilespmem:s19+$0xFFFFFFE0];
	v58 =	vmul.f32 $1.580965360e-09, v33;
	v16 =	vsub.f32 $1.217211430e-07, v16;
	v36 =	vmin.f32 v56, $4.000000000e+00  }
0x31a: {  	v59 =	vld [tilespmem:s21+$0xFFFFFFE0];
	v38 =	vadd.f32 v52, v50;
	v23 =	vadd.f32 $3.988475200e-01, v23;
	v47 =	vmul.f32 v36, v36  }
0x31b: {  	v60 =	vmul.f32 v54, v29;
	v61 =	vsub.f32 $1.217211430e-07, v58;
	v16 =	vmul.f32 v16, v40  }
0x31c: {  	v38 =	vadd.f32 v38, v32;
	v62 =	vmul.f32 v23, v53;
	v63 =	vmul.f32 $1.580965360e-09, v47  }
0x31d: {  	v42 =	vadd.f32 $-4.101089420e-06, v60;
	v23 =	vmul.f32 v31, v25;
	v31 =	vmul.f32 v61, v33  }
0x31e: {  	v16 =	vadd.f32 $-4.101089420e-06, v16;
	v25 =	vmax.f32 v38, $-4.000000000e+00;
	v52 =	vadd.f32 $5.000000000e-01, v62  }
0x31f: {  	v44 =	vadd.f32 v59, v57;
	v53 =	vsub.f32 $1.217211430e-07, v63;
	v25 =	vmin.f32 v25, $4.000000000e+00  }
0x320: {  	s24 =	sadd.s32 $0x100, s15;
	v54 =	vadd.f32 $-4.101089420e-06, v31;
	v16 =	vmul.f32 v16, v40;
	v32 =	vmul.f32 v52, v35  }
0x321: {  	s2 =	sadd.s32 $0x100, s16;
	v60 =	vld [tilespmem:s24+$0x0];
	v31 =	vadd.f32 v44, v21;
	v44 =	vmul.f32 v25, v25;
	v43 =	vmul.f32 v53, v47  }
0x322: {  	v61 =	vld [tilespmem:s2+$0x0];
	v21 =	vmul.f32 v54, v33;
	v16 =	vadd.f32 $8.066988810e-05, v16;
	[tilespmem:s14+$0x40] =	vst v32  }
0x323: {  	v42 =	vmul.f32 v42, v29;
	v57 =	vmul.f32 $1.580965360e-09, v44;
	v55 =	vadd.f32 $-4.101089420e-06, v43;
	v43 =	vld [tilespmem:s9+$0x50]  }
0x324: {  	v59 =	vadd.f32 $8.066988810e-05, v21;
	v56 =	vmul.f32 v16, v40;
	v16 =	vmax.f32 v31, $-4.000000000e+00;
	v58 =	vld [tilespmem:s13+$0x50]  }
0x325: {  	s11 =	simm.s32 $0x8030;
	v46 =	vsub.f32 $1.217211430e-07, v57;
	v57 =	vmul.f32 v20, v6;
	v32 =	vmin.f32 v16, $4.000000000e+00  }
0x326: {  	v16 =	vld [tilespmem:s11+$0x0];
	v35 =	vmul.f32 v55, v47;
	v49 =	vmul.f32 v59, v33;
	v45 =	vadd.f32 $-1.048219160e-03, v56  }
0x327: {  	v59 =	vadd.f32 v61, v60;
	v21 =	vmul.f32 v32, v32;
	v46 =	vmul.f32 v46, v44  }
0x328: {  	v35 =	vadd.f32 $8.066988810e-05, v35;
	v49 =	vadd.f32 $-1.048219160e-03, v49;
	v45 =	vmul.f32 v45, v40  }
0x329: {  	v63 =	vld [tilespmem:s24+$0xFFFFFF80];
	v62 =	vmul.f32 $1.580965360e-09, v21;
	v46 =	vadd.f32 $-4.101089420e-06, v46;
	v43 =	vadd.f32 v58, v43  }
0x32a: {  	v54 =	vmul.f32 v35, v47;
	v58 =	vld [tilespmem:s2+$0xFFFFFF80];
	v48 =	vmul.f32 v49, v33;
	v45 =	vadd.f32 $9.664918300e-03, v45  }
0x32b: {  	v35 =	vld [tilespmem:s11+$0xFFFFFFF0];
	v52 =	vsub.f32 $1.217211430e-07, v62;
	v60 =	vmul.f32 v16, v1;
	v43 =	vadd.f32 v43, v57  }
0x32c: {  	v42 =	vadd.f32 $8.066988810e-05, v42;
	v46 =	vmul.f32 v46, v44;
	v45 =	vmul.f32 v45, v40  }
0x32d: {  	v51 =	vmul.f32 v52, v21;
	v49 =	vadd.f32 v59, v60;
	v61 =	vmax.f32 v43, $-4.000000000e+00  }
0x32e: {  	v46 =	vadd.f32 $8.066988810e-05, v46;
	v45 =	vadd.f32 $-6.617543850e-02, v45;
	v50 =	vmin.f32 v61, $4.000000000e+00  }
0x32f: {  	v62 =	vadd.f32 v58, v63;
	v60 =	vmax.f32 v49, $-4.000000000e+00;
	v52 =	vmul.f32 v50, v50  }
0x330: {  	v63 =	vmul.f32 v35, v1;
	v55 =	vmin.f32 v60, $4.000000000e+00;
	v40 =	vmul.f32 v45, v40  }
0x331: {  	v61 =	vadd.f32 $-1.048219160e-03, v54;
	v45 =	vmul.f32 v55, v55;
	v56 =	vmul.f32 $1.580965360e-09, v52  }
0x332: {  	[tilespmem:s31+$0x70] =	vst v22;
	v46 =	vmul.f32 v46, v44;
	v22 =	vmul.f32 v35, v8;
	v57 =	vadd.f32 $3.988475200e-01, v40  }
0x333: {  	v40 =	vadd.f32 v62, v63;
	v60 =	vmul.f32 $1.580965360e-09, v45;
	v62 =	vsub.f32 $1.217211430e-07, v56  }
0x334: {  	v53 =	vmul.f32 v61, v47;
	v46 =	vadd.f32 $-1.048219160e-03, v46;
	v41 =	vmul.f32 v57, v41  }
0x335: {  	v63 =	vmax.f32 v40, $-4.000000000e+00;
	v57 =	vsub.f32 $1.217211430e-07, v60;
	v54 =	vmul.f32 v62, v52  }
0x336: {  	v61 =	vadd.f32 $9.664918300e-03, v48;
	v56 =	vmin.f32 v63, $4.000000000e+00;
	v41 =	vadd.f32 $5.000000000e-01, v41  }
0x337: {  	v58 =	vmul.f32 v56, v56;
	v57 =	vmul.f32 v57, v45;
	v54 =	vadd.f32 $-4.101089420e-06, v54  }
0x338: {  	v53 =	vadd.f32 $9.664918300e-03, v53;
	v46 =	vmul.f32 v46, v44;
	v39 =	vmul.f32 v41, v39  }
0x339: {  	v62 =	vmul.f32 $1.580965360e-09, v58;
	v57 =	vadd.f32 $-4.101089420e-06, v57;
	v54 =	vmul.f32 v54, v52  }
0x33a: {  	v53 =	vmul.f32 v53, v47;
	v46 =	vadd.f32 $9.664918300e-03, v46;
	v41 =	vmul.f32 v61, v33  }
0x33b: {  	v48 =	vsub.f32 $1.217211430e-07, v62;
	v57 =	vmul.f32 v57, v45;
	[tilespmem:s20+$0x20] =	vst v39;
	v54 =	vadd.f32 $8.066988810e-05, v54  }
0x33c: {  	v63 =	vmul.f32 v46, v44;
	v60 =	vadd.f32 $-6.617543850e-02, v53;
	v41 =	vadd.f32 $-6.617543850e-02, v41;
	v46 =	vld [tilespmem:s15+$0x30]  }
0x33d: {  	v59 =	vld [tilespmem:s16+$0x30];
	v48 =	vmul.f32 v48, v58;
	v57 =	vadd.f32 $8.066988810e-05, v57;
	v54 =	vmul.f32 v54, v52  }
0x33e: {  	v39 =	vadd.f32 $-6.617543850e-02, v63;
	v41 =	vmul.f32 v41, v33;
	v33 =	vmul.f32 v42, v29  }
0x33f: {  	v48 =	vadd.f32 $-4.101089420e-06, v48;
	v62 =	vmul.f32 v57, v45;
	v61 =	vadd.f32 $-1.048219160e-03, v54  }
0x340: {  	v42 =	vmul.f32 v60, v47;
	v39 =	vmul.f32 v39, v44  }
0x341: {  	v48 =	vmul.f32 v48, v58;
	v60 =	vadd.f32 $-1.048219160e-03, v62;
	v63 =	vmul.f32 v61, v52  }
0x342: {  	v41 =	vadd.f32 $3.988475200e-01, v41;
	v46 =	vadd.f32 v59, v46;
	v61 =	vmul.f32 v11, v4  }
0x343: {  	v57 =	vadd.f32 $8.066988810e-05, v48;
	v48 =	vmul.f32 v60, v45;
	v47 =	vadd.f32 $9.664918300e-03, v63  }
0x344: {  	v62 =	vadd.f32 $3.988475200e-01, v39;
	v37 =	vmul.f32 v41, v37;
	v39 =	vadd.f32 v46, v61  }
0x345: {  	v44 =	vmul.f32 v57, v58;
	v53 =	vadd.f32 $9.664918300e-03, v48;
	v63 =	vmul.f32 v47, v52  }
0x346: {  	v25 =	vmul.f32 v62, v25;
	v37 =	vadd.f32 $5.000000000e-01, v37;
	v57 =	vmax.f32 v39, $-4.000000000e+00  }
0x347: {  	v44 =	vadd.f32 $-1.048219160e-03, v44;
	v46 =	vmul.f32 v53, v45;
	v41 =	vadd.f32 $-6.617543850e-02, v63  }
0x348: {  	v25 =	vadd.f32 $5.000000000e-01, v25;
	v34 =	vmul.f32 v37, v34;
	v47 =	vmin.f32 v57, $4.000000000e+00  }
0x349: {  	v44 =	vmul.f32 v44, v58;
	v46 =	vadd.f32 $-6.617543850e-02, v46;
	v41 =	vmul.f32 v41, v52  }
0x34a: {  	v51 =	vadd.f32 $-4.101089420e-06, v51;
	v25 =	vmul.f32 v25, v38;
	v48 =	vmul.f32 v47, v47  }
0x34b: {  	v44 =	vadd.f32 $9.664918300e-03, v44;
	v63 =	vmul.f32 v46, v45;
	v60 =	vadd.f32 $3.988475200e-01, v41  }
0x34c: {  	v51 =	vmul.f32 v51, v21;
	v33 =	vadd.f32 $-1.048219160e-03, v33;
	[tilespmem:s14+$0xFFFFFFB0] =	vst v34;
	v59 =	vmul.f32 $1.580965360e-09, v48  }
0x34d: {  	v34 =	vld [tilespmem:s9+$0xFFFFFFD0];
	[tilespmem:s20+$0xFFFFFF90] =	vst v25;
	v62 =	vmul.f32 v44, v58;
	v53 =	vadd.f32 $3.988475200e-01, v63;
	v38 =	vmul.f32 v60, v50  }
0x34e: {  	v33 =	vmul.f32 v33, v29;
	v61 =	vadd.f32 $3.988475200e-01, v42;
	v54 =	vld [tilespmem:s15+$0xFFFFFFB0];
	v25 =	vsub.f32 $1.217211430e-07, v59  }
0x34f: {  	v59 =	vld [tilespmem:s13+$0xFFFFFFD0];
	v52 =	vadd.f32 $-6.617543850e-02, v62;
	v42 =	vmul.f32 v53, v55;
	v38 =	vadd.f32 $5.000000000e-01, v38  }
0x350: {  	v36 =	vmul.f32 v61, v36;
	v57 =	vld [tilespmem:s16+$0xFFFFFFB0];
	v25 =	vmul.f32 v25, v48  }
0x351: {  	v41 =	vmul.f32 v52, v58;
	v61 =	vadd.f32 $5.000000000e-01, v42;
	v43 =	vmul.f32 v38, v43  }
0x352: {  	v33 =	vadd.f32 $9.664918300e-03, v33;
	v37 =	vmul.f32 v35, v3;
	v62 =	vadd.f32 $8.066988810e-05, v51  }
0x353: {  	v25 =	vadd.f32 $-4.101089420e-06, v25;
	v60 =	vadd.f32 $3.988475200e-01, v41;
	v41 =	vmul.f32 v61, v49;
	[tilespmem:s14+$0x50] =	vst v43  }
0x354: {  	s23 =	sadd.s32 $0x120, s20;
	v33 =	vmul.f32 v33, v29;
	v36 =	vadd.f32 $5.000000000e-01, v36;
	v34 =	vadd.f32 v59, v34;
	v55 =	vld [tilespmem:s9+$0x60]  }
0x355: {  	v54 =	vadd.f32 v57, v54;
	v42 =	vmul.f32 v62, v21;
	v63 =	vmul.f32 v25, v48;
	v57 =	vld [tilespmem:s13+$0x60];
	[tilespmem:s23+$0x0] =	vst v41  }
0x356: {  	v38 =	vmul.f32 v36, v26;
	v34 =	vadd.f32 v34, v19;
	v36 =	vmul.f32 v60, v56;
	v41 =	vld [tilespmem:s24+$0x10]  }
0x357: {  	v45 =	vmul.f32 v35, v2;
	v19 =	vadd.f32 $-1.048219160e-03, v42;
	v56 =	vadd.f32 $8.066988810e-05, v63;
	v46 =	vld [tilespmem:s2+$0x10]  }
0x358: {  	v26 =	vmul.f32 v35, v4;
	v58 =	vadd.f32 $5.000000000e-01, v36;
	v36 =	vadd.f32 v54, v24  }
0x359: {  	v62 =	vmax.f32 v34, $-4.000000000e+00;
	v19 =	vmul.f32 v19, v21;
	v59 =	vmul.f32 v56, v48  }
0x35a: {  	v42 =	vmin.f32 v62, $4.000000000e+00;
	v40 =	vmul.f32 v58, v40;
	v60 =	vmax.f32 v36, $-4.000000000e+00  }
0x35b: {  	[tilespmem:s0+$0xFFFFFFD0] =	vst v23;
	v19 =	vadd.f32 $9.664918300e-03, v19;
	v61 =	vadd.f32 $-1.048219160e-03, v59;
	v50 =	vmin.f32 v60, $4.000000000e+00  }
0x35c: {  	v63 =	vadd.f32 v57, v55;
	v57 =	vmul.f32 v20, v7;
	[tilespmem:s23+$0xFFFFFF70] =	vst v40;
	v23 =	vadd.f32 v46, v41;
	v46 =	vld [tilespmem:s3+$0xFFFFFFF0]  }
0x35d: {  	v54 =	vmul.f32 v42, v42;
	v51 =	vmul.f32 v50, v50;
	v49 =	vld [tilespmem:s24+$0xFFFFFF90]  }
0x35e: {  	v19 =	vmul.f32 v19, v21;
	v58 =	vmul.f32 v61, v48;
	v53 =	vld [tilespmem:s2+$0xFFFFFF90];
	v44 =	vadd.f32 v63, v57  }
0x35f: {  	v40 =	vmul.f32 v16, v2;
	v63 =	vld [tilespmem:s22+$0xFFFFFFF0];
	v59 =	vmul.f32 $1.580965360e-09, v51  }
0x360: {  	v61 =	vmul.f32 $1.580965360e-09, v54;
	v41 =	vadd.f32 $9.664918300e-03, v58;
	v62 =	vmax.f32 v44, $-4.000000000e+00  }
0x361: {  	v43 =	vadd.f32 v23, v40;
	v60 =	vsub.f32 $1.217211430e-07, v59;
	v56 =	vmin.f32 v62, $4.000000000e+00  }
0x362: {  	v23 =	vmul.f32 v41, v48;
	v41 =	vsub.f32 $1.217211430e-07, v61;
	v52 =	vmul.f32 v56, v56  }
0x363: {  	v59 =	vmul.f32 v60, v51;
	v49 =	vadd.f32 v53, v49;
	v60 =	vmax.f32 v43, $-4.000000000e+00  }
0x364: {  	v23 =	vadd.f32 $-6.617543850e-02, v23;
	v46 =	vadd.f32 v63, v46;
	v41 =	vmul.f32 v41, v54  }
0x365: {  	v53 =	vmin.f32 v60, $4.000000000e+00;
	v62 =	vmul.f32 $1.580965360e-09, v52;
	v61 =	vadd.f32 $-4.101089420e-06, v59  }
0x366: {  	v40 =	vadd.f32 v49, v45;
	v45 =	vmul.f32 v53, v53;
	v23 =	vmul.f32 v23, v48  }
0x367: {  	v41 =	vadd.f32 $-4.101089420e-06, v41;
	v60 =	vsub.f32 $1.217211430e-07, v62;
	v63 =	vmul.f32 v61, v51  }
0x368: {  	v61 =	vmax.f32 v40, $-4.000000000e+00;
	v62 =	vmul.f32 $1.580965360e-09, v45;
	v23 =	vadd.f32 $3.988475200e-01, v23  }
0x369: {  	v55 =	vmin.f32 v61, $4.000000000e+00;
	v48 =	vadd.f32 $8.066988810e-05, v63;
	v63 =	vmul.f32 v60, v52  }
0x36a: {  	v49 =	vmul.f32 v55, v55;
	v57 =	vsub.f32 $1.217211430e-07, v62;
	v23 =	vmul.f32 v23, v47  }
0x36b: {  	v18 =	vadd.f32 v46, v18;
	v41 =	vmul.f32 v41, v54;
	v46 =	vadd.f32 $-4.101089420e-06, v63  }
0x36c: {  	v61 =	vmul.f32 $1.580965360e-09, v49;
	v57 =	vmul.f32 v57, v45;
	v23 =	vadd.f32 $5.000000000e-01, v23  }
0x36d: {  	v41 =	vadd.f32 $8.066988810e-05, v41;
	v60 =	vmul.f32 v48, v51;
	v46 =	vmul.f32 v46, v52  }
0x36e: {  	v57 =	vadd.f32 $-4.101089420e-06, v57;
	v23 =	vmul.f32 v23, v39;
	v62 =	vsub.f32 $1.217211430e-07, v61  }
0x36f: {  	v19 =	vadd.f32 $-6.617543850e-02, v19;
	v41 =	vmul.f32 v41, v54;
	v47 =	vadd.f32 $-1.048219160e-03, v60  }
0x370: {  	v46 =	vadd.f32 $8.066988810e-05, v46;
	v63 =	vmul.f32 v57, v45;
	[tilespmem:s20+$0x30] =	vst v23;
	v39 =	vmul.f32 v62, v49  }
0x371: {  	v60 =	vmul.f32 v19, v21;
	v47 =	vmul.f32 v47, v51;
	v58 =	vld [tilespmem:s15+$0x40]  }
0x372: {  	v59 =	vld [tilespmem:s16+$0x40];
	v46 =	vmul.f32 v46, v52;
	v48 =	vadd.f32 $8.066988810e-05, v63;
	v39 =	vadd.f32 $-4.101089420e-06, v39  }
0x373: {  	v41 =	vadd.f32 $-1.048219160e-03, v41;
	v61 =	vmul.f32 v11, v5;
	v21 =	vadd.f32 $9.664918300e-03, v47  }
0x374: {  	v46 =	vadd.f32 $-1.048219160e-03, v46;
	v48 =	vmul.f32 v48, v45;
	v39 =	vmul.f32 v39, v49  }
0x375: {  	v41 =	vmul.f32 v41, v54;
	v21 =	vmul.f32 v21, v51  }
0x376: {  	v46 =	vmul.f32 v46, v52;
	v47 =	vadd.f32 $-1.048219160e-03, v48;
	v39 =	vadd.f32 $8.066988810e-05, v39  }
0x377: {  	v57 =	vmax.f32 v18, $-4.000000000e+00;
	v48 =	vadd.f32 v59, v58;
	v62 =	vadd.f32 $-6.617543850e-02, v21  }
0x378: {  	v63 =	vadd.f32 $9.664918300e-03, v41;
	v46 =	vadd.f32 $9.664918300e-03, v46;
	v47 =	vmul.f32 v47, v45  }
0x379: {  	v39 =	vmul.f32 v39, v49;
	v41 =	vadd.f32 v48, v61;
	v61 =	vmul.f32 v62, v51  }
0x37a: {  	v19 =	vmin.f32 v57, $4.000000000e+00;
	v46 =	vmul.f32 v46, v52;
	v47 =	vadd.f32 $9.664918300e-03, v47  }
0x37b: {  	v62 =	vmul.f32 v63, v54;
	v39 =	vadd.f32 $-1.048219160e-03, v39;
	v48 =	vadd.f32 $3.988475200e-01, v61  }
0x37c: {  	v57 =	vmax.f32 v41, $-4.000000000e+00;
	v46 =	vadd.f32 $-6.617543850e-02, v46;
	v47 =	vmul.f32 v47, v45  }
0x37d: {  	v57 =	vmin.f32 v57, $4.000000000e+00;
	v39 =	vmul.f32 v39, v49;
	v48 =	vmul.f32 v48, v50  }
0x37e: {  	v46 =	vmul.f32 v46, v52;
	v52 =	vmul.f32 v57, v57  }
0x37f: {  	v25 =	vmul.f32 v35, v5;
	v47 =	vadd.f32 $-6.617543850e-02, v47;
	v39 =	vadd.f32 $9.664918300e-03, v39  }
0x380: {  	v51 =	vadd.f32 $-6.617543850e-02, v62;
	v48 =	vadd.f32 $5.000000000e-01, v48;
	v63 =	vmul.f32 $1.580965360e-09, v52  }
0x381: {  	v46 =	vadd.f32 $3.988475200e-01, v46;
	v45 =	vmul.f32 v47, v45;
	v39 =	vmul.f32 v39, v49  }
0x382: {  	v51 =	vmul.f32 v51, v54;
	v36 =	vmul.f32 v48, v36;
	v50 =	vsub.f32 $1.217211430e-07, v63  }
0x383: {  	v46 =	vmul.f32 v46, v56;
	v39 =	vadd.f32 $-6.617543850e-02, v39;
	v45 =	vadd.f32 $3.988475200e-01, v45  }
0x384: {  	v21 =	vmul.f32 v19, v19;
	v58 =	vadd.f32 $3.988475200e-01, v51;
	v50 =	vmul.f32 v50, v52  }
0x385: {  	[tilespmem:s20+$0xFFFFFFA0] =	vst v36;
	v46 =	vadd.f32 $5.000000000e-01, v46;
	v39 =	vmul.f32 v39, v49;
	v45 =	vmul.f32 v45, v53  }
0x386: {  	v47 =	vmul.f32 $1.580965360e-09, v21;
	v59 =	vmul.f32 v58, v42;
	v61 =	vld [tilespmem:s15+$0xFFFFFFC0];
	v62 =	vadd.f32 $-4.101089420e-06, v50  }
0x387: {  	v63 =	vld [tilespmem:s16+$0xFFFFFFC0];
	v44 =	vmul.f32 v46, v44;
	v39 =	vadd.f32 $3.988475200e-01, v39;
	v45 =	vadd.f32 $5.000000000e-01, v45  }
0x388: {  	v36 =	vadd.f32 $5.000000000e-01, v59;
	v53 =	vadd.f32 $3.988475200e-01, v60;
	v48 =	vmul.f32 v62, v52  }
0x389: {  	v54 =	vsub.f32 $1.217211430e-07, v47;
	[tilespmem:s14+$0x60] =	vst v44;
	v39 =	vmul.f32 v39, v55;
	v43 =	vmul.f32 v45, v43  }
0x38a: {  	v34 =	vmul.f32 v36, v34;
	v32 =	vmul.f32 v53, v32;
	v56 =	vld [tilespmem:s9+$0x70]  }
0x38b: {  	v44 =	vmul.f32 v54, v21;
	v58 =	vld [tilespmem:s13+$0x70];
	v59 =	vadd.f32 $8.066988810e-05, v48;
	v39 =	vadd.f32 $5.000000000e-01, v39;
	[tilespmem:s23+$0x10] =	vst v43  }
0x38c: {  	v24 =	vmul.f32 v35, v6;
	v32 =	vadd.f32 $5.000000000e-01, v32;
	v42 =	vadd.f32 v63, v61;
	v43 =	vld [tilespmem:s24+$0x20]  }
0x38d: {  	[tilespmem:s14+$0xFFFFFFC0] =	vst v34;
	v44 =	vadd.f32 $-4.101089420e-06, v44;
	v61 =	vld [tilespmem:s2+$0x20];
	v60 =	vmul.f32 v59, v52;
	v39 =	vmul.f32 v39, v40  }
0x38e: {  	v62 =	vld [tilespmem:s9+$0xFFFFFFE0];
	v48 =	vmul.f32 v32, v31;
	v31 =	vadd.f32 $-6.617543850e-02, v33;
	v34 =	vadd.f32 v42, v28  }
0x38f: {  	v20 =	vmul.f32 v20, v8;
	v63 =	vld [tilespmem:s13+$0xFFFFFFE0];
	v49 =	vmul.f32 v44, v21;
	v28 =	vadd.f32 $-1.048219160e-03, v60;
	[tilespmem:s23+$0xFFFFFF80] =	vst v39  }
0x390: {  	v29 =	vmul.f32 v31, v29;
	v31 =	vmax.f32 v34, $-4.000000000e+00;
	v50 =	vadd.f32 v58, v56;
	v56 =	vld [tilespmem:s24+$0xFFFFFFA0]  }
0x391: {  	v36 =	vmin.f32 v31, $4.000000000e+00;
	v53 =	vadd.f32 $8.066988810e-05, v49;
	v59 =	vld [tilespmem:s2+$0xFFFFFFA0];
	v58 =	vmul.f32 v28, v52  }
0x392: {  	v60 =	vmul.f32 v16, v3;
	v31 =	vadd.f32 v50, v20;
	v20 =	vadd.f32 v61, v43  }
0x393: {  	v39 =	vmul.f32 v36, v36;
	v28 =	vadd.f32 $3.988475200e-01, v29;
	v29 =	vadd.f32 $9.664918300e-03, v58  }
0x394: {  	v61 =	vadd.f32 v63, v62;
	v62 =	vmax.f32 v31, $-4.000000000e+00;
	v42 =	vadd.f32 v20, v60  }
0x395: {  	v32 =	vmin.f32 v62, $4.000000000e+00;
	v20 =	vmul.f32 v29, v52;
	v29 =	vmul.f32 $1.580965360e-09, v39  }
0x396: {  	v33 =	vmul.f32 v32, v32;
	v63 =	vadd.f32 v59, v56;
	v49 =	vmax.f32 v42, $-4.000000000e+00  }
0x397: {  	v23 =	vmul.f32 v35, v7;
	v45 =	vmin.f32 v49, $4.000000000e+00;
	v50 =	vadd.f32 $-6.617543850e-02, v20  }
0x398: {  	v29 =	vsub.f32 $1.217211430e-07, v29;
	v51 =	vmul.f32 $1.580965360e-09, v33;
	v40 =	vadd.f32 v63, v37  }
0x399: {  	v46 =	vmul.f32 v45, v45;
	v20 =	vadd.f32 v61, v27;
	v27 =	vmul.f32 v50, v52  }
0x39a: {  	v29 =	vmul.f32 v29, v39;
	v52 =	vsub.f32 $1.217211430e-07, v51;
	v54 =	vmax.f32 v40, $-4.000000000e+00  }
0x39b: {  	v55 =	vmul.f32 $1.580965360e-09, v46;
	v56 =	vmax.f32 v20, $-4.000000000e+00;
	v27 =	vadd.f32 $3.988475200e-01, v27  }
0x39c: {  	[tilespmem:s5+$0xFFFFFFD0] =	vst v48;
	v43 =	vmin.f32 v54, $4.000000000e+00;
	v29 =	vadd.f32 $-4.101089420e-06, v29;
	v37 =	vmul.f32 v52, v33  }
0x39d: {  	v49 =	vld [tilespmem:s19+$0xFFFFFFF0];
	v44 =	vmul.f32 v43, v43;
	v47 =	vsub.f32 $1.217211430e-07, v55;
	v57 =	vmul.f32 v27, v57  }
0x39e: {  	v51 =	vld [tilespmem:s21+$0xFFFFFFF0];
	v29 =	vmul.f32 v29, v39;
	v27 =	vmin.f32 v56, $4.000000000e+00;
	v37 =	vadd.f32 $-4.101089420e-06, v37  }
0x39f: {  	v58 =	vmul.f32 $1.580965360e-09, v44;
	v47 =	vmul.f32 v47, v46;
	v50 =	vadd.f32 $5.000000000e-01, v57  }
0x3a0: {  	s21 =	smul.u32 $0x5A00, s28;
	v59 =	vadd.f32 $8.066988810e-05, v29;
	v29 =	vmul.f32 v27, v27;
	v37 =	vmul.f32 v37, v33  }
0x3a1: {  	p1 =	por @!p1 $0x0, $0x0;
	s22 =	smul.u32 $0x1400, s28;
	v48 =	vsub.f32 $1.217211430e-07, v58;
	v47 =	vadd.f32 $-4.101089420e-06, v47;
	v41 =	vmul.f32 v50, v41  }
0x3a2: {  	s8 =	simm.s32 $0xA;
	s11 =	simm.s32 $0x8050;
	s3 =	sshrl.u32 s21, $0x2;
	v50 =	vmul.f32 v59, v39;
	v60 =	vmul.f32 $1.580965360e-09, v29;
	v61 =	vadd.f32 $8.066988810e-05, v37  }
0x3a3: {  	s19 =	sadd.s32 $0x2A00, s22;
	s21 =	sor.u32 $0x200, s22;
	s22 =	sadd.s32 $0x5200, s3;
	v62 =	vmul.f32 v48, v44;
	v63 =	vmul.f32 v47, v46;
	v37 =	vadd.f32 v51, v49;
	[tilespmem:s20+$0x40] =	vst v41  }
0x3a4: {  	p1 =	por @p2 $0x1, $0x1;
	[tilespmem:s5+$0x70] =	vst v38;
	v48 =	vadd.f32 $-1.048219160e-03, v50;
	v41 =	vsub.f32 $1.217211430e-07, v60;
	v38 =	vmul.f32 v61, v33;
	v47 =	vld [tilespmem:s15+$0x50]  }
0x3a5: {  	s7 =	smov.u32 s23;
	s10 =	smov.u32 s24;
	[tilespmem:s0+$0x70] =	vst v30;
	v30 =	vmul.f32 v53, v21;
	s3 =	smov.u32 s2;
	v50 =	vadd.f32 $-4.101089420e-06, v62;
	v51 =	vadd.f32 $8.066988810e-05, v63;
	v49 =	vld [tilespmem:s16+$0x50]  }
.LBB2_5:
0x3a6: {  	v35 =	vld [tilespmem:s11+$0x0];
	s24 =	sadd.s32 $0x100, s24;
	v48 =	vmul.f32 v48, v39;
	v41 =	vmul.f32 v41, v29;
	v38 =	vadd.f32 $-1.048219160e-03, v38  }
0x3a7: {  	s2 =	sadd.s32 $0x100, s2;
	v37 =	vadd.f32 v37, v9;
	v9 =	vmovc v10;
	v52 =	vld [tilespmem:s24+$0x0];
	v50 =	vmul.f32 v50, v44;
	v51 =	vmul.f32 v51, v46  }
0x3a8: {  	v10 =	vmovc v13;
	v13 =	vmovc v22;
	v53 =	vld [tilespmem:s2+$0x0];
	v54 =	vadd.f32 $9.664918300e-03, v48;
	v48 =	vadd.f32 $-4.101089420e-06, v41;
	v38 =	vmul.f32 v38, v33  }
0x3a9: {  	v55 =	vld [tilespmem:s24+$0xFFFFFF80];
	v41 =	vadd.f32 $8.066988810e-05, v50;
	v50 =	vadd.f32 $-1.048219160e-03, v51;
	v51 =	vmax.f32 v37, $-4.000000000e+00  }
0x3aa: {  	v56 =	vld [tilespmem:s2+$0xFFFFFF80];
	v47 =	vadd.f32 v49, v47;
	v49 =	vmul.f32 v11, v6;
	v38 =	vadd.f32 $9.664918300e-03, v38  }
0x3ab: {  	v22 =	vld [tilespmem:s11+$0xFFFFFFF0];
	v57 =	vmul.f32 v41, v44;
	v58 =	vmul.f32 v50, v46;
	v41 =	vmin.f32 v51, $4.000000000e+00  }
0x3ac: {  	v51 =	vmul.f32 v54, v39;
	v50 =	vadd.f32 v47, v49;
	v38 =	vmul.f32 v38, v33  }
0x3ad: {  	v49 =	vmul.f32 v35, v1;
	v47 =	vadd.f32 v53, v52;
	v52 =	vadd.f32 $9.664918300e-03, v58  }
0x3ae: {  	v54 =	vadd.f32 $-1.048219160e-03, v57;
	v53 =	vmax.f32 v50, $-4.000000000e+00;
	v38 =	vadd.f32 $-6.617543850e-02, v38  }
0x3af: {  	s8 =	sadd.s32 $0x2, s8;
	v49 =	vadd.f32 v47, v49;
	v47 =	vmul.f32 v52, v46;
	v53 =	vmin.f32 v53, $4.000000000e+00  }
0x3b0: {  	p2 =	slt.u32 s8, $0x26;
	v55 =	vadd.f32 v56, v55;
	v56 =	vmul.f32 v53, v53;
	v33 =	vmul.f32 v38, v33  }
0x3b1: {  	v38 =	vmul.f32 v22, v1;
	v52 =	vmax.f32 v49, $-4.000000000e+00;
	v57 =	vadd.f32 $-6.617543850e-02, v47  }
0x3b2: {  	v52 =	vmin.f32 v52, $4.000000000e+00;
	v58 =	vmul.f32 $1.580965360e-09, v56;
	v59 =	vadd.f32 $3.988475200e-01, v33  }
0x3b3: {  	v47 =	vadd.f32 v55, v38;
	v55 =	vmul.f32 v52, v52;
	v38 =	vmul.f32 v57, v46  }
0x3b4: {  	v33 =	vmul.f32 v22, v2;
	v57 =	vsub.f32 $1.217211430e-07, v58;
	v32 =	vmul.f32 v59, v32  }
0x3b5: {  	v46 =	vmax.f32 v47, $-4.000000000e+00;
	v58 =	vmul.f32 $1.580965360e-09, v55;
	v38 =	vadd.f32 $3.988475200e-01, v38  }
0x3b6: {  	v46 =	vmin.f32 v46, $4.000000000e+00;
	v57 =	vmul.f32 v57, v56;
	v32 =	vadd.f32 $5.000000000e-01, v32  }
0x3b7: {  	v59 =	vmul.f32 v46, v46;
	v58 =	vsub.f32 $1.217211430e-07, v58;
	v45 =	vmul.f32 v38, v45  }
0x3b8: {  	v38 =	vmul.f32 v22, v3;
	v57 =	vadd.f32 $-4.101089420e-06, v57;
	v31 =	vmul.f32 v32, v31  }
0x3b9: {  	v32 =	vmul.f32 $1.580965360e-09, v59;
	v58 =	vmul.f32 v58, v55;
	v45 =	vadd.f32 $5.000000000e-01, v45  }
0x3ba: {  	v51 =	vadd.f32 $-6.617543850e-02, v51;
	v54 =	vmul.f32 v54, v44;
	v57 =	vmul.f32 v57, v56;
	[tilespmem:s14+$0x70] =	vst v31  }
0x3bb: {  	v31 =	vsub.f32 $1.217211430e-07, v32;
	v32 =	vadd.f32 $-4.101089420e-06, v58;
	v42 =	vmul.f32 v45, v42  }
0x3bc: {  	v54 =	vadd.f32 $9.664918300e-03, v54;
	v45 =	vmul.f32 v22, v4;
	v57 =	vadd.f32 $8.066988810e-05, v57  }
0x3bd: {  	v58 =	vadd.f32 $-1.048219160e-03, v30;
	v31 =	vmul.f32 v31, v59;
	v32 =	vmul.f32 v32, v55;
	[tilespmem:s23+$0x20] =	vst v42  }
0x3be: {  	v42 =	vmul.f32 v54, v44;
	v54 =	vld [tilespmem:s10+$0x30];
	v57 =	vmul.f32 v57, v56  }
0x3bf: {  	v30 =	vmul.f32 v22, v5;
	v31 =	vadd.f32 $-4.101089420e-06, v31;
	v32 =	vadd.f32 $8.066988810e-05, v32;
	v60 =	vld [tilespmem:s3+$0x30]  }
0x3c0: {  	v39 =	vmul.f32 v51, v39;
	v42 =	vadd.f32 $-6.617543850e-02, v42;
	v51 =	vadd.f32 $-1.048219160e-03, v57  }
0x3c1: {  	v31 =	vmul.f32 v31, v59;
	v32 =	vmul.f32 v32, v55  }
0x3c2: {  	v39 =	vadd.f32 $3.988475200e-01, v39;
	v42 =	vmul.f32 v42, v44;
	v44 =	vmul.f32 v51, v56  }
0x3c3: {  	v57 =	vmul.f32 v22, v6;
	v31 =	vadd.f32 $8.066988810e-05, v31;
	v32 =	vadd.f32 $-1.048219160e-03, v32  }
0x3c4: {  	v51 =	vadd.f32 v60, v54;
	v54 =	vmul.f32 v16, v4;
	v44 =	vadd.f32 $9.664918300e-03, v44  }
0x3c5: {  	v31 =	vmul.f32 v31, v59;
	v60 =	vadd.f32 $3.988475200e-01, v42;
	v32 =	vmul.f32 v32, v55  }
0x3c6: {  	v36 =	vmul.f32 v39, v36;
	v42 =	vadd.f32 v51, v54;
	v39 =	vmul.f32 v44, v56  }
0x3c7: {  	v31 =	vadd.f32 $-1.048219160e-03, v31;
	v43 =	vmul.f32 v60, v43;
	v32 =	vadd.f32 $9.664918300e-03, v32  }
0x3c8: {  	v36 =	vadd.f32 $5.000000000e-01, v36;
	v44 =	vmax.f32 v42, $-4.000000000e+00;
	v39 =	vadd.f32 $-6.617543850e-02, v39  }
0x3c9: {  	v31 =	vmul.f32 v31, v59;
	v32 =	vmul.f32 v32, v55;
	v51 =	vmin.f32 v44, $4.000000000e+00  }
0x3ca: {  	v43 =	vadd.f32 $5.000000000e-01, v43;
	v54 =	vmul.f32 v51, v51;
	v39 =	vmul.f32 v39, v56  }
0x3cb: {  	v34 =	vmul.f32 v36, v34;
	v31 =	vadd.f32 $9.664918300e-03, v31;
	v32 =	vadd.f32 $-6.617543850e-02, v32  }
0x3cc: {  	v36 =	vmul.f32 v43, v40;
	v43 =	vmul.f32 $1.580965360e-09, v54;
	v39 =	vadd.f32 $3.988475200e-01, v39  }
0x3cd: {  	v31 =	vmul.f32 v31, v59;
	v32 =	vmul.f32 v32, v55;
	[tilespmem:s20+$0xFFFFFFB0] =	vst v34  }
0x3ce: {  	v40 =	vmul.f32 v22, v7;
	[tilespmem:s23+$0xFFFFFF90] =	vst v36;
	v34 =	vsub.f32 $1.217211430e-07, v43;
	v36 =	vld [tilespmem:s15+$0xFFFFFFD0];
	v39 =	vmul.f32 v39, v53  }
0x3cf: {  	v44 =	vmul.f32 v48, v29;
	v31 =	vadd.f32 $-6.617543850e-02, v31;
	v32 =	vadd.f32 $3.988475200e-01, v32;
	v43 =	vld [tilespmem:s10+$0xFFFFFFB0]  }
0x3d0: {  	v22 =	vmul.f32 v22, v8;
	v48 =	vld [tilespmem:s3+$0xFFFFFFB0];
	v34 =	vmul.f32 v34, v54;
	v39 =	vadd.f32 $5.000000000e-01, v39  }
0x3d1: {  	v44 =	vadd.f32 $8.066988810e-05, v44;
	v31 =	vmul.f32 v31, v59;
	v52 =	vmul.f32 v32, v52;
	v53 =	vld [tilespmem:s16+$0xFFFFFFD0]  }
0x3d2: {  	v32 =	vmul.f32 v41, v41;
	v34 =	vadd.f32 $-4.101089420e-06, v34;
	v39 =	vmul.f32 v39, v50  }
0x3d3: {  	v44 =	vmul.f32 v44, v29;
	v31 =	vadd.f32 $3.988475200e-01, v31;
	v50 =	vadd.f32 $5.000000000e-01, v52  }
0x3d4: {  	v52 =	vmul.f32 $1.580965360e-09, v32;
	v34 =	vmul.f32 v34, v54;
	[tilespmem:s20+$0x50] =	vst v39  }
0x3d5: {  	v39 =	vmul.f32 v31, v46;
	v46 =	vmul.f32 v50, v49;
	v43 =	vadd.f32 v48, v43;
	v48 =	vld [tilespmem:s15+$0x60]  }
0x3d6: {  	s23 =	sadd.s32 $0x120, s23;
	v31 =	vmul.f32 v58, v21;
	v34 =	vadd.f32 $8.066988810e-05, v34;
	v36 =	vadd.f32 v53, v36;
	v49 =	vld [tilespmem:s16+$0x60]  }
0x3d7: {  	v28 =	vmul.f32 v28, v14;
	v14 =	vmovc v19;
	v50 =	vadd.f32 $5.000000000e-01, v39;
	[tilespmem:s23+$0x0] =	vst v46;
	v39 =	vadd.f32 v43, v26  }
0x3d8: {  	v19 =	vmovc v41;
	v44 =	vadd.f32 $-1.048219160e-03, v44;
	v26 =	vmovc v45;
	v43 =	vld [tilespmem:s24+$0x10];
	v53 =	vmul.f32 v34, v54;
	v36 =	vadd.f32 v36, v17  }
0x3d9: {  	v41 =	vmul.f32 v50, v47;
	v34 =	vsub.f32 $1.217211430e-07, v52;
	v17 =	vmovc v24;
	v24 =	vmovc v57;
	v47 =	vld [tilespmem:s2+$0x10];
	v45 =	vmax.f32 v39, $-4.000000000e+00  }
0x3da: {  	v46 =	vmin.f32 v45, $4.000000000e+00;
	v45 =	vadd.f32 $-1.048219160e-03, v53;
	v50 =	vmax.f32 v36, $-4.000000000e+00  }
0x3db: {  	v52 =	vmul.f32 v11, v7;
	[tilespmem:s23+$0xFFFFFF70] =	vst v41;
	v41 =	vmul.f32 v46, v46;
	v48 =	vadd.f32 v49, v48  }
0x3dc: {  	v53 =	vld [tilespmem:s24+$0xFFFFFF90];
	v55 =	vmul.f32 v45, v54;
	v45 =	vmin.f32 v50, $4.000000000e+00;
	v50 =	vmul.f32 v44, v29  }
0x3dd: {  	v56 =	vld [tilespmem:s2+$0xFFFFFF90];
	v57 =	vmul.f32 $1.580965360e-09, v41;
	v49 =	vmul.f32 v45, v45;
	v44 =	vadd.f32 v48, v52  }
0x3de: {  	v43 =	vadd.f32 v47, v43;
	v47 =	vmul.f32 v35, v2;
	v48 =	vadd.f32 $9.664918300e-03, v55  }
0x3df: {  	v52 =	vsub.f32 $1.217211430e-07, v57;
	v55 =	vmul.f32 $1.580965360e-09, v49;
	v57 =	vmax.f32 v44, $-4.000000000e+00  }
0x3e0: {  	v43 =	vadd.f32 v43, v47;
	v47 =	vmul.f32 v48, v54;
	v57 =	vmin.f32 v57, $4.000000000e+00  }
0x3e1: {  	v48 =	vmul.f32 v52, v41;
	v52 =	vsub.f32 $1.217211430e-07, v55;
	v55 =	vmul.f32 v57, v57  }
0x3e2: {  	v53 =	vadd.f32 v56, v53;
	v56 =	vmax.f32 v43, $-4.000000000e+00;
	v47 =	vadd.f32 $-6.617543850e-02, v47  }
0x3e3: {  	v56 =	vmin.f32 v56, $4.000000000e+00;
	v48 =	vadd.f32 $-4.101089420e-06, v48;
	v58 =	vmul.f32 $1.580965360e-09, v55  }
0x3e4: {  	v33 =	vadd.f32 v53, v33;
	v53 =	vmul.f32 v56, v56;
	v47 =	vmul.f32 v47, v54  }
0x3e5: {  	v52 =	vmul.f32 v52, v49;
	v54 =	vmul.f32 v48, v41;
	v58 =	vsub.f32 $1.217211430e-07, v58  }
0x3e6: {  	v48 =	vmax.f32 v33, $-4.000000000e+00;
	v59 =	vmul.f32 $1.580965360e-09, v53;
	v47 =	vadd.f32 $3.988475200e-01, v47  }
0x3e7: {  	v48 =	vmin.f32 v48, $4.000000000e+00;
	v54 =	vadd.f32 $8.066988810e-05, v54;
	v58 =	vmul.f32 v58, v55  }
0x3e8: {  	v60 =	vmul.f32 v48, v48;
	v59 =	vsub.f32 $1.217211430e-07, v59;
	v47 =	vmul.f32 v47, v51  }
0x3e9: {  	v52 =	vadd.f32 $-4.101089420e-06, v52;
	v51 =	vmul.f32 v54, v41;
	v54 =	vadd.f32 $-4.101089420e-06, v58  }
0x3ea: {  	v58 =	vmul.f32 $1.580965360e-09, v60;
	v59 =	vmul.f32 v59, v53;
	v47 =	vadd.f32 $5.000000000e-01, v47  }
0x3eb: {  	v52 =	vmul.f32 v52, v49;
	v51 =	vadd.f32 $-1.048219160e-03, v51;
	v54 =	vmul.f32 v54, v55  }
0x3ec: {  	v58 =	vsub.f32 $1.217211430e-07, v58;
	v59 =	vadd.f32 $-4.101089420e-06, v59;
	v42 =	vmul.f32 v47, v42  }
0x3ed: {  	v47 =	vmul.f32 v51, v41;
	v51 =	vadd.f32 $8.066988810e-05, v52;
	v52 =	vadd.f32 $8.066988810e-05, v54  }
0x3ee: {  	v54 =	vmul.f32 v58, v60;
	v58 =	vmul.f32 v59, v53;
	[tilespmem:s7+$0x30] =	vst v42;
	v42 =	vadd.f32 $9.664918300e-03, v50  }
0x3ef: {  	v47 =	vadd.f32 $9.664918300e-03, v47;
	v50 =	vld [tilespmem:s10+$0x40];
	v51 =	vmul.f32 v51, v49;
	v52 =	vmul.f32 v52, v55  }
0x3f0: {  	v54 =	vadd.f32 $-4.101089420e-06, v54;
	v58 =	vadd.f32 $8.066988810e-05, v58;
	v59 =	vld [tilespmem:s3+$0x40];
	v42 =	vmul.f32 v42, v29  }
0x3f1: {  	v47 =	vmul.f32 v47, v41;
	v51 =	vadd.f32 $-1.048219160e-03, v51;
	v52 =	vadd.f32 $-1.048219160e-03, v52  }
0x3f2: {  	v54 =	vmul.f32 v54, v60;
	v58 =	vmul.f32 v58, v53;
	v42 =	vadd.f32 $-6.617543850e-02, v42  }
0x3f3: {  	v47 =	vadd.f32 $-6.617543850e-02, v47;
	v51 =	vmul.f32 v51, v49;
	v52 =	vmul.f32 v52, v55  }
0x3f4: {  	v54 =	vadd.f32 $8.066988810e-05, v54;
	v58 =	vadd.f32 $-1.048219160e-03, v58;
	v42 =	vmul.f32 v42, v29  }
0x3f5: {  	v29 =	vadd.f32 v59, v50;
	v50 =	vmul.f32 v16, v5;
	v52 =	vadd.f32 $9.664918300e-03, v52  }
0x3f6: {  	v51 =	vadd.f32 $9.664918300e-03, v51;
	v54 =	vmul.f32 v54, v60;
	v58 =	vmul.f32 v58, v53  }
0x3f7: {  	v47 =	vmul.f32 v47, v41;
	v41 =	vadd.f32 v29, v50;
	v29 =	vmul.f32 v52, v55  }
0x3f8: {  	v51 =	vmul.f32 v51, v49;
	v50 =	vadd.f32 $-1.048219160e-03, v54;
	v52 =	vadd.f32 $9.664918300e-03, v58  }
0x3f9: {  	v54 =	vadd.f32 $3.988475200e-01, v47;
	v47 =	vmax.f32 v41, $-4.000000000e+00;
	v58 =	vadd.f32 $-6.617543850e-02, v29  }
0x3fa: {  	v50 =	vmul.f32 v50, v60;
	v52 =	vmul.f32 v52, v53;
	v29 =	vmin.f32 v47, $4.000000000e+00  }
0x3fb: {  	v51 =	vadd.f32 $-6.617543850e-02, v51;
	v47 =	vmul.f32 v29, v29;
	v55 =	vmul.f32 v58, v55  }
0x3fc: {  	v46 =	vmul.f32 v54, v46;
	v50 =	vadd.f32 $9.664918300e-03, v50;
	v52 =	vadd.f32 $-6.617543850e-02, v52  }
0x3fd: {  	v49 =	vmul.f32 v51, v49;
	v54 =	vmul.f32 $1.580965360e-09, v47;
	v51 =	vadd.f32 $3.988475200e-01, v55  }
0x3fe: {  	v46 =	vadd.f32 $5.000000000e-01, v46;
	v50 =	vmul.f32 v50, v60;
	v52 =	vmul.f32 v52, v53  }
0x3ff: {  	v49 =	vadd.f32 $3.988475200e-01, v49;
	v53 =	vsub.f32 $1.217211430e-07, v54;
	v51 =	vmul.f32 v51, v57  }
0x400: {  	v39 =	vmul.f32 v46, v39;
	v50 =	vadd.f32 $-6.617543850e-02, v50;
	v52 =	vadd.f32 $3.988475200e-01, v52  }
0x401: {  	v45 =	vmul.f32 v49, v45;
	v46 =	vmul.f32 v53, v47;
	v49 =	vadd.f32 $5.000000000e-01, v51  }
0x402: {  	v50 =	vmul.f32 v50, v60;
	v51 =	vmul.f32 v52, v56;
	[tilespmem:s7+$0xFFFFFFA0] =	vst v39;
	v39 =	vadd.f32 $3.988475200e-01, v42  }
0x403: {  	v45 =	vadd.f32 $5.000000000e-01, v45;
	v42 =	vld [tilespmem:s10+$0xFFFFFFC0];
	v46 =	vadd.f32 $-4.101089420e-06, v46;
	v44 =	vmul.f32 v49, v44  }
0x404: {  	v49 =	vadd.f32 $3.988475200e-01, v50;
	v50 =	vadd.f32 $5.000000000e-01, v51;
	v51 =	vld [tilespmem:s3+$0xFFFFFFC0];
	v27 =	vmul.f32 v39, v27  }
0x405: {  	v31 =	vadd.f32 $9.664918300e-03, v31;
	v36 =	vmul.f32 v45, v36;
	v39 =	vmul.f32 v46, v47;
	[tilespmem:s20+$0x60] =	vst v44  }
0x406: {  	v44 =	vmul.f32 v49, v48;
	v43 =	vmul.f32 v50, v43;
	v45 =	vld [tilespmem:s15+$0x70];
	v27 =	vadd.f32 $5.000000000e-01, v27  }
0x407: {  	v31 =	vmul.f32 v31, v21;
	v34 =	vmul.f32 v34, v32;
	v39 =	vadd.f32 $8.066988810e-05, v39;
	[tilespmem:s20+$0xFFFFFFC0] =	vst v36;
	v36 =	vld [tilespmem:s16+$0x70]  }
0x408: {  	v44 =	vadd.f32 $5.000000000e-01, v44;
	[tilespmem:s23+$0x10] =	vst v43;
	v43 =	vld [tilespmem:s15+$0xFFFFFFE0];
	v20 =	vmul.f32 v27, v20;
	v27 =	vadd.f32 $5.000000000e-01, v28  }
0x409: {  	v46 =	vld [tilespmem:s24+$0x20];
	v28 =	vadd.f32 v51, v42;
	v39 =	vmul.f32 v39, v47;
	v42 =	vadd.f32 $-4.101089420e-06, v34  }
0x40a: {  	v33 =	vmul.f32 v44, v33;
	v44 =	vld [tilespmem:s2+$0x20];
	[tilespmem:s14+$0xFFFFFFD0] =	vst v20;
	v20 =	vadd.f32 $-6.617543850e-02, v31;
	v27 =	vmul.f32 v27, v12;
	v12 =	vmovc v18  }
0x40b: {  	v18 =	vmovc v37;
	v34 =	vadd.f32 v28, v25;
	v28 =	vadd.f32 $-1.048219160e-03, v39;
	v48 =	vld [tilespmem:s16+$0xFFFFFFE0];
	v31 =	vmul.f32 v42, v32;
	v25 =	vmovc v30  }
0x40c: {  	[tilespmem:s23+$0xFFFFFF80] =	vst v33;
	v30 =	vadd.f32 v36, v45;
	v33 =	vmul.f32 v11, v8;
	v37 =	vld [tilespmem:s9+$0xFFFFFFF0];
	v20 =	vmul.f32 v20, v21;
	s9 =	smov.u32 s15;
	s15 =	smov.u32 s10;
	s10 =	smov.u32 s24  }
0x40d: {  	v11 =	vmovc v16;
	v16 =	vmovc v35;
	v45 =	vld [tilespmem:s24+$0xFFFFFFA0];
	v42 =	vmax.f32 v34, $-4.000000000e+00;
	v39 =	vmul.f32 v28, v47;
	v52 =	vadd.f32 $8.066988810e-05, v31;
	[tilespmem:s31+$0xFFFFFFE0] =	vst v27;
	s31 =	smov.u32 s0;
	s0 =	smov.u32 s5;
	s5 =	smov.u32 s14  }
0x40e: {  	v21 =	vmovc v32;
	s14 =	smov.u32 s20;
	s20 =	smov.u32 s7;
	s7 =	smov.u32 s23;
	v27 =	vld [tilespmem:s2+$0xFFFFFFA0];
	v36 =	vmin.f32 v42, $4.000000000e+00;
	v31 =	vadd.f32 v30, v33;
	v28 =	vadd.f32 $3.988475200e-01, v20  }
0x40f: {  	v30 =	vmul.f32 v16, v3;
	v20 =	vadd.f32 v44, v46;
	v32 =	vadd.f32 $9.664918300e-03, v39;
	v35 =	vld [tilespmem:s13+$0xFFFFFFF0];
	s13 =	smov.u32 s16;
	s16 =	smov.u32 s3;
	s3 =	smov.u32 s2  }
0x410: {  	v39 =	vmul.f32 v36, v36;
	v33 =	vadd.f32 v48, v43;
	v43 =	vmax.f32 v31, $-4.000000000e+00  }
0x411: {  	v42 =	vadd.f32 v20, v30;
	v30 =	vmul.f32 v32, v47;
	v32 =	vmin.f32 v43, $4.000000000e+00  }
0x412: {  	v43 =	vmul.f32 $1.580965360e-09, v39;
	v20 =	vadd.f32 v33, v15;
	v33 =	vmul.f32 v32, v32;
	v15 =	vmovc v23;
	v23 =	vmovc v40  }
0x413: {  	v27 =	vadd.f32 v27, v45;
	v40 =	vmax.f32 v42, $-4.000000000e+00;
	v30 =	vadd.f32 $-6.617543850e-02, v30  }
0x414: {  	v43 =	vsub.f32 $1.217211430e-07, v43;
	v45 =	vmin.f32 v40, $4.000000000e+00;
	v44 =	vmul.f32 $1.580965360e-09, v33  }
0x415: {  	v40 =	vadd.f32 v27, v38;
	v46 =	vmul.f32 v45, v45;
	v27 =	vmul.f32 v30, v47  }
0x416: {  	v30 =	vmul.f32 v43, v39;
	v38 =	vmax.f32 v20, $-4.000000000e+00;
	v44 =	vsub.f32 $1.217211430e-07, v44  }
0x417: {  	v43 =	vmax.f32 v40, $-4.000000000e+00;
	v47 =	vmul.f32 $1.580965360e-09, v46;
	v27 =	vadd.f32 $3.988475200e-01, v27  }
0x418: {  	v30 =	vadd.f32 $-4.101089420e-06, v30;
	v43 =	vmin.f32 v43, $4.000000000e+00;
	v48 =	vmul.f32 v44, v33  }
0x419: {  	v44 =	vmul.f32 v43, v43;
	v47 =	vsub.f32 $1.217211430e-07, v47;
	v29 =	vmul.f32 v27, v29  }
0x41a: {  	v30 =	vmul.f32 v30, v39;
	v27 =	vmin.f32 v38, $4.000000000e+00;
	v38 =	vadd.f32 $-4.101089420e-06, v48  }
0x41b: {  	v48 =	vmul.f32 $1.580965360e-09, v44;
	v47 =	vmul.f32 v47, v46;
	v49 =	vadd.f32 $5.000000000e-01, v29  }
0x41c: {  	v30 =	vadd.f32 $8.066988810e-05, v30;
	v29 =	vmul.f32 v27, v27;
	v38 =	vmul.f32 v38, v33  }
.Ltmp1:
0x41d: {  	v48 =	vsub.f32 $1.217211430e-07, v48;
	v47 =	vadd.f32 $-4.101089420e-06, v47;
	v41 =	vmul.f32 v49, v41;
	(pc) =	sbr.rel @p2 .LBB2_5-.Ltmp1, $4  }
0x41e: {  	v30 =	vmul.f32 v30, v39;
	v49 =	vmul.f32 $1.580965360e-09, v29;
	v38 =	vadd.f32 $8.066988810e-05, v38  }
0x41f: {  	v37 =	vadd.f32 v35, v37;
	v50 =	vmul.f32 v48, v44;
	v51 =	vmul.f32 v47, v46;
	[tilespmem:s20+$0x40] =	vst v41  }
0x420: {  	v48 =	vadd.f32 $-1.048219160e-03, v30;
	v41 =	vsub.f32 $1.217211430e-07, v49;
	v47 =	vld [tilespmem:s15+$0x50];
	v38 =	vmul.f32 v38, v33  }
0x421: {  	s11 =	sadd.s32 $0x20, s11;
	v30 =	vmul.f32 v52, v21;
	v50 =	vadd.f32 $-4.101089420e-06, v50;
	v51 =	vadd.f32 $8.066988810e-05, v51;
	v49 =	vld [tilespmem:s16+$0x50]  }
0x422: {  	_ = 	snop  }
0x423: {  	v35 =	vmul.f32 v50, v44;
	v63 =	vmul.f32 v51, v46;
	_ =	sdelay $0x1  }
0x424: {  	v35 =	vadd.f32 $8.066988810e-05, v35;
	v50 =	vadd.f32 $-1.048219160e-03, v63;
	_ =	sdelay $0x1  }
0x425: {  	v35 =	vmul.f32 v35, v44;
	v50 =	vmul.f32 v50, v46;
	_ =	sdelay $0x1  }
0x426: {  	v50 =	vadd.f32 $9.664918300e-03, v50;
	v35 =	vadd.f32 $-1.048219160e-03, v35;
	_ =	sdelay $0x1  }
0x427: {  	v50 =	vmul.f32 v50, v46;
	v35 =	vmul.f32 v35, v44;
	_ =	sdelay $0x1  }
0x428: {  	v50 =	vadd.f32 $-6.617543850e-02, v50;
	v35 =	vadd.f32 $9.664918300e-03, v35;
	_ =	sdelay $0x1  }
0x429: {  	v52 =	vmul.f32 v50, v46;
	v35 =	vmul.f32 v35, v44;
	_ =	sdelay $0x1  }
0x42a: {  	v46 =	vadd.f32 $3.988475200e-01, v52;
	v35 =	vadd.f32 $-6.617543850e-02, v35;
	_ =	sdelay $0x1  }
0x42b: {  	v45 =	vmul.f32 v46, v45;
	v35 =	vmul.f32 v35, v44;
	_ =	sdelay $0x1  }
0x42c: {  	v53 =	vadd.f32 $5.000000000e-01, v45;
	v35 =	vadd.f32 $3.988475200e-01, v35;
	_ =	sdelay $0x1  }
0x42d: {  	v42 =	vmul.f32 v53, v42;
	v35 =	vmul.f32 v35, v43;
	_ =	sdelay $0x1  }
0x42e: {  	[tilespmem:s23+$0x20] =	vst v42;
	v35 =	vadd.f32 $5.000000000e-01, v35  }
0x42f: {  	v42 =	vld [tilespmem:s10+$0x30]  }
0x430: {  	v54 =	vld [tilespmem:s3+$0x30];
	v35 =	vmul.f32 v35, v40;
	_ =	sdelay $0x1  }
0x431: {  	[tilespmem:s23+$0xFFFFFF90] =	vst v35  }
0x432: {  	v35 =	vld [tilespmem:s10+$0xFFFFFFB0]  }
0x433: {  	v55 =	vld [tilespmem:s3+$0xFFFFFFB0]  }
0x434: {  	v56 =	vmul.f32 v16, v4;
	v42 =	vadd.f32 v54, v42;
	_ =	sdelay $0x1  }
0x435: {  	v42 =	vadd.f32 v42, v56;
	_ =	sdelay $0x1  }
0x436: {  	v43 =	vmax.f32 v42, $-4.000000000e+00;
	v35 =	vadd.f32 v55, v35  }
0x437: {  	v57 =	vmin.f32 v43, $4.000000000e+00  }
0x438: {  	v43 =	vmul.f32 v57, v57;
	v26 =	vadd.f32 v35, v26;
	_ =	sdelay $0x1  }
0x439: {  	v58 =	vmul.f32 $1.580965360e-09, v43;
	v59 =	vmax.f32 v26, $-4.000000000e+00  }
0x43a: {  	v44 =	vmin.f32 v59, $4.000000000e+00  }
0x43b: {  	v35 =	vsub.f32 $1.217211430e-07, v58;
	v60 =	vmul.f32 v44, v44;
	_ =	sdelay $0x1  }
0x43c: {  	v35 =	vmul.f32 v35, v43;
	v61 =	vmul.f32 $1.580965360e-09, v60;
	_ =	sdelay $0x1  }
0x43d: {  	v35 =	vadd.f32 $-4.101089420e-06, v35;
	v46 =	vsub.f32 $1.217211430e-07, v61;
	_ =	sdelay $0x1  }
0x43e: {  	v35 =	vmul.f32 v35, v43;
	v46 =	vmul.f32 v46, v60;
	_ =	sdelay $0x1  }
0x43f: {  	v35 =	vadd.f32 $8.066988810e-05, v35;
	v46 =	vadd.f32 $-4.101089420e-06, v46;
	_ =	sdelay $0x1  }
0x440: {  	v35 =	vmul.f32 v35, v43;
	v46 =	vmul.f32 v46, v60;
	_ =	sdelay $0x1  }
0x441: {  	v35 =	vadd.f32 $-1.048219160e-03, v35;
	v46 =	vadd.f32 $8.066988810e-05, v46;
	_ =	sdelay $0x1  }
0x442: {  	v35 =	vmul.f32 v35, v43;
	v46 =	vmul.f32 v46, v60;
	_ =	sdelay $0x1  }
0x443: {  	v35 =	vadd.f32 $9.664918300e-03, v35;
	v46 =	vadd.f32 $-1.048219160e-03, v46;
	_ =	sdelay $0x1  }
0x444: {  	v35 =	vmul.f32 v35, v43;
	v46 =	vmul.f32 v46, v60;
	_ =	sdelay $0x1  }
0x445: {  	v35 =	vadd.f32 $-6.617543850e-02, v35;
	v46 =	vadd.f32 $9.664918300e-03, v46;
	_ =	sdelay $0x1  }
0x446: {  	v35 =	vmul.f32 v35, v43;
	v62 =	vmul.f32 v46, v60;
	_ =	sdelay $0x1  }
0x447: {  	v35 =	vadd.f32 $3.988475200e-01, v35;
	v43 =	vadd.f32 $-6.617543850e-02, v62;
	_ =	sdelay $0x1  }
0x448: {  	v35 =	vmul.f32 v35, v57;
	v63 =	vmul.f32 v43, v60;
	_ =	sdelay $0x1  }
0x449: {  	v35 =	vadd.f32 $5.000000000e-01, v35;
	v40 =	vadd.f32 $3.988475200e-01, v63;
	_ =	sdelay $0x1  }
0x44a: {  	v35 =	vmul.f32 v35, v42;
	v40 =	vmul.f32 v40, v44;
	_ =	sdelay $0x1  }
0x44b: {  	[tilespmem:s7+$0x30] =	vst v35;
	v45 =	vadd.f32 $5.000000000e-01, v40  }
0x44c: {  	v46 =	vld [tilespmem:s10+$0x40]  }
0x44d: {  	v50 =	vld [tilespmem:s3+$0x40];
	v26 =	vmul.f32 v45, v26;
	_ =	sdelay $0x1  }
0x44e: {  	[tilespmem:s7+$0xFFFFFFA0] =	vst v26  }
0x44f: {  	v26 =	vld [tilespmem:s10+$0xFFFFFFC0]  }
0x450: {  	v51 =	vld [tilespmem:s3+$0xFFFFFFC0]  }
0x451: {  	v52 =	vmul.f32 v16, v5;
	v40 =	vadd.f32 v50, v46;
	_ =	sdelay $0x1  }
0x452: {  	v40 =	vadd.f32 v40, v52;
	_ =	sdelay $0x1  }
0x453: {  	v42 =	vmax.f32 v40, $-4.000000000e+00;
	v26 =	vadd.f32 v51, v26  }
0x454: {  	v53 =	vmin.f32 v42, $4.000000000e+00  }
0x455: {  	v42 =	vmul.f32 v53, v53;
	v25 =	vadd.f32 v26, v25;
	_ =	sdelay $0x1  }
0x456: {  	v54 =	vmul.f32 $1.580965360e-09, v42;
	v55 =	vmax.f32 v25, $-4.000000000e+00  }
0x457: {  	v43 =	vmin.f32 v55, $4.000000000e+00  }
0x458: {  	v26 =	vsub.f32 $1.217211430e-07, v54;
	v56 =	vmul.f32 v43, v43;
	_ =	sdelay $0x1  }
0x459: {  	v26 =	vmul.f32 v26, v42;
	v57 =	vmul.f32 $1.580965360e-09, v56;
	_ =	sdelay $0x1  }
0x45a: {  	v26 =	vadd.f32 $-4.101089420e-06, v26;
	v45 =	vsub.f32 $1.217211430e-07, v57;
	_ =	sdelay $0x1  }
0x45b: {  	v26 =	vmul.f32 v26, v42;
	v45 =	vmul.f32 v45, v56;
	_ =	sdelay $0x1  }
0x45c: {  	v26 =	vadd.f32 $8.066988810e-05, v26;
	v45 =	vadd.f32 $-4.101089420e-06, v45;
	_ =	sdelay $0x1  }
0x45d: {  	v26 =	vmul.f32 v26, v42;
	v45 =	vmul.f32 v45, v56;
	_ =	sdelay $0x1  }
0x45e: {  	v26 =	vadd.f32 $-1.048219160e-03, v26;
	v45 =	vadd.f32 $8.066988810e-05, v45;
	_ =	sdelay $0x1  }
0x45f: {  	v26 =	vmul.f32 v26, v42;
	v45 =	vmul.f32 v45, v56;
	_ =	sdelay $0x1  }
0x460: {  	v58 =	vmul.f32 v48, v39;
	v26 =	vadd.f32 $9.664918300e-03, v26;
	v45 =	vadd.f32 $-1.048219160e-03, v45;
	_ =	sdelay $0x1  }
0x461: {  	v46 =	vadd.f32 $9.664918300e-03, v58;
	v26 =	vmul.f32 v26, v42;
	v45 =	vmul.f32 v45, v56;
	_ =	sdelay $0x1  }
0x462: {  	v46 =	vmul.f32 v46, v39;
	v26 =	vadd.f32 $-6.617543850e-02, v26;
	v45 =	vadd.f32 $9.664918300e-03, v45;
	_ =	sdelay $0x1  }
0x463: {  	v46 =	vadd.f32 $-6.617543850e-02, v46;
	v26 =	vmul.f32 v26, v42;
	v59 =	vmul.f32 v45, v56;
	_ =	sdelay $0x1  }
0x464: {  	v60 =	vmul.f32 v46, v39;
	v26 =	vadd.f32 $3.988475200e-01, v26;
	v42 =	vadd.f32 $-6.617543850e-02, v59;
	_ =	sdelay $0x1  }
0x465: {  	v39 =	vadd.f32 $3.988475200e-01, v60;
	v26 =	vmul.f32 v26, v53;
	v61 =	vmul.f32 v42, v56  }
0x466: {  	v62 =	vadd.f32 v49, v47;
	v63 =	vmul.f32 v11, v6  }
0x467: {  	v36 =	vmul.f32 v39, v36;
	v26 =	vadd.f32 $5.000000000e-01, v26;
	v35 =	vadd.f32 $3.988475200e-01, v61  }
0x468: {  	v39 =	vadd.f32 v62, v63  }
0x469: {  	v36 =	vadd.f32 $5.000000000e-01, v36;
	v26 =	vmul.f32 v26, v40;
	v35 =	vmul.f32 v35, v43;
	_ =	sdelay $0x1  }
0x46a: {  	v47 =	vmax.f32 v39, $-4.000000000e+00;
	v34 =	vmul.f32 v36, v34;
	[tilespmem:s7+$0x40] =	vst v26;
	v48 =	vadd.f32 $5.000000000e-01, v35  }
0x46b: {  	v35 =	vmin.f32 v47, $4.000000000e+00;
	v49 =	vld [tilespmem:s10+$0x50]  }
0x46c: {  	[tilespmem:s20+$0xFFFFFFB0] =	vst v34;
	v40 =	vmul.f32 v35, v35;
	v50 =	vld [tilespmem:s3+$0x50];
	v25 =	vmul.f32 v48, v25  }
0x46d: {  	v51 =	vld [tilespmem:s15+$0xFFFFFFD0]  }
0x46e: {  	v53 =	vld [tilespmem:s16+$0xFFFFFFD0];
	v52 =	vmul.f32 $1.580965360e-09, v40;
	[tilespmem:s7+$0xFFFFFFB0] =	vst v25  }
0x46f: {  	v25 =	vld [tilespmem:s10+$0xFFFFFFD0]  }
0x470: {  	v42 =	vsub.f32 $1.217211430e-07, v52;
	v54 =	vld [tilespmem:s3+$0xFFFFFFD0]  }
0x471: {  	v55 =	vmul.f32 v16, v6;
	v34 =	vadd.f32 v50, v49  }
0x472: {  	v42 =	vmul.f32 v42, v40  }
0x473: {  	v26 =	vadd.f32 v53, v51;
	v34 =	vadd.f32 v34, v55  }
0x474: {  	v56 =	vadd.f32 $-4.101089420e-06, v42  }
0x475: {  	v17 =	vadd.f32 v26, v17;
	v57 =	vmax.f32 v34, $-4.000000000e+00;
	v25 =	vadd.f32 v54, v25  }
0x476: {  	v36 =	vmul.f32 v56, v40;
	v26 =	vmin.f32 v57, $4.000000000e+00  }
0x477: {  	v58 =	vmax.f32 v17, $-4.000000000e+00;
	v43 =	vmul.f32 v26, v26;
	v24 =	vadd.f32 v25, v24  }
0x478: {  	v59 =	vadd.f32 $8.066988810e-05, v36;
	v36 =	vmin.f32 v58, $4.000000000e+00  }
0x479: {  	v42 =	vmul.f32 v36, v36;
	v60 =	vmul.f32 $1.580965360e-09, v43;
	v61 =	vmax.f32 v24, $-4.000000000e+00  }
0x47a: {  	v45 =	vmin.f32 v61, $4.000000000e+00  }
0x47b: {  	v62 =	vmul.f32 $1.580965360e-09, v42;
	v44 =	vsub.f32 $1.217211430e-07, v60;
	v47 =	vmul.f32 v45, v45  }
0x47c: {  	v25 =	vmul.f32 v59, v40  }
0x47d: {  	v46 =	vsub.f32 $1.217211430e-07, v62;
	v44 =	vmul.f32 v44, v43;
	v63 =	vmul.f32 $1.580965360e-09, v47  }
0x47e: {  	v25 =	vadd.f32 $-1.048219160e-03, v25  }
0x47f: {  	v46 =	vmul.f32 v46, v42;
	v44 =	vadd.f32 $-4.101089420e-06, v44;
	v48 =	vsub.f32 $1.217211430e-07, v63  }
0x480: {  	v25 =	vmul.f32 v25, v40  }
0x481: {  	v46 =	vadd.f32 $-4.101089420e-06, v46;
	v44 =	vmul.f32 v44, v43;
	v48 =	vmul.f32 v48, v47  }
0x482: {  	v25 =	vadd.f32 $9.664918300e-03, v25  }
0x483: {  	v46 =	vmul.f32 v46, v42;
	v44 =	vadd.f32 $8.066988810e-05, v44;
	v48 =	vadd.f32 $-4.101089420e-06, v48  }
0x484: {  	v25 =	vmul.f32 v25, v40  }
0x485: {  	v46 =	vadd.f32 $8.066988810e-05, v46;
	v44 =	vmul.f32 v44, v43;
	v48 =	vmul.f32 v48, v47  }
0x486: {  	v25 =	vadd.f32 $-6.617543850e-02, v25  }
0x487: {  	v52 =	vmul.f32 v46, v42;
	v44 =	vadd.f32 $-1.048219160e-03, v44;
	v53 =	vadd.f32 $8.066988810e-05, v48  }
0x488: {  	v25 =	vmul.f32 v25, v40  }
0x489: {  	v40 =	vadd.f32 $-1.048219160e-03, v52;
	v44 =	vmul.f32 v44, v43;
	v46 =	vmul.f32 v53, v47  }
0x48a: {  	v25 =	vadd.f32 $3.988475200e-01, v25  }
0x48b: {  	v54 =	vmul.f32 v40, v42;
	v55 =	vadd.f32 $9.664918300e-03, v44;
	v56 =	vadd.f32 $-1.048219160e-03, v46  }
0x48c: {  	v25 =	vmul.f32 v25, v35  }
0x48d: {  	v35 =	vadd.f32 $9.664918300e-03, v54;
	v40 =	vmul.f32 v55, v43;
	v44 =	vmul.f32 v56, v47  }
0x48e: {  	v25 =	vadd.f32 $5.000000000e-01, v25  }
0x48f: {  	v35 =	vmul.f32 v35, v42;
	v57 =	vadd.f32 $-6.617543850e-02, v40;
	v58 =	vadd.f32 $9.664918300e-03, v44  }
0x490: {  	v25 =	vmul.f32 v25, v39  }
0x491: {  	v59 =	vadd.f32 $-6.617543850e-02, v35;
	v60 =	vmul.f32 v57, v43;
	v61 =	vmul.f32 v58, v47;
	_ =	sdelay $0x1  }
0x492: {  	[tilespmem:s20+$0x50] =	vst v25;
	v25 =	vmul.f32 v59, v42;
	v35 =	vadd.f32 $3.988475200e-01, v60;
	v39 =	vadd.f32 $-6.617543850e-02, v61;
	_ =	sdelay $0x1  }
0x493: {  	v62 =	vld [tilespmem:s15+$0x60];
	v25 =	vadd.f32 $3.988475200e-01, v25;
	v26 =	vmul.f32 v35, v26;
	v42 =	vmul.f32 v39, v47  }
0x494: {  	v63 =	vld [tilespmem:s16+$0x60]  }
0x495: {  	v25 =	vmul.f32 v25, v36;
	v26 =	vadd.f32 $5.000000000e-01, v26;
	v35 =	vadd.f32 $3.988475200e-01, v42;
	_ =	sdelay $0x1  }
0x496: {  	v25 =	vadd.f32 $5.000000000e-01, v25;
	v26 =	vmul.f32 v26, v34;
	v47 =	vmul.f32 v35, v45  }
0x497: {  	v46 =	vmul.f32 v11, v7  }
0x498: {  	v44 =	vadd.f32 v63, v62;
	v17 =	vmul.f32 v25, v17;
	[tilespmem:s7+$0x50] =	vst v26;
	v48 =	vadd.f32 $5.000000000e-01, v47  }
0x499: {  	v26 =	vld [tilespmem:s10+$0x60]  }
0x49a: {  	v35 =	vadd.f32 v44, v46;
	v50 =	vld [tilespmem:s3+$0x60];
	[tilespmem:s20+$0xFFFFFFC0] =	vst v17;
	v24 =	vmul.f32 v48, v24  }
0x49b: {  	v51 =	vld [tilespmem:s15+$0xFFFFFFE0]  }
0x49c: {  	v49 =	vmax.f32 v35, $-4.000000000e+00;
	v53 =	vld [tilespmem:s16+$0xFFFFFFE0];
	[tilespmem:s7+$0xFFFFFFC0] =	vst v24  }
0x49d: {  	v25 =	vmin.f32 v49, $4.000000000e+00;
	v24 =	vld [tilespmem:s10+$0xFFFFFFE0]  }
0x49e: {  	v52 =	vmul.f32 v25, v25;
	v55 =	vld [tilespmem:s3+$0xFFFFFFE0]  }
0x49f: {  	v56 =	vmul.f32 v16, v7;
	v17 =	vadd.f32 v50, v26  }
0x4a0: {  	v54 =	vmul.f32 $1.580965360e-09, v52  }
0x4a1: {  	v34 =	vadd.f32 v53, v51;
	v26 =	vadd.f32 v17, v56  }
0x4a2: {  	v40 =	vsub.f32 $1.217211430e-07, v54  }
0x4a3: {  	v34 =	vadd.f32 v34, v15;
	v58 =	vmax.f32 v26, $-4.000000000e+00;
	v24 =	vadd.f32 v55, v24  }
0x4a4: {  	v57 =	vmul.f32 v40, v52;
	v15 =	vmin.f32 v58, $4.000000000e+00  }
0x4a5: {  	v59 =	vmax.f32 v34, $-4.000000000e+00;
	v60 =	vmul.f32 v15, v15;
	v23 =	vadd.f32 v24, v23  }
0x4a6: {  	v41 =	vmul.f32 v41, v29;
	v17 =	vadd.f32 $-4.101089420e-06, v57;
	v24 =	vmin.f32 v59, $4.000000000e+00  }
0x4a7: {  	v39 =	vmul.f32 v24, v24;
	v61 =	vmul.f32 $1.580965360e-09, v60;
	v62 =	vmax.f32 v23, $-4.000000000e+00  }
0x4a8: {  	v41 =	vadd.f32 $-4.101089420e-06, v41;
	v17 =	vmul.f32 v17, v52;
	v43 =	vmin.f32 v62, $4.000000000e+00  }
0x4a9: {  	v63 =	vmul.f32 $1.580965360e-09, v39;
	v42 =	vsub.f32 $1.217211430e-07, v61;
	v48 =	vmul.f32 v43, v43  }
0x4aa: {  	v41 =	vmul.f32 v41, v29;
	v17 =	vadd.f32 $8.066988810e-05, v17  }
0x4ab: {  	v44 =	vsub.f32 $1.217211430e-07, v63;
	v42 =	vmul.f32 v42, v60;
	v49 =	vmul.f32 $1.580965360e-09, v48  }
0x4ac: {  	v41 =	vadd.f32 $8.066988810e-05, v41;
	v17 =	vmul.f32 v17, v52  }
0x4ad: {  	v44 =	vmul.f32 v44, v39;
	v42 =	vadd.f32 $-4.101089420e-06, v42;
	v46 =	vsub.f32 $1.217211430e-07, v49  }
0x4ae: {  	v41 =	vmul.f32 v41, v29;
	v17 =	vadd.f32 $-1.048219160e-03, v17  }
0x4af: {  	v44 =	vadd.f32 $-4.101089420e-06, v44;
	v42 =	vmul.f32 v42, v60;
	v46 =	vmul.f32 v46, v48  }
0x4b0: {  	v41 =	vadd.f32 $-1.048219160e-03, v41;
	v17 =	vmul.f32 v17, v52  }
0x4b1: {  	v44 =	vmul.f32 v44, v39;
	v42 =	vadd.f32 $8.066988810e-05, v42;
	v46 =	vadd.f32 $-4.101089420e-06, v46  }
0x4b2: {  	v41 =	vmul.f32 v41, v29;
	v17 =	vadd.f32 $9.664918300e-03, v17  }
0x4b3: {  	v44 =	vadd.f32 $8.066988810e-05, v44;
	v42 =	vmul.f32 v42, v60;
	v46 =	vmul.f32 v46, v48  }
0x4b4: {  	v41 =	vadd.f32 $9.664918300e-03, v41;
	v17 =	vmul.f32 v17, v52  }
0x4b5: {  	v44 =	vmul.f32 v44, v39;
	v42 =	vadd.f32 $-1.048219160e-03, v42;
	v46 =	vadd.f32 $8.066988810e-05, v46  }
0x4b6: {  	v41 =	vmul.f32 v41, v29;
	v17 =	vadd.f32 $-6.617543850e-02, v17  }
0x4b7: {  	v50 =	vadd.f32 $-1.048219160e-03, v44;
	v42 =	vmul.f32 v42, v60;
	v51 =	vmul.f32 v46, v48  }
0x4b8: {  	v41 =	vadd.f32 $-6.617543850e-02, v41;
	v17 =	vmul.f32 v17, v52  }
0x4b9: {  	v36 =	vmul.f32 v50, v39;
	v42 =	vadd.f32 $9.664918300e-03, v42;
	v44 =	vadd.f32 $-1.048219160e-03, v51  }
0x4ba: {  	v55 =	vmul.f32 v41, v29;
	v17 =	vadd.f32 $3.988475200e-01, v17  }
0x4bb: {  	v52 =	vadd.f32 $9.664918300e-03, v36;
	v53 =	vmul.f32 v42, v60;
	v54 =	vmul.f32 v44, v48  }
0x4bc: {  	v29 =	vadd.f32 $3.988475200e-01, v55;
	v17 =	vmul.f32 v17, v25  }
0x4bd: {  	v25 =	vmul.f32 v52, v39;
	v36 =	vadd.f32 $-6.617543850e-02, v53;
	v56 =	vadd.f32 $9.664918300e-03, v54  }
0x4be: {  	v38 =	vadd.f32 $-1.048219160e-03, v38;
	v27 =	vmul.f32 v29, v27;
	v17 =	vadd.f32 $5.000000000e-01, v17  }
0x4bf: {  	v25 =	vadd.f32 $-6.617543850e-02, v25;
	v57 =	vmul.f32 v36, v60;
	v58 =	vmul.f32 v56, v48  }
0x4c0: {  	v38 =	vmul.f32 v38, v33;
	v27 =	vadd.f32 $5.000000000e-01, v27;
	v17 =	vmul.f32 v17, v35  }
0x4c1: {  	v60 =	vmul.f32 v25, v39;
	v61 =	vadd.f32 $3.988475200e-01, v57;
	v62 =	vadd.f32 $-6.617543850e-02, v58  }
0x4c2: {  	v59 =	vadd.f32 $9.664918300e-03, v38;
	v20 =	vmul.f32 v27, v20  }
0x4c3: {  	[tilespmem:s20+$0x60] =	vst v17;
	v25 =	vmul.f32 v61, v15;
	v17 =	vadd.f32 $3.988475200e-01, v60;
	v29 =	vmul.f32 v62, v48  }
0x4c4: {  	v40 =	vmul.f32 v59, v33;
	v41 =	vld [tilespmem:s15+$0x70]  }
0x4c5: {  	[tilespmem:s14+$0xFFFFFFD0] =	vst v20;
	v42 =	vld [tilespmem:s16+$0x70];
	v25 =	vadd.f32 $5.000000000e-01, v25;
	v24 =	vmul.f32 v17, v24;
	v45 =	vadd.f32 $3.988475200e-01, v29  }
0x4c6: {  	v9 =	vadd.f32 v37, v9;
	v14 =	vmul.f32 v28, v14;
	v51 =	vld [tilespmem:s9+$0xFFFFFFF0];
	v44 =	vadd.f32 $-6.617543850e-02, v40  }
0x4c7: {  	v53 =	vld [tilespmem:s13+$0xFFFFFFF0];
	v47 =	vmul.f32 v25, v26;
	v24 =	vadd.f32 $5.000000000e-01, v24;
	v48 =	vmul.f32 v45, v43  }
0x4c8: {  	v14 =	vadd.f32 $5.000000000e-01, v14;
	v11 =	vmul.f32 v11, v8;
	v46 =	vmul.f32 v44, v33  }
0x4c9: {  	v63 =	vmax.f32 v9, $-4.000000000e+00;
	[tilespmem:s7+$0x60] =	vst v47;
	v54 =	vmul.f32 v24, v34;
	v55 =	vadd.f32 $5.000000000e-01, v48  }
0x4ca: {  	v56 =	vadd.f32 $3.988475200e-01, v46;
	v15 =	vmin.f32 v63, $4.000000000e+00;
	v50 =	vadd.f32 v42, v41;
	v57 =	vld [tilespmem:s10+$0x70]  }
0x4cb: {  	v49 =	vadd.f32 $-1.048219160e-03, v30;
	v17 =	vmul.f32 v15, v15;
	v59 =	vld [tilespmem:s3+$0x70];
	[tilespmem:s20+$0xFFFFFFD0] =	vst v54;
	v60 =	vmul.f32 v55, v23  }
0x4cc: {  	v30 =	vadd.f32 v53, v51;
	v61 =	vmul.f32 v56, v32;
	v11 =	vadd.f32 v50, v11;
	v63 =	vld [tilespmem:s15+$0xFFFFFFF0]  }
0x4cd: {  	v12 =	vmul.f32 v14, v12;
	v52 =	vmul.f32 $1.580965360e-09, v17;
	v40 =	vld [tilespmem:s16+$0xFFFFFFF0];
	[tilespmem:s7+$0xFFFFFFD0] =	vst v60  }
0x4ce: {  	v10 =	vadd.f32 v30, v10;
	v41 =	vadd.f32 $5.000000000e-01, v61;
	v62 =	vmax.f32 v11, $-4.000000000e+00;
	v42 =	vld [tilespmem:s10+$0xFFFFFFF0]  }
0x4cf: {  	v26 =	vmul.f32 v49, v21;
	v58 =	vsub.f32 $1.217211430e-07, v52;
	v24 =	vmin.f32 v62, $4.000000000e+00;
	v43 =	vld [tilespmem:s3+$0xFFFFFFF0]  }
0x4d0: {  	v45 =	vmul.f32 v16, v8;
	v23 =	vmul.f32 v24, v24;
	v27 =	vadd.f32 v59, v57  }
0x4d1: {  	v20 =	vmul.f32 v41, v31;
	v26 =	vadd.f32 $9.664918300e-03, v26;
	v39 =	vmul.f32 v58, v17  }
0x4d2: {  	v50 =	vmax.f32 v10, $-4.000000000e+00;
	v44 =	vmul.f32 $1.580965360e-09, v23;
	v16 =	vadd.f32 v27, v45  }
0x4d3: {  	v26 =	vmul.f32 v26, v21;
	v28 =	vadd.f32 $-4.101089420e-06, v39;
	v25 =	vadd.f32 v40, v63  }
0x4d4: {  	v46 =	vsub.f32 $1.217211430e-07, v44;
	v48 =	vmax.f32 v16, $-4.000000000e+00;
	v49 =	vadd.f32 v43, v42  }
0x4d5: {  	v28 =	vmul.f32 v28, v17;
	v13 =	vadd.f32 v25, v13;
	v29 =	vmin.f32 v48, $4.000000000e+00  }
0x4d6: {  	v25 =	vmin.f32 v50, $4.000000000e+00;
	v51 =	vmul.f32 v29, v29;
	v22 =	vadd.f32 v49, v22  }
0x4d7: {  	v47 =	vmul.f32 v46, v23;
	v52 =	vmul.f32 v25, v25;
	v53 =	vmax.f32 v13, $-4.000000000e+00  }
0x4d8: {  	v32 =	vmin.f32 v53, $4.000000000e+00;
	v54 =	vmul.f32 $1.580965360e-09, v51;
	v55 =	vmax.f32 v22, $-4.000000000e+00  }
0x4d9: {  	v27 =	vadd.f32 $-4.101089420e-06, v47;
	v56 =	vmul.f32 v32, v32;
	v34 =	vmin.f32 v55, $4.000000000e+00  }
0x4da: {  	v57 =	vmul.f32 $1.580965360e-09, v52;
	v33 =	vsub.f32 $1.217211430e-07, v54;
	v58 =	vmul.f32 v34, v34  }
0x4db: {  	v26 =	vadd.f32 $-6.617543850e-02, v26;
	v27 =	vmul.f32 v27, v23;
	v60 =	vmul.f32 $1.580965360e-09, v56  }
0x4dc: {  	v36 =	vsub.f32 $1.217211430e-07, v57;
	v33 =	vmul.f32 v33, v51;
	v61 =	vmul.f32 $1.580965360e-09, v58  }
0x4dd: {  	v62 =	vmul.f32 v26, v21;
	v59 =	vadd.f32 $8.066988810e-05, v27;
	v27 =	vsub.f32 $1.217211430e-07, v60  }
0x4de: {  	v36 =	vmul.f32 v36, v52;
	v33 =	vadd.f32 $-4.101089420e-06, v33;
	v38 =	vsub.f32 $1.217211430e-07, v61  }
0x4df: {  	v28 =	vadd.f32 $8.066988810e-05, v28;
	v14 =	vmul.f32 v59, v23;
	v63 =	vmul.f32 v27, v56  }
0x4e0: {  	v40 =	vadd.f32 $-4.101089420e-06, v36;
	v33 =	vmul.f32 v33, v51;
	v41 =	vmul.f32 v38, v58  }
0x4e1: {  	v28 =	vmul.f32 v28, v17;
	v14 =	vadd.f32 $-1.048219160e-03, v14;
	v26 =	vadd.f32 $-4.101089420e-06, v63  }
0x4e2: {  	v27 =	vmul.f32 v40, v52;
	v33 =	vadd.f32 $8.066988810e-05, v33;
	v36 =	vadd.f32 $-4.101089420e-06, v41  }
0x4e3: {  	v21 =	vadd.f32 $3.988475200e-01, v62;
	v14 =	vmul.f32 v14, v23;
	v26 =	vmul.f32 v26, v56  }
0x4e4: {  	v27 =	vadd.f32 $8.066988810e-05, v27;
	v33 =	vmul.f32 v33, v51;
	v36 =	vmul.f32 v36, v58  }
0x4e5: {  	v19 =	vmul.f32 v21, v19;
	v14 =	vadd.f32 $9.664918300e-03, v14;
	v26 =	vadd.f32 $8.066988810e-05, v26  }
0x4e6: {  	v27 =	vmul.f32 v27, v52;
	v33 =	vadd.f32 $-1.048219160e-03, v33;
	v36 =	vadd.f32 $8.066988810e-05, v36  }
0x4e7: {  	v28 =	vadd.f32 $-1.048219160e-03, v28;
	v14 =	vmul.f32 v14, v23;
	v26 =	vmul.f32 v26, v56  }
0x4e8: {  	v27 =	vadd.f32 $-1.048219160e-03, v27;
	v33 =	vmul.f32 v33, v51;
	v36 =	vmul.f32 v36, v58  }
0x4e9: {  	v42 =	vmul.f32 v28, v17;
	v14 =	vadd.f32 $-6.617543850e-02, v14;
	v26 =	vadd.f32 $-1.048219160e-03, v26  }
0x4ea: {  	v27 =	vmul.f32 v27, v52;
	v43 =	vadd.f32 $9.664918300e-03, v33;
	v44 =	vadd.f32 $-1.048219160e-03, v36  }
0x4eb: {  	v14 =	vmul.f32 v14, v23;
	v23 =	vadd.f32 $9.664918300e-03, v42;
	v26 =	vmul.f32 v26, v56  }
0x4ec: {  	v27 =	vadd.f32 $9.664918300e-03, v27;
	v28 =	vmul.f32 v43, v51;
	v33 =	vmul.f32 v44, v58  }
0x4ed: {  	v14 =	vadd.f32 $3.988475200e-01, v14;
	v23 =	vmul.f32 v23, v17;
	v45 =	vadd.f32 $9.664918300e-03, v26  }
0x4ee: {  	v27 =	vmul.f32 v27, v52;
	v46 =	vadd.f32 $-6.617543850e-02, v28;
	v47 =	vadd.f32 $9.664918300e-03, v33  }
0x4ef: {  	v14 =	vmul.f32 v14, v24;
	v23 =	vadd.f32 $-6.617543850e-02, v23;
	v24 =	vmul.f32 v45, v56  }
0x4f0: {  	v27 =	vadd.f32 $-6.617543850e-02, v27;
	v26 =	vmul.f32 v46, v51;
	v28 =	vmul.f32 v47, v58  }
0x4f1: {  	v14 =	vadd.f32 $5.000000000e-01, v14;
	v48 =	vmul.f32 v23, v17;
	v49 =	vadd.f32 $-6.617543850e-02, v24  }
0x4f2: {  	v51 =	vmul.f32 v27, v52;
	v50 =	vadd.f32 $3.988475200e-01, v26;
	v52 =	vadd.f32 $-6.617543850e-02, v28  }
0x4f3: {  	v11 =	vmul.f32 v14, v11;
	v14 =	vadd.f32 $3.988475200e-01, v48;
	v17 =	vmul.f32 v49, v56  }
0x4f4: {  	v54 =	vadd.f32 $3.988475200e-01, v51;
	v53 =	vmul.f32 v50, v29;
	v55 =	vmul.f32 v52, v58  }
0x4f5: {  	v19 =	vadd.f32 $5.000000000e-01, v19;
	v14 =	vmul.f32 v14, v15;
	v56 =	vadd.f32 $3.988475200e-01, v17  }
0x4f6: {  	[tilespmem:s31+$0xFFFFFFE0] =	vst v12;
	v58 =	vmul.f32 v54, v25;
	v57 =	vadd.f32 $5.000000000e-01, v53;
	v59 =	vadd.f32 $3.988475200e-01, v55  }
0x4f7: {  	[tilespmem:s14+$0x70] =	vst v20;
	v60 =	vmul.f32 v19, v18;
	v14 =	vadd.f32 $5.000000000e-01, v14;
	v15 =	vmul.f32 v56, v32  }
0x4f8: {  	[tilespmem:s20+$0x70] =	vst v11;
	v61 =	vadd.f32 $5.000000000e-01, v58;
	v11 =	vmul.f32 v57, v16;
	v62 =	vmul.f32 v59, v34  }
0x4f9: {  	[tilespmem:s0+$0xFFFFFFE0] =	vst v60;
	v9 =	vmul.f32 v14, v9;
	v63 =	vadd.f32 $5.000000000e-01, v15  }
0x4fa: {  	v10 =	vmul.f32 v61, v10;
	[tilespmem:s7+$0x70] =	vst v11;
	v11 =	vadd.f32 $5.000000000e-01, v62  }
0x4fb: {  	s30 =	smul.u32 $0xA0, s30;
	[tilespmem:s5+$0xFFFFFFE0] =	vst v9;
	v9 =	vmul.f32 v63, v13  }
0x4fc: {  	[tilespmem:s14+$0xFFFFFFE0] =	vst v10;
	v10 =	vmul.f32 v11, v22  }
0x4fd: {  	s0 =	sshrl.u32 s30, $0x2;
	[tilespmem:s20+$0xFFFFFFE0] =	vst v9  }
0x4fe: {  	s2 =	sadd.s32 $0x7, s28;
	s31 =	rddreg [dreg:$0x3];
	s0 =	sadd.s32 $0xA0, s0;
	[tilespmem:s7+$0xFFFFFFE0] =	vst v10  }
0x4ff: {  	[spmem:s31] =	stream.indirect.scatter.add.f32 [tilespmem:s22], [sflag:s2], $0x90, s0, s18, $0xb8;
	[tilespmem:$0x1EA00] =	vst v63  }
0x500: {  	s0 =	sadd.s32 @p1 $0x1, s29  }
0x501: {  	_ =	swait.ge @p1 [sflag:s0], $0x28  }
0x502: {  	[sflag:s0] =	ssyncset.done @p1 $0x0  }
0x503: {  	[sflag:s0] =	ssyncadd.s32 @p1 $0xFFFFFFD8  }
0x504: {  	_ =	swait.ge @p1 [sflag:s0], $0x28  }
0x505: {  	[sflag:s0] =	ssyncset.done @p1 $0x0  }
0x506: {  	[sflag:s0] =	ssyncadd.s32 @p1 $0xFFFFFFD8  }
0x507: {  	_ =	swait.ge @p1 [sflag:s0], $0x28  }
0x508: {  	s2 =	smul.u32 @p1 $0x28, s29;
	[sflag:s0] =	ssyncset.done @p1 $0x0  }
0x509: {  	[sflag:s0] =	ssyncadd.s32 @p1 $0xFFFFFFD8;
	s0 =	simm.s32 @p1 $0x28  }
0x50a: {  	[tilespmem:s21], [sflag:s26] =	stream.indirect.gather @p1 [hbm4b:s1+s0], $0x80, s2, s0, $0xb8;
	[tilespmem:$0x1EA00] =	vst v63  }
0x50b: {  	s25 =	sadd.s32 $0x1, s25;
	s2 =	sadd.s32 @p1 $0xA0, s2  }
0x50c: {  	[tilespmem:s19], [sflag:s26] =	stream.indirect.gather @p1 [hbm4b:s6+s0], $0x80, s2, s0, $0xb8;
	[tilespmem:$0x1EA00] =	vst v63  }
0x50d: {  	p1 =	sne.s32 s25, $0xFA  }
.Ltmp2:
0x50e: {  	_ = 	snop;
	(pc) =	sbr.rel @p1 .LBB2_4-.Ltmp2, $2  }
0x50f: {  	_ =	sdelay $0x2  }
0x510: {  	p0 =	por !p0, !p0  }
0x511: {  	s0 =	simm.s32 $0x7  }
0x512: {  	_ =	swait.ge [sflag:s0], $0x1680  }
0x513: {  	[sflag:s0] =	ssyncset.done $0x0  }
0x514: {  	s28 =	simm.s32 $0x8;
	[sflag:s0] =	ssyncadd.s32 $0xFFFFE980  }
0x515: {  	_ =	swait.ge [sflag:s28], $0x1680  }
0x516: {  	[sflag:s28] =	ssyncset.done $0x0  }
0x517: {  	[sflag:s28] =	ssyncadd.s32 $0xFFFFE980  }
0x518: {  	[bflag:$0x0] =	sbarrier.arrive $0xFFFF  }
0x519: {  	s2 =	sld [smem:$0x7FD];
	_ =	sdelay $0x1  }
0x51a: {  	s29 =	rddreg [dreg:$0x10]  }
0x51b: {  	[hbm:s29], [sflag:s12] =	dma.local [spmem:s2], $0x2D00  }
0x51c: {  	_ =	swait.ge [sflag:s17], $0x2D00  }
0x51d: {  	s30 =	sld [smem:$0x7FA];
	_ =	sdelay $0x2  }
0x51e: {  	s31 =	rddreg [dreg:$0x12];
	s2 =	sadd.s32 $0x1, s30  }
0x51f: {  	p0 =	sne.s32 s2, s31  }
.Ltmp3:
0x520: {  	_ = 	snop;
	(pc) =	sbr.rel @p0 .LBB2_1-.Ltmp3, $3  }
0x521: {  	_ =	sdelay $0x1  }
0x522: {  	[sflag:s17] =	ssyncset.done $0x0  }
0x523: {  	[sflag:s17] =	ssyncadd.s32 $0xFFFFD300  }
0x524: {  	_ =	sfence.sel $0x180000  }
0x525: {  	[bflag:$0x0] =	sbarrier.arrive $0xFFFF  }
0x526: {  	_ =	strace $0x90000047  }
0x527: {  	s0 =	stileid.u32;
	[bflag:$0x2] =	sbarrier.arrive $0xFFFF  }
0x528: {  	p0 =	sne.s32 s0, $0x0;
	s0 =	rddreg [dreg:$0x4]  }
0x529: {  	s0 =	sadd.s32 @!p0 $0x100000, s0  }
0x52a: {  	[sflag:s0] =	ssyncadd.tile.s32 @!p0 $0x1;
	_ =	shalt  }
.Lfunc_end2:
_tile_overlayer_lowered:
.L_overlay_start_2:
0x52b: {  	(tag) =	ssettag $0x2  }
0x52c: {  	s0 =	rddreg [dreg:$0x0];
	s2 =	stileid.u32  }
0x52d: {  	s1 =	rddreg [dreg:$0x1];
	p0 =	sne.s32 s2, $0x0  }
0x52e: {  	s3 =	rddreg [dreg:$0x2];
	[bflag:$0x3] =	sbarrier.arrive $0xFFFF;
	s2 =	simm.s32 @!p0 $0x1C09  }
0x52f: {  	[timem:s3], [sflag:s2] =	dma.local @!p0 [hbm:s0], s1  }
0x530: {  	s0 =	simm.s32 @!p0 $0x9  }
0x531: {  	_ =	swait.ge @!p0 [sflag:s0], s1  }
0x532: {  	s1 =	ssub.s32 @!p0 $0x0, s1;
	[sflag:s0] =	ssyncset.done @!p0 $0x0  }
0x533: {  	[sflag:s0] =	ssyncadd.s32 @!p0 s1  }
0x534: {  	[bflag:$0x3] =	sbarrier.arrive $0xFFFF  }
0x535: {  	_ =	shalt  }

</sc_bundles>
